<compile_context>
chip_gen: v7x
topology: tpu7x:2x2x1
jax: 0.10.2.dev20260603
libtpu: 0.0.44.dev20260713+nightly
codegen_flags: <defaults>
</compile_context>

<pallas_src>
import functools

import jax
import jax.numpy as jnp
from jax import lax
from jax.experimental import pallas as pl
from jax.experimental.pallas import tpu as pltpu
from jax.experimental.pallas import tpu_sc as plsc

N_USERS = 10000
N_ITEMS = 10000
E = 320000
D = 128
L = 3
B = 100
W136 = 136
N_ACC = 10240

_MESH = dict(core_axis_name="c", subcore_axis_name="s")
NC, NS = 2, 16



def _gather_pair(table_a, idx_a, table_b, idx_b, n_out, chunk):
    per_tile = n_out // (NC * NS)
    iters = per_tile // chunk

    @functools.partial(
        pl.kernel,
        mesh=plsc.VectorSubcoreMesh(num_cores=NC, **_MESH),
        out_type=[
            jax.ShapeDtypeStruct((n_out, D), jnp.float32),
            jax.ShapeDtypeStruct((n_out, D), jnp.float32),
        ],
        scratch_types=[
            pltpu.VMEM((chunk,), jnp.int32),
            pltpu.VMEM((chunk, D), jnp.float32),
            pltpu.SemaphoreType.DMA,
        ],
    )
    def k(ta, ia, tb, ib, oa, ob, idx_v, rows_v, sem):
        wid = lax.axis_index("s") * NC + lax.axis_index("c")
        for tab, idx, out in ((ta, ia, oa), (tb, ib, ob)):
            def body(i, carry, tab=tab, idx=idx, out=out):
                base = wid * per_tile + i * chunk
                pltpu.sync_copy(idx.at[pl.ds(base, chunk)], idx_v)
                pltpu.async_copy(tab.at[idx_v], rows_v, sem).wait()
                pltpu.sync_copy(rows_v, out.at[pl.ds(base, chunk)])
                return carry
            lax.fori_loop(0, iters, body, 0)

    return k(table_a, idx_a, table_b, idx_b)


def _scatter_add(vals, idx, zrows):
    chunk = 200
    per_tile = E // (NC * NS)
    iters = per_tile // chunk
    zrows_n = N_ACC // NS

    @functools.partial(
        pl.kernel,
        mesh=plsc.VectorSubcoreMesh(num_cores=NC, **_MESH),
        out_type=jax.ShapeDtypeStruct((NC, N_ACC, D), jnp.float32),
        scratch_types=[
            pltpu.VMEM_SHARED((N_ACC, D), jnp.float32),
            pltpu.VMEM((chunk,), jnp.int32),
            pltpu.VMEM((chunk, D), jnp.float32),
        ],
    )
    def k(v, ix, zr, out, acc, idx_v, vals_v):
        cid = lax.axis_index("c")
        sid = lax.axis_index("s")
        wid = sid * NC + cid
        pltpu.sync_copy(zr, acc.at[pl.ds(sid * zrows_n, zrows_n)])
        plsc.subcore_barrier()

        def body(i, carry):
            base = wid * per_tile + i * chunk
            pltpu.sync_copy(ix.at[pl.ds(base, chunk)], idx_v)
            pltpu.sync_copy(v.at[pl.ds(base, chunk)], vals_v)
            pltpu.sync_copy(vals_v, acc.at[idx_v], add=True)
            return carry
        lax.fori_loop(0, iters, body, 0)
        plsc.subcore_barrier()
        pltpu.sync_copy(acc.at[pl.ds(sid * zrows_n, zrows_n)],
                        out.at[cid, pl.ds(sid * zrows_n, zrows_n)])

    return k(vals, idx, zrows)


def _gather_final(t0, t1, t2, t3, i0, i1, i2, i3):
    nb = 256
    per_tile = nb // (NC * NS)

    @functools.partial(
        pl.kernel,
        mesh=plsc.VectorSubcoreMesh(num_cores=NC, **_MESH),
        out_type=[jax.ShapeDtypeStruct((nb, D), jnp.float32) for _ in range(4)],
        scratch_types=[
            pltpu.VMEM((per_tile,), jnp.int32),
            pltpu.VMEM((per_tile, D), jnp.float32),
            pltpu.SemaphoreType.DMA,
        ],
    )
    def k(a, b, c, d, ia, ib, ic, id_, oa, ob, oc, od, idx_v, rows_v, sem):
        wid = lax.axis_index("s") * NC + lax.axis_index("c")
        base = wid * per_tile
        for tab, idx, out in ((a, ia, oa), (b, ib, ob), (c, ic, oc),
                              (d, id_, od)):
            pltpu.sync_copy(idx.at[pl.ds(base, per_tile)], idx_v)
            pltpu.async_copy(tab.at[idx_v], rows_v, sem).wait()
            pltpu.sync_copy(rows_v, out.at[pl.ds(base, per_tile)])

    return k(t0, t1, t2, t3, i0, i1, i2, i3)



def _mm(x, w):
    n = x.shape[0]
    blk = 2000

    def body(x_ref, w_ref, o_ref):
        o_ref[...] = jnp.dot(x_ref[...], w_ref[...],
                             preferred_element_type=jnp.float32)

    return pl.pallas_call(
        body,
        grid=(n // blk,),
        in_specs=[
            pl.BlockSpec((blk, D), lambda i: (i, 0)),
            pl.BlockSpec((D, D), lambda i: (0, 0)),
        ],
        out_specs=pl.BlockSpec((blk, D), lambda i: (i, 0)),
        out_shape=jax.ShapeDtypeStruct((n, D), jnp.float32),
    )(x, w)


def _edge_kernel(t_col, uh_e, ih_e, fp):
    blk = 2000
    inv_scale = float(1.0 / (D ** 0.5))

    def body(t_ref, u_ref, i_ref, fp_ref, vi_ref, si_ref, vu_ref, su_ref):
        t = t_ref[...]
        uh = u_ref[...]
        ih = i_ref[...]
        fp_ = fp_ref[...]
        z = jnp.zeros((blk, D - 1), jnp.float32)

        te_i = jnp.cos(t * fp_[0:1, :] + fp_[1:2, :])
        s_i = jnp.exp(jnp.sum((te_i + uh) * ih, axis=1, keepdims=True)
                      * inv_scale)
        tek = jnp.cos(t * fp_[2:3, :] + fp_[3:4, :])
        vi_ref[...] = s_i * (uh + tek)
        si_ref[...] = jnp.concatenate([s_i, z], axis=1)

        te_u = jnp.cos(t * fp_[4:5, :] + fp_[5:6, :])
        s_u = jnp.exp(jnp.sum((te_u + ih) * uh, axis=1, keepdims=True)
                      * inv_scale)
        tuk = jnp.cos(t * fp_[6:7, :] + fp_[7:8, :])
        vu_ref[...] = s_u * (ih + tuk)
        su_ref[...] = jnp.concatenate([s_u, z], axis=1)

    return pl.pallas_call(
        body,
        grid=(E // blk,),
        in_specs=[
            pl.BlockSpec((blk, 1), lambda i: (i, 0)),
            pl.BlockSpec((blk, D), lambda i: (i, 0)),
            pl.BlockSpec((blk, D), lambda i: (i, 0)),
            pl.BlockSpec((8, D), lambda i: (0, 0)),
        ],
        out_specs=[pl.BlockSpec((blk, D), lambda i: (i, 0))
                   for _ in range(4)],
        out_shape=[jax.ShapeDtypeStruct((E, D), jnp.float32)
                   for _ in range(4)],
    )(t_col, uh_e, ih_e, fp)


def _update(acc_v, acc_s, h_old, upd):
    n = h_old.shape[0]
    blk = 2000

    def body(v_ref, s_ref, h_ref, w_ref, o_ref):
        num = v_ref[0] + v_ref[1]
        den = s_ref[0][:, 0:1] + s_ref[1][:, 0:1]
        h_new = num / (den + 1e-9)
        y = (jnp.dot(h_new, w_ref[:D, :], preferred_element_type=jnp.float32)
             + jnp.dot(h_ref[...], w_ref[D:, :],
                       preferred_element_type=jnp.float32))
        o_ref[...] = jnp.where(y > 0, y, jnp.exp(jnp.minimum(y, 0.0)) - 1.0)

    return pl.pallas_call(
        body,
        grid=(n // blk,),
        in_specs=[
            pl.BlockSpec((NC, blk, D), lambda i: (0, i, 0)),
            pl.BlockSpec((NC, blk, D), lambda i: (0, i, 0)),
            pl.BlockSpec((blk, D), lambda i: (i, 0)),
            pl.BlockSpec((2 * D, D), lambda i: (0, 0)),
        ],
        out_specs=pl.BlockSpec((blk, D), lambda i: (i, 0)),
        out_shape=jax.ShapeDtypeStruct((n, D), jnp.float32),
    )(acc_v, acc_s, h_old, upd)


def _head(g0, g1, g2, g3, unified_w, dense_w, dense_b):
    def body(a_ref, b_ref, c_ref, d_ref, uw_ref, dw_ref, db_ref, o_ref):
        cat = jnp.concatenate(
            [a_ref[...], b_ref[...], c_ref[...], d_ref[...]], axis=1)
        u = jnp.dot(cat, uw_ref[...], preferred_element_type=jnp.float32)
        y = jnp.dot(u, dw_ref[...],
                    preferred_element_type=jnp.float32) + db_ref[...]
        o_ref[...] = jnp.maximum(y, 0.0)

    return pl.pallas_call(
        body,
        out_shape=jax.ShapeDtypeStruct((256, 3), jnp.float32),
    )(g0, g1, g2, g3, unified_w, dense_w, jnp.reshape(dense_b, (1, 3)))



def kernel(user_id, item_id, edge_index, edge_time, user_index,
           last_item_index, user_emb, item_emb, user_w, item_w, user_upd,
           item_upd, i_freq, i_phase, i_freq_k, i_phase_k, u_freq, u_phase,
           u_freq_k, u_phase_k, unified_w, dense_w, dense_b):
    src = edge_index[0].astype(jnp.int32)
    dst = edge_index[1].astype(jnp.int32)
    t_col = edge_time.reshape(E, 1)
    zrows = jnp.zeros((N_ACC // NS, D), jnp.float32)

    pad_n = 10240
    uid = jnp.concatenate(
        [user_id.astype(jnp.int32),
         jnp.zeros((pad_n - N_USERS,), jnp.int32)])
    iid = jnp.concatenate(
        [item_id.astype(jnp.int32),
         jnp.zeros((pad_n - N_ITEMS,), jnp.int32)])
    user_p, item_p = _gather_pair(user_emb, uid, item_emb, iid, pad_n, 320)
    user_ = user_p[:N_USERS]
    item_ = item_p[:N_ITEMS]

    pad_b = jnp.zeros((256 - B,), jnp.int32)
    fu = jnp.concatenate(
        [(jnp.arange(B, dtype=jnp.int32) * (N_USERS // B)
          + user_index.astype(jnp.int32)), pad_b])
    fi = jnp.concatenate(
        [(jnp.arange(B, dtype=jnp.int32) * (N_ITEMS // B)
          + last_item_index.astype(jnp.int32)), pad_b])

    user_layers = []
    for l in range(L):
        uh = _mm(user_, user_w[l])
        ih = _mm(item_, item_w[l])
        uh_e, ih_e = _gather_pair(uh, src, ih, dst, E, 400)
        fp = jnp.stack([i_freq[l], i_phase[l], i_freq_k[l], i_phase_k[l],
                        u_freq[l], u_phase[l], u_freq_k[l], u_phase_k[l]])
        v_i, sv_i, v_u, sv_u = _edge_kernel(t_col, uh_e, ih_e, fp)
        acc_i = _scatter_add(v_i, dst, zrows)
        acc_si = _scatter_add(sv_i, dst, zrows)
        acc_u = _scatter_add(v_u, src, zrows)
        acc_su = _scatter_add(sv_u, src, zrows)
        user_ = _update(acc_u, acc_su, user_, user_upd[l])
        item_ = _update(acc_i, acc_si, item_, item_upd[l])
        user_layers.append(user_)

    g0, g1, g2, g3 = _gather_final(
        user_layers[0], user_layers[1], user_layers[2], item_,
        fu, fu, fu, fi)
    out = _head(g0, g1, g2, g3, unified_w, dense_w, dense_b)
    return out[:B]

# --- scband reference (transcript-rebuilt; emitter-appended) ---
"""Pipeline reference for scband-dgsr-33698313404766 (READ-ONLY COPY).

The authoritative reference and input builder live on the scoring server;
editing this copy changes nothing except your own understanding.
"""

import jax, jax.numpy as jnp
import numpy as np

N_USERS = 10000
N_ITEMS = 10000
E = 320000
D = 128
L = 3
B = 100
USER_NUM = 100000
ITEM_NUM = 100000


def _base_freq():
    return jnp.asarray(1.0 / 10 ** np.linspace(0, 9, D), dtype=jnp.float32)


def setup_inputs(seed: int = 0):
    key = jax.random.key(seed)
    ks = jax.random.split(key, 16)
    s = 1.0 / np.sqrt(D)
    inp = {}
    inp['user_id'] = jax.random.randint(ks[0], (N_USERS,), 0, USER_NUM)
    inp['item_id'] = jax.random.randint(ks[1], (N_ITEMS,), 0, ITEM_NUM)
    inp['edge_index'] = jax.random.randint(ks[2], (2, E), 0, N_USERS)
    inp['edge_time'] = jax.random.uniform(ks[3], (E,), dtype=jnp.float32)
    inp['user_index'] = jax.random.randint(ks[4], (B,), 0, N_USERS // B)
    inp['last_item_index'] = jax.random.randint(ks[5], (B,), 0, N_ITEMS // B)
    inp['user_emb'] = jax.random.normal(ks[6], (USER_NUM, D), dtype=jnp.float32) * s
    inp['item_emb'] = jax.random.normal(ks[7], (ITEM_NUM, D), dtype=jnp.float32) * s
    inp['user_w'] = jax.random.normal(ks[8], (L, D, D), dtype=jnp.float32) * s
    inp['item_w'] = jax.random.normal(ks[9], (L, D, D), dtype=jnp.float32) * s
    inp['user_upd'] = jax.random.normal(ks[10], (L, 2 * D, D), dtype=jnp.float32) * (1.0 / np.sqrt(2 * D))
    inp['item_upd'] = jax.random.normal(ks[11], (L, 2 * D, D), dtype=jnp.float32) * (1.0 / np.sqrt(2 * D))
    bf = jnp.tile(_base_freq()[None, :], (L, 1))
    zeros = jnp.zeros((L, D), dtype=jnp.float32)
    inp['i_freq'] = bf
    inp['i_phase'] = zeros
    inp['i_freq_k'] = bf
    inp['i_phase_k'] = zeros
    inp['u_freq'] = bf
    inp['u_phase'] = zeros
    inp['u_freq_k'] = bf
    inp['u_phase_k'] = zeros
    inp['unified_w'] = jax.random.normal(ks[12], ((L + 1) * D, D), dtype=jnp.float32) * (1.0 / np.sqrt((L + 1) * D))
    inp['dense_w'] = jax.random.normal(ks[13], (D, 3), dtype=jnp.float32) * s
    inp['dense_b'] = jnp.zeros((3,), dtype=jnp.float32)
    return inp


def _time_encode(t, freq, phase):
    # TimeEncode: cos(t * basis_freq + phase) per edge -> [E, D]
    return jnp.cos(t[:, None] * freq[None, :] + phase[None, :])


def _seg_softmax(e, seg, n):
    m = jax.ops.segment_max(e, seg, num_segments=n)
    ex = jnp.exp(e - m[seg])
    ssum = jax.ops.segment_sum(ex, seg, num_segments=n)
    return ex / (ssum[seg] + 1e-9)


def reference(user_id, item_id, edge_index, edge_time, user_index, last_item_index,
              user_emb, item_emb, user_w, item_w, user_upd, item_upd,
              i_freq, i_phase, i_freq_k, i_phase_k,
              u_freq, u_phase, u_freq_k, u_phase_k,
              unified_w, dense_w, dense_b):
    src_u = edge_index[0]
    dst_i = edge_index[1]
    user_ = jnp.take(user_emb, user_id, axis=0)
    item_ = jnp.take(item_emb, item_id, axis=0)
    scale = jnp.sqrt(jnp.float32(D))
    u_off = jnp.arange(B) * (N_USERS // B)
    i_off = jnp.arange(B) * (N_ITEMS // B)
    user_layers = []
    for l in range(L):
        uh = user_ @ user_w[l]
        ih = item_ @ item_w[l]
        uh_e = uh[src_u]
        ih_e = ih[dst_i]
        # relation 'by' (user -> item): item_reduce_func orgat attention
        te = _time_encode(edge_time, i_freq[l], i_phase[l])
        e_ij = jnp.sum((te + uh_e) * ih_e, axis=1) / scale
        alpha = _seg_softmax(e_ij, dst_i, N_ITEMS)
        tek = _time_encode(edge_time, i_freq_k[l], i_phase_k[l])
        ih_new = jax.ops.segment_sum(alpha[:, None] * (uh_e + tek), dst_i, num_segments=N_ITEMS)
        # relation 'pby' (item -> user): user_reduce_func orgat attention
        teu = _time_encode(edge_time, u_freq[l], u_phase[l])
        e_ji = jnp.sum((teu + ih_e) * uh_e, axis=1) / scale
        beta = _seg_softmax(e_ji, src_u, N_USERS)
        teuk = _time_encode(edge_time, u_freq_k[l], u_phase_k[l])
        uh_new = jax.ops.segment_sum(beta[:, None] * (ih_e + teuk), src_u, num_segments=N_USERS)
        # update functions: elu(Linear(cat([h_now, h_old], -1)))
        user_ = jax.nn.elu(jnp.concatenate([uh_new, user_], axis=-1) @ user_upd[l])
        item_ = jax.nn.elu(jnp.concatenate([ih_new, item_], axis=-1) @ item_upd[l])
        # graph_user: per-subgraph offset + local user index
        user_layers.append(user_[u_off + user_index])
    # graph_item for last_item
    user_layers.append(item_[i_off + last_item_index])
    unified = jnp.concatenate(user_layers, axis=-1) @ unified_w
    return jax.nn.relu(unified @ dense_w + dense_b)

if __name__ == "__main__":
    import jax
    _d = setup_inputs()
    print(jax.jit(kernel)(*tuple(_d.values())))

</pallas_src>

<mosaic_0001>
#map = affine_map<(d0, d1) -> (0, 0)>
#map1 = affine_map<(d0, d1) -> (0)>
module attributes {stable_mosaic.version = 14 : i64} {
  func.func @k(%arg0: i32, %arg1: i32, %arg2: memref<10000x128xf32, #tpu.memory_space<hbm>>, %arg3: memref<320000xi32, #tpu.memory_space<hbm>>, %arg4: memref<10000x128xf32, #tpu.memory_space<hbm>>, %arg5: memref<320000xi32, #tpu.memory_space<hbm>>, %arg6: memref<320000x128xf32, #tpu.memory_space<hbm>>, %arg7: memref<320000x128xf32, #tpu.memory_space<hbm>>, %arg8: memref<400xi32, #tpu.memory_space<vmem>>, %arg9: memref<400x128xf32, #tpu.memory_space<vmem>>, %arg10: memref<!tpu.dma_semaphore, #tpu.memory_space<semaphore_mem>>) attributes {dimension_semantics = [#tpu.dimension_semantics<core_parallel>, #tpu.dimension_semantics<subcore_parallel>], iteration_bounds = array<i64: 2, 16>, scalar_prefetch = 0 : i64, scratch_operands = 3 : i64, tpu.core_type = #tpu.core_type<sc_vector_subcore>, window_params = [{transform_indices = #map}, {transform_indices = #map1}, {transform_indices = #map}, {transform_indices = #map1}, {transform_indices = #map}, {transform_indices = #map}]} {
    %mul3A = arith.constant 2 : i32
    %mul3A_0 = arith.muli %arg1, %mul3A : i32
    %add3A = arith.addi %mul3A_0, %arg0 : i32
    %scan3A = arith.constant 0 : i32
    %scan3A_1 = arith.constant 0 : i32
    %scan3A_2 = arith.constant 25 : i32
    %scan3A_3 = arith.addi %scan3A_1, %scan3A_2 : i32
    %scan3A_4 = arith.constant 1 : i32
    scf.for %scan3A_12 = %scan3A_1 to %scan3A_3 step %scan3A_4  : i32 {
      %mul3A_13 = arith.constant 10000 : i32
      %mul3A_14 = arith.muli %add3A, %mul3A_13 : i32
      %mul3A_15 = arith.constant 400 : i32
      %mul3A_16 = arith.muli %scan3A_12, %mul3A_15 : i32
      %add3A_17 = arith.addi %mul3A_14, %mul3A_16 : i32
      "tpu.region"() ({
        %run_scoped3A = tpu.sem_alloc : memref<!tpu.dma_semaphore, #tpu.memory_space<semaphore_mem>>
        %dma_start3A_22 = tpu.memref_slice %arg3[%add3A_17] : memref<320000xi32, #tpu.memory_space<hbm>> -> memref<400xi32, #tpu.memory_space<hbm>>
        %dma_start3A_23 = tpu.memref_slice %arg3[%add3A_17] : memref<320000xi32, #tpu.memory_space<hbm>> -> memref<400xi32, #tpu.memory_space<hbm>>
        tpu.enqueue_dma source(%dma_start3A_23 : memref<400xi32, #tpu.memory_space<hbm>>) target(%arg8 : memref<400xi32, #tpu.memory_space<vmem>>) target_semaphore(%run_scoped3A : memref<!tpu.dma_semaphore, #tpu.memory_space<semaphore_mem>>)
        %dma_wait3A_24 = tpu.memref_slice %arg3[%add3A_17] : memref<320000xi32, #tpu.memory_space<hbm>> -> memref<400xi32, #tpu.memory_space<hbm>>
        %dma_wait3A_25 = tpu.memref_slice %arg3[%add3A_17] : memref<320000xi32, #tpu.memory_space<hbm>> -> memref<400xi32, #tpu.memory_space<hbm>>
        tpu.wait_dma2 semaphore(%run_scoped3A : memref<!tpu.dma_semaphore, #tpu.memory_space<semaphore_mem>>) src(%dma_wait3A_25 : memref<400xi32, #tpu.memory_space<hbm>>) dst(%arg8 : memref<400xi32, #tpu.memory_space<vmem>>)
        tpu.yield
      }) : () -> ()
      %dma_start3A = arith.constant 0 : i32
      %dma_start3A_18 = arith.constant 0 : i32
      %dma_start3A_19 = tpu.memref_slice %arg2[%dma_start3A, %dma_start3A_18] : memref<10000x128xf32, #tpu.memory_space<hbm>> -> memref<10000x128xf32, #tpu.memory_space<hbm>>
      tpu.enqueue_indirect_dma source(%dma_start3A_19 : memref<10000x128xf32, #tpu.memory_space<hbm>>) target(%arg9 : memref<400x128xf32, #tpu.memory_space<vmem>>) offsets(%arg8 : memref<400xi32, #tpu.memory_space<vmem>>) semaphore(%arg10 : memref<!tpu.dma_semaphore, #tpu.memory_space<semaphore_mem>>)
      %dma_wait3A = arith.constant 0 : i32
      %dma_wait3A_20 = arith.constant 0 : i32
      %dma_wait3A_21 = tpu.memref_slice %arg2[%dma_wait3A, %dma_wait3A_20] : memref<10000x128xf32, #tpu.memory_space<hbm>> -> memref<10000x128xf32, #tpu.memory_space<hbm>>
      tpu.wait_indirect_dma semaphore(%arg10 : memref<!tpu.dma_semaphore, #tpu.memory_space<semaphore_mem>>) src(%dma_wait3A_21 : memref<10000x128xf32, #tpu.memory_space<hbm>>) dst(%arg9 : memref<400x128xf32, #tpu.memory_space<vmem>>)
      "tpu.region"() ({
        %run_scoped3A = tpu.sem_alloc : memref<!tpu.dma_semaphore, #tpu.memory_space<semaphore_mem>>
        %dma_start3A_22 = arith.constant 0 : i32
        %dma_start3A_23 = tpu.memref_slice %arg6[%add3A_17, %dma_start3A_22] : memref<320000x128xf32, #tpu.memory_space<hbm>> -> memref<400x128xf32, #tpu.memory_space<hbm>>
        %dma_start3A_24 = arith.constant 0 : i32
        %dma_start3A_25 = tpu.memref_slice %arg6[%add3A_17, %dma_start3A_24] : memref<320000x128xf32, #tpu.memory_space<hbm>> -> memref<400x128xf32, #tpu.memory_space<hbm>>
        tpu.enqueue_dma source(%arg9 : memref<400x128xf32, #tpu.memory_space<vmem>>) target(%dma_start3A_25 : memref<400x128xf32, #tpu.memory_space<hbm>>) target_semaphore(%run_scoped3A : memref<!tpu.dma_semaphore, #tpu.memory_space<semaphore_mem>>)
        %dma_wait3A_26 = arith.constant 0 : i32
        %dma_wait3A_27 = tpu.memref_slice %arg6[%add3A_17, %dma_wait3A_26] : memref<320000x128xf32, #tpu.memory_space<hbm>> -> memref<400x128xf32, #tpu.memory_space<hbm>>
        %dma_wait3A_28 = arith.constant 0 : i32
        %dma_wait3A_29 = tpu.memref_slice %arg6[%add3A_17, %dma_wait3A_28] : memref<320000x128xf32, #tpu.memory_space<hbm>> -> memref<400x128xf32, #tpu.memory_space<hbm>>
        tpu.wait_dma2 semaphore(%run_scoped3A : memref<!tpu.dma_semaphore, #tpu.memory_space<semaphore_mem>>) src(%arg9 : memref<400x128xf32, #tpu.memory_space<vmem>>) dst(%dma_wait3A_29 : memref<400x128xf32, #tpu.memory_space<hbm>>)
        tpu.yield
      }) : () -> ()
    }
    %scan3A_5 = arith.constant 25 : i32
    %scan3A_6 = arith.constant 0 : i32
    %scan3A_7 = arith.constant 0 : i32
    %scan3A_8 = arith.constant 25 : i32
    %scan3A_9 = arith.addi %scan3A_7, %scan3A_8 : i32
    %scan3A_10 = arith.constant 1 : i32
    scf.for %scan3A_12 = %scan3A_7 to %scan3A_9 step %scan3A_10  : i32 {
      %mul3A_13 = arith.constant 10000 : i32
      %mul3A_14 = arith.muli %add3A, %mul3A_13 : i32
      %mul3A_15 = arith.constant 400 : i32
      %mul3A_16 = arith.muli %scan3A_12, %mul3A_15 : i32
      %add3A_17 = arith.addi %mul3A_14, %mul3A_16 : i32
      "tpu.region"() ({
        %run_scoped3A = tpu.sem_alloc : memref<!tpu.dma_semaphore, #tpu.memory_space<semaphore_mem>>
        %dma_start3A_22 = tpu.memref_slice %arg5[%add3A_17] : memref<320000xi32, #tpu.memory_space<hbm>> -> memref<400xi32, #tpu.memory_space<hbm>>
        %dma_start3A_23 = tpu.memref_slice %arg5[%add3A_17] : memref<320000xi32, #tpu.memory_space<hbm>> -> memref<400xi32, #tpu.memory_space<hbm>>
        tpu.enqueue_dma source(%dma_start3A_23 : memref<400xi32, #tpu.memory_space<hbm>>) target(%arg8 : memref<400xi32, #tpu.memory_space<vmem>>) target_semaphore(%run_scoped3A : memref<!tpu.dma_semaphore, #tpu.memory_space<semaphore_mem>>)
        %dma_wait3A_24 = tpu.memref_slice %arg5[%add3A_17] : memref<320000xi32, #tpu.memory_space<hbm>> -> memref<400xi32, #tpu.memory_space<hbm>>
        %dma_wait3A_25 = tpu.memref_slice %arg5[%add3A_17] : memref<320000xi32, #tpu.memory_space<hbm>> -> memref<400xi32, #tpu.memory_space<hbm>>
        tpu.wait_dma2 semaphore(%run_scoped3A : memref<!tpu.dma_semaphore, #tpu.memory_space<semaphore_mem>>) src(%dma_wait3A_25 : memref<400xi32, #tpu.memory_space<hbm>>) dst(%arg8 : memref<400xi32, #tpu.memory_space<vmem>>)
        tpu.yield
      }) : () -> ()
      %dma_start3A = arith.constant 0 : i32
      %dma_start3A_18 = arith.constant 0 : i32
      %dma_start3A_19 = tpu.memref_slice %arg4[%dma_start3A, %dma_start3A_18] : memref<10000x128xf32, #tpu.memory_space<hbm>> -> memref<10000x128xf32, #tpu.memory_space<hbm>>
      tpu.enqueue_indirect_dma source(%dma_start3A_19 : memref<10000x128xf32, #tpu.memory_space<hbm>>) target(%arg9 : memref<400x128xf32, #tpu.memory_space<vmem>>) offsets(%arg8 : memref<400xi32, #tpu.memory_space<vmem>>) semaphore(%arg10 : memref<!tpu.dma_semaphore, #tpu.memory_space<semaphore_mem>>)
      %dma_wait3A = arith.constant 0 : i32
      %dma_wait3A_20 = arith.constant 0 : i32
      %dma_wait3A_21 = tpu.memref_slice %arg4[%dma_wait3A, %dma_wait3A_20] : memref<10000x128xf32, #tpu.memory_space<hbm>> -> memref<10000x128xf32, #tpu.memory_space<hbm>>
      tpu.wait_indirect_dma semaphore(%arg10 : memref<!tpu.dma_semaphore, #tpu.memory_space<semaphore_mem>>) src(%dma_wait3A_21 : memref<10000x128xf32, #tpu.memory_space<hbm>>) dst(%arg9 : memref<400x128xf32, #tpu.memory_space<vmem>>)
      "tpu.region"() ({
        %run_scoped3A = tpu.sem_alloc : memref<!tpu.dma_semaphore, #tpu.memory_space<semaphore_mem>>
        %dma_start3A_22 = arith.constant 0 : i32
        %dma_start3A_23 = tpu.memref_slice %arg7[%add3A_17, %dma_start3A_22] : memref<320000x128xf32, #tpu.memory_space<hbm>> -> memref<400x128xf32, #tpu.memory_space<hbm>>
        %dma_start3A_24 = arith.constant 0 : i32
        %dma_start3A_25 = tpu.memref_slice %arg7[%add3A_17, %dma_start3A_24] : memref<320000x128xf32, #tpu.memory_space<hbm>> -> memref<400x128xf32, #tpu.memory_space<hbm>>
        tpu.enqueue_dma source(%arg9 : memref<400x128xf32, #tpu.memory_space<vmem>>) target(%dma_start3A_25 : memref<400x128xf32, #tpu.memory_space<hbm>>) target_semaphore(%run_scoped3A : memref<!tpu.dma_semaphore, #tpu.memory_space<semaphore_mem>>)
        %dma_wait3A_26 = arith.constant 0 : i32
        %dma_wait3A_27 = tpu.memref_slice %arg7[%add3A_17, %dma_wait3A_26] : memref<320000x128xf32, #tpu.memory_space<hbm>> -> memref<400x128xf32, #tpu.memory_space<hbm>>
        %dma_wait3A_28 = arith.constant 0 : i32
        %dma_wait3A_29 = tpu.memref_slice %arg7[%add3A_17, %dma_wait3A_28] : memref<320000x128xf32, #tpu.memory_space<hbm>> -> memref<400x128xf32, #tpu.memory_space<hbm>>
        tpu.wait_dma2 semaphore(%run_scoped3A : memref<!tpu.dma_semaphore, #tpu.memory_space<semaphore_mem>>) src(%arg9 : memref<400x128xf32, #tpu.memory_space<vmem>>) dst(%dma_wait3A_29 : memref<400x128xf32, #tpu.memory_space<hbm>>)
        tpu.yield
      }) : () -> ()
    }
    %scan3A_11 = arith.constant 25 : i32
    return
  }
}

#map = affine_map<(d0, d1) -> (0, 0)>
#map1 = affine_map<(d0, d1) -> (0)>
#map2 = affine_map<(d0, d1) -> (0, 0, 0)>
module attributes {stable_mosaic.version = 14 : i64} {
  func.func @k(%arg0: i32, %arg1: i32, %arg2: memref<320000x128xf32, #tpu.memory_space<hbm>>, %arg3: memref<320000xi32, #tpu.memory_space<hbm>>, %arg4: memref<640x128xf32, #tpu.memory_space<hbm>>, %arg5: memref<2x10240x128xf32, #tpu.memory_space<hbm>>, %arg6: memref<10240x128xf32, #tpu.memory_space<vmem_shared>>, %arg7: memref<200xi32, #tpu.memory_space<vmem>>, %arg8: memref<200x128xf32, #tpu.memory_space<vmem>>) attributes {dimension_semantics = [#tpu.dimension_semantics<core_parallel>, #tpu.dimension_semantics<subcore_parallel>], iteration_bounds = array<i64: 2, 16>, scalar_prefetch = 0 : i64, scratch_operands = 3 : i64, tpu.core_type = #tpu.core_type<sc_vector_subcore>, window_params = [{transform_indices = #map}, {transform_indices = #map1}, {transform_indices = #map}, {transform_indices = #map2}]} {
    %mul3A = arith.constant 2 : i32
    %mul3A_0 = arith.muli %arg1, %mul3A : i32
    %add3A = arith.addi %mul3A_0, %arg0 : i32
    %mul3A_1 = arith.constant 640 : i32
    %mul3A_2 = arith.muli %arg1, %mul3A_1 : i32
    "tpu.region"() ({
      %run_scoped3A = tpu.sem_alloc : memref<!tpu.dma_semaphore, #tpu.memory_space<semaphore_mem>>
      %dma_start3A = arith.constant 0 : i32
      %dma_start3A_13 = tpu.memref_slice %arg6[%mul3A_2, %dma_start3A] : memref<10240x128xf32, #tpu.memory_space<vmem_shared>> -> memref<640x128xf32, #tpu.memory_space<vmem_shared>>
      tpu.enqueue_dma source(%arg4 : memref<640x128xf32, #tpu.memory_space<hbm>>) target(%dma_start3A_13 : memref<640x128xf32, #tpu.memory_space<vmem_shared>>) target_semaphore(%run_scoped3A : memref<!tpu.dma_semaphore, #tpu.memory_space<semaphore_mem>>)
      %dma_wait3A = arith.constant 0 : i32
      %dma_wait3A_14 = tpu.memref_slice %arg6[%mul3A_2, %dma_wait3A] : memref<10240x128xf32, #tpu.memory_space<vmem_shared>> -> memref<640x128xf32, #tpu.memory_space<vmem_shared>>
      tpu.wait_dma2 semaphore(%run_scoped3A : memref<!tpu.dma_semaphore, #tpu.memory_space<semaphore_mem>>) src(%arg4 : memref<640x128xf32, #tpu.memory_space<hbm>>) dst(%dma_wait3A_14 : memref<640x128xf32, #tpu.memory_space<vmem_shared>>)
      tpu.yield
    }) : () -> ()
    %barrier3A = arith.constant 0 : index
    tpu.barrier barrier_id(%barrier3A)
    %scan3A = arith.constant 0 : i32
    %scan3A_3 = arith.constant 0 : i32
    %scan3A_4 = arith.constant 50 : i32
    %scan3A_5 = arith.addi %scan3A_3, %scan3A_4 : i32
    %scan3A_6 = arith.constant 1 : i32
    scf.for %scan3A_13 = %scan3A_3 to %scan3A_5 step %scan3A_6  : i32 {
      %mul3A_14 = arith.constant 10000 : i32
      %mul3A_15 = arith.muli %add3A, %mul3A_14 : i32
      %mul3A_16 = arith.constant 200 : i32
      %mul3A_17 = arith.muli %scan3A_13, %mul3A_16 : i32
      %add3A_18 = arith.addi %mul3A_15, %mul3A_17 : i32
      "tpu.region"() ({
        %run_scoped3A = tpu.sem_alloc : memref<!tpu.dma_semaphore, #tpu.memory_space<semaphore_mem>>
        %dma_start3A = tpu.memref_slice %arg3[%add3A_18] : memref<320000xi32, #tpu.memory_space<hbm>> -> memref<200xi32, #tpu.memory_space<hbm>>
        %dma_start3A_19 = tpu.memref_slice %arg3[%add3A_18] : memref<320000xi32, #tpu.memory_space<hbm>> -> memref<200xi32, #tpu.memory_space<hbm>>
        tpu.enqueue_dma source(%dma_start3A_19 : memref<200xi32, #tpu.memory_space<hbm>>) target(%arg7 : memref<200xi32, #tpu.memory_space<vmem>>) target_semaphore(%run_scoped3A : memref<!tpu.dma_semaphore, #tpu.memory_space<semaphore_mem>>)
        %dma_wait3A = tpu.memref_slice %arg3[%add3A_18] : memref<320000xi32, #tpu.memory_space<hbm>> -> memref<200xi32, #tpu.memory_space<hbm>>
        %dma_wait3A_20 = tpu.memref_slice %arg3[%add3A_18] : memref<320000xi32, #tpu.memory_space<hbm>> -> memref<200xi32, #tpu.memory_space<hbm>>
        tpu.wait_dma2 semaphore(%run_scoped3A : memref<!tpu.dma_semaphore, #tpu.memory_space<semaphore_mem>>) src(%dma_wait3A_20 : memref<200xi32, #tpu.memory_space<hbm>>) dst(%arg7 : memref<200xi32, #tpu.memory_space<vmem>>)
        tpu.yield
      }) : () -> ()
      "tpu.region"() ({
        %run_scoped3A = tpu.sem_alloc : memref<!tpu.dma_semaphore, #tpu.memory_space<semaphore_mem>>
        %dma_start3A = arith.constant 0 : i32
        %dma_start3A_19 = tpu.memref_slice %arg2[%add3A_18, %dma_start3A] : memref<320000x128xf32, #tpu.memory_space<hbm>> -> memref<200x128xf32, #tpu.memory_space<hbm>>
        %dma_start3A_20 = arith.constant 0 : i32
        %dma_start3A_21 = tpu.memref_slice %arg2[%add3A_18, %dma_start3A_20] : memref<320000x128xf32, #tpu.memory_space<hbm>> -> memref<200x128xf32, #tpu.memory_space<hbm>>
        tpu.enqueue_dma source(%dma_start3A_21 : memref<200x128xf32, #tpu.memory_space<hbm>>) target(%arg8 : memref<200x128xf32, #tpu.memory_space<vmem>>) target_semaphore(%run_scoped3A : memref<!tpu.dma_semaphore, #tpu.memory_space<semaphore_mem>>)
        %dma_wait3A = arith.constant 0 : i32
        %dma_wait3A_22 = tpu.memref_slice %arg2[%add3A_18, %dma_wait3A] : memref<320000x128xf32, #tpu.memory_space<hbm>> -> memref<200x128xf32, #tpu.memory_space<hbm>>
        %dma_wait3A_23 = arith.constant 0 : i32
        %dma_wait3A_24 = tpu.memref_slice %arg2[%add3A_18, %dma_wait3A_23] : memref<320000x128xf32, #tpu.memory_space<hbm>> -> memref<200x128xf32, #tpu.memory_space<hbm>>
        tpu.wait_dma2 semaphore(%run_scoped3A : memref<!tpu.dma_semaphore, #tpu.memory_space<semaphore_mem>>) src(%dma_wait3A_24 : memref<200x128xf32, #tpu.memory_space<hbm>>) dst(%arg8 : memref<200x128xf32, #tpu.memory_space<vmem>>)
        tpu.yield
      }) : () -> ()
      "tpu.region"() ({
        %run_scoped3A = tpu.sem_alloc : memref<!tpu.dma_semaphore, #tpu.memory_space<semaphore_mem>>
        %dma_start3A = arith.constant 0 : i32
        %dma_start3A_19 = arith.constant 0 : i32
        %dma_start3A_20 = tpu.memref_slice %arg6[%dma_start3A, %dma_start3A_19] : memref<10240x128xf32, #tpu.memory_space<vmem_shared>> -> memref<10240x128xf32, #tpu.memory_space<vmem_shared>>
        tpu.enqueue_indirect_dma source(%arg8 : memref<200x128xf32, #tpu.memory_space<vmem>>) target(%dma_start3A_20 : memref<10240x128xf32, #tpu.memory_space<vmem_shared>>) offsets(%arg7 : memref<200xi32, #tpu.memory_space<vmem>>) semaphore(%run_scoped3A : memref<!tpu.dma_semaphore, #tpu.memory_space<semaphore_mem>>) {add = true}
        %dma_wait3A = arith.constant 0 : i32
        %dma_wait3A_21 = arith.constant 0 : i32
        %dma_wait3A_22 = tpu.memref_slice %arg6[%dma_wait3A, %dma_wait3A_21] : memref<10240x128xf32, #tpu.memory_space<vmem_shared>> -> memref<10240x128xf32, #tpu.memory_space<vmem_shared>>
        tpu.wait_indirect_dma semaphore(%run_scoped3A : memref<!tpu.dma_semaphore, #tpu.memory_space<semaphore_mem>>) src(%arg8 : memref<200x128xf32, #tpu.memory_space<vmem>>) dst(%dma_wait3A_22 : memref<10240x128xf32, #tpu.memory_space<vmem_shared>>)
        tpu.yield
      }) : () -> ()
    }
    %scan3A_7 = arith.constant 50 : i32
    %barrier3A_8 = arith.constant 0 : index
    tpu.barrier barrier_id(%barrier3A_8)
    %mul3A_9 = arith.constant 640 : i32
    %mul3A_10 = arith.muli %arg1, %mul3A_9 : i32
    %mul3A_11 = arith.constant 640 : i32
    %mul3A_12 = arith.muli %arg1, %mul3A_11 : i32
    "tpu.region"() ({
      %run_scoped3A = tpu.sem_alloc : memref<!tpu.dma_semaphore, #tpu.memory_space<semaphore_mem>>
      %dma_start3A = arith.constant 0 : i32
      %dma_start3A_13 = tpu.memref_slice %arg5[%arg0, %mul3A_12, %dma_start3A] : memref<2x10240x128xf32, #tpu.memory_space<hbm>> -> memref<1x640x128xf32, #tpu.memory_space<hbm>>
      %dma_start3A_14 = tpu.memref_squeeze %dma_start3A_13 : memref<1x640x128xf32, #tpu.memory_space<hbm>> -> memref<640x128xf32, #tpu.memory_space<hbm>>
      %dma_start3A_15 = arith.constant 0 : i32
      %dma_start3A_16 = tpu.memref_slice %arg6[%mul3A_10, %dma_start3A_15] : memref<10240x128xf32, #tpu.memory_space<vmem_shared>> -> memref<640x128xf32, #tpu.memory_space<vmem_shared>>
      tpu.enqueue_dma source(%dma_start3A_16 : memref<640x128xf32, #tpu.memory_space<vmem_shared>>) target(%dma_start3A_14 : memref<640x128xf32, #tpu.memory_space<hbm>>) target_semaphore(%run_scoped3A : memref<!tpu.dma_semaphore, #tpu.memory_space<semaphore_mem>>)
      %dma_wait3A = arith.constant 0 : i32
      %dma_wait3A_17 = tpu.memref_slice %arg5[%arg0, %mul3A_12, %dma_wait3A] : memref<2x10240x128xf32, #tpu.memory_space<hbm>> -> memref<1x640x128xf32, #tpu.memory_space<hbm>>
      %dma_wait3A_18 = tpu.memref_squeeze %dma_wait3A_17 : memref<1x640x128xf32, #tpu.memory_space<hbm>> -> memref<640x128xf32, #tpu.memory_space<hbm>>
      %dma_wait3A_19 = arith.constant 0 : i32
      %dma_wait3A_20 = tpu.memref_slice %arg6[%mul3A_10, %dma_wait3A_19] : memref<10240x128xf32, #tpu.memory_space<vmem_shared>> -> memref<640x128xf32, #tpu.memory_space<vmem_shared>>
      tpu.wait_dma2 semaphore(%run_scoped3A : memref<!tpu.dma_semaphore, #tpu.memory_space<semaphore_mem>>) src(%dma_wait3A_20 : memref<640x128xf32, #tpu.memory_space<vmem_shared>>) dst(%dma_wait3A_18 : memref<640x128xf32, #tpu.memory_space<hbm>>)
      tpu.yield
    }) : () -> ()
    return
  }
}

#map = affine_map<(d0, d1) -> (0, 0)>
#map1 = affine_map<(d0, d1) -> (0)>
module attributes {stable_mosaic.version = 14 : i64} {
  func.func @k(%arg0: i32, %arg1: i32, %arg2: memref<100000x128xf32, #tpu.memory_space<hbm>>, %arg3: memref<10240xi32, #tpu.memory_space<hbm>>, %arg4: memref<100000x128xf32, #tpu.memory_space<hbm>>, %arg5: memref<10240xi32, #tpu.memory_space<hbm>>, %arg6: memref<10240x128xf32, #tpu.memory_space<hbm>>, %arg7: memref<10240x128xf32, #tpu.memory_space<hbm>>, %arg8: memref<320xi32, #tpu.memory_space<vmem>>, %arg9: memref<320x128xf32, #tpu.memory_space<vmem>>, %arg10: memref<!tpu.dma_semaphore, #tpu.memory_space<semaphore_mem>>) attributes {dimension_semantics = [#tpu.dimension_semantics<core_parallel>, #tpu.dimension_semantics<subcore_parallel>], iteration_bounds = array<i64: 2, 16>, scalar_prefetch = 0 : i64, scratch_operands = 3 : i64, tpu.core_type = #tpu.core_type<sc_vector_subcore>, window_params = [{transform_indices = #map}, {transform_indices = #map1}, {transform_indices = #map}, {transform_indices = #map1}, {transform_indices = #map}, {transform_indices = #map}]} {
    %mul3A = arith.constant 2 : i32
    %mul3A_0 = arith.muli %arg1, %mul3A : i32
    %add3A = arith.addi %mul3A_0, %arg0 : i32
    %scan3A = arith.constant 0 : i32
    %scan3A_1 = arith.constant 0 : i32
    %mul3A_2 = arith.constant 320 : i32
    %mul3A_3 = arith.muli %add3A, %mul3A_2 : i32
    %mul3A_4 = arith.constant 320 : i32
    %mul3A_5 = arith.muli %scan3A_1, %mul3A_4 : i32
    %add3A_6 = arith.addi %mul3A_3, %mul3A_5 : i32
    "tpu.region"() ({
      %run_scoped3A = tpu.sem_alloc : memref<!tpu.dma_semaphore, #tpu.memory_space<semaphore_mem>>
      %dma_start3A_26 = tpu.memref_slice %arg3[%add3A_6] : memref<10240xi32, #tpu.memory_space<hbm>> -> memref<320xi32, #tpu.memory_space<hbm>>
      %dma_start3A_27 = tpu.memref_slice %arg3[%add3A_6] : memref<10240xi32, #tpu.memory_space<hbm>> -> memref<320xi32, #tpu.memory_space<hbm>>
      tpu.enqueue_dma source(%dma_start3A_27 : memref<320xi32, #tpu.memory_space<hbm>>) target(%arg8 : memref<320xi32, #tpu.memory_space<vmem>>) target_semaphore(%run_scoped3A : memref<!tpu.dma_semaphore, #tpu.memory_space<semaphore_mem>>)
      %dma_wait3A_28 = tpu.memref_slice %arg3[%add3A_6] : memref<10240xi32, #tpu.memory_space<hbm>> -> memref<320xi32, #tpu.memory_space<hbm>>
      %dma_wait3A_29 = tpu.memref_slice %arg3[%add3A_6] : memref<10240xi32, #tpu.memory_space<hbm>> -> memref<320xi32, #tpu.memory_space<hbm>>
      tpu.wait_dma2 semaphore(%run_scoped3A : memref<!tpu.dma_semaphore, #tpu.memory_space<semaphore_mem>>) src(%dma_wait3A_29 : memref<320xi32, #tpu.memory_space<hbm>>) dst(%arg8 : memref<320xi32, #tpu.memory_space<vmem>>)
      tpu.yield
    }) : () -> ()
    %dma_start3A = arith.constant 0 : i32
    %dma_start3A_7 = arith.constant 0 : i32
    %dma_start3A_8 = tpu.memref_slice %arg2[%dma_start3A, %dma_start3A_7] : memref<100000x128xf32, #tpu.memory_space<hbm>> -> memref<100000x128xf32, #tpu.memory_space<hbm>>
    tpu.enqueue_indirect_dma source(%dma_start3A_8 : memref<100000x128xf32, #tpu.memory_space<hbm>>) target(%arg9 : memref<320x128xf32, #tpu.memory_space<vmem>>) offsets(%arg8 : memref<320xi32, #tpu.memory_space<vmem>>) semaphore(%arg10 : memref<!tpu.dma_semaphore, #tpu.memory_space<semaphore_mem>>)
    %dma_wait3A = arith.constant 0 : i32
    %dma_wait3A_9 = arith.constant 0 : i32
    %dma_wait3A_10 = tpu.memref_slice %arg2[%dma_wait3A, %dma_wait3A_9] : memref<100000x128xf32, #tpu.memory_space<hbm>> -> memref<100000x128xf32, #tpu.memory_space<hbm>>
    tpu.wait_indirect_dma semaphore(%arg10 : memref<!tpu.dma_semaphore, #tpu.memory_space<semaphore_mem>>) src(%dma_wait3A_10 : memref<100000x128xf32, #tpu.memory_space<hbm>>) dst(%arg9 : memref<320x128xf32, #tpu.memory_space<vmem>>)
    "tpu.region"() ({
      %run_scoped3A = tpu.sem_alloc : memref<!tpu.dma_semaphore, #tpu.memory_space<semaphore_mem>>
      %dma_start3A_26 = arith.constant 0 : i32
      %dma_start3A_27 = tpu.memref_slice %arg6[%add3A_6, %dma_start3A_26] : memref<10240x128xf32, #tpu.memory_space<hbm>> -> memref<320x128xf32, #tpu.memory_space<hbm>>
      %dma_start3A_28 = arith.constant 0 : i32
      %dma_start3A_29 = tpu.memref_slice %arg6[%add3A_6, %dma_start3A_28] : memref<10240x128xf32, #tpu.memory_space<hbm>> -> memref<320x128xf32, #tpu.memory_space<hbm>>
      tpu.enqueue_dma source(%arg9 : memref<320x128xf32, #tpu.memory_space<vmem>>) target(%dma_start3A_29 : memref<320x128xf32, #tpu.memory_space<hbm>>) target_semaphore(%run_scoped3A : memref<!tpu.dma_semaphore, #tpu.memory_space<semaphore_mem>>)
      %dma_wait3A_30 = arith.constant 0 : i32
      %dma_wait3A_31 = tpu.memref_slice %arg6[%add3A_6, %dma_wait3A_30] : memref<10240x128xf32, #tpu.memory_space<hbm>> -> memref<320x128xf32, #tpu.memory_space<hbm>>
      %dma_wait3A_32 = arith.constant 0 : i32
      %dma_wait3A_33 = tpu.memref_slice %arg6[%add3A_6, %dma_wait3A_32] : memref<10240x128xf32, #tpu.memory_space<hbm>> -> memref<320x128xf32, #tpu.memory_space<hbm>>
      tpu.wait_dma2 semaphore(%run_scoped3A : memref<!tpu.dma_semaphore, #tpu.memory_space<semaphore_mem>>) src(%arg9 : memref<320x128xf32, #tpu.memory_space<vmem>>) dst(%dma_wait3A_33 : memref<320x128xf32, #tpu.memory_space<hbm>>)
      tpu.yield
    }) : () -> ()
    %scan3A_11 = arith.constant 1 : i32
    %scan3A_12 = arith.constant 0 : i32
    %scan3A_13 = arith.constant 0 : i32
    %mul3A_14 = arith.constant 320 : i32
    %mul3A_15 = arith.muli %add3A, %mul3A_14 : i32
    %mul3A_16 = arith.constant 320 : i32
    %mul3A_17 = arith.muli %scan3A_13, %mul3A_16 : i32
    %add3A_18 = arith.addi %mul3A_15, %mul3A_17 : i32
    "tpu.region"() ({
      %run_scoped3A = tpu.sem_alloc : memref<!tpu.dma_semaphore, #tpu.memory_space<semaphore_mem>>
      %dma_start3A_26 = tpu.memref_slice %arg5[%add3A_18] : memref<10240xi32, #tpu.memory_space<hbm>> -> memref<320xi32, #tpu.memory_space<hbm>>
      %dma_start3A_27 = tpu.memref_slice %arg5[%add3A_18] : memref<10240xi32, #tpu.memory_space<hbm>> -> memref<320xi32, #tpu.memory_space<hbm>>
      tpu.enqueue_dma source(%dma_start3A_27 : memref<320xi32, #tpu.memory_space<hbm>>) target(%arg8 : memref<320xi32, #tpu.memory_space<vmem>>) target_semaphore(%run_scoped3A : memref<!tpu.dma_semaphore, #tpu.memory_space<semaphore_mem>>)
      %dma_wait3A_28 = tpu.memref_slice %arg5[%add3A_18] : memref<10240xi32, #tpu.memory_space<hbm>> -> memref<320xi32, #tpu.memory_space<hbm>>
      %dma_wait3A_29 = tpu.memref_slice %arg5[%add3A_18] : memref<10240xi32, #tpu.memory_space<hbm>> -> memref<320xi32, #tpu.memory_space<hbm>>
      tpu.wait_dma2 semaphore(%run_scoped3A : memref<!tpu.dma_semaphore, #tpu.memory_space<semaphore_mem>>) src(%dma_wait3A_29 : memref<320xi32, #tpu.memory_space<hbm>>) dst(%arg8 : memref<320xi32, #tpu.memory_space<vmem>>)
      tpu.yield
    }) : () -> ()
    %dma_start3A_19 = arith.constant 0 : i32
    %dma_start3A_20 = arith.constant 0 : i32
    %dma_start3A_21 = tpu.memref_slice %arg4[%dma_start3A_19, %dma_start3A_20] : memref<100000x128xf32, #tpu.memory_space<hbm>> -> memref<100000x128xf32, #tpu.memory_space<hbm>>
    tpu.enqueue_indirect_dma source(%dma_start3A_21 : memref<100000x128xf32, #tpu.memory_space<hbm>>) target(%arg9 : memref<320x128xf32, #tpu.memory_space<vmem>>) offsets(%arg8 : memref<320xi32, #tpu.memory_space<vmem>>) semaphore(%arg10 : memref<!tpu.dma_semaphore, #tpu.memory_space<semaphore_mem>>)
    %dma_wait3A_22 = arith.constant 0 : i32
    %dma_wait3A_23 = arith.constant 0 : i32
    %dma_wait3A_24 = tpu.memref_slice %arg4[%dma_wait3A_22, %dma_wait3A_23] : memref<100000x128xf32, #tpu.memory_space<hbm>> -> memref<100000x128xf32, #tpu.memory_space<hbm>>
    tpu.wait_indirect_dma semaphore(%arg10 : memref<!tpu.dma_semaphore, #tpu.memory_space<semaphore_mem>>) src(%dma_wait3A_24 : memref<100000x128xf32, #tpu.memory_space<hbm>>) dst(%arg9 : memref<320x128xf32, #tpu.memory_space<vmem>>)
    "tpu.region"() ({
      %run_scoped3A = tpu.sem_alloc : memref<!tpu.dma_semaphore, #tpu.memory_space<semaphore_mem>>
      %dma_start3A_26 = arith.constant 0 : i32
      %dma_start3A_27 = tpu.memref_slice %arg7[%add3A_18, %dma_start3A_26] : memref<10240x128xf32, #tpu.memory_space<hbm>> -> memref<320x128xf32, #tpu.memory_space<hbm>>
      %dma_start3A_28 = arith.constant 0 : i32
      %dma_start3A_29 = tpu.memref_slice %arg7[%add3A_18, %dma_start3A_28] : memref<10240x128xf32, #tpu.memory_space<hbm>> -> memref<320x128xf32, #tpu.memory_space<hbm>>
      tpu.enqueue_dma source(%arg9 : memref<320x128xf32, #tpu.memory_space<vmem>>) target(%dma_start3A_29 : memref<320x128xf32, #tpu.memory_space<hbm>>) target_semaphore(%run_scoped3A : memref<!tpu.dma_semaphore, #tpu.memory_space<semaphore_mem>>)
      %dma_wait3A_30 = arith.constant 0 : i32
      %dma_wait3A_31 = tpu.memref_slice %arg7[%add3A_18, %dma_wait3A_30] : memref<10240x128xf32, #tpu.memory_space<hbm>> -> memref<320x128xf32, #tpu.memory_space<hbm>>
      %dma_wait3A_32 = arith.constant 0 : i32
      %dma_wait3A_33 = tpu.memref_slice %arg7[%add3A_18, %dma_wait3A_32] : memref<10240x128xf32, #tpu.memory_space<hbm>> -> memref<320x128xf32, #tpu.memory_space<hbm>>
      tpu.wait_dma2 semaphore(%run_scoped3A : memref<!tpu.dma_semaphore, #tpu.memory_space<semaphore_mem>>) src(%arg9 : memref<320x128xf32, #tpu.memory_space<vmem>>) dst(%dma_wait3A_33 : memref<320x128xf32, #tpu.memory_space<hbm>>)
      tpu.yield
    }) : () -> ()
    %scan3A_25 = arith.constant 1 : i32
    return
  }
}

#map = affine_map<(d0, d1) -> (0, 0)>
#map1 = affine_map<(d0, d1) -> (0)>
#map2 = affine_map<(d0, d1) -> (0, 0, 0)>
module attributes {stable_mosaic.version = 14 : i64} {
  func.func @k(%arg0: i32, %arg1: i32, %arg2: memref<320000x128xf32, #tpu.memory_space<hbm>>, %arg3: memref<320000xi32, #tpu.memory_space<hbm>>, %arg4: memref<640x128xf32, #tpu.memory_space<hbm>>, %arg5: memref<2x10240x128xf32, #tpu.memory_space<hbm>>, %arg6: memref<10240x128xf32, #tpu.memory_space<vmem_shared>>, %arg7: memref<200xi32, #tpu.memory_space<vmem>>, %arg8: memref<200x128xf32, #tpu.memory_space<vmem>>) attributes {dimension_semantics = [#tpu.dimension_semantics<core_parallel>, #tpu.dimension_semantics<subcore_parallel>], iteration_bounds = array<i64: 2, 16>, scalar_prefetch = 0 : i64, scratch_operands = 3 : i64, tpu.core_type = #tpu.core_type<sc_vector_subcore>, window_params = [{transform_indices = #map}, {transform_indices = #map1}, {transform_indices = #map}, {transform_indices = #map2}]} {
    %mul3A = arith.constant 2 : i32
    %mul3A_0 = arith.muli %arg1, %mul3A : i32
    %add3A = arith.addi %mul3A_0, %arg0 : i32
    %mul3A_1 = arith.constant 640 : i32
    %mul3A_2 = arith.muli %arg1, %mul3A_1 : i32
    "tpu.region"() ({
      %run_scoped3A = tpu.sem_alloc : memref<!tpu.dma_semaphore, #tpu.memory_space<semaphore_mem>>
      %dma_start3A = arith.constant 0 : i32
      %dma_start3A_13 = tpu.memref_slice %arg6[%mul3A_2, %dma_start3A] : memref<10240x128xf32, #tpu.memory_space<vmem_shared>> -> memref<640x128xf32, #tpu.memory_space<vmem_shared>>
      tpu.enqueue_dma source(%arg4 : memref<640x128xf32, #tpu.memory_space<hbm>>) target(%dma_start3A_13 : memref<640x128xf32, #tpu.memory_space<vmem_shared>>) target_semaphore(%run_scoped3A : memref<!tpu.dma_semaphore, #tpu.memory_space<semaphore_mem>>)
      %dma_wait3A = arith.constant 0 : i32
      %dma_wait3A_14 = tpu.memref_slice %arg6[%mul3A_2, %dma_wait3A] : memref<10240x128xf32, #tpu.memory_space<vmem_shared>> -> memref<640x128xf32, #tpu.memory_space<vmem_shared>>
      tpu.wait_dma2 semaphore(%run_scoped3A : memref<!tpu.dma_semaphore, #tpu.memory_space<semaphore_mem>>) src(%arg4 : memref<640x128xf32, #tpu.memory_space<hbm>>) dst(%dma_wait3A_14 : memref<640x128xf32, #tpu.memory_space<vmem_shared>>)
      tpu.yield
    }) : () -> ()
    %barrier3A = arith.constant 0 : index
    tpu.barrier barrier_id(%barrier3A)
    %scan3A = arith.constant 0 : i32
    %scan3A_3 = arith.constant 0 : i32
    %scan3A_4 = arith.constant 50 : i32
    %scan3A_5 = arith.addi %scan3A_3, %scan3A_4 : i32
    %scan3A_6 = arith.constant 1 : i32
    scf.for %scan3A_13 = %scan3A_3 to %scan3A_5 step %scan3A_6  : i32 {
      %mul3A_14 = arith.constant 10000 : i32
      %mul3A_15 = arith.muli %add3A, %mul3A_14 : i32
      %mul3A_16 = arith.constant 200 : i32
      %mul3A_17 = arith.muli %scan3A_13, %mul3A_16 : i32
      %add3A_18 = arith.addi %mul3A_15, %mul3A_17 : i32
      "tpu.region"() ({
        %run_scoped3A = tpu.sem_alloc : memref<!tpu.dma_semaphore, #tpu.memory_space<semaphore_mem>>
        %dma_start3A = tpu.memref_slice %arg3[%add3A_18] : memref<320000xi32, #tpu.memory_space<hbm>> -> memref<200xi32, #tpu.memory_space<hbm>>
        %dma_start3A_19 = tpu.memref_slice %arg3[%add3A_18] : memref<320000xi32, #tpu.memory_space<hbm>> -> memref<200xi32, #tpu.memory_space<hbm>>
        tpu.enqueue_dma source(%dma_start3A_19 : memref<200xi32, #tpu.memory_space<hbm>>) target(%arg7 : memref<200xi32, #tpu.memory_space<vmem>>) target_semaphore(%run_scoped3A : memref<!tpu.dma_semaphore, #tpu.memory_space<semaphore_mem>>)
        %dma_wait3A = tpu.memref_slice %arg3[%add3A_18] : memref<320000xi32, #tpu.memory_space<hbm>> -> memref<200xi32, #tpu.memory_space<hbm>>
        %dma_wait3A_20 = tpu.memref_slice %arg3[%add3A_18] : memref<320000xi32, #tpu.memory_space<hbm>> -> memref<200xi32, #tpu.memory_space<hbm>>
        tpu.wait_dma2 semaphore(%run_scoped3A : memref<!tpu.dma_semaphore, #tpu.memory_space<semaphore_mem>>) src(%dma_wait3A_20 : memref<200xi32, #tpu.memory_space<hbm>>) dst(%arg7 : memref<200xi32, #tpu.memory_space<vmem>>)
        tpu.yield
      }) : () -> ()
      "tpu.region"() ({
        %run_scoped3A = tpu.sem_alloc : memref<!tpu.dma_semaphore, #tpu.memory_space<semaphore_mem>>
        %dma_start3A = arith.constant 0 : i32
        %dma_start3A_19 = tpu.memref_slice %arg2[%add3A_18, %dma_start3A] : memref<320000x128xf32, #tpu.memory_space<hbm>> -> memref<200x128xf32, #tpu.memory_space<hbm>>
        %dma_start3A_20 = arith.constant 0 : i32
        %dma_start3A_21 = tpu.memref_slice %arg2[%add3A_18, %dma_start3A_20] : memref<320000x128xf32, #tpu.memory_space<hbm>> -> memref<200x128xf32, #tpu.memory_space<hbm>>
        tpu.enqueue_dma source(%dma_start3A_21 : memref<200x128xf32, #tpu.memory_space<hbm>>) target(%arg8 : memref<200x128xf32, #tpu.memory_space<vmem>>) target_semaphore(%run_scoped3A : memref<!tpu.dma_semaphore, #tpu.memory_space<semaphore_mem>>)
        %dma_wait3A = arith.constant 0 : i32
        %dma_wait3A_22 = tpu.memref_slice %arg2[%add3A_18, %dma_wait3A] : memref<320000x128xf32, #tpu.memory_space<hbm>> -> memref<200x128xf32, #tpu.memory_space<hbm>>
        %dma_wait3A_23 = arith.constant 0 : i32
        %dma_wait3A_24 = tpu.memref_slice %arg2[%add3A_18, %dma_wait3A_23] : memref<320000x128xf32, #tpu.memory_space<hbm>> -> memref<200x128xf32, #tpu.memory_space<hbm>>
        tpu.wait_dma2 semaphore(%run_scoped3A : memref<!tpu.dma_semaphore, #tpu.memory_space<semaphore_mem>>) src(%dma_wait3A_24 : memref<200x128xf32, #tpu.memory_space<hbm>>) dst(%arg8 : memref<200x128xf32, #tpu.memory_space<vmem>>)
        tpu.yield
      }) : () -> ()
      "tpu.region"() ({
        %run_scoped3A = tpu.sem_alloc : memref<!tpu.dma_semaphore, #tpu.memory_space<semaphore_mem>>
        %dma_start3A = arith.constant 0 : i32
        %dma_start3A_19 = arith.constant 0 : i32
        %dma_start3A_20 = tpu.memref_slice %arg6[%dma_start3A, %dma_start3A_19] : memref<10240x128xf32, #tpu.memory_space<vmem_shared>> -> memref<10240x128xf32, #tpu.memory_space<vmem_shared>>
        tpu.enqueue_indirect_dma source(%arg8 : memref<200x128xf32, #tpu.memory_space<vmem>>) target(%dma_start3A_20 : memref<10240x128xf32, #tpu.memory_space<vmem_shared>>) offsets(%arg7 : memref<200xi32, #tpu.memory_space<vmem>>) semaphore(%run_scoped3A : memref<!tpu.dma_semaphore, #tpu.memory_space<semaphore_mem>>) {add = true}
        %dma_wait3A = arith.constant 0 : i32
        %dma_wait3A_21 = arith.constant 0 : i32
        %dma_wait3A_22 = tpu.memref_slice %arg6[%dma_wait3A, %dma_wait3A_21] : memref<10240x128xf32, #tpu.memory_space<vmem_shared>> -> memref<10240x128xf32, #tpu.memory_space<vmem_shared>>
        tpu.wait_indirect_dma semaphore(%run_scoped3A : memref<!tpu.dma_semaphore, #tpu.memory_space<semaphore_mem>>) src(%arg8 : memref<200x128xf32, #tpu.memory_space<vmem>>) dst(%dma_wait3A_22 : memref<10240x128xf32, #tpu.memory_space<vmem_shared>>)
        tpu.yield
      }) : () -> ()
    }
    %scan3A_7 = arith.constant 50 : i32
    %barrier3A_8 = arith.constant 0 : index
    tpu.barrier barrier_id(%barrier3A_8)
    %mul3A_9 = arith.constant 640 : i32
    %mul3A_10 = arith.muli %arg1, %mul3A_9 : i32
    %mul3A_11 = arith.constant 640 : i32
    %mul3A_12 = arith.muli %arg1, %mul3A_11 : i32
    "tpu.region"() ({
      %run_scoped3A = tpu.sem_alloc : memref<!tpu.dma_semaphore, #tpu.memory_space<semaphore_mem>>
      %dma_start3A = arith.constant 0 : i32
      %dma_start3A_13 = tpu.memref_slice %arg5[%arg0, %mul3A_12, %dma_start3A] : memref<2x10240x128xf32, #tpu.memory_space<hbm>> -> memref<1x640x128xf32, #tpu.memory_space<hbm>>
      %dma_start3A_14 = tpu.memref_squeeze %dma_start3A_13 : memref<1x640x128xf32, #tpu.memory_space<hbm>> -> memref<640x128xf32, #tpu.memory_space<hbm>>
      %dma_start3A_15 = arith.constant 0 : i32
      %dma_start3A_16 = tpu.memref_slice %arg6[%mul3A_10, %dma_start3A_15] : memref<10240x128xf32, #tpu.memory_space<vmem_shared>> -> memref<640x128xf32, #tpu.memory_space<vmem_shared>>
      tpu.enqueue_dma source(%dma_start3A_16 : memref<640x128xf32, #tpu.memory_space<vmem_shared>>) target(%dma_start3A_14 : memref<640x128xf32, #tpu.memory_space<hbm>>) target_semaphore(%run_scoped3A : memref<!tpu.dma_semaphore, #tpu.memory_space<semaphore_mem>>)
      %dma_wait3A = arith.constant 0 : i32
      %dma_wait3A_17 = tpu.memref_slice %arg5[%arg0, %mul3A_12, %dma_wait3A] : memref<2x10240x128xf32, #tpu.memory_space<hbm>> -> memref<1x640x128xf32, #tpu.memory_space<hbm>>
      %dma_wait3A_18 = tpu.memref_squeeze %dma_wait3A_17 : memref<1x640x128xf32, #tpu.memory_space<hbm>> -> memref<640x128xf32, #tpu.memory_space<hbm>>
      %dma_wait3A_19 = arith.constant 0 : i32
      %dma_wait3A_20 = tpu.memref_slice %arg6[%mul3A_10, %dma_wait3A_19] : memref<10240x128xf32, #tpu.memory_space<vmem_shared>> -> memref<640x128xf32, #tpu.memory_space<vmem_shared>>
      tpu.wait_dma2 semaphore(%run_scoped3A : memref<!tpu.dma_semaphore, #tpu.memory_space<semaphore_mem>>) src(%dma_wait3A_20 : memref<640x128xf32, #tpu.memory_space<vmem_shared>>) dst(%dma_wait3A_18 : memref<640x128xf32, #tpu.memory_space<hbm>>)
      tpu.yield
    }) : () -> ()
    return
  }
}

#map = affine_map<(d0, d1) -> (0, 0)>
#map1 = affine_map<(d0, d1) -> (0)>
#map2 = affine_map<(d0, d1) -> (0, 0, 0)>
module attributes {stable_mosaic.version = 14 : i64} {
  func.func @k(%arg0: i32, %arg1: i32, %arg2: memref<320000x128xf32, #tpu.memory_space<hbm>>, %arg3: memref<320000xi32, #tpu.memory_space<hbm>>, %arg4: memref<640x128xf32, #tpu.memory_space<hbm>>, %arg5: memref<2x10240x128xf32, #tpu.memory_space<hbm>>, %arg6: memref<10240x128xf32, #tpu.memory_space<vmem_shared>>, %arg7: memref<200xi32, #tpu.memory_space<vmem>>, %arg8: memref<200x128xf32, #tpu.memory_space<vmem>>) attributes {dimension_semantics = [#tpu.dimension_semantics<core_parallel>, #tpu.dimension_semantics<subcore_parallel>], iteration_bounds = array<i64: 2, 16>, scalar_prefetch = 0 : i64, scratch_operands = 3 : i64, tpu.core_type = #tpu.core_type<sc_vector_subcore>, window_params = [{transform_indices = #map}, {transform_indices = #map1}, {transform_indices = #map}, {transform_indices = #map2}]} {
    %mul3A = arith.constant 2 : i32
    %mul3A_0 = arith.muli %arg1, %mul3A : i32
    %add3A = arith.addi %mul3A_0, %arg0 : i32
    %mul3A_1 = arith.constant 640 : i32
    %mul3A_2 = arith.muli %arg1, %mul3A_1 : i32
    "tpu.region"() ({
      %run_scoped3A = tpu.sem_alloc : memref<!tpu.dma_semaphore, #tpu.memory_space<semaphore_mem>>
      %dma_start3A = arith.constant 0 : i32
      %dma_start3A_13 = tpu.memref_slice %arg6[%mul3A_2, %dma_start3A] : memref<10240x128xf32, #tpu.memory_space<vmem_shared>> -> memref<640x128xf32, #tpu.memory_space<vmem_shared>>
      tpu.enqueue_dma source(%arg4 : memref<640x128xf32, #tpu.memory_space<hbm>>) target(%dma_start3A_13 : memref<640x128xf32, #tpu.memory_space<vmem_shared>>) target_semaphore(%run_scoped3A : memref<!tpu.dma_semaphore, #tpu.memory_space<semaphore_mem>>)
      %dma_wait3A = arith.constant 0 : i32
      %dma_wait3A_14 = tpu.memref_slice %arg6[%mul3A_2, %dma_wait3A] : memref<10240x128xf32, #tpu.memory_space<vmem_shared>> -> memref<640x128xf32, #tpu.memory_space<vmem_shared>>
      tpu.wait_dma2 semaphore(%run_scoped3A : memref<!tpu.dma_semaphore, #tpu.memory_space<semaphore_mem>>) src(%arg4 : memref<640x128xf32, #tpu.memory_space<hbm>>) dst(%dma_wait3A_14 : memref<640x128xf32, #tpu.memory_space<vmem_shared>>)
      tpu.yield
    }) : () -> ()
    %barrier3A = arith.constant 0 : index
    tpu.barrier barrier_id(%barrier3A)
    %scan3A = arith.constant 0 : i32
    %scan3A_3 = arith.constant 0 : i32
    %scan3A_4 = arith.constant 50 : i32
    %scan3A_5 = arith.addi %scan3A_3, %scan3A_4 : i32
    %scan3A_6 = arith.constant 1 : i32
    scf.for %scan3A_13 = %scan3A_3 to %scan3A_5 step %scan3A_6  : i32 {
      %mul3A_14 = arith.constant 10000 : i32
      %mul3A_15 = arith.muli %add3A, %mul3A_14 : i32
      %mul3A_16 = arith.constant 200 : i32
      %mul3A_17 = arith.muli %scan3A_13, %mul3A_16 : i32
      %add3A_18 = arith.addi %mul3A_15, %mul3A_17 : i32
      "tpu.region"() ({
        %run_scoped3A = tpu.sem_alloc : memref<!tpu.dma_semaphore, #tpu.memory_space<semaphore_mem>>
        %dma_start3A = tpu.memref_slice %arg3[%add3A_18] : memref<320000xi32, #tpu.memory_space<hbm>> -> memref<200xi32, #tpu.memory_space<hbm>>
        %dma_start3A_19 = tpu.memref_slice %arg3[%add3A_18] : memref<320000xi32, #tpu.memory_space<hbm>> -> memref<200xi32, #tpu.memory_space<hbm>>
        tpu.enqueue_dma source(%dma_start3A_19 : memref<200xi32, #tpu.memory_space<hbm>>) target(%arg7 : memref<200xi32, #tpu.memory_space<vmem>>) target_semaphore(%run_scoped3A : memref<!tpu.dma_semaphore, #tpu.memory_space<semaphore_mem>>)
        %dma_wait3A = tpu.memref_slice %arg3[%add3A_18] : memref<320000xi32, #tpu.memory_space<hbm>> -> memref<200xi32, #tpu.memory_space<hbm>>
        %dma_wait3A_20 = tpu.memref_slice %arg3[%add3A_18] : memref<320000xi32, #tpu.memory_space<hbm>> -> memref<200xi32, #tpu.memory_space<hbm>>
        tpu.wait_dma2 semaphore(%run_scoped3A : memref<!tpu.dma_semaphore, #tpu.memory_space<semaphore_mem>>) src(%dma_wait3A_20 : memref<200xi32, #tpu.memory_space<hbm>>) dst(%arg7 : memref<200xi32, #tpu.memory_space<vmem>>)
        tpu.yield
      }) : () -> ()
      "tpu.region"() ({
        %run_scoped3A = tpu.sem_alloc : memref<!tpu.dma_semaphore, #tpu.memory_space<semaphore_mem>>
        %dma_start3A = arith.constant 0 : i32
        %dma_start3A_19 = tpu.memref_slice %arg2[%add3A_18, %dma_start3A] : memref<320000x128xf32, #tpu.memory_space<hbm>> -> memref<200x128xf32, #tpu.memory_space<hbm>>
        %dma_start3A_20 = arith.constant 0 : i32
        %dma_start3A_21 = tpu.memref_slice %arg2[%add3A_18, %dma_start3A_20] : memref<320000x128xf32, #tpu.memory_space<hbm>> -> memref<200x128xf32, #tpu.memory_space<hbm>>
        tpu.enqueue_dma source(%dma_start3A_21 : memref<200x128xf32, #tpu.memory_space<hbm>>) target(%arg8 : memref<200x128xf32, #tpu.memory_space<vmem>>) target_semaphore(%run_scoped3A : memref<!tpu.dma_semaphore, #tpu.memory_space<semaphore_mem>>)
        %dma_wait3A = arith.constant 0 : i32
        %dma_wait3A_22 = tpu.memref_slice %arg2[%add3A_18, %dma_wait3A] : memref<320000x128xf32, #tpu.memory_space<hbm>> -> memref<200x128xf32, #tpu.memory_space<hbm>>
        %dma_wait3A_23 = arith.constant 0 : i32
        %dma_wait3A_24 = tpu.memref_slice %arg2[%add3A_18, %dma_wait3A_23] : memref<320000x128xf32, #tpu.memory_space<hbm>> -> memref<200x128xf32, #tpu.memory_space<hbm>>
        tpu.wait_dma2 semaphore(%run_scoped3A : memref<!tpu.dma_semaphore, #tpu.memory_space<semaphore_mem>>) src(%dma_wait3A_24 : memref<200x128xf32, #tpu.memory_space<hbm>>) dst(%arg8 : memref<200x128xf32, #tpu.memory_space<vmem>>)
        tpu.yield
      }) : () -> ()
      "tpu.region"() ({
        %run_scoped3A = tpu.sem_alloc : memref<!tpu.dma_semaphore, #tpu.memory_space<semaphore_mem>>
        %dma_start3A = arith.constant 0 : i32
        %dma_start3A_19 = arith.constant 0 : i32
        %dma_start3A_20 = tpu.memref_slice %arg6[%dma_start3A, %dma_start3A_19] : memref<10240x128xf32, #tpu.memory_space<vmem_shared>> -> memref<10240x128xf32, #tpu.memory_space<vmem_shared>>
        tpu.enqueue_indirect_dma source(%arg8 : memref<200x128xf32, #tpu.memory_space<vmem>>) target(%dma_start3A_20 : memref<10240x128xf32, #tpu.memory_space<vmem_shared>>) offsets(%arg7 : memref<200xi32, #tpu.memory_space<vmem>>) semaphore(%run_scoped3A : memref<!tpu.dma_semaphore, #tpu.memory_space<semaphore_mem>>) {add = true}
        %dma_wait3A = arith.constant 0 : i32
        %dma_wait3A_21 = arith.constant 0 : i32
        %dma_wait3A_22 = tpu.memref_slice %arg6[%dma_wait3A, %dma_wait3A_21] : memref<10240x128xf32, #tpu.memory_space<vmem_shared>> -> memref<10240x128xf32, #tpu.memory_space<vmem_shared>>
        tpu.wait_indirect_dma semaphore(%run_scoped3A : memref<!tpu.dma_semaphore, #tpu.memory_space<semaphore_mem>>) src(%arg8 : memref<200x128xf32, #tpu.memory_space<vmem>>) dst(%dma_wait3A_22 : memref<10240x128xf32, #tpu.memory_space<vmem_shared>>)
        tpu.yield
      }) : () -> ()
    }
    %scan3A_7 = arith.constant 50 : i32
    %barrier3A_8 = arith.constant 0 : index
    tpu.barrier barrier_id(%barrier3A_8)
    %mul3A_9 = arith.constant 640 : i32
    %mul3A_10 = arith.muli %arg1, %mul3A_9 : i32
    %mul3A_11 = arith.constant 640 : i32
    %mul3A_12 = arith.muli %arg1, %mul3A_11 : i32
    "tpu.region"() ({
      %run_scoped3A = tpu.sem_alloc : memref<!tpu.dma_semaphore, #tpu.memory_space<semaphore_mem>>
      %dma_start3A = arith.constant 0 : i32
      %dma_start3A_13 = tpu.memref_slice %arg5[%arg0, %mul3A_12, %dma_start3A] : memref<2x10240x128xf32, #tpu.memory_space<hbm>> -> memref<1x640x128xf32, #tpu.memory_space<hbm>>
      %dma_start3A_14 = tpu.memref_squeeze %dma_start3A_13 : memref<1x640x128xf32, #tpu.memory_space<hbm>> -> memref<640x128xf32, #tpu.memory_space<hbm>>
      %dma_start3A_15 = arith.constant 0 : i32
      %dma_start3A_16 = tpu.memref_slice %arg6[%mul3A_10, %dma_start3A_15] : memref<10240x128xf32, #tpu.memory_space<vmem_shared>> -> memref<640x128xf32, #tpu.memory_space<vmem_shared>>
      tpu.enqueue_dma source(%dma_start3A_16 : memref<640x128xf32, #tpu.memory_space<vmem_shared>>) target(%dma_start3A_14 : memref<640x128xf32, #tpu.memory_space<hbm>>) target_semaphore(%run_scoped3A : memref<!tpu.dma_semaphore, #tpu.memory_space<semaphore_mem>>)
      %dma_wait3A = arith.constant 0 : i32
      %dma_wait3A_17 = tpu.memref_slice %arg5[%arg0, %mul3A_12, %dma_wait3A] : memref<2x10240x128xf32, #tpu.memory_space<hbm>> -> memref<1x640x128xf32, #tpu.memory_space<hbm>>
      %dma_wait3A_18 = tpu.memref_squeeze %dma_wait3A_17 : memref<1x640x128xf32, #tpu.memory_space<hbm>> -> memref<640x128xf32, #tpu.memory_space<hbm>>
      %dma_wait3A_19 = arith.constant 0 : i32
      %dma_wait3A_20 = tpu.memref_slice %arg6[%mul3A_10, %dma_wait3A_19] : memref<10240x128xf32, #tpu.memory_space<vmem_shared>> -> memref<640x128xf32, #tpu.memory_space<vmem_shared>>
      tpu.wait_dma2 semaphore(%run_scoped3A : memref<!tpu.dma_semaphore, #tpu.memory_space<semaphore_mem>>) src(%dma_wait3A_20 : memref<640x128xf32, #tpu.memory_space<vmem_shared>>) dst(%dma_wait3A_18 : memref<640x128xf32, #tpu.memory_space<hbm>>)
      tpu.yield
    }) : () -> ()
    return
  }
}

#map = affine_map<(d0, d1) -> (0, 0)>
#map1 = affine_map<(d0, d1) -> (0)>
#map2 = affine_map<(d0, d1) -> (0, 0, 0)>
module attributes {stable_mosaic.version = 14 : i64} {
  func.func @k(%arg0: i32, %arg1: i32, %arg2: memref<320000x128xf32, #tpu.memory_space<hbm>>, %arg3: memref<320000xi32, #tpu.memory_space<hbm>>, %arg4: memref<640x128xf32, #tpu.memory_space<hbm>>, %arg5: memref<2x10240x128xf32, #tpu.memory_space<hbm>>, %arg6: memref<10240x128xf32, #tpu.memory_space<vmem_shared>>, %arg7: memref<200xi32, #tpu.memory_space<vmem>>, %arg8: memref<200x128xf32, #tpu.memory_space<vmem>>) attributes {dimension_semantics = [#tpu.dimension_semantics<core_parallel>, #tpu.dimension_semantics<subcore_parallel>], iteration_bounds = array<i64: 2, 16>, scalar_prefetch = 0 : i64, scratch_operands = 3 : i64, tpu.core_type = #tpu.core_type<sc_vector_subcore>, window_params = [{transform_indices = #map}, {transform_indices = #map1}, {transform_indices = #map}, {transform_indices = #map2}]} {
    %mul3A = arith.constant 2 : i32
    %mul3A_0 = arith.muli %arg1, %mul3A : i32
    %add3A = arith.addi %mul3A_0, %arg0 : i32
    %mul3A_1 = arith.constant 640 : i32
    %mul3A_2 = arith.muli %arg1, %mul3A_1 : i32
    "tpu.region"() ({
      %run_scoped3A = tpu.sem_alloc : memref<!tpu.dma_semaphore, #tpu.memory_space<semaphore_mem>>
      %dma_start3A = arith.constant 0 : i32
      %dma_start3A_13 = tpu.memref_slice %arg6[%mul3A_2, %dma_start3A] : memref<10240x128xf32, #tpu.memory_space<vmem_shared>> -> memref<640x128xf32, #tpu.memory_space<vmem_shared>>
      tpu.enqueue_dma source(%arg4 : memref<640x128xf32, #tpu.memory_space<hbm>>) target(%dma_start3A_13 : memref<640x128xf32, #tpu.memory_space<vmem_shared>>) target_semaphore(%run_scoped3A : memref<!tpu.dma_semaphore, #tpu.memory_space<semaphore_mem>>)
      %dma_wait3A = arith.constant 0 : i32
      %dma_wait3A_14 = tpu.memref_slice %arg6[%mul3A_2, %dma_wait3A] : memref<10240x128xf32, #tpu.memory_space<vmem_shared>> -> memref<640x128xf32, #tpu.memory_space<vmem_shared>>
      tpu.wait_dma2 semaphore(%run_scoped3A : memref<!tpu.dma_semaphore, #tpu.memory_space<semaphore_mem>>) src(%arg4 : memref<640x128xf32, #tpu.memory_space<hbm>>) dst(%dma_wait3A_14 : memref<640x128xf32, #tpu.memory_space<vmem_shared>>)
      tpu.yield
    }) : () -> ()
    %barrier3A = arith.constant 0 : index
    tpu.barrier barrier_id(%barrier3A)
    %scan3A = arith.constant 0 : i32
    %scan3A_3 = arith.constant 0 : i32
    %scan3A_4 = arith.constant 50 : i32
    %scan3A_5 = arith.addi %scan3A_3, %scan3A_4 : i32
    %scan3A_6 = arith.constant 1 : i32
    scf.for %scan3A_13 = %scan3A_3 to %scan3A_5 step %scan3A_6  : i32 {
      %mul3A_14 = arith.constant 10000 : i32
      %mul3A_15 = arith.muli %add3A, %mul3A_14 : i32
      %mul3A_16 = arith.constant 200 : i32
      %mul3A_17 = arith.muli %scan3A_13, %mul3A_16 : i32
      %add3A_18 = arith.addi %mul3A_15, %mul3A_17 : i32
      "tpu.region"() ({
        %run_scoped3A = tpu.sem_alloc : memref<!tpu.dma_semaphore, #tpu.memory_space<semaphore_mem>>
        %dma_start3A = tpu.memref_slice %arg3[%add3A_18] : memref<320000xi32, #tpu.memory_space<hbm>> -> memref<200xi32, #tpu.memory_space<hbm>>
        %dma_start3A_19 = tpu.memref_slice %arg3[%add3A_18] : memref<320000xi32, #tpu.memory_space<hbm>> -> memref<200xi32, #tpu.memory_space<hbm>>
        tpu.enqueue_dma source(%dma_start3A_19 : memref<200xi32, #tpu.memory_space<hbm>>) target(%arg7 : memref<200xi32, #tpu.memory_space<vmem>>) target_semaphore(%run_scoped3A : memref<!tpu.dma_semaphore, #tpu.memory_space<semaphore_mem>>)
        %dma_wait3A = tpu.memref_slice %arg3[%add3A_18] : memref<320000xi32, #tpu.memory_space<hbm>> -> memref<200xi32, #tpu.memory_space<hbm>>
        %dma_wait3A_20 = tpu.memref_slice %arg3[%add3A_18] : memref<320000xi32, #tpu.memory_space<hbm>> -> memref<200xi32, #tpu.memory_space<hbm>>
        tpu.wait_dma2 semaphore(%run_scoped3A : memref<!tpu.dma_semaphore, #tpu.memory_space<semaphore_mem>>) src(%dma_wait3A_20 : memref<200xi32, #tpu.memory_space<hbm>>) dst(%arg7 : memref<200xi32, #tpu.memory_space<vmem>>)
        tpu.yield
      }) : () -> ()
      "tpu.region"() ({
        %run_scoped3A = tpu.sem_alloc : memref<!tpu.dma_semaphore, #tpu.memory_space<semaphore_mem>>
        %dma_start3A = arith.constant 0 : i32
        %dma_start3A_19 = tpu.memref_slice %arg2[%add3A_18, %dma_start3A] : memref<320000x128xf32, #tpu.memory_space<hbm>> -> memref<200x128xf32, #tpu.memory_space<hbm>>
        %dma_start3A_20 = arith.constant 0 : i32
        %dma_start3A_21 = tpu.memref_slice %arg2[%add3A_18, %dma_start3A_20] : memref<320000x128xf32, #tpu.memory_space<hbm>> -> memref<200x128xf32, #tpu.memory_space<hbm>>
        tpu.enqueue_dma source(%dma_start3A_21 : memref<200x128xf32, #tpu.memory_space<hbm>>) target(%arg8 : memref<200x128xf32, #tpu.memory_space<vmem>>) target_semaphore(%run_scoped3A : memref<!tpu.dma_semaphore, #tpu.memory_space<semaphore_mem>>)
        %dma_wait3A = arith.constant 0 : i32
        %dma_wait3A_22 = tpu.memref_slice %arg2[%add3A_18, %dma_wait3A] : memref<320000x128xf32, #tpu.memory_space<hbm>> -> memref<200x128xf32, #tpu.memory_space<hbm>>
        %dma_wait3A_23 = arith.constant 0 : i32
        %dma_wait3A_24 = tpu.memref_slice %arg2[%add3A_18, %dma_wait3A_23] : memref<320000x128xf32, #tpu.memory_space<hbm>> -> memref<200x128xf32, #tpu.memory_space<hbm>>
        tpu.wait_dma2 semaphore(%run_scoped3A : memref<!tpu.dma_semaphore, #tpu.memory_space<semaphore_mem>>) src(%dma_wait3A_24 : memref<200x128xf32, #tpu.memory_space<hbm>>) dst(%arg8 : memref<200x128xf32, #tpu.memory_space<vmem>>)
        tpu.yield
      }) : () -> ()
      "tpu.region"() ({
        %run_scoped3A = tpu.sem_alloc : memref<!tpu.dma_semaphore, #tpu.memory_space<semaphore_mem>>
        %dma_start3A = arith.constant 0 : i32
        %dma_start3A_19 = arith.constant 0 : i32
        %dma_start3A_20 = tpu.memref_slice %arg6[%dma_start3A, %dma_start3A_19] : memref<10240x128xf32, #tpu.memory_space<vmem_shared>> -> memref<10240x128xf32, #tpu.memory_space<vmem_shared>>
        tpu.enqueue_indirect_dma source(%arg8 : memref<200x128xf32, #tpu.memory_space<vmem>>) target(%dma_start3A_20 : memref<10240x128xf32, #tpu.memory_space<vmem_shared>>) offsets(%arg7 : memref<200xi32, #tpu.memory_space<vmem>>) semaphore(%run_scoped3A : memref<!tpu.dma_semaphore, #tpu.memory_space<semaphore_mem>>) {add = true}
        %dma_wait3A = arith.constant 0 : i32
        %dma_wait3A_21 = arith.constant 0 : i32
        %dma_wait3A_22 = tpu.memref_slice %arg6[%dma_wait3A, %dma_wait3A_21] : memref<10240x128xf32, #tpu.memory_space<vmem_shared>> -> memref<10240x128xf32, #tpu.memory_space<vmem_shared>>
        tpu.wait_indirect_dma semaphore(%run_scoped3A : memref<!tpu.dma_semaphore, #tpu.memory_space<semaphore_mem>>) src(%arg8 : memref<200x128xf32, #tpu.memory_space<vmem>>) dst(%dma_wait3A_22 : memref<10240x128xf32, #tpu.memory_space<vmem_shared>>)
        tpu.yield
      }) : () -> ()
    }
    %scan3A_7 = arith.constant 50 : i32
    %barrier3A_8 = arith.constant 0 : index
    tpu.barrier barrier_id(%barrier3A_8)
    %mul3A_9 = arith.constant 640 : i32
    %mul3A_10 = arith.muli %arg1, %mul3A_9 : i32
    %mul3A_11 = arith.constant 640 : i32
    %mul3A_12 = arith.muli %arg1, %mul3A_11 : i32
    "tpu.region"() ({
      %run_scoped3A = tpu.sem_alloc : memref<!tpu.dma_semaphore, #tpu.memory_space<semaphore_mem>>
      %dma_start3A = arith.constant 0 : i32
      %dma_start3A_13 = tpu.memref_slice %arg5[%arg0, %mul3A_12, %dma_start3A] : memref<2x10240x128xf32, #tpu.memory_space<hbm>> -> memref<1x640x128xf32, #tpu.memory_space<hbm>>
      %dma_start3A_14 = tpu.memref_squeeze %dma_start3A_13 : memref<1x640x128xf32, #tpu.memory_space<hbm>> -> memref<640x128xf32, #tpu.memory_space<hbm>>
      %dma_start3A_15 = arith.constant 0 : i32
      %dma_start3A_16 = tpu.memref_slice %arg6[%mul3A_10, %dma_start3A_15] : memref<10240x128xf32, #tpu.memory_space<vmem_shared>> -> memref<640x128xf32, #tpu.memory_space<vmem_shared>>
      tpu.enqueue_dma source(%dma_start3A_16 : memref<640x128xf32, #tpu.memory_space<vmem_shared>>) target(%dma_start3A_14 : memref<640x128xf32, #tpu.memory_space<hbm>>) target_semaphore(%run_scoped3A : memref<!tpu.dma_semaphore, #tpu.memory_space<semaphore_mem>>)
      %dma_wait3A = arith.constant 0 : i32
      %dma_wait3A_17 = tpu.memref_slice %arg5[%arg0, %mul3A_12, %dma_wait3A] : memref<2x10240x128xf32, #tpu.memory_space<hbm>> -> memref<1x640x128xf32, #tpu.memory_space<hbm>>
      %dma_wait3A_18 = tpu.memref_squeeze %dma_wait3A_17 : memref<1x640x128xf32, #tpu.memory_space<hbm>> -> memref<640x128xf32, #tpu.memory_space<hbm>>
      %dma_wait3A_19 = arith.constant 0 : i32
      %dma_wait3A_20 = tpu.memref_slice %arg6[%mul3A_10, %dma_wait3A_19] : memref<10240x128xf32, #tpu.memory_space<vmem_shared>> -> memref<640x128xf32, #tpu.memory_space<vmem_shared>>
      tpu.wait_dma2 semaphore(%run_scoped3A : memref<!tpu.dma_semaphore, #tpu.memory_space<semaphore_mem>>) src(%dma_wait3A_20 : memref<640x128xf32, #tpu.memory_space<vmem_shared>>) dst(%dma_wait3A_18 : memref<640x128xf32, #tpu.memory_space<hbm>>)
      tpu.yield
    }) : () -> ()
    return
  }
}

#map = affine_map<(d0, d1) -> (0, 0)>
#map1 = affine_map<(d0, d1) -> (0)>
module attributes {stable_mosaic.version = 14 : i64} {
  func.func @k(%arg0: i32, %arg1: i32, %arg2: memref<10000x128xf32, #tpu.memory_space<hbm>>, %arg3: memref<320000xi32, #tpu.memory_space<hbm>>, %arg4: memref<10000x128xf32, #tpu.memory_space<hbm>>, %arg5: memref<320000xi32, #tpu.memory_space<hbm>>, %arg6: memref<320000x128xf32, #tpu.memory_space<hbm>>, %arg7: memref<320000x128xf32, #tpu.memory_space<hbm>>, %arg8: memref<400xi32, #tpu.memory_space<vmem>>, %arg9: memref<400x128xf32, #tpu.memory_space<vmem>>, %arg10: memref<!tpu.dma_semaphore, #tpu.memory_space<semaphore_mem>>) attributes {dimension_semantics = [#tpu.dimension_semantics<core_parallel>, #tpu.dimension_semantics<subcore_parallel>], iteration_bounds = array<i64: 2, 16>, scalar_prefetch = 0 : i64, scratch_operands = 3 : i64, tpu.core_type = #tpu.core_type<sc_vector_subcore>, window_params = [{transform_indices = #map}, {transform_indices = #map1}, {transform_indices = #map}, {transform_indices = #map1}, {transform_indices = #map}, {transform_indices = #map}]} {
    %mul3A = arith.constant 2 : i32
    %mul3A_0 = arith.muli %arg1, %mul3A : i32
    %add3A = arith.addi %mul3A_0, %arg0 : i32
    %scan3A = arith.constant 0 : i32
    %scan3A_1 = arith.constant 0 : i32
    %scan3A_2 = arith.constant 25 : i32
    %scan3A_3 = arith.addi %scan3A_1, %scan3A_2 : i32
    %scan3A_4 = arith.constant 1 : i32
    scf.for %scan3A_12 = %scan3A_1 to %scan3A_3 step %scan3A_4  : i32 {
      %mul3A_13 = arith.constant 10000 : i32
      %mul3A_14 = arith.muli %add3A, %mul3A_13 : i32
      %mul3A_15 = arith.constant 400 : i32
      %mul3A_16 = arith.muli %scan3A_12, %mul3A_15 : i32
      %add3A_17 = arith.addi %mul3A_14, %mul3A_16 : i32
      "tpu.region"() ({
        %run_scoped3A = tpu.sem_alloc : memref<!tpu.dma_semaphore, #tpu.memory_space<semaphore_mem>>
        %dma_start3A_22 = tpu.memref_slice %arg3[%add3A_17] : memref<320000xi32, #tpu.memory_space<hbm>> -> memref<400xi32, #tpu.memory_space<hbm>>
        %dma_start3A_23 = tpu.memref_slice %arg3[%add3A_17] : memref<320000xi32, #tpu.memory_space<hbm>> -> memref<400xi32, #tpu.memory_space<hbm>>
        tpu.enqueue_dma source(%dma_start3A_23 : memref<400xi32, #tpu.memory_space<hbm>>) target(%arg8 : memref<400xi32, #tpu.memory_space<vmem>>) target_semaphore(%run_scoped3A : memref<!tpu.dma_semaphore, #tpu.memory_space<semaphore_mem>>)
        %dma_wait3A_24 = tpu.memref_slice %arg3[%add3A_17] : memref<320000xi32, #tpu.memory_space<hbm>> -> memref<400xi32, #tpu.memory_space<hbm>>
        %dma_wait3A_25 = tpu.memref_slice %arg3[%add3A_17] : memref<320000xi32, #tpu.memory_space<hbm>> -> memref<400xi32, #tpu.memory_space<hbm>>
        tpu.wait_dma2 semaphore(%run_scoped3A : memref<!tpu.dma_semaphore, #tpu.memory_space<semaphore_mem>>) src(%dma_wait3A_25 : memref<400xi32, #tpu.memory_space<hbm>>) dst(%arg8 : memref<400xi32, #tpu.memory_space<vmem>>)
        tpu.yield
      }) : () -> ()
      %dma_start3A = arith.constant 0 : i32
      %dma_start3A_18 = arith.constant 0 : i32
      %dma_start3A_19 = tpu.memref_slice %arg2[%dma_start3A, %dma_start3A_18] : memref<10000x128xf32, #tpu.memory_space<hbm>> -> memref<10000x128xf32, #tpu.memory_space<hbm>>
      tpu.enqueue_indirect_dma source(%dma_start3A_19 : memref<10000x128xf32, #tpu.memory_space<hbm>>) target(%arg9 : memref<400x128xf32, #tpu.memory_space<vmem>>) offsets(%arg8 : memref<400xi32, #tpu.memory_space<vmem>>) semaphore(%arg10 : memref<!tpu.dma_semaphore, #tpu.memory_space<semaphore_mem>>)
      %dma_wait3A = arith.constant 0 : i32
      %dma_wait3A_20 = arith.constant 0 : i32
      %dma_wait3A_21 = tpu.memref_slice %arg2[%dma_wait3A, %dma_wait3A_20] : memref<10000x128xf32, #tpu.memory_space<hbm>> -> memref<10000x128xf32, #tpu.memory_space<hbm>>
      tpu.wait_indirect_dma semaphore(%arg10 : memref<!tpu.dma_semaphore, #tpu.memory_space<semaphore_mem>>) src(%dma_wait3A_21 : memref<10000x128xf32, #tpu.memory_space<hbm>>) dst(%arg9 : memref<400x128xf32, #tpu.memory_space<vmem>>)
      "tpu.region"() ({
        %run_scoped3A = tpu.sem_alloc : memref<!tpu.dma_semaphore, #tpu.memory_space<semaphore_mem>>
        %dma_start3A_22 = arith.constant 0 : i32
        %dma_start3A_23 = tpu.memref_slice %arg6[%add3A_17, %dma_start3A_22] : memref<320000x128xf32, #tpu.memory_space<hbm>> -> memref<400x128xf32, #tpu.memory_space<hbm>>
        %dma_start3A_24 = arith.constant 0 : i32
        %dma_start3A_25 = tpu.memref_slice %arg6[%add3A_17, %dma_start3A_24] : memref<320000x128xf32, #tpu.memory_space<hbm>> -> memref<400x128xf32, #tpu.memory_space<hbm>>
        tpu.enqueue_dma source(%arg9 : memref<400x128xf32, #tpu.memory_space<vmem>>) target(%dma_start3A_25 : memref<400x128xf32, #tpu.memory_space<hbm>>) target_semaphore(%run_scoped3A : memref<!tpu.dma_semaphore, #tpu.memory_space<semaphore_mem>>)
        %dma_wait3A_26 = arith.constant 0 : i32
        %dma_wait3A_27 = tpu.memref_slice %arg6[%add3A_17, %dma_wait3A_26] : memref<320000x128xf32, #tpu.memory_space<hbm>> -> memref<400x128xf32, #tpu.memory_space<hbm>>
        %dma_wait3A_28 = arith.constant 0 : i32
        %dma_wait3A_29 = tpu.memref_slice %arg6[%add3A_17, %dma_wait3A_28] : memref<320000x128xf32, #tpu.memory_space<hbm>> -> memref<400x128xf32, #tpu.memory_space<hbm>>
        tpu.wait_dma2 semaphore(%run_scoped3A : memref<!tpu.dma_semaphore, #tpu.memory_space<semaphore_mem>>) src(%arg9 : memref<400x128xf32, #tpu.memory_space<vmem>>) dst(%dma_wait3A_29 : memref<400x128xf32, #tpu.memory_space<hbm>>)
        tpu.yield
      }) : () -> ()
    }
    %scan3A_5 = arith.constant 25 : i32
    %scan3A_6 = arith.constant 0 : i32
    %scan3A_7 = arith.constant 0 : i32
    %scan3A_8 = arith.constant 25 : i32
    %scan3A_9 = arith.addi %scan3A_7, %scan3A_8 : i32
    %scan3A_10 = arith.constant 1 : i32
    scf.for %scan3A_12 = %scan3A_7 to %scan3A_9 step %scan3A_10  : i32 {
      %mul3A_13 = arith.constant 10000 : i32
      %mul3A_14 = arith.muli %add3A, %mul3A_13 : i32
      %mul3A_15 = arith.constant 400 : i32
      %mul3A_16 = arith.muli %scan3A_12, %mul3A_15 : i32
      %add3A_17 = arith.addi %mul3A_14, %mul3A_16 : i32
      "tpu.region"() ({
        %run_scoped3A = tpu.sem_alloc : memref<!tpu.dma_semaphore, #tpu.memory_space<semaphore_mem>>
        %dma_start3A_22 = tpu.memref_slice %arg5[%add3A_17] : memref<320000xi32, #tpu.memory_space<hbm>> -> memref<400xi32, #tpu.memory_space<hbm>>
        %dma_start3A_23 = tpu.memref_slice %arg5[%add3A_17] : memref<320000xi32, #tpu.memory_space<hbm>> -> memref<400xi32, #tpu.memory_space<hbm>>
        tpu.enqueue_dma source(%dma_start3A_23 : memref<400xi32, #tpu.memory_space<hbm>>) target(%arg8 : memref<400xi32, #tpu.memory_space<vmem>>) target_semaphore(%run_scoped3A : memref<!tpu.dma_semaphore, #tpu.memory_space<semaphore_mem>>)
        %dma_wait3A_24 = tpu.memref_slice %arg5[%add3A_17] : memref<320000xi32, #tpu.memory_space<hbm>> -> memref<400xi32, #tpu.memory_space<hbm>>
        %dma_wait3A_25 = tpu.memref_slice %arg5[%add3A_17] : memref<320000xi32, #tpu.memory_space<hbm>> -> memref<400xi32, #tpu.memory_space<hbm>>
        tpu.wait_dma2 semaphore(%run_scoped3A : memref<!tpu.dma_semaphore, #tpu.memory_space<semaphore_mem>>) src(%dma_wait3A_25 : memref<400xi32, #tpu.memory_space<hbm>>) dst(%arg8 : memref<400xi32, #tpu.memory_space<vmem>>)
        tpu.yield
      }) : () -> ()
      %dma_start3A = arith.constant 0 : i32
      %dma_start3A_18 = arith.constant 0 : i32
      %dma_start3A_19 = tpu.memref_slice %arg4[%dma_start3A, %dma_start3A_18] : memref<10000x128xf32, #tpu.memory_space<hbm>> -> memref<10000x128xf32, #tpu.memory_space<hbm>>
      tpu.enqueue_indirect_dma source(%dma_start3A_19 : memref<10000x128xf32, #tpu.memory_space<hbm>>) target(%arg9 : memref<400x128xf32, #tpu.memory_space<vmem>>) offsets(%arg8 : memref<400xi32, #tpu.memory_space<vmem>>) semaphore(%arg10 : memref<!tpu.dma_semaphore, #tpu.memory_space<semaphore_mem>>)
      %dma_wait3A = arith.constant 0 : i32
      %dma_wait3A_20 = arith.constant 0 : i32
      %dma_wait3A_21 = tpu.memref_slice %arg4[%dma_wait3A, %dma_wait3A_20] : memref<10000x128xf32, #tpu.memory_space<hbm>> -> memref<10000x128xf32, #tpu.memory_space<hbm>>
      tpu.wait_indirect_dma semaphore(%arg10 : memref<!tpu.dma_semaphore, #tpu.memory_space<semaphore_mem>>) src(%dma_wait3A_21 : memref<10000x128xf32, #tpu.memory_space<hbm>>) dst(%arg9 : memref<400x128xf32, #tpu.memory_space<vmem>>)
      "tpu.region"() ({
        %run_scoped3A = tpu.sem_alloc : memref<!tpu.dma_semaphore, #tpu.memory_space<semaphore_mem>>
        %dma_start3A_22 = arith.constant 0 : i32
        %dma_start3A_23 = tpu.memref_slice %arg7[%add3A_17, %dma_start3A_22] : memref<320000x128xf32, #tpu.memory_space<hbm>> -> memref<400x128xf32, #tpu.memory_space<hbm>>
        %dma_start3A_24 = arith.constant 0 : i32
        %dma_start3A_25 = tpu.memref_slice %arg7[%add3A_17, %dma_start3A_24] : memref<320000x128xf32, #tpu.memory_space<hbm>> -> memref<400x128xf32, #tpu.memory_space<hbm>>
        tpu.enqueue_dma source(%arg9 : memref<400x128xf32, #tpu.memory_space<vmem>>) target(%dma_start3A_25 : memref<400x128xf32, #tpu.memory_space<hbm>>) target_semaphore(%run_scoped3A : memref<!tpu.dma_semaphore, #tpu.memory_space<semaphore_mem>>)
        %dma_wait3A_26 = arith.constant 0 : i32
        %dma_wait3A_27 = tpu.memref_slice %arg7[%add3A_17, %dma_wait3A_26] : memref<320000x128xf32, #tpu.memory_space<hbm>> -> memref<400x128xf32, #tpu.memory_space<hbm>>
        %dma_wait3A_28 = arith.constant 0 : i32
        %dma_wait3A_29 = tpu.memref_slice %arg7[%add3A_17, %dma_wait3A_28] : memref<320000x128xf32, #tpu.memory_space<hbm>> -> memref<400x128xf32, #tpu.memory_space<hbm>>
        tpu.wait_dma2 semaphore(%run_scoped3A : memref<!tpu.dma_semaphore, #tpu.memory_space<semaphore_mem>>) src(%arg9 : memref<400x128xf32, #tpu.memory_space<vmem>>) dst(%dma_wait3A_29 : memref<400x128xf32, #tpu.memory_space<hbm>>)
        tpu.yield
      }) : () -> ()
    }
    %scan3A_11 = arith.constant 25 : i32
    return
  }
}

#map = affine_map<(d0, d1) -> (0, 0)>
#map1 = affine_map<(d0, d1) -> (0)>
#map2 = affine_map<(d0, d1) -> (0, 0, 0)>
module attributes {stable_mosaic.version = 14 : i64} {
  func.func @k(%arg0: i32, %arg1: i32, %arg2: memref<320000x128xf32, #tpu.memory_space<hbm>>, %arg3: memref<320000xi32, #tpu.memory_space<hbm>>, %arg4: memref<640x128xf32, #tpu.memory_space<hbm>>, %arg5: memref<2x10240x128xf32, #tpu.memory_space<hbm>>, %arg6: memref<10240x128xf32, #tpu.memory_space<vmem_shared>>, %arg7: memref<200xi32, #tpu.memory_space<vmem>>, %arg8: memref<200x128xf32, #tpu.memory_space<vmem>>) attributes {dimension_semantics = [#tpu.dimension_semantics<core_parallel>, #tpu.dimension_semantics<subcore_parallel>], iteration_bounds = array<i64: 2, 16>, scalar_prefetch = 0 : i64, scratch_operands = 3 : i64, tpu.core_type = #tpu.core_type<sc_vector_subcore>, window_params = [{transform_indices = #map}, {transform_indices = #map1}, {transform_indices = #map}, {transform_indices = #map2}]} {
    %mul3A = arith.constant 2 : i32
    %mul3A_0 = arith.muli %arg1, %mul3A : i32
    %add3A = arith.addi %mul3A_0, %arg0 : i32
    %mul3A_1 = arith.constant 640 : i32
    %mul3A_2 = arith.muli %arg1, %mul3A_1 : i32
    "tpu.region"() ({
      %run_scoped3A = tpu.sem_alloc : memref<!tpu.dma_semaphore, #tpu.memory_space<semaphore_mem>>
      %dma_start3A = arith.constant 0 : i32
      %dma_start3A_13 = tpu.memref_slice %arg6[%mul3A_2, %dma_start3A] : memref<10240x128xf32, #tpu.memory_space<vmem_shared>> -> memref<640x128xf32, #tpu.memory_space<vmem_shared>>
      tpu.enqueue_dma source(%arg4 : memref<640x128xf32, #tpu.memory_space<hbm>>) target(%dma_start3A_13 : memref<640x128xf32, #tpu.memory_space<vmem_shared>>) target_semaphore(%run_scoped3A : memref<!tpu.dma_semaphore, #tpu.memory_space<semaphore_mem>>)
      %dma_wait3A = arith.constant 0 : i32
      %dma_wait3A_14 = tpu.memref_slice %arg6[%mul3A_2, %dma_wait3A] : memref<10240x128xf32, #tpu.memory_space<vmem_shared>> -> memref<640x128xf32, #tpu.memory_space<vmem_shared>>
      tpu.wait_dma2 semaphore(%run_scoped3A : memref<!tpu.dma_semaphore, #tpu.memory_space<semaphore_mem>>) src(%arg4 : memref<640x128xf32, #tpu.memory_space<hbm>>) dst(%dma_wait3A_14 : memref<640x128xf32, #tpu.memory_space<vmem_shared>>)
      tpu.yield
    }) : () -> ()
    %barrier3A = arith.constant 0 : index
    tpu.barrier barrier_id(%barrier3A)
    %scan3A = arith.constant 0 : i32
    %scan3A_3 = arith.constant 0 : i32
    %scan3A_4 = arith.constant 50 : i32
    %scan3A_5 = arith.addi %scan3A_3, %scan3A_4 : i32
    %scan3A_6 = arith.constant 1 : i32
    scf.for %scan3A_13 = %scan3A_3 to %scan3A_5 step %scan3A_6  : i32 {
      %mul3A_14 = arith.constant 10000 : i32
      %mul3A_15 = arith.muli %add3A, %mul3A_14 : i32
      %mul3A_16 = arith.constant 200 : i32
      %mul3A_17 = arith.muli %scan3A_13, %mul3A_16 : i32
      %add3A_18 = arith.addi %mul3A_15, %mul3A_17 : i32
      "tpu.region"() ({
        %run_scoped3A = tpu.sem_alloc : memref<!tpu.dma_semaphore, #tpu.memory_space<semaphore_mem>>
        %dma_start3A = tpu.memref_slice %arg3[%add3A_18] : memref<320000xi32, #tpu.memory_space<hbm>> -> memref<200xi32, #tpu.memory_space<hbm>>
        %dma_start3A_19 = tpu.memref_slice %arg3[%add3A_18] : memref<320000xi32, #tpu.memory_space<hbm>> -> memref<200xi32, #tpu.memory_space<hbm>>
        tpu.enqueue_dma source(%dma_start3A_19 : memref<200xi32, #tpu.memory_space<hbm>>) target(%arg7 : memref<200xi32, #tpu.memory_space<vmem>>) target_semaphore(%run_scoped3A : memref<!tpu.dma_semaphore, #tpu.memory_space<semaphore_mem>>)
        %dma_wait3A = tpu.memref_slice %arg3[%add3A_18] : memref<320000xi32, #tpu.memory_space<hbm>> -> memref<200xi32, #tpu.memory_space<hbm>>
        %dma_wait3A_20 = tpu.memref_slice %arg3[%add3A_18] : memref<320000xi32, #tpu.memory_space<hbm>> -> memref<200xi32, #tpu.memory_space<hbm>>
        tpu.wait_dma2 semaphore(%run_scoped3A : memref<!tpu.dma_semaphore, #tpu.memory_space<semaphore_mem>>) src(%dma_wait3A_20 : memref<200xi32, #tpu.memory_space<hbm>>) dst(%arg7 : memref<200xi32, #tpu.memory_space<vmem>>)
        tpu.yield
      }) : () -> ()
      "tpu.region"() ({
        %run_scoped3A = tpu.sem_alloc : memref<!tpu.dma_semaphore, #tpu.memory_space<semaphore_mem>>
        %dma_start3A = arith.constant 0 : i32
        %dma_start3A_19 = tpu.memref_slice %arg2[%add3A_18, %dma_start3A] : memref<320000x128xf32, #tpu.memory_space<hbm>> -> memref<200x128xf32, #tpu.memory_space<hbm>>
        %dma_start3A_20 = arith.constant 0 : i32
        %dma_start3A_21 = tpu.memref_slice %arg2[%add3A_18, %dma_start3A_20] : memref<320000x128xf32, #tpu.memory_space<hbm>> -> memref<200x128xf32, #tpu.memory_space<hbm>>
        tpu.enqueue_dma source(%dma_start3A_21 : memref<200x128xf32, #tpu.memory_space<hbm>>) target(%arg8 : memref<200x128xf32, #tpu.memory_space<vmem>>) target_semaphore(%run_scoped3A : memref<!tpu.dma_semaphore, #tpu.memory_space<semaphore_mem>>)
        %dma_wait3A = arith.constant 0 : i32
        %dma_wait3A_22 = tpu.memref_slice %arg2[%add3A_18, %dma_wait3A] : memref<320000x128xf32, #tpu.memory_space<hbm>> -> memref<200x128xf32, #tpu.memory_space<hbm>>
        %dma_wait3A_23 = arith.constant 0 : i32
        %dma_wait3A_24 = tpu.memref_slice %arg2[%add3A_18, %dma_wait3A_23] : memref<320000x128xf32, #tpu.memory_space<hbm>> -> memref<200x128xf32, #tpu.memory_space<hbm>>
        tpu.wait_dma2 semaphore(%run_scoped3A : memref<!tpu.dma_semaphore, #tpu.memory_space<semaphore_mem>>) src(%dma_wait3A_24 : memref<200x128xf32, #tpu.memory_space<hbm>>) dst(%arg8 : memref<200x128xf32, #tpu.memory_space<vmem>>)
        tpu.yield
      }) : () -> ()
      "tpu.region"() ({
        %run_scoped3A = tpu.sem_alloc : memref<!tpu.dma_semaphore, #tpu.memory_space<semaphore_mem>>
        %dma_start3A = arith.constant 0 : i32
        %dma_start3A_19 = arith.constant 0 : i32
        %dma_start3A_20 = tpu.memref_slice %arg6[%dma_start3A, %dma_start3A_19] : memref<10240x128xf32, #tpu.memory_space<vmem_shared>> -> memref<10240x128xf32, #tpu.memory_space<vmem_shared>>
        tpu.enqueue_indirect_dma source(%arg8 : memref<200x128xf32, #tpu.memory_space<vmem>>) target(%dma_start3A_20 : memref<10240x128xf32, #tpu.memory_space<vmem_shared>>) offsets(%arg7 : memref<200xi32, #tpu.memory_space<vmem>>) semaphore(%run_scoped3A : memref<!tpu.dma_semaphore, #tpu.memory_space<semaphore_mem>>) {add = true}
        %dma_wait3A = arith.constant 0 : i32
        %dma_wait3A_21 = arith.constant 0 : i32
        %dma_wait3A_22 = tpu.memref_slice %arg6[%dma_wait3A, %dma_wait3A_21] : memref<10240x128xf32, #tpu.memory_space<vmem_shared>> -> memref<10240x128xf32, #tpu.memory_space<vmem_shared>>
        tpu.wait_indirect_dma semaphore(%run_scoped3A : memref<!tpu.dma_semaphore, #tpu.memory_space<semaphore_mem>>) src(%arg8 : memref<200x128xf32, #tpu.memory_space<vmem>>) dst(%dma_wait3A_22 : memref<10240x128xf32, #tpu.memory_space<vmem_shared>>)
        tpu.yield
      }) : () -> ()
    }
    %scan3A_7 = arith.constant 50 : i32
    %barrier3A_8 = arith.constant 0 : index
    tpu.barrier barrier_id(%barrier3A_8)
    %mul3A_9 = arith.constant 640 : i32
    %mul3A_10 = arith.muli %arg1, %mul3A_9 : i32
    %mul3A_11 = arith.constant 640 : i32
    %mul3A_12 = arith.muli %arg1, %mul3A_11 : i32
    "tpu.region"() ({
      %run_scoped3A = tpu.sem_alloc : memref<!tpu.dma_semaphore, #tpu.memory_space<semaphore_mem>>
      %dma_start3A = arith.constant 0 : i32
      %dma_start3A_13 = tpu.memref_slice %arg5[%arg0, %mul3A_12, %dma_start3A] : memref<2x10240x128xf32, #tpu.memory_space<hbm>> -> memref<1x640x128xf32, #tpu.memory_space<hbm>>
      %dma_start3A_14 = tpu.memref_squeeze %dma_start3A_13 : memref<1x640x128xf32, #tpu.memory_space<hbm>> -> memref<640x128xf32, #tpu.memory_space<hbm>>
      %dma_start3A_15 = arith.constant 0 : i32
      %dma_start3A_16 = tpu.memref_slice %arg6[%mul3A_10, %dma_start3A_15] : memref<10240x128xf32, #tpu.memory_space<vmem_shared>> -> memref<640x128xf32, #tpu.memory_space<vmem_shared>>
      tpu.enqueue_dma source(%dma_start3A_16 : memref<640x128xf32, #tpu.memory_space<vmem_shared>>) target(%dma_start3A_14 : memref<640x128xf32, #tpu.memory_space<hbm>>) target_semaphore(%run_scoped3A : memref<!tpu.dma_semaphore, #tpu.memory_space<semaphore_mem>>)
      %dma_wait3A = arith.constant 0 : i32
      %dma_wait3A_17 = tpu.memref_slice %arg5[%arg0, %mul3A_12, %dma_wait3A] : memref<2x10240x128xf32, #tpu.memory_space<hbm>> -> memref<1x640x128xf32, #tpu.memory_space<hbm>>
      %dma_wait3A_18 = tpu.memref_squeeze %dma_wait3A_17 : memref<1x640x128xf32, #tpu.memory_space<hbm>> -> memref<640x128xf32, #tpu.memory_space<hbm>>
      %dma_wait3A_19 = arith.constant 0 : i32
      %dma_wait3A_20 = tpu.memref_slice %arg6[%mul3A_10, %dma_wait3A_19] : memref<10240x128xf32, #tpu.memory_space<vmem_shared>> -> memref<640x128xf32, #tpu.memory_space<vmem_shared>>
      tpu.wait_dma2 semaphore(%run_scoped3A : memref<!tpu.dma_semaphore, #tpu.memory_space<semaphore_mem>>) src(%dma_wait3A_20 : memref<640x128xf32, #tpu.memory_space<vmem_shared>>) dst(%dma_wait3A_18 : memref<640x128xf32, #tpu.memory_space<hbm>>)
      tpu.yield
    }) : () -> ()
    return
  }
}

#map = affine_map<(d0, d1) -> (0, 0)>
#map1 = affine_map<(d0, d1) -> (0)>
#map2 = affine_map<(d0, d1) -> (0, 0, 0)>
module attributes {stable_mosaic.version = 14 : i64} {
  func.func @k(%arg0: i32, %arg1: i32, %arg2: memref<320000x128xf32, #tpu.memory_space<hbm>>, %arg3: memref<320000xi32, #tpu.memory_space<hbm>>, %arg4: memref<640x128xf32, #tpu.memory_space<hbm>>, %arg5: memref<2x10240x128xf32, #tpu.memory_space<hbm>>, %arg6: memref<10240x128xf32, #tpu.memory_space<vmem_shared>>, %arg7: memref<200xi32, #tpu.memory_space<vmem>>, %arg8: memref<200x128xf32, #tpu.memory_space<vmem>>) attributes {dimension_semantics = [#tpu.dimension_semantics<core_parallel>, #tpu.dimension_semantics<subcore_parallel>], iteration_bounds = array<i64: 2, 16>, scalar_prefetch = 0 : i64, scratch_operands = 3 : i64, tpu.core_type = #tpu.core_type<sc_vector_subcore>, window_params = [{transform_indices = #map}, {transform_indices = #map1}, {transform_indices = #map}, {transform_indices = #map2}]} {
    %mul3A = arith.constant 2 : i32
    %mul3A_0 = arith.muli %arg1, %mul3A : i32
    %add3A = arith.addi %mul3A_0, %arg0 : i32
    %mul3A_1 = arith.constant 640 : i32
    %mul3A_2 = arith.muli %arg1, %mul3A_1 : i32
    "tpu.region"() ({
      %run_scoped3A = tpu.sem_alloc : memref<!tpu.dma_semaphore, #tpu.memory_space<semaphore_mem>>
      %dma_start3A = arith.constant 0 : i32
      %dma_start3A_13 = tpu.memref_slice %arg6[%mul3A_2, %dma_start3A] : memref<10240x128xf32, #tpu.memory_space<vmem_shared>> -> memref<640x128xf32, #tpu.memory_space<vmem_shared>>
      tpu.enqueue_dma source(%arg4 : memref<640x128xf32, #tpu.memory_space<hbm>>) target(%dma_start3A_13 : memref<640x128xf32, #tpu.memory_space<vmem_shared>>) target_semaphore(%run_scoped3A : memref<!tpu.dma_semaphore, #tpu.memory_space<semaphore_mem>>)
      %dma_wait3A = arith.constant 0 : i32
      %dma_wait3A_14 = tpu.memref_slice %arg6[%mul3A_2, %dma_wait3A] : memref<10240x128xf32, #tpu.memory_space<vmem_shared>> -> memref<640x128xf32, #tpu.memory_space<vmem_shared>>
      tpu.wait_dma2 semaphore(%run_scoped3A : memref<!tpu.dma_semaphore, #tpu.memory_space<semaphore_mem>>) src(%arg4 : memref<640x128xf32, #tpu.memory_space<hbm>>) dst(%dma_wait3A_14 : memref<640x128xf32, #tpu.memory_space<vmem_shared>>)
      tpu.yield
    }) : () -> ()
    %barrier3A = arith.constant 0 : index
    tpu.barrier barrier_id(%barrier3A)
    %scan3A = arith.constant 0 : i32
    %scan3A_3 = arith.constant 0 : i32
    %scan3A_4 = arith.constant 50 : i32
    %scan3A_5 = arith.addi %scan3A_3, %scan3A_4 : i32
    %scan3A_6 = arith.constant 1 : i32
    scf.for %scan3A_13 = %scan3A_3 to %scan3A_5 step %scan3A_6  : i32 {
      %mul3A_14 = arith.constant 10000 : i32
      %mul3A_15 = arith.muli %add3A, %mul3A_14 : i32
      %mul3A_16 = arith.constant 200 : i32
      %mul3A_17 = arith.muli %scan3A_13, %mul3A_16 : i32
      %add3A_18 = arith.addi %mul3A_15, %mul3A_17 : i32
      "tpu.region"() ({
        %run_scoped3A = tpu.sem_alloc : memref<!tpu.dma_semaphore, #tpu.memory_space<semaphore_mem>>
        %dma_start3A = tpu.memref_slice %arg3[%add3A_18] : memref<320000xi32, #tpu.memory_space<hbm>> -> memref<200xi32, #tpu.memory_space<hbm>>
        %dma_start3A_19 = tpu.memref_slice %arg3[%add3A_18] : memref<320000xi32, #tpu.memory_space<hbm>> -> memref<200xi32, #tpu.memory_space<hbm>>
        tpu.enqueue_dma source(%dma_start3A_19 : memref<200xi32, #tpu.memory_space<hbm>>) target(%arg7 : memref<200xi32, #tpu.memory_space<vmem>>) target_semaphore(%run_scoped3A : memref<!tpu.dma_semaphore, #tpu.memory_space<semaphore_mem>>)
        %dma_wait3A = tpu.memref_slice %arg3[%add3A_18] : memref<320000xi32, #tpu.memory_space<hbm>> -> memref<200xi32, #tpu.memory_space<hbm>>
        %dma_wait3A_20 = tpu.memref_slice %arg3[%add3A_18] : memref<320000xi32, #tpu.memory_space<hbm>> -> memref<200xi32, #tpu.memory_space<hbm>>
        tpu.wait_dma2 semaphore(%run_scoped3A : memref<!tpu.dma_semaphore, #tpu.memory_space<semaphore_mem>>) src(%dma_wait3A_20 : memref<200xi32, #tpu.memory_space<hbm>>) dst(%arg7 : memref<200xi32, #tpu.memory_space<vmem>>)
        tpu.yield
      }) : () -> ()
      "tpu.region"() ({
        %run_scoped3A = tpu.sem_alloc : memref<!tpu.dma_semaphore, #tpu.memory_space<semaphore_mem>>
        %dma_start3A = arith.constant 0 : i32
        %dma_start3A_19 = tpu.memref_slice %arg2[%add3A_18, %dma_start3A] : memref<320000x128xf32, #tpu.memory_space<hbm>> -> memref<200x128xf32, #tpu.memory_space<hbm>>
        %dma_start3A_20 = arith.constant 0 : i32
        %dma_start3A_21 = tpu.memref_slice %arg2[%add3A_18, %dma_start3A_20] : memref<320000x128xf32, #tpu.memory_space<hbm>> -> memref<200x128xf32, #tpu.memory_space<hbm>>
        tpu.enqueue_dma source(%dma_start3A_21 : memref<200x128xf32, #tpu.memory_space<hbm>>) target(%arg8 : memref<200x128xf32, #tpu.memory_space<vmem>>) target_semaphore(%run_scoped3A : memref<!tpu.dma_semaphore, #tpu.memory_space<semaphore_mem>>)
        %dma_wait3A = arith.constant 0 : i32
        %dma_wait3A_22 = tpu.memref_slice %arg2[%add3A_18, %dma_wait3A] : memref<320000x128xf32, #tpu.memory_space<hbm>> -> memref<200x128xf32, #tpu.memory_space<hbm>>
        %dma_wait3A_23 = arith.constant 0 : i32
        %dma_wait3A_24 = tpu.memref_slice %arg2[%add3A_18, %dma_wait3A_23] : memref<320000x128xf32, #tpu.memory_space<hbm>> -> memref<200x128xf32, #tpu.memory_space<hbm>>
        tpu.wait_dma2 semaphore(%run_scoped3A : memref<!tpu.dma_semaphore, #tpu.memory_space<semaphore_mem>>) src(%dma_wait3A_24 : memref<200x128xf32, #tpu.memory_space<hbm>>) dst(%arg8 : memref<200x128xf32, #tpu.memory_space<vmem>>)
        tpu.yield
      }) : () -> ()
      "tpu.region"() ({
        %run_scoped3A = tpu.sem_alloc : memref<!tpu.dma_semaphore, #tpu.memory_space<semaphore_mem>>
        %dma_start3A = arith.constant 0 : i32
        %dma_start3A_19 = arith.constant 0 : i32
        %dma_start3A_20 = tpu.memref_slice %arg6[%dma_start3A, %dma_start3A_19] : memref<10240x128xf32, #tpu.memory_space<vmem_shared>> -> memref<10240x128xf32, #tpu.memory_space<vmem_shared>>
        tpu.enqueue_indirect_dma source(%arg8 : memref<200x128xf32, #tpu.memory_space<vmem>>) target(%dma_start3A_20 : memref<10240x128xf32, #tpu.memory_space<vmem_shared>>) offsets(%arg7 : memref<200xi32, #tpu.memory_space<vmem>>) semaphore(%run_scoped3A : memref<!tpu.dma_semaphore, #tpu.memory_space<semaphore_mem>>) {add = true}
        %dma_wait3A = arith.constant 0 : i32
        %dma_wait3A_21 = arith.constant 0 : i32
        %dma_wait3A_22 = tpu.memref_slice %arg6[%dma_wait3A, %dma_wait3A_21] : memref<10240x128xf32, #tpu.memory_space<vmem_shared>> -> memref<10240x128xf32, #tpu.memory_space<vmem_shared>>
        tpu.wait_indirect_dma semaphore(%run_scoped3A : memref<!tpu.dma_semaphore, #tpu.memory_space<semaphore_mem>>) src(%arg8 : memref<200x128xf32, #tpu.memory_space<vmem>>) dst(%dma_wait3A_22 : memref<10240x128xf32, #tpu.memory_space<vmem_shared>>)
        tpu.yield
      }) : () -> ()
    }
    %scan3A_7 = arith.constant 50 : i32
    %barrier3A_8 = arith.constant 0 : index
    tpu.barrier barrier_id(%barrier3A_8)
    %mul3A_9 = arith.constant 640 : i32
    %mul3A_10 = arith.muli %arg1, %mul3A_9 : i32
    %mul3A_11 = arith.constant 640 : i32
    %mul3A_12 = arith.muli %arg1, %mul3A_11 : i32
    "tpu.region"() ({
      %run_scoped3A = tpu.sem_alloc : memref<!tpu.dma_semaphore, #tpu.memory_space<semaphore_mem>>
      %dma_start3A = arith.constant 0 : i32
      %dma_start3A_13 = tpu.memref_slice %arg5[%arg0, %mul3A_12, %dma_start3A] : memref<2x10240x128xf32, #tpu.memory_space<hbm>> -> memref<1x640x128xf32, #tpu.memory_space<hbm>>
      %dma_start3A_14 = tpu.memref_squeeze %dma_start3A_13 : memref<1x640x128xf32, #tpu.memory_space<hbm>> -> memref<640x128xf32, #tpu.memory_space<hbm>>
      %dma_start3A_15 = arith.constant 0 : i32
      %dma_start3A_16 = tpu.memref_slice %arg6[%mul3A_10, %dma_start3A_15] : memref<10240x128xf32, #tpu.memory_space<vmem_shared>> -> memref<640x128xf32, #tpu.memory_space<vmem_shared>>
      tpu.enqueue_dma source(%dma_start3A_16 : memref<640x128xf32, #tpu.memory_space<vmem_shared>>) target(%dma_start3A_14 : memref<640x128xf32, #tpu.memory_space<hbm>>) target_semaphore(%run_scoped3A : memref<!tpu.dma_semaphore, #tpu.memory_space<semaphore_mem>>)
      %dma_wait3A = arith.constant 0 : i32
      %dma_wait3A_17 = tpu.memref_slice %arg5[%arg0, %mul3A_12, %dma_wait3A] : memref<2x10240x128xf32, #tpu.memory_space<hbm>> -> memref<1x640x128xf32, #tpu.memory_space<hbm>>
      %dma_wait3A_18 = tpu.memref_squeeze %dma_wait3A_17 : memref<1x640x128xf32, #tpu.memory_space<hbm>> -> memref<640x128xf32, #tpu.memory_space<hbm>>
      %dma_wait3A_19 = arith.constant 0 : i32
      %dma_wait3A_20 = tpu.memref_slice %arg6[%mul3A_10, %dma_wait3A_19] : memref<10240x128xf32, #tpu.memory_space<vmem_shared>> -> memref<640x128xf32, #tpu.memory_space<vmem_shared>>
      tpu.wait_dma2 semaphore(%run_scoped3A : memref<!tpu.dma_semaphore, #tpu.memory_space<semaphore_mem>>) src(%dma_wait3A_20 : memref<640x128xf32, #tpu.memory_space<vmem_shared>>) dst(%dma_wait3A_18 : memref<640x128xf32, #tpu.memory_space<hbm>>)
      tpu.yield
    }) : () -> ()
    return
  }
}

#map = affine_map<(d0, d1) -> (0, 0)>
#map1 = affine_map<(d0, d1) -> (0)>
#map2 = affine_map<(d0, d1) -> (0, 0, 0)>
module attributes {stable_mosaic.version = 14 : i64} {
  func.func @k(%arg0: i32, %arg1: i32, %arg2: memref<320000x128xf32, #tpu.memory_space<hbm>>, %arg3: memref<320000xi32, #tpu.memory_space<hbm>>, %arg4: memref<640x128xf32, #tpu.memory_space<hbm>>, %arg5: memref<2x10240x128xf32, #tpu.memory_space<hbm>>, %arg6: memref<10240x128xf32, #tpu.memory_space<vmem_shared>>, %arg7: memref<200xi32, #tpu.memory_space<vmem>>, %arg8: memref<200x128xf32, #tpu.memory_space<vmem>>) attributes {dimension_semantics = [#tpu.dimension_semantics<core_parallel>, #tpu.dimension_semantics<subcore_parallel>], iteration_bounds = array<i64: 2, 16>, scalar_prefetch = 0 : i64, scratch_operands = 3 : i64, tpu.core_type = #tpu.core_type<sc_vector_subcore>, window_params = [{transform_indices = #map}, {transform_indices = #map1}, {transform_indices = #map}, {transform_indices = #map2}]} {
    %mul3A = arith.constant 2 : i32
    %mul3A_0 = arith.muli %arg1, %mul3A : i32
    %add3A = arith.addi %mul3A_0, %arg0 : i32
    %mul3A_1 = arith.constant 640 : i32
    %mul3A_2 = arith.muli %arg1, %mul3A_1 : i32
    "tpu.region"() ({
      %run_scoped3A = tpu.sem_alloc : memref<!tpu.dma_semaphore, #tpu.memory_space<semaphore_mem>>
      %dma_start3A = arith.constant 0 : i32
      %dma_start3A_13 = tpu.memref_slice %arg6[%mul3A_2, %dma_start3A] : memref<10240x128xf32, #tpu.memory_space<vmem_shared>> -> memref<640x128xf32, #tpu.memory_space<vmem_shared>>
      tpu.enqueue_dma source(%arg4 : memref<640x128xf32, #tpu.memory_space<hbm>>) target(%dma_start3A_13 : memref<640x128xf32, #tpu.memory_space<vmem_shared>>) target_semaphore(%run_scoped3A : memref<!tpu.dma_semaphore, #tpu.memory_space<semaphore_mem>>)
      %dma_wait3A = arith.constant 0 : i32
      %dma_wait3A_14 = tpu.memref_slice %arg6[%mul3A_2, %dma_wait3A] : memref<10240x128xf32, #tpu.memory_space<vmem_shared>> -> memref<640x128xf32, #tpu.memory_space<vmem_shared>>
      tpu.wait_dma2 semaphore(%run_scoped3A : memref<!tpu.dma_semaphore, #tpu.memory_space<semaphore_mem>>) src(%arg4 : memref<640x128xf32, #tpu.memory_space<hbm>>) dst(%dma_wait3A_14 : memref<640x128xf32, #tpu.memory_space<vmem_shared>>)
      tpu.yield
    }) : () -> ()
    %barrier3A = arith.constant 0 : index
    tpu.barrier barrier_id(%barrier3A)
    %scan3A = arith.constant 0 : i32
    %scan3A_3 = arith.constant 0 : i32
    %scan3A_4 = arith.constant 50 : i32
    %scan3A_5 = arith.addi %scan3A_3, %scan3A_4 : i32
    %scan3A_6 = arith.constant 1 : i32
    scf.for %scan3A_13 = %scan3A_3 to %scan3A_5 step %scan3A_6  : i32 {
      %mul3A_14 = arith.constant 10000 : i32
      %mul3A_15 = arith.muli %add3A, %mul3A_14 : i32
      %mul3A_16 = arith.constant 200 : i32
      %mul3A_17 = arith.muli %scan3A_13, %mul3A_16 : i32
      %add3A_18 = arith.addi %mul3A_15, %mul3A_17 : i32
      "tpu.region"() ({
        %run_scoped3A = tpu.sem_alloc : memref<!tpu.dma_semaphore, #tpu.memory_space<semaphore_mem>>
        %dma_start3A = tpu.memref_slice %arg3[%add3A_18] : memref<320000xi32, #tpu.memory_space<hbm>> -> memref<200xi32, #tpu.memory_space<hbm>>
        %dma_start3A_19 = tpu.memref_slice %arg3[%add3A_18] : memref<320000xi32, #tpu.memory_space<hbm>> -> memref<200xi32, #tpu.memory_space<hbm>>
        tpu.enqueue_dma source(%dma_start3A_19 : memref<200xi32, #tpu.memory_space<hbm>>) target(%arg7 : memref<200xi32, #tpu.memory_space<vmem>>) target_semaphore(%run_scoped3A : memref<!tpu.dma_semaphore, #tpu.memory_space<semaphore_mem>>)
        %dma_wait3A = tpu.memref_slice %arg3[%add3A_18] : memref<320000xi32, #tpu.memory_space<hbm>> -> memref<200xi32, #tpu.memory_space<hbm>>
        %dma_wait3A_20 = tpu.memref_slice %arg3[%add3A_18] : memref<320000xi32, #tpu.memory_space<hbm>> -> memref<200xi32, #tpu.memory_space<hbm>>
        tpu.wait_dma2 semaphore(%run_scoped3A : memref<!tpu.dma_semaphore, #tpu.memory_space<semaphore_mem>>) src(%dma_wait3A_20 : memref<200xi32, #tpu.memory_space<hbm>>) dst(%arg7 : memref<200xi32, #tpu.memory_space<vmem>>)
        tpu.yield
      }) : () -> ()
      "tpu.region"() ({
        %run_scoped3A = tpu.sem_alloc : memref<!tpu.dma_semaphore, #tpu.memory_space<semaphore_mem>>
        %dma_start3A = arith.constant 0 : i32
        %dma_start3A_19 = tpu.memref_slice %arg2[%add3A_18, %dma_start3A] : memref<320000x128xf32, #tpu.memory_space<hbm>> -> memref<200x128xf32, #tpu.memory_space<hbm>>
        %dma_start3A_20 = arith.constant 0 : i32
        %dma_start3A_21 = tpu.memref_slice %arg2[%add3A_18, %dma_start3A_20] : memref<320000x128xf32, #tpu.memory_space<hbm>> -> memref<200x128xf32, #tpu.memory_space<hbm>>
        tpu.enqueue_dma source(%dma_start3A_21 : memref<200x128xf32, #tpu.memory_space<hbm>>) target(%arg8 : memref<200x128xf32, #tpu.memory_space<vmem>>) target_semaphore(%run_scoped3A : memref<!tpu.dma_semaphore, #tpu.memory_space<semaphore_mem>>)
        %dma_wait3A = arith.constant 0 : i32
        %dma_wait3A_22 = tpu.memref_slice %arg2[%add3A_18, %dma_wait3A] : memref<320000x128xf32, #tpu.memory_space<hbm>> -> memref<200x128xf32, #tpu.memory_space<hbm>>
        %dma_wait3A_23 = arith.constant 0 : i32
        %dma_wait3A_24 = tpu.memref_slice %arg2[%add3A_18, %dma_wait3A_23] : memref<320000x128xf32, #tpu.memory_space<hbm>> -> memref<200x128xf32, #tpu.memory_space<hbm>>
        tpu.wait_dma2 semaphore(%run_scoped3A : memref<!tpu.dma_semaphore, #tpu.memory_space<semaphore_mem>>) src(%dma_wait3A_24 : memref<200x128xf32, #tpu.memory_space<hbm>>) dst(%arg8 : memref<200x128xf32, #tpu.memory_space<vmem>>)
        tpu.yield
      }) : () -> ()
      "tpu.region"() ({
        %run_scoped3A = tpu.sem_alloc : memref<!tpu.dma_semaphore, #tpu.memory_space<semaphore_mem>>
        %dma_start3A = arith.constant 0 : i32
        %dma_start3A_19 = arith.constant 0 : i32
        %dma_start3A_20 = tpu.memref_slice %arg6[%dma_start3A, %dma_start3A_19] : memref<10240x128xf32, #tpu.memory_space<vmem_shared>> -> memref<10240x128xf32, #tpu.memory_space<vmem_shared>>
        tpu.enqueue_indirect_dma source(%arg8 : memref<200x128xf32, #tpu.memory_space<vmem>>) target(%dma_start3A_20 : memref<10240x128xf32, #tpu.memory_space<vmem_shared>>) offsets(%arg7 : memref<200xi32, #tpu.memory_space<vmem>>) semaphore(%run_scoped3A : memref<!tpu.dma_semaphore, #tpu.memory_space<semaphore_mem>>) {add = true}
        %dma_wait3A = arith.constant 0 : i32
        %dma_wait3A_21 = arith.constant 0 : i32
        %dma_wait3A_22 = tpu.memref_slice %arg6[%dma_wait3A, %dma_wait3A_21] : memref<10240x128xf32, #tpu.memory_space<vmem_shared>> -> memref<10240x128xf32, #tpu.memory_space<vmem_shared>>
        tpu.wait_indirect_dma semaphore(%run_scoped3A : memref<!tpu.dma_semaphore, #tpu.memory_space<semaphore_mem>>) src(%arg8 : memref<200x128xf32, #tpu.memory_space<vmem>>) dst(%dma_wait3A_22 : memref<10240x128xf32, #tpu.memory_space<vmem_shared>>)
        tpu.yield
      }) : () -> ()
    }
    %scan3A_7 = arith.constant 50 : i32
    %barrier3A_8 = arith.constant 0 : index
    tpu.barrier barrier_id(%barrier3A_8)
    %mul3A_9 = arith.constant 640 : i32
    %mul3A_10 = arith.muli %arg1, %mul3A_9 : i32
    %mul3A_11 = arith.constant 640 : i32
    %mul3A_12 = arith.muli %arg1, %mul3A_11 : i32
    "tpu.region"() ({
      %run_scoped3A = tpu.sem_alloc : memref<!tpu.dma_semaphore, #tpu.memory_space<semaphore_mem>>
      %dma_start3A = arith.constant 0 : i32
      %dma_start3A_13 = tpu.memref_slice %arg5[%arg0, %mul3A_12, %dma_start3A] : memref<2x10240x128xf32, #tpu.memory_space<hbm>> -> memref<1x640x128xf32, #tpu.memory_space<hbm>>
      %dma_start3A_14 = tpu.memref_squeeze %dma_start3A_13 : memref<1x640x128xf32, #tpu.memory_space<hbm>> -> memref<640x128xf32, #tpu.memory_space<hbm>>
      %dma_start3A_15 = arith.constant 0 : i32
      %dma_start3A_16 = tpu.memref_slice %arg6[%mul3A_10, %dma_start3A_15] : memref<10240x128xf32, #tpu.memory_space<vmem_shared>> -> memref<640x128xf32, #tpu.memory_space<vmem_shared>>
      tpu.enqueue_dma source(%dma_start3A_16 : memref<640x128xf32, #tpu.memory_space<vmem_shared>>) target(%dma_start3A_14 : memref<640x128xf32, #tpu.memory_space<hbm>>) target_semaphore(%run_scoped3A : memref<!tpu.dma_semaphore, #tpu.memory_space<semaphore_mem>>)
      %dma_wait3A = arith.constant 0 : i32
      %dma_wait3A_17 = tpu.memref_slice %arg5[%arg0, %mul3A_12, %dma_wait3A] : memref<2x10240x128xf32, #tpu.memory_space<hbm>> -> memref<1x640x128xf32, #tpu.memory_space<hbm>>
      %dma_wait3A_18 = tpu.memref_squeeze %dma_wait3A_17 : memref<1x640x128xf32, #tpu.memory_space<hbm>> -> memref<640x128xf32, #tpu.memory_space<hbm>>
      %dma_wait3A_19 = arith.constant 0 : i32
      %dma_wait3A_20 = tpu.memref_slice %arg6[%mul3A_10, %dma_wait3A_19] : memref<10240x128xf32, #tpu.memory_space<vmem_shared>> -> memref<640x128xf32, #tpu.memory_space<vmem_shared>>
      tpu.wait_dma2 semaphore(%run_scoped3A : memref<!tpu.dma_semaphore, #tpu.memory_space<semaphore_mem>>) src(%dma_wait3A_20 : memref<640x128xf32, #tpu.memory_space<vmem_shared>>) dst(%dma_wait3A_18 : memref<640x128xf32, #tpu.memory_space<hbm>>)
      tpu.yield
    }) : () -> ()
    return
  }
}

#map = affine_map<(d0, d1) -> (0, 0)>
#map1 = affine_map<(d0, d1) -> (0)>
#map2 = affine_map<(d0, d1) -> (0, 0, 0)>
module attributes {stable_mosaic.version = 14 : i64} {
  func.func @k(%arg0: i32, %arg1: i32, %arg2: memref<320000x128xf32, #tpu.memory_space<hbm>>, %arg3: memref<320000xi32, #tpu.memory_space<hbm>>, %arg4: memref<640x128xf32, #tpu.memory_space<hbm>>, %arg5: memref<2x10240x128xf32, #tpu.memory_space<hbm>>, %arg6: memref<10240x128xf32, #tpu.memory_space<vmem_shared>>, %arg7: memref<200xi32, #tpu.memory_space<vmem>>, %arg8: memref<200x128xf32, #tpu.memory_space<vmem>>) attributes {dimension_semantics = [#tpu.dimension_semantics<core_parallel>, #tpu.dimension_semantics<subcore_parallel>], iteration_bounds = array<i64: 2, 16>, scalar_prefetch = 0 : i64, scratch_operands = 3 : i64, tpu.core_type = #tpu.core_type<sc_vector_subcore>, window_params = [{transform_indices = #map}, {transform_indices = #map1}, {transform_indices = #map}, {transform_indices = #map2}]} {
    %mul3A = arith.constant 2 : i32
    %mul3A_0 = arith.muli %arg1, %mul3A : i32
    %add3A = arith.addi %mul3A_0, %arg0 : i32
    %mul3A_1 = arith.constant 640 : i32
    %mul3A_2 = arith.muli %arg1, %mul3A_1 : i32
    "tpu.region"() ({
      %run_scoped3A = tpu.sem_alloc : memref<!tpu.dma_semaphore, #tpu.memory_space<semaphore_mem>>
      %dma_start3A = arith.constant 0 : i32
      %dma_start3A_13 = tpu.memref_slice %arg6[%mul3A_2, %dma_start3A] : memref<10240x128xf32, #tpu.memory_space<vmem_shared>> -> memref<640x128xf32, #tpu.memory_space<vmem_shared>>
      tpu.enqueue_dma source(%arg4 : memref<640x128xf32, #tpu.memory_space<hbm>>) target(%dma_start3A_13 : memref<640x128xf32, #tpu.memory_space<vmem_shared>>) target_semaphore(%run_scoped3A : memref<!tpu.dma_semaphore, #tpu.memory_space<semaphore_mem>>)
      %dma_wait3A = arith.constant 0 : i32
      %dma_wait3A_14 = tpu.memref_slice %arg6[%mul3A_2, %dma_wait3A] : memref<10240x128xf32, #tpu.memory_space<vmem_shared>> -> memref<640x128xf32, #tpu.memory_space<vmem_shared>>
      tpu.wait_dma2 semaphore(%run_scoped3A : memref<!tpu.dma_semaphore, #tpu.memory_space<semaphore_mem>>) src(%arg4 : memref<640x128xf32, #tpu.memory_space<hbm>>) dst(%dma_wait3A_14 : memref<640x128xf32, #tpu.memory_space<vmem_shared>>)
      tpu.yield
    }) : () -> ()
    %barrier3A = arith.constant 0 : index
    tpu.barrier barrier_id(%barrier3A)
    %scan3A = arith.constant 0 : i32
    %scan3A_3 = arith.constant 0 : i32
    %scan3A_4 = arith.constant 50 : i32
    %scan3A_5 = arith.addi %scan3A_3, %scan3A_4 : i32
    %scan3A_6 = arith.constant 1 : i32
    scf.for %scan3A_13 = %scan3A_3 to %scan3A_5 step %scan3A_6  : i32 {
      %mul3A_14 = arith.constant 10000 : i32
      %mul3A_15 = arith.muli %add3A, %mul3A_14 : i32
      %mul3A_16 = arith.constant 200 : i32
      %mul3A_17 = arith.muli %scan3A_13, %mul3A_16 : i32
      %add3A_18 = arith.addi %mul3A_15, %mul3A_17 : i32
      "tpu.region"() ({
        %run_scoped3A = tpu.sem_alloc : memref<!tpu.dma_semaphore, #tpu.memory_space<semaphore_mem>>
        %dma_start3A = tpu.memref_slice %arg3[%add3A_18] : memref<320000xi32, #tpu.memory_space<hbm>> -> memref<200xi32, #tpu.memory_space<hbm>>
        %dma_start3A_19 = tpu.memref_slice %arg3[%add3A_18] : memref<320000xi32, #tpu.memory_space<hbm>> -> memref<200xi32, #tpu.memory_space<hbm>>
        tpu.enqueue_dma source(%dma_start3A_19 : memref<200xi32, #tpu.memory_space<hbm>>) target(%arg7 : memref<200xi32, #tpu.memory_space<vmem>>) target_semaphore(%run_scoped3A : memref<!tpu.dma_semaphore, #tpu.memory_space<semaphore_mem>>)
        %dma_wait3A = tpu.memref_slice %arg3[%add3A_18] : memref<320000xi32, #tpu.memory_space<hbm>> -> memref<200xi32, #tpu.memory_space<hbm>>
        %dma_wait3A_20 = tpu.memref_slice %arg3[%add3A_18] : memref<320000xi32, #tpu.memory_space<hbm>> -> memref<200xi32, #tpu.memory_space<hbm>>
        tpu.wait_dma2 semaphore(%run_scoped3A : memref<!tpu.dma_semaphore, #tpu.memory_space<semaphore_mem>>) src(%dma_wait3A_20 : memref<200xi32, #tpu.memory_space<hbm>>) dst(%arg7 : memref<200xi32, #tpu.memory_space<vmem>>)
        tpu.yield
      }) : () -> ()
      "tpu.region"() ({
        %run_scoped3A = tpu.sem_alloc : memref<!tpu.dma_semaphore, #tpu.memory_space<semaphore_mem>>
        %dma_start3A = arith.constant 0 : i32
        %dma_start3A_19 = tpu.memref_slice %arg2[%add3A_18, %dma_start3A] : memref<320000x128xf32, #tpu.memory_space<hbm>> -> memref<200x128xf32, #tpu.memory_space<hbm>>
        %dma_start3A_20 = arith.constant 0 : i32
        %dma_start3A_21 = tpu.memref_slice %arg2[%add3A_18, %dma_start3A_20] : memref<320000x128xf32, #tpu.memory_space<hbm>> -> memref<200x128xf32, #tpu.memory_space<hbm>>
        tpu.enqueue_dma source(%dma_start3A_21 : memref<200x128xf32, #tpu.memory_space<hbm>>) target(%arg8 : memref<200x128xf32, #tpu.memory_space<vmem>>) target_semaphore(%run_scoped3A : memref<!tpu.dma_semaphore, #tpu.memory_space<semaphore_mem>>)
        %dma_wait3A = arith.constant 0 : i32
        %dma_wait3A_22 = tpu.memref_slice %arg2[%add3A_18, %dma_wait3A] : memref<320000x128xf32, #tpu.memory_space<hbm>> -> memref<200x128xf32, #tpu.memory_space<hbm>>
        %dma_wait3A_23 = arith.constant 0 : i32
        %dma_wait3A_24 = tpu.memref_slice %arg2[%add3A_18, %dma_wait3A_23] : memref<320000x128xf32, #tpu.memory_space<hbm>> -> memref<200x128xf32, #tpu.memory_space<hbm>>
        tpu.wait_dma2 semaphore(%run_scoped3A : memref<!tpu.dma_semaphore, #tpu.memory_space<semaphore_mem>>) src(%dma_wait3A_24 : memref<200x128xf32, #tpu.memory_space<hbm>>) dst(%arg8 : memref<200x128xf32, #tpu.memory_space<vmem>>)
        tpu.yield
      }) : () -> ()
      "tpu.region"() ({
        %run_scoped3A = tpu.sem_alloc : memref<!tpu.dma_semaphore, #tpu.memory_space<semaphore_mem>>
        %dma_start3A = arith.constant 0 : i32
        %dma_start3A_19 = arith.constant 0 : i32
        %dma_start3A_20 = tpu.memref_slice %arg6[%dma_start3A, %dma_start3A_19] : memref<10240x128xf32, #tpu.memory_space<vmem_shared>> -> memref<10240x128xf32, #tpu.memory_space<vmem_shared>>
        tpu.enqueue_indirect_dma source(%arg8 : memref<200x128xf32, #tpu.memory_space<vmem>>) target(%dma_start3A_20 : memref<10240x128xf32, #tpu.memory_space<vmem_shared>>) offsets(%arg7 : memref<200xi32, #tpu.memory_space<vmem>>) semaphore(%run_scoped3A : memref<!tpu.dma_semaphore, #tpu.memory_space<semaphore_mem>>) {add = true}
        %dma_wait3A = arith.constant 0 : i32
        %dma_wait3A_21 = arith.constant 0 : i32
        %dma_wait3A_22 = tpu.memref_slice %arg6[%dma_wait3A, %dma_wait3A_21] : memref<10240x128xf32, #tpu.memory_space<vmem_shared>> -> memref<10240x128xf32, #tpu.memory_space<vmem_shared>>
        tpu.wait_indirect_dma semaphore(%run_scoped3A : memref<!tpu.dma_semaphore, #tpu.memory_space<semaphore_mem>>) src(%arg8 : memref<200x128xf32, #tpu.memory_space<vmem>>) dst(%dma_wait3A_22 : memref<10240x128xf32, #tpu.memory_space<vmem_shared>>)
        tpu.yield
      }) : () -> ()
    }
    %scan3A_7 = arith.constant 50 : i32
    %barrier3A_8 = arith.constant 0 : index
    tpu.barrier barrier_id(%barrier3A_8)
    %mul3A_9 = arith.constant 640 : i32
    %mul3A_10 = arith.muli %arg1, %mul3A_9 : i32
    %mul3A_11 = arith.constant 640 : i32
    %mul3A_12 = arith.muli %arg1, %mul3A_11 : i32
    "tpu.region"() ({
      %run_scoped3A = tpu.sem_alloc : memref<!tpu.dma_semaphore, #tpu.memory_space<semaphore_mem>>
      %dma_start3A = arith.constant 0 : i32
      %dma_start3A_13 = tpu.memref_slice %arg5[%arg0, %mul3A_12, %dma_start3A] : memref<2x10240x128xf32, #tpu.memory_space<hbm>> -> memref<1x640x128xf32, #tpu.memory_space<hbm>>
      %dma_start3A_14 = tpu.memref_squeeze %dma_start3A_13 : memref<1x640x128xf32, #tpu.memory_space<hbm>> -> memref<640x128xf32, #tpu.memory_space<hbm>>
      %dma_start3A_15 = arith.constant 0 : i32
      %dma_start3A_16 = tpu.memref_slice %arg6[%mul3A_10, %dma_start3A_15] : memref<10240x128xf32, #tpu.memory_space<vmem_shared>> -> memref<640x128xf32, #tpu.memory_space<vmem_shared>>
      tpu.enqueue_dma source(%dma_start3A_16 : memref<640x128xf32, #tpu.memory_space<vmem_shared>>) target(%dma_start3A_14 : memref<640x128xf32, #tpu.memory_space<hbm>>) target_semaphore(%run_scoped3A : memref<!tpu.dma_semaphore, #tpu.memory_space<semaphore_mem>>)
      %dma_wait3A = arith.constant 0 : i32
      %dma_wait3A_17 = tpu.memref_slice %arg5[%arg0, %mul3A_12, %dma_wait3A] : memref<2x10240x128xf32, #tpu.memory_space<hbm>> -> memref<1x640x128xf32, #tpu.memory_space<hbm>>
      %dma_wait3A_18 = tpu.memref_squeeze %dma_wait3A_17 : memref<1x640x128xf32, #tpu.memory_space<hbm>> -> memref<640x128xf32, #tpu.memory_space<hbm>>
      %dma_wait3A_19 = arith.constant 0 : i32
      %dma_wait3A_20 = tpu.memref_slice %arg6[%mul3A_10, %dma_wait3A_19] : memref<10240x128xf32, #tpu.memory_space<vmem_shared>> -> memref<640x128xf32, #tpu.memory_space<vmem_shared>>
      tpu.wait_dma2 semaphore(%run_scoped3A : memref<!tpu.dma_semaphore, #tpu.memory_space<semaphore_mem>>) src(%dma_wait3A_20 : memref<640x128xf32, #tpu.memory_space<vmem_shared>>) dst(%dma_wait3A_18 : memref<640x128xf32, #tpu.memory_space<hbm>>)
      tpu.yield
    }) : () -> ()
    return
  }
}

#map = affine_map<(d0, d1) -> (0, 0)>
#map1 = affine_map<(d0, d1) -> (0)>
module attributes {stable_mosaic.version = 14 : i64} {
  func.func @k(%arg0: i32, %arg1: i32, %arg2: memref<10000x128xf32, #tpu.memory_space<hbm>>, %arg3: memref<320000xi32, #tpu.memory_space<hbm>>, %arg4: memref<10000x128xf32, #tpu.memory_space<hbm>>, %arg5: memref<320000xi32, #tpu.memory_space<hbm>>, %arg6: memref<320000x128xf32, #tpu.memory_space<hbm>>, %arg7: memref<320000x128xf32, #tpu.memory_space<hbm>>, %arg8: memref<400xi32, #tpu.memory_space<vmem>>, %arg9: memref<400x128xf32, #tpu.memory_space<vmem>>, %arg10: memref<!tpu.dma_semaphore, #tpu.memory_space<semaphore_mem>>) attributes {dimension_semantics = [#tpu.dimension_semantics<core_parallel>, #tpu.dimension_semantics<subcore_parallel>], iteration_bounds = array<i64: 2, 16>, scalar_prefetch = 0 : i64, scratch_operands = 3 : i64, tpu.core_type = #tpu.core_type<sc_vector_subcore>, window_params = [{transform_indices = #map}, {transform_indices = #map1}, {transform_indices = #map}, {transform_indices = #map1}, {transform_indices = #map}, {transform_indices = #map}]} {
    %mul3A = arith.constant 2 : i32
    %mul3A_0 = arith.muli %arg1, %mul3A : i32
    %add3A = arith.addi %mul3A_0, %arg0 : i32
    %scan3A = arith.constant 0 : i32
    %scan3A_1 = arith.constant 0 : i32
    %scan3A_2 = arith.constant 25 : i32
    %scan3A_3 = arith.addi %scan3A_1, %scan3A_2 : i32
    %scan3A_4 = arith.constant 1 : i32
    scf.for %scan3A_12 = %scan3A_1 to %scan3A_3 step %scan3A_4  : i32 {
      %mul3A_13 = arith.constant 10000 : i32
      %mul3A_14 = arith.muli %add3A, %mul3A_13 : i32
      %mul3A_15 = arith.constant 400 : i32
      %mul3A_16 = arith.muli %scan3A_12, %mul3A_15 : i32
      %add3A_17 = arith.addi %mul3A_14, %mul3A_16 : i32
      "tpu.region"() ({
        %run_scoped3A = tpu.sem_alloc : memref<!tpu.dma_semaphore, #tpu.memory_space<semaphore_mem>>
        %dma_start3A_22 = tpu.memref_slice %arg3[%add3A_17] : memref<320000xi32, #tpu.memory_space<hbm>> -> memref<400xi32, #tpu.memory_space<hbm>>
        %dma_start3A_23 = tpu.memref_slice %arg3[%add3A_17] : memref<320000xi32, #tpu.memory_space<hbm>> -> memref<400xi32, #tpu.memory_space<hbm>>
        tpu.enqueue_dma source(%dma_start3A_23 : memref<400xi32, #tpu.memory_space<hbm>>) target(%arg8 : memref<400xi32, #tpu.memory_space<vmem>>) target_semaphore(%run_scoped3A : memref<!tpu.dma_semaphore, #tpu.memory_space<semaphore_mem>>)
        %dma_wait3A_24 = tpu.memref_slice %arg3[%add3A_17] : memref<320000xi32, #tpu.memory_space<hbm>> -> memref<400xi32, #tpu.memory_space<hbm>>
        %dma_wait3A_25 = tpu.memref_slice %arg3[%add3A_17] : memref<320000xi32, #tpu.memory_space<hbm>> -> memref<400xi32, #tpu.memory_space<hbm>>
        tpu.wait_dma2 semaphore(%run_scoped3A : memref<!tpu.dma_semaphore, #tpu.memory_space<semaphore_mem>>) src(%dma_wait3A_25 : memref<400xi32, #tpu.memory_space<hbm>>) dst(%arg8 : memref<400xi32, #tpu.memory_space<vmem>>)
        tpu.yield
      }) : () -> ()
      %dma_start3A = arith.constant 0 : i32
      %dma_start3A_18 = arith.constant 0 : i32
      %dma_start3A_19 = tpu.memref_slice %arg2[%dma_start3A, %dma_start3A_18] : memref<10000x128xf32, #tpu.memory_space<hbm>> -> memref<10000x128xf32, #tpu.memory_space<hbm>>
      tpu.enqueue_indirect_dma source(%dma_start3A_19 : memref<10000x128xf32, #tpu.memory_space<hbm>>) target(%arg9 : memref<400x128xf32, #tpu.memory_space<vmem>>) offsets(%arg8 : memref<400xi32, #tpu.memory_space<vmem>>) semaphore(%arg10 : memref<!tpu.dma_semaphore, #tpu.memory_space<semaphore_mem>>)
      %dma_wait3A = arith.constant 0 : i32
      %dma_wait3A_20 = arith.constant 0 : i32
      %dma_wait3A_21 = tpu.memref_slice %arg2[%dma_wait3A, %dma_wait3A_20] : memref<10000x128xf32, #tpu.memory_space<hbm>> -> memref<10000x128xf32, #tpu.memory_space<hbm>>
      tpu.wait_indirect_dma semaphore(%arg10 : memref<!tpu.dma_semaphore, #tpu.memory_space<semaphore_mem>>) src(%dma_wait3A_21 : memref<10000x128xf32, #tpu.memory_space<hbm>>) dst(%arg9 : memref<400x128xf32, #tpu.memory_space<vmem>>)
      "tpu.region"() ({
        %run_scoped3A = tpu.sem_alloc : memref<!tpu.dma_semaphore, #tpu.memory_space<semaphore_mem>>
        %dma_start3A_22 = arith.constant 0 : i32
        %dma_start3A_23 = tpu.memref_slice %arg6[%add3A_17, %dma_start3A_22] : memref<320000x128xf32, #tpu.memory_space<hbm>> -> memref<400x128xf32, #tpu.memory_space<hbm>>
        %dma_start3A_24 = arith.constant 0 : i32
        %dma_start3A_25 = tpu.memref_slice %arg6[%add3A_17, %dma_start3A_24] : memref<320000x128xf32, #tpu.memory_space<hbm>> -> memref<400x128xf32, #tpu.memory_space<hbm>>
        tpu.enqueue_dma source(%arg9 : memref<400x128xf32, #tpu.memory_space<vmem>>) target(%dma_start3A_25 : memref<400x128xf32, #tpu.memory_space<hbm>>) target_semaphore(%run_scoped3A : memref<!tpu.dma_semaphore, #tpu.memory_space<semaphore_mem>>)
        %dma_wait3A_26 = arith.constant 0 : i32
        %dma_wait3A_27 = tpu.memref_slice %arg6[%add3A_17, %dma_wait3A_26] : memref<320000x128xf32, #tpu.memory_space<hbm>> -> memref<400x128xf32, #tpu.memory_space<hbm>>
        %dma_wait3A_28 = arith.constant 0 : i32
        %dma_wait3A_29 = tpu.memref_slice %arg6[%add3A_17, %dma_wait3A_28] : memref<320000x128xf32, #tpu.memory_space<hbm>> -> memref<400x128xf32, #tpu.memory_space<hbm>>
        tpu.wait_dma2 semaphore(%run_scoped3A : memref<!tpu.dma_semaphore, #tpu.memory_space<semaphore_mem>>) src(%arg9 : memref<400x128xf32, #tpu.memory_space<vmem>>) dst(%dma_wait3A_29 : memref<400x128xf32, #tpu.memory_space<hbm>>)
        tpu.yield
      }) : () -> ()
    }
    %scan3A_5 = arith.constant 25 : i32
    %scan3A_6 = arith.constant 0 : i32
    %scan3A_7 = arith.constant 0 : i32
    %scan3A_8 = arith.constant 25 : i32
    %scan3A_9 = arith.addi %scan3A_7, %scan3A_8 : i32
    %scan3A_10 = arith.constant 1 : i32
    scf.for %scan3A_12 = %scan3A_7 to %scan3A_9 step %scan3A_10  : i32 {
      %mul3A_13 = arith.constant 10000 : i32
      %mul3A_14 = arith.muli %add3A, %mul3A_13 : i32
      %mul3A_15 = arith.constant 400 : i32
      %mul3A_16 = arith.muli %scan3A_12, %mul3A_15 : i32
      %add3A_17 = arith.addi %mul3A_14, %mul3A_16 : i32
      "tpu.region"() ({
        %run_scoped3A = tpu.sem_alloc : memref<!tpu.dma_semaphore, #tpu.memory_space<semaphore_mem>>
        %dma_start3A_22 = tpu.memref_slice %arg5[%add3A_17] : memref<320000xi32, #tpu.memory_space<hbm>> -> memref<400xi32, #tpu.memory_space<hbm>>
        %dma_start3A_23 = tpu.memref_slice %arg5[%add3A_17] : memref<320000xi32, #tpu.memory_space<hbm>> -> memref<400xi32, #tpu.memory_space<hbm>>
        tpu.enqueue_dma source(%dma_start3A_23 : memref<400xi32, #tpu.memory_space<hbm>>) target(%arg8 : memref<400xi32, #tpu.memory_space<vmem>>) target_semaphore(%run_scoped3A : memref<!tpu.dma_semaphore, #tpu.memory_space<semaphore_mem>>)
        %dma_wait3A_24 = tpu.memref_slice %arg5[%add3A_17] : memref<320000xi32, #tpu.memory_space<hbm>> -> memref<400xi32, #tpu.memory_space<hbm>>
        %dma_wait3A_25 = tpu.memref_slice %arg5[%add3A_17] : memref<320000xi32, #tpu.memory_space<hbm>> -> memref<400xi32, #tpu.memory_space<hbm>>
        tpu.wait_dma2 semaphore(%run_scoped3A : memref<!tpu.dma_semaphore, #tpu.memory_space<semaphore_mem>>) src(%dma_wait3A_25 : memref<400xi32, #tpu.memory_space<hbm>>) dst(%arg8 : memref<400xi32, #tpu.memory_space<vmem>>)
        tpu.yield
      }) : () -> ()
      %dma_start3A = arith.constant 0 : i32
      %dma_start3A_18 = arith.constant 0 : i32
      %dma_start3A_19 = tpu.memref_slice %arg4[%dma_start3A, %dma_start3A_18] : memref<10000x128xf32, #tpu.memory_space<hbm>> -> memref<10000x128xf32, #tpu.memory_space<hbm>>
      tpu.enqueue_indirect_dma source(%dma_start3A_19 : memref<10000x128xf32, #tpu.memory_space<hbm>>) target(%arg9 : memref<400x128xf32, #tpu.memory_space<vmem>>) offsets(%arg8 : memref<400xi32, #tpu.memory_space<vmem>>) semaphore(%arg10 : memref<!tpu.dma_semaphore, #tpu.memory_space<semaphore_mem>>)
      %dma_wait3A = arith.constant 0 : i32
      %dma_wait3A_20 = arith.constant 0 : i32
      %dma_wait3A_21 = tpu.memref_slice %arg4[%dma_wait3A, %dma_wait3A_20] : memref<10000x128xf32, #tpu.memory_space<hbm>> -> memref<10000x128xf32, #tpu.memory_space<hbm>>
      tpu.wait_indirect_dma semaphore(%arg10 : memref<!tpu.dma_semaphore, #tpu.memory_space<semaphore_mem>>) src(%dma_wait3A_21 : memref<10000x128xf32, #tpu.memory_space<hbm>>) dst(%arg9 : memref<400x128xf32, #tpu.memory_space<vmem>>)
      "tpu.region"() ({
        %run_scoped3A = tpu.sem_alloc : memref<!tpu.dma_semaphore, #tpu.memory_space<semaphore_mem>>
        %dma_start3A_22 = arith.constant 0 : i32
        %dma_start3A_23 = tpu.memref_slice %arg7[%add3A_17, %dma_start3A_22] : memref<320000x128xf32, #tpu.memory_space<hbm>> -> memref<400x128xf32, #tpu.memory_space<hbm>>
        %dma_start3A_24 = arith.constant 0 : i32
        %dma_start3A_25 = tpu.memref_slice %arg7[%add3A_17, %dma_start3A_24] : memref<320000x128xf32, #tpu.memory_space<hbm>> -> memref<400x128xf32, #tpu.memory_space<hbm>>
        tpu.enqueue_dma source(%arg9 : memref<400x128xf32, #tpu.memory_space<vmem>>) target(%dma_start3A_25 : memref<400x128xf32, #tpu.memory_space<hbm>>) target_semaphore(%run_scoped3A : memref<!tpu.dma_semaphore, #tpu.memory_space<semaphore_mem>>)
        %dma_wait3A_26 = arith.constant 0 : i32
        %dma_wait3A_27 = tpu.memref_slice %arg7[%add3A_17, %dma_wait3A_26] : memref<320000x128xf32, #tpu.memory_space<hbm>> -> memref<400x128xf32, #tpu.memory_space<hbm>>
        %dma_wait3A_28 = arith.constant 0 : i32
        %dma_wait3A_29 = tpu.memref_slice %arg7[%add3A_17, %dma_wait3A_28] : memref<320000x128xf32, #tpu.memory_space<hbm>> -> memref<400x128xf32, #tpu.memory_space<hbm>>
        tpu.wait_dma2 semaphore(%run_scoped3A : memref<!tpu.dma_semaphore, #tpu.memory_space<semaphore_mem>>) src(%arg9 : memref<400x128xf32, #tpu.memory_space<vmem>>) dst(%dma_wait3A_29 : memref<400x128xf32, #tpu.memory_space<hbm>>)
        tpu.yield
      }) : () -> ()
    }
    %scan3A_11 = arith.constant 25 : i32
    return
  }
}

#map = affine_map<(d0, d1) -> (0, 0)>
#map1 = affine_map<(d0, d1) -> (0)>
#map2 = affine_map<(d0, d1) -> (0, 0, 0)>
module attributes {stable_mosaic.version = 14 : i64} {
  func.func @k(%arg0: i32, %arg1: i32, %arg2: memref<320000x128xf32, #tpu.memory_space<hbm>>, %arg3: memref<320000xi32, #tpu.memory_space<hbm>>, %arg4: memref<640x128xf32, #tpu.memory_space<hbm>>, %arg5: memref<2x10240x128xf32, #tpu.memory_space<hbm>>, %arg6: memref<10240x128xf32, #tpu.memory_space<vmem_shared>>, %arg7: memref<200xi32, #tpu.memory_space<vmem>>, %arg8: memref<200x128xf32, #tpu.memory_space<vmem>>) attributes {dimension_semantics = [#tpu.dimension_semantics<core_parallel>, #tpu.dimension_semantics<subcore_parallel>], iteration_bounds = array<i64: 2, 16>, scalar_prefetch = 0 : i64, scratch_operands = 3 : i64, tpu.core_type = #tpu.core_type<sc_vector_subcore>, window_params = [{transform_indices = #map}, {transform_indices = #map1}, {transform_indices = #map}, {transform_indices = #map2}]} {
    %mul3A = arith.constant 2 : i32
    %mul3A_0 = arith.muli %arg1, %mul3A : i32
    %add3A = arith.addi %mul3A_0, %arg0 : i32
    %mul3A_1 = arith.constant 640 : i32
    %mul3A_2 = arith.muli %arg1, %mul3A_1 : i32
    "tpu.region"() ({
      %run_scoped3A = tpu.sem_alloc : memref<!tpu.dma_semaphore, #tpu.memory_space<semaphore_mem>>
      %dma_start3A = arith.constant 0 : i32
      %dma_start3A_13 = tpu.memref_slice %arg6[%mul3A_2, %dma_start3A] : memref<10240x128xf32, #tpu.memory_space<vmem_shared>> -> memref<640x128xf32, #tpu.memory_space<vmem_shared>>
      tpu.enqueue_dma source(%arg4 : memref<640x128xf32, #tpu.memory_space<hbm>>) target(%dma_start3A_13 : memref<640x128xf32, #tpu.memory_space<vmem_shared>>) target_semaphore(%run_scoped3A : memref<!tpu.dma_semaphore, #tpu.memory_space<semaphore_mem>>)
      %dma_wait3A = arith.constant 0 : i32
      %dma_wait3A_14 = tpu.memref_slice %arg6[%mul3A_2, %dma_wait3A] : memref<10240x128xf32, #tpu.memory_space<vmem_shared>> -> memref<640x128xf32, #tpu.memory_space<vmem_shared>>
      tpu.wait_dma2 semaphore(%run_scoped3A : memref<!tpu.dma_semaphore, #tpu.memory_space<semaphore_mem>>) src(%arg4 : memref<640x128xf32, #tpu.memory_space<hbm>>) dst(%dma_wait3A_14 : memref<640x128xf32, #tpu.memory_space<vmem_shared>>)
      tpu.yield
    }) : () -> ()
    %barrier3A = arith.constant 0 : index
    tpu.barrier barrier_id(%barrier3A)
    %scan3A = arith.constant 0 : i32
    %scan3A_3 = arith.constant 0 : i32
    %scan3A_4 = arith.constant 50 : i32
    %scan3A_5 = arith.addi %scan3A_3, %scan3A_4 : i32
    %scan3A_6 = arith.constant 1 : i32
    scf.for %scan3A_13 = %scan3A_3 to %scan3A_5 step %scan3A_6  : i32 {
      %mul3A_14 = arith.constant 10000 : i32
      %mul3A_15 = arith.muli %add3A, %mul3A_14 : i32
      %mul3A_16 = arith.constant 200 : i32
      %mul3A_17 = arith.muli %scan3A_13, %mul3A_16 : i32
      %add3A_18 = arith.addi %mul3A_15, %mul3A_17 : i32
      "tpu.region"() ({
        %run_scoped3A = tpu.sem_alloc : memref<!tpu.dma_semaphore, #tpu.memory_space<semaphore_mem>>
        %dma_start3A = tpu.memref_slice %arg3[%add3A_18] : memref<320000xi32, #tpu.memory_space<hbm>> -> memref<200xi32, #tpu.memory_space<hbm>>
        %dma_start3A_19 = tpu.memref_slice %arg3[%add3A_18] : memref<320000xi32, #tpu.memory_space<hbm>> -> memref<200xi32, #tpu.memory_space<hbm>>
        tpu.enqueue_dma source(%dma_start3A_19 : memref<200xi32, #tpu.memory_space<hbm>>) target(%arg7 : memref<200xi32, #tpu.memory_space<vmem>>) target_semaphore(%run_scoped3A : memref<!tpu.dma_semaphore, #tpu.memory_space<semaphore_mem>>)
        %dma_wait3A = tpu.memref_slice %arg3[%add3A_18] : memref<320000xi32, #tpu.memory_space<hbm>> -> memref<200xi32, #tpu.memory_space<hbm>>
        %dma_wait3A_20 = tpu.memref_slice %arg3[%add3A_18] : memref<320000xi32, #tpu.memory_space<hbm>> -> memref<200xi32, #tpu.memory_space<hbm>>
        tpu.wait_dma2 semaphore(%run_scoped3A : memref<!tpu.dma_semaphore, #tpu.memory_space<semaphore_mem>>) src(%dma_wait3A_20 : memref<200xi32, #tpu.memory_space<hbm>>) dst(%arg7 : memref<200xi32, #tpu.memory_space<vmem>>)
        tpu.yield
      }) : () -> ()
      "tpu.region"() ({
        %run_scoped3A = tpu.sem_alloc : memref<!tpu.dma_semaphore, #tpu.memory_space<semaphore_mem>>
        %dma_start3A = arith.constant 0 : i32
        %dma_start3A_19 = tpu.memref_slice %arg2[%add3A_18, %dma_start3A] : memref<320000x128xf32, #tpu.memory_space<hbm>> -> memref<200x128xf32, #tpu.memory_space<hbm>>
        %dma_start3A_20 = arith.constant 0 : i32
        %dma_start3A_21 = tpu.memref_slice %arg2[%add3A_18, %dma_start3A_20] : memref<320000x128xf32, #tpu.memory_space<hbm>> -> memref<200x128xf32, #tpu.memory_space<hbm>>
        tpu.enqueue_dma source(%dma_start3A_21 : memref<200x128xf32, #tpu.memory_space<hbm>>) target(%arg8 : memref<200x128xf32, #tpu.memory_space<vmem>>) target_semaphore(%run_scoped3A : memref<!tpu.dma_semaphore, #tpu.memory_space<semaphore_mem>>)
        %dma_wait3A = arith.constant 0 : i32
        %dma_wait3A_22 = tpu.memref_slice %arg2[%add3A_18, %dma_wait3A] : memref<320000x128xf32, #tpu.memory_space<hbm>> -> memref<200x128xf32, #tpu.memory_space<hbm>>
        %dma_wait3A_23 = arith.constant 0 : i32
        %dma_wait3A_24 = tpu.memref_slice %arg2[%add3A_18, %dma_wait3A_23] : memref<320000x128xf32, #tpu.memory_space<hbm>> -> memref<200x128xf32, #tpu.memory_space<hbm>>
        tpu.wait_dma2 semaphore(%run_scoped3A : memref<!tpu.dma_semaphore, #tpu.memory_space<semaphore_mem>>) src(%dma_wait3A_24 : memref<200x128xf32, #tpu.memory_space<hbm>>) dst(%arg8 : memref<200x128xf32, #tpu.memory_space<vmem>>)
        tpu.yield
      }) : () -> ()
      "tpu.region"() ({
        %run_scoped3A = tpu.sem_alloc : memref<!tpu.dma_semaphore, #tpu.memory_space<semaphore_mem>>
        %dma_start3A = arith.constant 0 : i32
        %dma_start3A_19 = arith.constant 0 : i32
        %dma_start3A_20 = tpu.memref_slice %arg6[%dma_start3A, %dma_start3A_19] : memref<10240x128xf32, #tpu.memory_space<vmem_shared>> -> memref<10240x128xf32, #tpu.memory_space<vmem_shared>>
        tpu.enqueue_indirect_dma source(%arg8 : memref<200x128xf32, #tpu.memory_space<vmem>>) target(%dma_start3A_20 : memref<10240x128xf32, #tpu.memory_space<vmem_shared>>) offsets(%arg7 : memref<200xi32, #tpu.memory_space<vmem>>) semaphore(%run_scoped3A : memref<!tpu.dma_semaphore, #tpu.memory_space<semaphore_mem>>) {add = true}
        %dma_wait3A = arith.constant 0 : i32
        %dma_wait3A_21 = arith.constant 0 : i32
        %dma_wait3A_22 = tpu.memref_slice %arg6[%dma_wait3A, %dma_wait3A_21] : memref<10240x128xf32, #tpu.memory_space<vmem_shared>> -> memref<10240x128xf32, #tpu.memory_space<vmem_shared>>
        tpu.wait_indirect_dma semaphore(%run_scoped3A : memref<!tpu.dma_semaphore, #tpu.memory_space<semaphore_mem>>) src(%arg8 : memref<200x128xf32, #tpu.memory_space<vmem>>) dst(%dma_wait3A_22 : memref<10240x128xf32, #tpu.memory_space<vmem_shared>>)
        tpu.yield
      }) : () -> ()
    }
    %scan3A_7 = arith.constant 50 : i32
    %barrier3A_8 = arith.constant 0 : index
    tpu.barrier barrier_id(%barrier3A_8)
    %mul3A_9 = arith.constant 640 : i32
    %mul3A_10 = arith.muli %arg1, %mul3A_9 : i32
    %mul3A_11 = arith.constant 640 : i32
    %mul3A_12 = arith.muli %arg1, %mul3A_11 : i32
    "tpu.region"() ({
      %run_scoped3A = tpu.sem_alloc : memref<!tpu.dma_semaphore, #tpu.memory_space<semaphore_mem>>
      %dma_start3A = arith.constant 0 : i32
      %dma_start3A_13 = tpu.memref_slice %arg5[%arg0, %mul3A_12, %dma_start3A] : memref<2x10240x128xf32, #tpu.memory_space<hbm>> -> memref<1x640x128xf32, #tpu.memory_space<hbm>>
      %dma_start3A_14 = tpu.memref_squeeze %dma_start3A_13 : memref<1x640x128xf32, #tpu.memory_space<hbm>> -> memref<640x128xf32, #tpu.memory_space<hbm>>
      %dma_start3A_15 = arith.constant 0 : i32
      %dma_start3A_16 = tpu.memref_slice %arg6[%mul3A_10, %dma_start3A_15] : memref<10240x128xf32, #tpu.memory_space<vmem_shared>> -> memref<640x128xf32, #tpu.memory_space<vmem_shared>>
      tpu.enqueue_dma source(%dma_start3A_16 : memref<640x128xf32, #tpu.memory_space<vmem_shared>>) target(%dma_start3A_14 : memref<640x128xf32, #tpu.memory_space<hbm>>) target_semaphore(%run_scoped3A : memref<!tpu.dma_semaphore, #tpu.memory_space<semaphore_mem>>)
      %dma_wait3A = arith.constant 0 : i32
      %dma_wait3A_17 = tpu.memref_slice %arg5[%arg0, %mul3A_12, %dma_wait3A] : memref<2x10240x128xf32, #tpu.memory_space<hbm>> -> memref<1x640x128xf32, #tpu.memory_space<hbm>>
      %dma_wait3A_18 = tpu.memref_squeeze %dma_wait3A_17 : memref<1x640x128xf32, #tpu.memory_space<hbm>> -> memref<640x128xf32, #tpu.memory_space<hbm>>
      %dma_wait3A_19 = arith.constant 0 : i32
      %dma_wait3A_20 = tpu.memref_slice %arg6[%mul3A_10, %dma_wait3A_19] : memref<10240x128xf32, #tpu.memory_space<vmem_shared>> -> memref<640x128xf32, #tpu.memory_space<vmem_shared>>
      tpu.wait_dma2 semaphore(%run_scoped3A : memref<!tpu.dma_semaphore, #tpu.memory_space<semaphore_mem>>) src(%dma_wait3A_20 : memref<640x128xf32, #tpu.memory_space<vmem_shared>>) dst(%dma_wait3A_18 : memref<640x128xf32, #tpu.memory_space<hbm>>)
      tpu.yield
    }) : () -> ()
    return
  }
}

#map = affine_map<(d0, d1) -> (0, 0)>
#map1 = affine_map<(d0, d1) -> (0)>
#map2 = affine_map<(d0, d1) -> (0, 0, 0)>
module attributes {stable_mosaic.version = 14 : i64} {
  func.func @k(%arg0: i32, %arg1: i32, %arg2: memref<320000x128xf32, #tpu.memory_space<hbm>>, %arg3: memref<320000xi32, #tpu.memory_space<hbm>>, %arg4: memref<640x128xf32, #tpu.memory_space<hbm>>, %arg5: memref<2x10240x128xf32, #tpu.memory_space<hbm>>, %arg6: memref<10240x128xf32, #tpu.memory_space<vmem_shared>>, %arg7: memref<200xi32, #tpu.memory_space<vmem>>, %arg8: memref<200x128xf32, #tpu.memory_space<vmem>>) attributes {dimension_semantics = [#tpu.dimension_semantics<core_parallel>, #tpu.dimension_semantics<subcore_parallel>], iteration_bounds = array<i64: 2, 16>, scalar_prefetch = 0 : i64, scratch_operands = 3 : i64, tpu.core_type = #tpu.core_type<sc_vector_subcore>, window_params = [{transform_indices = #map}, {transform_indices = #map1}, {transform_indices = #map}, {transform_indices = #map2}]} {
    %mul3A = arith.constant 2 : i32
    %mul3A_0 = arith.muli %arg1, %mul3A : i32
    %add3A = arith.addi %mul3A_0, %arg0 : i32
    %mul3A_1 = arith.constant 640 : i32
    %mul3A_2 = arith.muli %arg1, %mul3A_1 : i32
    "tpu.region"() ({
      %run_scoped3A = tpu.sem_alloc : memref<!tpu.dma_semaphore, #tpu.memory_space<semaphore_mem>>
      %dma_start3A = arith.constant 0 : i32
      %dma_start3A_13 = tpu.memref_slice %arg6[%mul3A_2, %dma_start3A] : memref<10240x128xf32, #tpu.memory_space<vmem_shared>> -> memref<640x128xf32, #tpu.memory_space<vmem_shared>>
      tpu.enqueue_dma source(%arg4 : memref<640x128xf32, #tpu.memory_space<hbm>>) target(%dma_start3A_13 : memref<640x128xf32, #tpu.memory_space<vmem_shared>>) target_semaphore(%run_scoped3A : memref<!tpu.dma_semaphore, #tpu.memory_space<semaphore_mem>>)
      %dma_wait3A = arith.constant 0 : i32
      %dma_wait3A_14 = tpu.memref_slice %arg6[%mul3A_2, %dma_wait3A] : memref<10240x128xf32, #tpu.memory_space<vmem_shared>> -> memref<640x128xf32, #tpu.memory_space<vmem_shared>>
      tpu.wait_dma2 semaphore(%run_scoped3A : memref<!tpu.dma_semaphore, #tpu.memory_space<semaphore_mem>>) src(%arg4 : memref<640x128xf32, #tpu.memory_space<hbm>>) dst(%dma_wait3A_14 : memref<640x128xf32, #tpu.memory_space<vmem_shared>>)
      tpu.yield
    }) : () -> ()
    %barrier3A = arith.constant 0 : index
    tpu.barrier barrier_id(%barrier3A)
    %scan3A = arith.constant 0 : i32
    %scan3A_3 = arith.constant 0 : i32
    %scan3A_4 = arith.constant 50 : i32
    %scan3A_5 = arith.addi %scan3A_3, %scan3A_4 : i32
    %scan3A_6 = arith.constant 1 : i32
    scf.for %scan3A_13 = %scan3A_3 to %scan3A_5 step %scan3A_6  : i32 {
      %mul3A_14 = arith.constant 10000 : i32
      %mul3A_15 = arith.muli %add3A, %mul3A_14 : i32
      %mul3A_16 = arith.constant 200 : i32
      %mul3A_17 = arith.muli %scan3A_13, %mul3A_16 : i32
      %add3A_18 = arith.addi %mul3A_15, %mul3A_17 : i32
      "tpu.region"() ({
        %run_scoped3A = tpu.sem_alloc : memref<!tpu.dma_semaphore, #tpu.memory_space<semaphore_mem>>
        %dma_start3A = tpu.memref_slice %arg3[%add3A_18] : memref<320000xi32, #tpu.memory_space<hbm>> -> memref<200xi32, #tpu.memory_space<hbm>>
        %dma_start3A_19 = tpu.memref_slice %arg3[%add3A_18] : memref<320000xi32, #tpu.memory_space<hbm>> -> memref<200xi32, #tpu.memory_space<hbm>>
        tpu.enqueue_dma source(%dma_start3A_19 : memref<200xi32, #tpu.memory_space<hbm>>) target(%arg7 : memref<200xi32, #tpu.memory_space<vmem>>) target_semaphore(%run_scoped3A : memref<!tpu.dma_semaphore, #tpu.memory_space<semaphore_mem>>)
        %dma_wait3A = tpu.memref_slice %arg3[%add3A_18] : memref<320000xi32, #tpu.memory_space<hbm>> -> memref<200xi32, #tpu.memory_space<hbm>>
        %dma_wait3A_20 = tpu.memref_slice %arg3[%add3A_18] : memref<320000xi32, #tpu.memory_space<hbm>> -> memref<200xi32, #tpu.memory_space<hbm>>
        tpu.wait_dma2 semaphore(%run_scoped3A : memref<!tpu.dma_semaphore, #tpu.memory_space<semaphore_mem>>) src(%dma_wait3A_20 : memref<200xi32, #tpu.memory_space<hbm>>) dst(%arg7 : memref<200xi32, #tpu.memory_space<vmem>>)
        tpu.yield
      }) : () -> ()
      "tpu.region"() ({
        %run_scoped3A = tpu.sem_alloc : memref<!tpu.dma_semaphore, #tpu.memory_space<semaphore_mem>>
        %dma_start3A = arith.constant 0 : i32
        %dma_start3A_19 = tpu.memref_slice %arg2[%add3A_18, %dma_start3A] : memref<320000x128xf32, #tpu.memory_space<hbm>> -> memref<200x128xf32, #tpu.memory_space<hbm>>
        %dma_start3A_20 = arith.constant 0 : i32
        %dma_start3A_21 = tpu.memref_slice %arg2[%add3A_18, %dma_start3A_20] : memref<320000x128xf32, #tpu.memory_space<hbm>> -> memref<200x128xf32, #tpu.memory_space<hbm>>
        tpu.enqueue_dma source(%dma_start3A_21 : memref<200x128xf32, #tpu.memory_space<hbm>>) target(%arg8 : memref<200x128xf32, #tpu.memory_space<vmem>>) target_semaphore(%run_scoped3A : memref<!tpu.dma_semaphore, #tpu.memory_space<semaphore_mem>>)
        %dma_wait3A = arith.constant 0 : i32
        %dma_wait3A_22 = tpu.memref_slice %arg2[%add3A_18, %dma_wait3A] : memref<320000x128xf32, #tpu.memory_space<hbm>> -> memref<200x128xf32, #tpu.memory_space<hbm>>
        %dma_wait3A_23 = arith.constant 0 : i32
        %dma_wait3A_24 = tpu.memref_slice %arg2[%add3A_18, %dma_wait3A_23] : memref<320000x128xf32, #tpu.memory_space<hbm>> -> memref<200x128xf32, #tpu.memory_space<hbm>>
        tpu.wait_dma2 semaphore(%run_scoped3A : memref<!tpu.dma_semaphore, #tpu.memory_space<semaphore_mem>>) src(%dma_wait3A_24 : memref<200x128xf32, #tpu.memory_space<hbm>>) dst(%arg8 : memref<200x128xf32, #tpu.memory_space<vmem>>)
        tpu.yield
      }) : () -> ()
      "tpu.region"() ({
        %run_scoped3A = tpu.sem_alloc : memref<!tpu.dma_semaphore, #tpu.memory_space<semaphore_mem>>
        %dma_start3A = arith.constant 0 : i32
        %dma_start3A_19 = arith.constant 0 : i32
        %dma_start3A_20 = tpu.memref_slice %arg6[%dma_start3A, %dma_start3A_19] : memref<10240x128xf32, #tpu.memory_space<vmem_shared>> -> memref<10240x128xf32, #tpu.memory_space<vmem_shared>>
        tpu.enqueue_indirect_dma source(%arg8 : memref<200x128xf32, #tpu.memory_space<vmem>>) target(%dma_start3A_20 : memref<10240x128xf32, #tpu.memory_space<vmem_shared>>) offsets(%arg7 : memref<200xi32, #tpu.memory_space<vmem>>) semaphore(%run_scoped3A : memref<!tpu.dma_semaphore, #tpu.memory_space<semaphore_mem>>) {add = true}
        %dma_wait3A = arith.constant 0 : i32
        %dma_wait3A_21 = arith.constant 0 : i32
        %dma_wait3A_22 = tpu.memref_slice %arg6[%dma_wait3A, %dma_wait3A_21] : memref<10240x128xf32, #tpu.memory_space<vmem_shared>> -> memref<10240x128xf32, #tpu.memory_space<vmem_shared>>
        tpu.wait_indirect_dma semaphore(%run_scoped3A : memref<!tpu.dma_semaphore, #tpu.memory_space<semaphore_mem>>) src(%arg8 : memref<200x128xf32, #tpu.memory_space<vmem>>) dst(%dma_wait3A_22 : memref<10240x128xf32, #tpu.memory_space<vmem_shared>>)
        tpu.yield
      }) : () -> ()
    }
    %scan3A_7 = arith.constant 50 : i32
    %barrier3A_8 = arith.constant 0 : index
    tpu.barrier barrier_id(%barrier3A_8)
    %mul3A_9 = arith.constant 640 : i32
    %mul3A_10 = arith.muli %arg1, %mul3A_9 : i32
    %mul3A_11 = arith.constant 640 : i32
    %mul3A_12 = arith.muli %arg1, %mul3A_11 : i32
    "tpu.region"() ({
      %run_scoped3A = tpu.sem_alloc : memref<!tpu.dma_semaphore, #tpu.memory_space<semaphore_mem>>
      %dma_start3A = arith.constant 0 : i32
      %dma_start3A_13 = tpu.memref_slice %arg5[%arg0, %mul3A_12, %dma_start3A] : memref<2x10240x128xf32, #tpu.memory_space<hbm>> -> memref<1x640x128xf32, #tpu.memory_space<hbm>>
      %dma_start3A_14 = tpu.memref_squeeze %dma_start3A_13 : memref<1x640x128xf32, #tpu.memory_space<hbm>> -> memref<640x128xf32, #tpu.memory_space<hbm>>
      %dma_start3A_15 = arith.constant 0 : i32
      %dma_start3A_16 = tpu.memref_slice %arg6[%mul3A_10, %dma_start3A_15] : memref<10240x128xf32, #tpu.memory_space<vmem_shared>> -> memref<640x128xf32, #tpu.memory_space<vmem_shared>>
      tpu.enqueue_dma source(%dma_start3A_16 : memref<640x128xf32, #tpu.memory_space<vmem_shared>>) target(%dma_start3A_14 : memref<640x128xf32, #tpu.memory_space<hbm>>) target_semaphore(%run_scoped3A : memref<!tpu.dma_semaphore, #tpu.memory_space<semaphore_mem>>)
      %dma_wait3A = arith.constant 0 : i32
      %dma_wait3A_17 = tpu.memref_slice %arg5[%arg0, %mul3A_12, %dma_wait3A] : memref<2x10240x128xf32, #tpu.memory_space<hbm>> -> memref<1x640x128xf32, #tpu.memory_space<hbm>>
      %dma_wait3A_18 = tpu.memref_squeeze %dma_wait3A_17 : memref<1x640x128xf32, #tpu.memory_space<hbm>> -> memref<640x128xf32, #tpu.memory_space<hbm>>
      %dma_wait3A_19 = arith.constant 0 : i32
      %dma_wait3A_20 = tpu.memref_slice %arg6[%mul3A_10, %dma_wait3A_19] : memref<10240x128xf32, #tpu.memory_space<vmem_shared>> -> memref<640x128xf32, #tpu.memory_space<vmem_shared>>
      tpu.wait_dma2 semaphore(%run_scoped3A : memref<!tpu.dma_semaphore, #tpu.memory_space<semaphore_mem>>) src(%dma_wait3A_20 : memref<640x128xf32, #tpu.memory_space<vmem_shared>>) dst(%dma_wait3A_18 : memref<640x128xf32, #tpu.memory_space<hbm>>)
      tpu.yield
    }) : () -> ()
    return
  }
}

#map = affine_map<(d0, d1) -> (0, 0)>
#map1 = affine_map<(d0, d1) -> (0)>
#map2 = affine_map<(d0, d1) -> (0, 0, 0)>
module attributes {stable_mosaic.version = 14 : i64} {
  func.func @k(%arg0: i32, %arg1: i32, %arg2: memref<320000x128xf32, #tpu.memory_space<hbm>>, %arg3: memref<320000xi32, #tpu.memory_space<hbm>>, %arg4: memref<640x128xf32, #tpu.memory_space<hbm>>, %arg5: memref<2x10240x128xf32, #tpu.memory_space<hbm>>, %arg6: memref<10240x128xf32, #tpu.memory_space<vmem_shared>>, %arg7: memref<200xi32, #tpu.memory_space<vmem>>, %arg8: memref<200x128xf32, #tpu.memory_space<vmem>>) attributes {dimension_semantics = [#tpu.dimension_semantics<core_parallel>, #tpu.dimension_semantics<subcore_parallel>], iteration_bounds = array<i64: 2, 16>, scalar_prefetch = 0 : i64, scratch_operands = 3 : i64, tpu.core_type = #tpu.core_type<sc_vector_subcore>, window_params = [{transform_indices = #map}, {transform_indices = #map1}, {transform_indices = #map}, {transform_indices = #map2}]} {
    %mul3A = arith.constant 2 : i32
    %mul3A_0 = arith.muli %arg1, %mul3A : i32
    %add3A = arith.addi %mul3A_0, %arg0 : i32
    %mul3A_1 = arith.constant 640 : i32
    %mul3A_2 = arith.muli %arg1, %mul3A_1 : i32
    "tpu.region"() ({
      %run_scoped3A = tpu.sem_alloc : memref<!tpu.dma_semaphore, #tpu.memory_space<semaphore_mem>>
      %dma_start3A = arith.constant 0 : i32
      %dma_start3A_13 = tpu.memref_slice %arg6[%mul3A_2, %dma_start3A] : memref<10240x128xf32, #tpu.memory_space<vmem_shared>> -> memref<640x128xf32, #tpu.memory_space<vmem_shared>>
      tpu.enqueue_dma source(%arg4 : memref<640x128xf32, #tpu.memory_space<hbm>>) target(%dma_start3A_13 : memref<640x128xf32, #tpu.memory_space<vmem_shared>>) target_semaphore(%run_scoped3A : memref<!tpu.dma_semaphore, #tpu.memory_space<semaphore_mem>>)
      %dma_wait3A = arith.constant 0 : i32
      %dma_wait3A_14 = tpu.memref_slice %arg6[%mul3A_2, %dma_wait3A] : memref<10240x128xf32, #tpu.memory_space<vmem_shared>> -> memref<640x128xf32, #tpu.memory_space<vmem_shared>>
      tpu.wait_dma2 semaphore(%run_scoped3A : memref<!tpu.dma_semaphore, #tpu.memory_space<semaphore_mem>>) src(%arg4 : memref<640x128xf32, #tpu.memory_space<hbm>>) dst(%dma_wait3A_14 : memref<640x128xf32, #tpu.memory_space<vmem_shared>>)
      tpu.yield
    }) : () -> ()
    %barrier3A = arith.constant 0 : index
    tpu.barrier barrier_id(%barrier3A)
    %scan3A = arith.constant 0 : i32
    %scan3A_3 = arith.constant 0 : i32
    %scan3A_4 = arith.constant 50 : i32
    %scan3A_5 = arith.addi %scan3A_3, %scan3A_4 : i32
    %scan3A_6 = arith.constant 1 : i32
    scf.for %scan3A_13 = %scan3A_3 to %scan3A_5 step %scan3A_6  : i32 {
      %mul3A_14 = arith.constant 10000 : i32
      %mul3A_15 = arith.muli %add3A, %mul3A_14 : i32
      %mul3A_16 = arith.constant 200 : i32
      %mul3A_17 = arith.muli %scan3A_13, %mul3A_16 : i32
      %add3A_18 = arith.addi %mul3A_15, %mul3A_17 : i32
      "tpu.region"() ({
        %run_scoped3A = tpu.sem_alloc : memref<!tpu.dma_semaphore, #tpu.memory_space<semaphore_mem>>
        %dma_start3A = tpu.memref_slice %arg3[%add3A_18] : memref<320000xi32, #tpu.memory_space<hbm>> -> memref<200xi32, #tpu.memory_space<hbm>>
        %dma_start3A_19 = tpu.memref_slice %arg3[%add3A_18] : memref<320000xi32, #tpu.memory_space<hbm>> -> memref<200xi32, #tpu.memory_space<hbm>>
        tpu.enqueue_dma source(%dma_start3A_19 : memref<200xi32, #tpu.memory_space<hbm>>) target(%arg7 : memref<200xi32, #tpu.memory_space<vmem>>) target_semaphore(%run_scoped3A : memref<!tpu.dma_semaphore, #tpu.memory_space<semaphore_mem>>)
        %dma_wait3A = tpu.memref_slice %arg3[%add3A_18] : memref<320000xi32, #tpu.memory_space<hbm>> -> memref<200xi32, #tpu.memory_space<hbm>>
        %dma_wait3A_20 = tpu.memref_slice %arg3[%add3A_18] : memref<320000xi32, #tpu.memory_space<hbm>> -> memref<200xi32, #tpu.memory_space<hbm>>
        tpu.wait_dma2 semaphore(%run_scoped3A : memref<!tpu.dma_semaphore, #tpu.memory_space<semaphore_mem>>) src(%dma_wait3A_20 : memref<200xi32, #tpu.memory_space<hbm>>) dst(%arg7 : memref<200xi32, #tpu.memory_space<vmem>>)
        tpu.yield
      }) : () -> ()
      "tpu.region"() ({
        %run_scoped3A = tpu.sem_alloc : memref<!tpu.dma_semaphore, #tpu.memory_space<semaphore_mem>>
        %dma_start3A = arith.constant 0 : i32
        %dma_start3A_19 = tpu.memref_slice %arg2[%add3A_18, %dma_start3A] : memref<320000x128xf32, #tpu.memory_space<hbm>> -> memref<200x128xf32, #tpu.memory_space<hbm>>
        %dma_start3A_20 = arith.constant 0 : i32
        %dma_start3A_21 = tpu.memref_slice %arg2[%add3A_18, %dma_start3A_20] : memref<320000x128xf32, #tpu.memory_space<hbm>> -> memref<200x128xf32, #tpu.memory_space<hbm>>
        tpu.enqueue_dma source(%dma_start3A_21 : memref<200x128xf32, #tpu.memory_space<hbm>>) target(%arg8 : memref<200x128xf32, #tpu.memory_space<vmem>>) target_semaphore(%run_scoped3A : memref<!tpu.dma_semaphore, #tpu.memory_space<semaphore_mem>>)
        %dma_wait3A = arith.constant 0 : i32
        %dma_wait3A_22 = tpu.memref_slice %arg2[%add3A_18, %dma_wait3A] : memref<320000x128xf32, #tpu.memory_space<hbm>> -> memref<200x128xf32, #tpu.memory_space<hbm>>
        %dma_wait3A_23 = arith.constant 0 : i32
        %dma_wait3A_24 = tpu.memref_slice %arg2[%add3A_18, %dma_wait3A_23] : memref<320000x128xf32, #tpu.memory_space<hbm>> -> memref<200x128xf32, #tpu.memory_space<hbm>>
        tpu.wait_dma2 semaphore(%run_scoped3A : memref<!tpu.dma_semaphore, #tpu.memory_space<semaphore_mem>>) src(%dma_wait3A_24 : memref<200x128xf32, #tpu.memory_space<hbm>>) dst(%arg8 : memref<200x128xf32, #tpu.memory_space<vmem>>)
        tpu.yield
      }) : () -> ()
      "tpu.region"() ({
        %run_scoped3A = tpu.sem_alloc : memref<!tpu.dma_semaphore, #tpu.memory_space<semaphore_mem>>
        %dma_start3A = arith.constant 0 : i32
        %dma_start3A_19 = arith.constant 0 : i32
        %dma_start3A_20 = tpu.memref_slice %arg6[%dma_start3A, %dma_start3A_19] : memref<10240x128xf32, #tpu.memory_space<vmem_shared>> -> memref<10240x128xf32, #tpu.memory_space<vmem_shared>>
        tpu.enqueue_indirect_dma source(%arg8 : memref<200x128xf32, #tpu.memory_space<vmem>>) target(%dma_start3A_20 : memref<10240x128xf32, #tpu.memory_space<vmem_shared>>) offsets(%arg7 : memref<200xi32, #tpu.memory_space<vmem>>) semaphore(%run_scoped3A : memref<!tpu.dma_semaphore, #tpu.memory_space<semaphore_mem>>) {add = true}
        %dma_wait3A = arith.constant 0 : i32
        %dma_wait3A_21 = arith.constant 0 : i32
        %dma_wait3A_22 = tpu.memref_slice %arg6[%dma_wait3A, %dma_wait3A_21] : memref<10240x128xf32, #tpu.memory_space<vmem_shared>> -> memref<10240x128xf32, #tpu.memory_space<vmem_shared>>
        tpu.wait_indirect_dma semaphore(%run_scoped3A : memref<!tpu.dma_semaphore, #tpu.memory_space<semaphore_mem>>) src(%arg8 : memref<200x128xf32, #tpu.memory_space<vmem>>) dst(%dma_wait3A_22 : memref<10240x128xf32, #tpu.memory_space<vmem_shared>>)
        tpu.yield
      }) : () -> ()
    }
    %scan3A_7 = arith.constant 50 : i32
    %barrier3A_8 = arith.constant 0 : index
    tpu.barrier barrier_id(%barrier3A_8)
    %mul3A_9 = arith.constant 640 : i32
    %mul3A_10 = arith.muli %arg1, %mul3A_9 : i32
    %mul3A_11 = arith.constant 640 : i32
    %mul3A_12 = arith.muli %arg1, %mul3A_11 : i32
    "tpu.region"() ({
      %run_scoped3A = tpu.sem_alloc : memref<!tpu.dma_semaphore, #tpu.memory_space<semaphore_mem>>
      %dma_start3A = arith.constant 0 : i32
      %dma_start3A_13 = tpu.memref_slice %arg5[%arg0, %mul3A_12, %dma_start3A] : memref<2x10240x128xf32, #tpu.memory_space<hbm>> -> memref<1x640x128xf32, #tpu.memory_space<hbm>>
      %dma_start3A_14 = tpu.memref_squeeze %dma_start3A_13 : memref<1x640x128xf32, #tpu.memory_space<hbm>> -> memref<640x128xf32, #tpu.memory_space<hbm>>
      %dma_start3A_15 = arith.constant 0 : i32
      %dma_start3A_16 = tpu.memref_slice %arg6[%mul3A_10, %dma_start3A_15] : memref<10240x128xf32, #tpu.memory_space<vmem_shared>> -> memref<640x128xf32, #tpu.memory_space<vmem_shared>>
      tpu.enqueue_dma source(%dma_start3A_16 : memref<640x128xf32, #tpu.memory_space<vmem_shared>>) target(%dma_start3A_14 : memref<640x128xf32, #tpu.memory_space<hbm>>) target_semaphore(%run_scoped3A : memref<!tpu.dma_semaphore, #tpu.memory_space<semaphore_mem>>)
      %dma_wait3A = arith.constant 0 : i32
      %dma_wait3A_17 = tpu.memref_slice %arg5[%arg0, %mul3A_12, %dma_wait3A] : memref<2x10240x128xf32, #tpu.memory_space<hbm>> -> memref<1x640x128xf32, #tpu.memory_space<hbm>>
      %dma_wait3A_18 = tpu.memref_squeeze %dma_wait3A_17 : memref<1x640x128xf32, #tpu.memory_space<hbm>> -> memref<640x128xf32, #tpu.memory_space<hbm>>
      %dma_wait3A_19 = arith.constant 0 : i32
      %dma_wait3A_20 = tpu.memref_slice %arg6[%mul3A_10, %dma_wait3A_19] : memref<10240x128xf32, #tpu.memory_space<vmem_shared>> -> memref<640x128xf32, #tpu.memory_space<vmem_shared>>
      tpu.wait_dma2 semaphore(%run_scoped3A : memref<!tpu.dma_semaphore, #tpu.memory_space<semaphore_mem>>) src(%dma_wait3A_20 : memref<640x128xf32, #tpu.memory_space<vmem_shared>>) dst(%dma_wait3A_18 : memref<640x128xf32, #tpu.memory_space<hbm>>)
      tpu.yield
    }) : () -> ()
    return
  }
}

#map = affine_map<(d0, d1) -> (0, 0)>
#map1 = affine_map<(d0, d1) -> (0)>
#map2 = affine_map<(d0, d1) -> (0, 0, 0)>
module attributes {stable_mosaic.version = 14 : i64} {
  func.func @k(%arg0: i32, %arg1: i32, %arg2: memref<320000x128xf32, #tpu.memory_space<hbm>>, %arg3: memref<320000xi32, #tpu.memory_space<hbm>>, %arg4: memref<640x128xf32, #tpu.memory_space<hbm>>, %arg5: memref<2x10240x128xf32, #tpu.memory_space<hbm>>, %arg6: memref<10240x128xf32, #tpu.memory_space<vmem_shared>>, %arg7: memref<200xi32, #tpu.memory_space<vmem>>, %arg8: memref<200x128xf32, #tpu.memory_space<vmem>>) attributes {dimension_semantics = [#tpu.dimension_semantics<core_parallel>, #tpu.dimension_semantics<subcore_parallel>], iteration_bounds = array<i64: 2, 16>, scalar_prefetch = 0 : i64, scratch_operands = 3 : i64, tpu.core_type = #tpu.core_type<sc_vector_subcore>, window_params = [{transform_indices = #map}, {transform_indices = #map1}, {transform_indices = #map}, {transform_indices = #map2}]} {
    %mul3A = arith.constant 2 : i32
    %mul3A_0 = arith.muli %arg1, %mul3A : i32
    %add3A = arith.addi %mul3A_0, %arg0 : i32
    %mul3A_1 = arith.constant 640 : i32
    %mul3A_2 = arith.muli %arg1, %mul3A_1 : i32
    "tpu.region"() ({
      %run_scoped3A = tpu.sem_alloc : memref<!tpu.dma_semaphore, #tpu.memory_space<semaphore_mem>>
      %dma_start3A = arith.constant 0 : i32
      %dma_start3A_13 = tpu.memref_slice %arg6[%mul3A_2, %dma_start3A] : memref<10240x128xf32, #tpu.memory_space<vmem_shared>> -> memref<640x128xf32, #tpu.memory_space<vmem_shared>>
      tpu.enqueue_dma source(%arg4 : memref<640x128xf32, #tpu.memory_space<hbm>>) target(%dma_start3A_13 : memref<640x128xf32, #tpu.memory_space<vmem_shared>>) target_semaphore(%run_scoped3A : memref<!tpu.dma_semaphore, #tpu.memory_space<semaphore_mem>>)
      %dma_wait3A = arith.constant 0 : i32
      %dma_wait3A_14 = tpu.memref_slice %arg6[%mul3A_2, %dma_wait3A] : memref<10240x128xf32, #tpu.memory_space<vmem_shared>> -> memref<640x128xf32, #tpu.memory_space<vmem_shared>>
      tpu.wait_dma2 semaphore(%run_scoped3A : memref<!tpu.dma_semaphore, #tpu.memory_space<semaphore_mem>>) src(%arg4 : memref<640x128xf32, #tpu.memory_space<hbm>>) dst(%dma_wait3A_14 : memref<640x128xf32, #tpu.memory_space<vmem_shared>>)
      tpu.yield
    }) : () -> ()
    %barrier3A = arith.constant 0 : index
    tpu.barrier barrier_id(%barrier3A)
    %scan3A = arith.constant 0 : i32
    %scan3A_3 = arith.constant 0 : i32
    %scan3A_4 = arith.constant 50 : i32
    %scan3A_5 = arith.addi %scan3A_3, %scan3A_4 : i32
    %scan3A_6 = arith.constant 1 : i32
    scf.for %scan3A_13 = %scan3A_3 to %scan3A_5 step %scan3A_6  : i32 {
      %mul3A_14 = arith.constant 10000 : i32
      %mul3A_15 = arith.muli %add3A, %mul3A_14 : i32
      %mul3A_16 = arith.constant 200 : i32
      %mul3A_17 = arith.muli %scan3A_13, %mul3A_16 : i32
      %add3A_18 = arith.addi %mul3A_15, %mul3A_17 : i32
      "tpu.region"() ({
        %run_scoped3A = tpu.sem_alloc : memref<!tpu.dma_semaphore, #tpu.memory_space<semaphore_mem>>
        %dma_start3A = tpu.memref_slice %arg3[%add3A_18] : memref<320000xi32, #tpu.memory_space<hbm>> -> memref<200xi32, #tpu.memory_space<hbm>>
        %dma_start3A_19 = tpu.memref_slice %arg3[%add3A_18] : memref<320000xi32, #tpu.memory_space<hbm>> -> memref<200xi32, #tpu.memory_space<hbm>>
        tpu.enqueue_dma source(%dma_start3A_19 : memref<200xi32, #tpu.memory_space<hbm>>) target(%arg7 : memref<200xi32, #tpu.memory_space<vmem>>) target_semaphore(%run_scoped3A : memref<!tpu.dma_semaphore, #tpu.memory_space<semaphore_mem>>)
        %dma_wait3A = tpu.memref_slice %arg3[%add3A_18] : memref<320000xi32, #tpu.memory_space<hbm>> -> memref<200xi32, #tpu.memory_space<hbm>>
        %dma_wait3A_20 = tpu.memref_slice %arg3[%add3A_18] : memref<320000xi32, #tpu.memory_space<hbm>> -> memref<200xi32, #tpu.memory_space<hbm>>
        tpu.wait_dma2 semaphore(%run_scoped3A : memref<!tpu.dma_semaphore, #tpu.memory_space<semaphore_mem>>) src(%dma_wait3A_20 : memref<200xi32, #tpu.memory_space<hbm>>) dst(%arg7 : memref<200xi32, #tpu.memory_space<vmem>>)
        tpu.yield
      }) : () -> ()
      "tpu.region"() ({
        %run_scoped3A = tpu.sem_alloc : memref<!tpu.dma_semaphore, #tpu.memory_space<semaphore_mem>>
        %dma_start3A = arith.constant 0 : i32
        %dma_start3A_19 = tpu.memref_slice %arg2[%add3A_18, %dma_start3A] : memref<320000x128xf32, #tpu.memory_space<hbm>> -> memref<200x128xf32, #tpu.memory_space<hbm>>
        %dma_start3A_20 = arith.constant 0 : i32
        %dma_start3A_21 = tpu.memref_slice %arg2[%add3A_18, %dma_start3A_20] : memref<320000x128xf32, #tpu.memory_space<hbm>> -> memref<200x128xf32, #tpu.memory_space<hbm>>
        tpu.enqueue_dma source(%dma_start3A_21 : memref<200x128xf32, #tpu.memory_space<hbm>>) target(%arg8 : memref<200x128xf32, #tpu.memory_space<vmem>>) target_semaphore(%run_scoped3A : memref<!tpu.dma_semaphore, #tpu.memory_space<semaphore_mem>>)
        %dma_wait3A = arith.constant 0 : i32
        %dma_wait3A_22 = tpu.memref_slice %arg2[%add3A_18, %dma_wait3A] : memref<320000x128xf32, #tpu.memory_space<hbm>> -> memref<200x128xf32, #tpu.memory_space<hbm>>
        %dma_wait3A_23 = arith.constant 0 : i32
        %dma_wait3A_24 = tpu.memref_slice %arg2[%add3A_18, %dma_wait3A_23] : memref<320000x128xf32, #tpu.memory_space<hbm>> -> memref<200x128xf32, #tpu.memory_space<hbm>>
        tpu.wait_dma2 semaphore(%run_scoped3A : memref<!tpu.dma_semaphore, #tpu.memory_space<semaphore_mem>>) src(%dma_wait3A_24 : memref<200x128xf32, #tpu.memory_space<hbm>>) dst(%arg8 : memref<200x128xf32, #tpu.memory_space<vmem>>)
        tpu.yield
      }) : () -> ()
      "tpu.region"() ({
        %run_scoped3A = tpu.sem_alloc : memref<!tpu.dma_semaphore, #tpu.memory_space<semaphore_mem>>
        %dma_start3A = arith.constant 0 : i32
        %dma_start3A_19 = arith.constant 0 : i32
        %dma_start3A_20 = tpu.memref_slice %arg6[%dma_start3A, %dma_start3A_19] : memref<10240x128xf32, #tpu.memory_space<vmem_shared>> -> memref<10240x128xf32, #tpu.memory_space<vmem_shared>>
        tpu.enqueue_indirect_dma source(%arg8 : memref<200x128xf32, #tpu.memory_space<vmem>>) target(%dma_start3A_20 : memref<10240x128xf32, #tpu.memory_space<vmem_shared>>) offsets(%arg7 : memref<200xi32, #tpu.memory_space<vmem>>) semaphore(%run_scoped3A : memref<!tpu.dma_semaphore, #tpu.memory_space<semaphore_mem>>) {add = true}
        %dma_wait3A = arith.constant 0 : i32
        %dma_wait3A_21 = arith.constant 0 : i32
        %dma_wait3A_22 = tpu.memref_slice %arg6[%dma_wait3A, %dma_wait3A_21] : memref<10240x128xf32, #tpu.memory_space<vmem_shared>> -> memref<10240x128xf32, #tpu.memory_space<vmem_shared>>
        tpu.wait_indirect_dma semaphore(%run_scoped3A : memref<!tpu.dma_semaphore, #tpu.memory_space<semaphore_mem>>) src(%arg8 : memref<200x128xf32, #tpu.memory_space<vmem>>) dst(%dma_wait3A_22 : memref<10240x128xf32, #tpu.memory_space<vmem_shared>>)
        tpu.yield
      }) : () -> ()
    }
    %scan3A_7 = arith.constant 50 : i32
    %barrier3A_8 = arith.constant 0 : index
    tpu.barrier barrier_id(%barrier3A_8)
    %mul3A_9 = arith.constant 640 : i32
    %mul3A_10 = arith.muli %arg1, %mul3A_9 : i32
    %mul3A_11 = arith.constant 640 : i32
    %mul3A_12 = arith.muli %arg1, %mul3A_11 : i32
    "tpu.region"() ({
      %run_scoped3A = tpu.sem_alloc : memref<!tpu.dma_semaphore, #tpu.memory_space<semaphore_mem>>
      %dma_start3A = arith.constant 0 : i32
      %dma_start3A_13 = tpu.memref_slice %arg5[%arg0, %mul3A_12, %dma_start3A] : memref<2x10240x128xf32, #tpu.memory_space<hbm>> -> memref<1x640x128xf32, #tpu.memory_space<hbm>>
      %dma_start3A_14 = tpu.memref_squeeze %dma_start3A_13 : memref<1x640x128xf32, #tpu.memory_space<hbm>> -> memref<640x128xf32, #tpu.memory_space<hbm>>
      %dma_start3A_15 = arith.constant 0 : i32
      %dma_start3A_16 = tpu.memref_slice %arg6[%mul3A_10, %dma_start3A_15] : memref<10240x128xf32, #tpu.memory_space<vmem_shared>> -> memref<640x128xf32, #tpu.memory_space<vmem_shared>>
      tpu.enqueue_dma source(%dma_start3A_16 : memref<640x128xf32, #tpu.memory_space<vmem_shared>>) target(%dma_start3A_14 : memref<640x128xf32, #tpu.memory_space<hbm>>) target_semaphore(%run_scoped3A : memref<!tpu.dma_semaphore, #tpu.memory_space<semaphore_mem>>)
      %dma_wait3A = arith.constant 0 : i32
      %dma_wait3A_17 = tpu.memref_slice %arg5[%arg0, %mul3A_12, %dma_wait3A] : memref<2x10240x128xf32, #tpu.memory_space<hbm>> -> memref<1x640x128xf32, #tpu.memory_space<hbm>>
      %dma_wait3A_18 = tpu.memref_squeeze %dma_wait3A_17 : memref<1x640x128xf32, #tpu.memory_space<hbm>> -> memref<640x128xf32, #tpu.memory_space<hbm>>
      %dma_wait3A_19 = arith.constant 0 : i32
      %dma_wait3A_20 = tpu.memref_slice %arg6[%mul3A_10, %dma_wait3A_19] : memref<10240x128xf32, #tpu.memory_space<vmem_shared>> -> memref<640x128xf32, #tpu.memory_space<vmem_shared>>
      tpu.wait_dma2 semaphore(%run_scoped3A : memref<!tpu.dma_semaphore, #tpu.memory_space<semaphore_mem>>) src(%dma_wait3A_20 : memref<640x128xf32, #tpu.memory_space<vmem_shared>>) dst(%dma_wait3A_18 : memref<640x128xf32, #tpu.memory_space<hbm>>)
      tpu.yield
    }) : () -> ()
    return
  }
}

#map = affine_map<(d0, d1) -> (0, 0)>
#map1 = affine_map<(d0, d1) -> (0)>
module attributes {stable_mosaic.version = 14 : i64} {
  func.func @k(%arg0: i32, %arg1: i32, %arg2: memref<10000x128xf32, #tpu.memory_space<hbm>>, %arg3: memref<10000x128xf32, #tpu.memory_space<hbm>>, %arg4: memref<10000x128xf32, #tpu.memory_space<hbm>>, %arg5: memref<10000x128xf32, #tpu.memory_space<hbm>>, %arg6: memref<256xi32, #tpu.memory_space<hbm>>, %arg7: memref<256xi32, #tpu.memory_space<hbm>>, %arg8: memref<256xi32, #tpu.memory_space<hbm>>, %arg9: memref<256xi32, #tpu.memory_space<hbm>>, %arg10: memref<256x128xf32, #tpu.memory_space<hbm>>, %arg11: memref<256x128xf32, #tpu.memory_space<hbm>>, %arg12: memref<256x128xf32, #tpu.memory_space<hbm>>, %arg13: memref<256x128xf32, #tpu.memory_space<hbm>>, %arg14: memref<8xi32, #tpu.memory_space<vmem>>, %arg15: memref<8x128xf32, #tpu.memory_space<vmem>>, %arg16: memref<!tpu.dma_semaphore, #tpu.memory_space<semaphore_mem>>) attributes {dimension_semantics = [#tpu.dimension_semantics<core_parallel>, #tpu.dimension_semantics<subcore_parallel>], iteration_bounds = array<i64: 2, 16>, scalar_prefetch = 0 : i64, scratch_operands = 3 : i64, tpu.core_type = #tpu.core_type<sc_vector_subcore>, window_params = [{transform_indices = #map}, {transform_indices = #map}, {transform_indices = #map}, {transform_indices = #map}, {transform_indices = #map1}, {transform_indices = #map1}, {transform_indices = #map1}, {transform_indices = #map1}, {transform_indices = #map}, {transform_indices = #map}, {transform_indices = #map}, {transform_indices = #map}]} {
    %mul3A = arith.constant 2 : i32
    %mul3A_0 = arith.muli %arg1, %mul3A : i32
    %add3A = arith.addi %mul3A_0, %arg0 : i32
    %mul3A_1 = arith.constant 8 : i32
    %mul3A_2 = arith.muli %add3A, %mul3A_1 : i32
    "tpu.region"() ({
      %run_scoped3A = tpu.sem_alloc : memref<!tpu.dma_semaphore, #tpu.memory_space<semaphore_mem>>
      %dma_start3A_25 = tpu.memref_slice %arg6[%mul3A_2] : memref<256xi32, #tpu.memory_space<hbm>> -> memref<8xi32, #tpu.memory_space<hbm>>
      %dma_start3A_26 = tpu.memref_slice %arg6[%mul3A_2] : memref<256xi32, #tpu.memory_space<hbm>> -> memref<8xi32, #tpu.memory_space<hbm>>
      tpu.enqueue_dma source(%dma_start3A_26 : memref<8xi32, #tpu.memory_space<hbm>>) target(%arg14 : memref<8xi32, #tpu.memory_space<vmem>>) target_semaphore(%run_scoped3A : memref<!tpu.dma_semaphore, #tpu.memory_space<semaphore_mem>>)
      %dma_wait3A_27 = tpu.memref_slice %arg6[%mul3A_2] : memref<256xi32, #tpu.memory_space<hbm>> -> memref<8xi32, #tpu.memory_space<hbm>>
      %dma_wait3A_28 = tpu.memref_slice %arg6[%mul3A_2] : memref<256xi32, #tpu.memory_space<hbm>> -> memref<8xi32, #tpu.memory_space<hbm>>
      tpu.wait_dma2 semaphore(%run_scoped3A : memref<!tpu.dma_semaphore, #tpu.memory_space<semaphore_mem>>) src(%dma_wait3A_28 : memref<8xi32, #tpu.memory_space<hbm>>) dst(%arg14 : memref<8xi32, #tpu.memory_space<vmem>>)
      tpu.yield
    }) : () -> ()
    %dma_start3A = arith.constant 0 : i32
    %dma_start3A_3 = arith.constant 0 : i32
    %dma_start3A_4 = tpu.memref_slice %arg2[%dma_start3A, %dma_start3A_3] : memref<10000x128xf32, #tpu.memory_space<hbm>> -> memref<10000x128xf32, #tpu.memory_space<hbm>>
    tpu.enqueue_indirect_dma source(%dma_start3A_4 : memref<10000x128xf32, #tpu.memory_space<hbm>>) target(%arg15 : memref<8x128xf32, #tpu.memory_space<vmem>>) offsets(%arg14 : memref<8xi32, #tpu.memory_space<vmem>>) semaphore(%arg16 : memref<!tpu.dma_semaphore, #tpu.memory_space<semaphore_mem>>)
    %dma_wait3A = arith.constant 0 : i32
    %dma_wait3A_5 = arith.constant 0 : i32
    %dma_wait3A_6 = tpu.memref_slice %arg2[%dma_wait3A, %dma_wait3A_5] : memref<10000x128xf32, #tpu.memory_space<hbm>> -> memref<10000x128xf32, #tpu.memory_space<hbm>>
    tpu.wait_indirect_dma semaphore(%arg16 : memref<!tpu.dma_semaphore, #tpu.memory_space<semaphore_mem>>) src(%dma_wait3A_6 : memref<10000x128xf32, #tpu.memory_space<hbm>>) dst(%arg15 : memref<8x128xf32, #tpu.memory_space<vmem>>)
    "tpu.region"() ({
      %run_scoped3A = tpu.sem_alloc : memref<!tpu.dma_semaphore, #tpu.memory_space<semaphore_mem>>
      %dma_start3A_25 = arith.constant 0 : i32
      %dma_start3A_26 = tpu.memref_slice %arg10[%mul3A_2, %dma_start3A_25] : memref<256x128xf32, #tpu.memory_space<hbm>> -> memref<8x128xf32, #tpu.memory_space<hbm>>
      %dma_start3A_27 = arith.constant 0 : i32
      %dma_start3A_28 = tpu.memref_slice %arg10[%mul3A_2, %dma_start3A_27] : memref<256x128xf32, #tpu.memory_space<hbm>> -> memref<8x128xf32, #tpu.memory_space<hbm>>
      tpu.enqueue_dma source(%arg15 : memref<8x128xf32, #tpu.memory_space<vmem>>) target(%dma_start3A_28 : memref<8x128xf32, #tpu.memory_space<hbm>>) target_semaphore(%run_scoped3A : memref<!tpu.dma_semaphore, #tpu.memory_space<semaphore_mem>>)
      %dma_wait3A_29 = arith.constant 0 : i32
      %dma_wait3A_30 = tpu.memref_slice %arg10[%mul3A_2, %dma_wait3A_29] : memref<256x128xf32, #tpu.memory_space<hbm>> -> memref<8x128xf32, #tpu.memory_space<hbm>>
      %dma_wait3A_31 = arith.constant 0 : i32
      %dma_wait3A_32 = tpu.memref_slice %arg10[%mul3A_2, %dma_wait3A_31] : memref<256x128xf32, #tpu.memory_space<hbm>> -> memref<8x128xf32, #tpu.memory_space<hbm>>
      tpu.wait_dma2 semaphore(%run_scoped3A : memref<!tpu.dma_semaphore, #tpu.memory_space<semaphore_mem>>) src(%arg15 : memref<8x128xf32, #tpu.memory_space<vmem>>) dst(%dma_wait3A_32 : memref<8x128xf32, #tpu.memory_space<hbm>>)
      tpu.yield
    }) : () -> ()
    "tpu.region"() ({
      %run_scoped3A = tpu.sem_alloc : memref<!tpu.dma_semaphore, #tpu.memory_space<semaphore_mem>>
      %dma_start3A_25 = tpu.memref_slice %arg7[%mul3A_2] : memref<256xi32, #tpu.memory_space<hbm>> -> memref<8xi32, #tpu.memory_space<hbm>>
      %dma_start3A_26 = tpu.memref_slice %arg7[%mul3A_2] : memref<256xi32, #tpu.memory_space<hbm>> -> memref<8xi32, #tpu.memory_space<hbm>>
      tpu.enqueue_dma source(%dma_start3A_26 : memref<8xi32, #tpu.memory_space<hbm>>) target(%arg14 : memref<8xi32, #tpu.memory_space<vmem>>) target_semaphore(%run_scoped3A : memref<!tpu.dma_semaphore, #tpu.memory_space<semaphore_mem>>)
      %dma_wait3A_27 = tpu.memref_slice %arg7[%mul3A_2] : memref<256xi32, #tpu.memory_space<hbm>> -> memref<8xi32, #tpu.memory_space<hbm>>
      %dma_wait3A_28 = tpu.memref_slice %arg7[%mul3A_2] : memref<256xi32, #tpu.memory_space<hbm>> -> memref<8xi32, #tpu.memory_space<hbm>>
      tpu.wait_dma2 semaphore(%run_scoped3A : memref<!tpu.dma_semaphore, #tpu.memory_space<semaphore_mem>>) src(%dma_wait3A_28 : memref<8xi32, #tpu.memory_space<hbm>>) dst(%arg14 : memref<8xi32, #tpu.memory_space<vmem>>)
      tpu.yield
    }) : () -> ()
    %dma_start3A_7 = arith.constant 0 : i32
    %dma_start3A_8 = arith.constant 0 : i32
    %dma_start3A_9 = tpu.memref_slice %arg3[%dma_start3A_7, %dma_start3A_8] : memref<10000x128xf32, #tpu.memory_space<hbm>> -> memref<10000x128xf32, #tpu.memory_space<hbm>>
    tpu.enqueue_indirect_dma source(%dma_start3A_9 : memref<10000x128xf32, #tpu.memory_space<hbm>>) target(%arg15 : memref<8x128xf32, #tpu.memory_space<vmem>>) offsets(%arg14 : memref<8xi32, #tpu.memory_space<vmem>>) semaphore(%arg16 : memref<!tpu.dma_semaphore, #tpu.memory_space<semaphore_mem>>)
    %dma_wait3A_10 = arith.constant 0 : i32
    %dma_wait3A_11 = arith.constant 0 : i32
    %dma_wait3A_12 = tpu.memref_slice %arg3[%dma_wait3A_10, %dma_wait3A_11] : memref<10000x128xf32, #tpu.memory_space<hbm>> -> memref<10000x128xf32, #tpu.memory_space<hbm>>
    tpu.wait_indirect_dma semaphore(%arg16 : memref<!tpu.dma_semaphore, #tpu.memory_space<semaphore_mem>>) src(%dma_wait3A_12 : memref<10000x128xf32, #tpu.memory_space<hbm>>) dst(%arg15 : memref<8x128xf32, #tpu.memory_space<vmem>>)
    "tpu.region"() ({
      %run_scoped3A = tpu.sem_alloc : memref<!tpu.dma_semaphore, #tpu.memory_space<semaphore_mem>>
      %dma_start3A_25 = arith.constant 0 : i32
      %dma_start3A_26 = tpu.memref_slice %arg11[%mul3A_2, %dma_start3A_25] : memref<256x128xf32, #tpu.memory_space<hbm>> -> memref<8x128xf32, #tpu.memory_space<hbm>>
      %dma_start3A_27 = arith.constant 0 : i32
      %dma_start3A_28 = tpu.memref_slice %arg11[%mul3A_2, %dma_start3A_27] : memref<256x128xf32, #tpu.memory_space<hbm>> -> memref<8x128xf32, #tpu.memory_space<hbm>>
      tpu.enqueue_dma source(%arg15 : memref<8x128xf32, #tpu.memory_space<vmem>>) target(%dma_start3A_28 : memref<8x128xf32, #tpu.memory_space<hbm>>) target_semaphore(%run_scoped3A : memref<!tpu.dma_semaphore, #tpu.memory_space<semaphore_mem>>)
      %dma_wait3A_29 = arith.constant 0 : i32
      %dma_wait3A_30 = tpu.memref_slice %arg11[%mul3A_2, %dma_wait3A_29] : memref<256x128xf32, #tpu.memory_space<hbm>> -> memref<8x128xf32, #tpu.memory_space<hbm>>
      %dma_wait3A_31 = arith.constant 0 : i32
      %dma_wait3A_32 = tpu.memref_slice %arg11[%mul3A_2, %dma_wait3A_31] : memref<256x128xf32, #tpu.memory_space<hbm>> -> memref<8x128xf32, #tpu.memory_space<hbm>>
      tpu.wait_dma2 semaphore(%run_scoped3A : memref<!tpu.dma_semaphore, #tpu.memory_space<semaphore_mem>>) src(%arg15 : memref<8x128xf32, #tpu.memory_space<vmem>>) dst(%dma_wait3A_32 : memref<8x128xf32, #tpu.memory_space<hbm>>)
      tpu.yield
    }) : () -> ()
    "tpu.region"() ({
      %run_scoped3A = tpu.sem_alloc : memref<!tpu.dma_semaphore, #tpu.memory_space<semaphore_mem>>
      %dma_start3A_25 = tpu.memref_slice %arg8[%mul3A_2] : memref<256xi32, #tpu.memory_space<hbm>> -> memref<8xi32, #tpu.memory_space<hbm>>
      %dma_start3A_26 = tpu.memref_slice %arg8[%mul3A_2] : memref<256xi32, #tpu.memory_space<hbm>> -> memref<8xi32, #tpu.memory_space<hbm>>
      tpu.enqueue_dma source(%dma_start3A_26 : memref<8xi32, #tpu.memory_space<hbm>>) target(%arg14 : memref<8xi32, #tpu.memory_space<vmem>>) target_semaphore(%run_scoped3A : memref<!tpu.dma_semaphore, #tpu.memory_space<semaphore_mem>>)
      %dma_wait3A_27 = tpu.memref_slice %arg8[%mul3A_2] : memref<256xi32, #tpu.memory_space<hbm>> -> memref<8xi32, #tpu.memory_space<hbm>>
      %dma_wait3A_28 = tpu.memref_slice %arg8[%mul3A_2] : memref<256xi32, #tpu.memory_space<hbm>> -> memref<8xi32, #tpu.memory_space<hbm>>
      tpu.wait_dma2 semaphore(%run_scoped3A : memref<!tpu.dma_semaphore, #tpu.memory_space<semaphore_mem>>) src(%dma_wait3A_28 : memref<8xi32, #tpu.memory_space<hbm>>) dst(%arg14 : memref<8xi32, #tpu.memory_space<vmem>>)
      tpu.yield
    }) : () -> ()
    %dma_start3A_13 = arith.constant 0 : i32
    %dma_start3A_14 = arith.constant 0 : i32
    %dma_start3A_15 = tpu.memref_slice %arg4[%dma_start3A_13, %dma_start3A_14] : memref<10000x128xf32, #tpu.memory_space<hbm>> -> memref<10000x128xf32, #tpu.memory_space<hbm>>
    tpu.enqueue_indirect_dma source(%dma_start3A_15 : memref<10000x128xf32, #tpu.memory_space<hbm>>) target(%arg15 : memref<8x128xf32, #tpu.memory_space<vmem>>) offsets(%arg14 : memref<8xi32, #tpu.memory_space<vmem>>) semaphore(%arg16 : memref<!tpu.dma_semaphore, #tpu.memory_space<semaphore_mem>>)
    %dma_wait3A_16 = arith.constant 0 : i32
    %dma_wait3A_17 = arith.constant 0 : i32
    %dma_wait3A_18 = tpu.memref_slice %arg4[%dma_wait3A_16, %dma_wait3A_17] : memref<10000x128xf32, #tpu.memory_space<hbm>> -> memref<10000x128xf32, #tpu.memory_space<hbm>>
    tpu.wait_indirect_dma semaphore(%arg16 : memref<!tpu.dma_semaphore, #tpu.memory_space<semaphore_mem>>) src(%dma_wait3A_18 : memref<10000x128xf32, #tpu.memory_space<hbm>>) dst(%arg15 : memref<8x128xf32, #tpu.memory_space<vmem>>)
    "tpu.region"() ({
      %run_scoped3A = tpu.sem_alloc : memref<!tpu.dma_semaphore, #tpu.memory_space<semaphore_mem>>
      %dma_start3A_25 = arith.constant 0 : i32
      %dma_start3A_26 = tpu.memref_slice %arg12[%mul3A_2, %dma_start3A_25] : memref<256x128xf32, #tpu.memory_space<hbm>> -> memref<8x128xf32, #tpu.memory_space<hbm>>
      %dma_start3A_27 = arith.constant 0 : i32
      %dma_start3A_28 = tpu.memref_slice %arg12[%mul3A_2, %dma_start3A_27] : memref<256x128xf32, #tpu.memory_space<hbm>> -> memref<8x128xf32, #tpu.memory_space<hbm>>
      tpu.enqueue_dma source(%arg15 : memref<8x128xf32, #tpu.memory_space<vmem>>) target(%dma_start3A_28 : memref<8x128xf32, #tpu.memory_space<hbm>>) target_semaphore(%run_scoped3A : memref<!tpu.dma_semaphore, #tpu.memory_space<semaphore_mem>>)
      %dma_wait3A_29 = arith.constant 0 : i32
      %dma_wait3A_30 = tpu.memref_slice %arg12[%mul3A_2, %dma_wait3A_29] : memref<256x128xf32, #tpu.memory_space<hbm>> -> memref<8x128xf32, #tpu.memory_space<hbm>>
      %dma_wait3A_31 = arith.constant 0 : i32
      %dma_wait3A_32 = tpu.memref_slice %arg12[%mul3A_2, %dma_wait3A_31] : memref<256x128xf32, #tpu.memory_space<hbm>> -> memref<8x128xf32, #tpu.memory_space<hbm>>
      tpu.wait_dma2 semaphore(%run_scoped3A : memref<!tpu.dma_semaphore, #tpu.memory_space<semaphore_mem>>) src(%arg15 : memref<8x128xf32, #tpu.memory_space<vmem>>) dst(%dma_wait3A_32 : memref<8x128xf32, #tpu.memory_space<hbm>>)
      tpu.yield
    }) : () -> ()
    "tpu.region"() ({
      %run_scoped3A = tpu.sem_alloc : memref<!tpu.dma_semaphore, #tpu.memory_space<semaphore_mem>>
      %dma_start3A_25 = tpu.memref_slice %arg9[%mul3A_2] : memref<256xi32, #tpu.memory_space<hbm>> -> memref<8xi32, #tpu.memory_space<hbm>>
      %dma_start3A_26 = tpu.memref_slice %arg9[%mul3A_2] : memref<256xi32, #tpu.memory_space<hbm>> -> memref<8xi32, #tpu.memory_space<hbm>>
      tpu.enqueue_dma source(%dma_start3A_26 : memref<8xi32, #tpu.memory_space<hbm>>) target(%arg14 : memref<8xi32, #tpu.memory_space<vmem>>) target_semaphore(%run_scoped3A : memref<!tpu.dma_semaphore, #tpu.memory_space<semaphore_mem>>)
      %dma_wait3A_27 = tpu.memref_slice %arg9[%mul3A_2] : memref<256xi32, #tpu.memory_space<hbm>> -> memref<8xi32, #tpu.memory_space<hbm>>
      %dma_wait3A_28 = tpu.memref_slice %arg9[%mul3A_2] : memref<256xi32, #tpu.memory_space<hbm>> -> memref<8xi32, #tpu.memory_space<hbm>>
      tpu.wait_dma2 semaphore(%run_scoped3A : memref<!tpu.dma_semaphore, #tpu.memory_space<semaphore_mem>>) src(%dma_wait3A_28 : memref<8xi32, #tpu.memory_space<hbm>>) dst(%arg14 : memref<8xi32, #tpu.memory_space<vmem>>)
      tpu.yield
    }) : () -> ()
    %dma_start3A_19 = arith.constant 0 : i32
    %dma_start3A_20 = arith.constant 0 : i32
    %dma_start3A_21 = tpu.memref_slice %arg5[%dma_start3A_19, %dma_start3A_20] : memref<10000x128xf32, #tpu.memory_space<hbm>> -> memref<10000x128xf32, #tpu.memory_space<hbm>>
    tpu.enqueue_indirect_dma source(%dma_start3A_21 : memref<10000x128xf32, #tpu.memory_space<hbm>>) target(%arg15 : memref<8x128xf32, #tpu.memory_space<vmem>>) offsets(%arg14 : memref<8xi32, #tpu.memory_space<vmem>>) semaphore(%arg16 : memref<!tpu.dma_semaphore, #tpu.memory_space<semaphore_mem>>)
    %dma_wait3A_22 = arith.constant 0 : i32
    %dma_wait3A_23 = arith.constant 0 : i32
    %dma_wait3A_24 = tpu.memref_slice %arg5[%dma_wait3A_22, %dma_wait3A_23] : memref<10000x128xf32, #tpu.memory_space<hbm>> -> memref<10000x128xf32, #tpu.memory_space<hbm>>
    tpu.wait_indirect_dma semaphore(%arg16 : memref<!tpu.dma_semaphore, #tpu.memory_space<semaphore_mem>>) src(%dma_wait3A_24 : memref<10000x128xf32, #tpu.memory_space<hbm>>) dst(%arg15 : memref<8x128xf32, #tpu.memory_space<vmem>>)
    "tpu.region"() ({
      %run_scoped3A = tpu.sem_alloc : memref<!tpu.dma_semaphore, #tpu.memory_space<semaphore_mem>>
      %dma_start3A_25 = arith.constant 0 : i32
      %dma_start3A_26 = tpu.memref_slice %arg13[%mul3A_2, %dma_start3A_25] : memref<256x128xf32, #tpu.memory_space<hbm>> -> memref<8x128xf32, #tpu.memory_space<hbm>>
      %dma_start3A_27 = arith.constant 0 : i32
      %dma_start3A_28 = tpu.memref_slice %arg13[%mul3A_2, %dma_start3A_27] : memref<256x128xf32, #tpu.memory_space<hbm>> -> memref<8x128xf32, #tpu.memory_space<hbm>>
      tpu.enqueue_dma source(%arg15 : memref<8x128xf32, #tpu.memory_space<vmem>>) target(%dma_start3A_28 : memref<8x128xf32, #tpu.memory_space<hbm>>) target_semaphore(%run_scoped3A : memref<!tpu.dma_semaphore, #tpu.memory_space<semaphore_mem>>)
      %dma_wait3A_29 = arith.constant 0 : i32
      %dma_wait3A_30 = tpu.memref_slice %arg13[%mul3A_2, %dma_wait3A_29] : memref<256x128xf32, #tpu.memory_space<hbm>> -> memref<8x128xf32, #tpu.memory_space<hbm>>
      %dma_wait3A_31 = arith.constant 0 : i32
      %dma_wait3A_32 = tpu.memref_slice %arg13[%mul3A_2, %dma_wait3A_31] : memref<256x128xf32, #tpu.memory_space<hbm>> -> memref<8x128xf32, #tpu.memory_space<hbm>>
      tpu.wait_dma2 semaphore(%run_scoped3A : memref<!tpu.dma_semaphore, #tpu.memory_space<semaphore_mem>>) src(%arg15 : memref<8x128xf32, #tpu.memory_space<vmem>>) dst(%dma_wait3A_32 : memref<8x128xf32, #tpu.memory_space<hbm>>)
      tpu.yield
    }) : () -> ()
    return
  }
}

module attributes {stable_mosaic.version = 14 : i64} {
  func.func @body(%arg0: i32, %arg1: memref<2000x128xf32, #tpu.memory_space<vmem>>, %arg2: memref<128x128xf32, #tpu.memory_space<vmem>>, %arg3: memref<2000x128xf32, #tpu.memory_space<vmem>>) attributes {dimension_semantics = [#tpu.dimension_semantics<arbitrary>], iteration_bounds = array<i64: 5>, scalar_prefetch = 0 : i64, scratch_operands = 0 : i64, tpu.core_type = #tpu.core_type<tc>, window_params = [{transform_indices = @transform_0, window_bounds = array<i64: 2000, 128>}, {pipeline_mode = #tpu.pipeline_mode<synchronous>, transform_indices = @transform_1, window_bounds = array<i64: 128, 128>}, {transform_indices = @transform_2, window_bounds = array<i64: 2000, 128>}]} {
    %get3A = arith.constant 0 : index
    %get3A_0 = arith.constant 0 : index
    %get3A_1 = vector.load %arg1[%get3A, %get3A_0] : memref<2000x128xf32, #tpu.memory_space<vmem>>, vector<2000x128xf32>
    %get3A_2 = arith.constant 0 : index
    %get3A_3 = arith.constant 0 : index
    %get3A_4 = vector.load %arg2[%get3A_2, %get3A_3] : memref<128x128xf32, #tpu.memory_space<vmem>>, vector<128x128xf32>
    %dot_general3A = arith.constant dense<0.000000e+00> : vector<2000x128xf32>
    %dot_general3A_5 = tpu.matmul %get3A_1, %get3A_4, %dot_general3A {dimension_numbers = #tpu.dot_dimension_numbers<[1], [0], [0], [1], [0, 0, 1, 1], [], []>, transpose_lhs_hint = false} : vector<2000x128xf32>, vector<128x128xf32>, vector<2000x128xf32> -> vector<2000x128xf32>
    %swap3A = arith.constant 0 : index
    %swap3A_6 = arith.constant 0 : index
    %swap3A_7 = vector.load %arg3[%swap3A, %swap3A_6] : memref<2000x128xf32, #tpu.memory_space<vmem>>, vector<2000x128xf32>
    tpu.vector_store %arg3[%swap3A, %swap3A_6], %dot_general3A_5 {strides = array<i32>} : memref<2000x128xf32, #tpu.memory_space<vmem>>, vector<2000x128xf32>,
    return
  }
  func.func @transform_0(%arg0: i32) -> (i32, i32) {
    %c0_i32 = arith.constant 0 : i32
    %c0_i32_0 = arith.constant 0 : i32
    return %arg0, %c0_i32 : i32, i32
  }
  func.func @transform_1(%arg0: i32) -> (i32, i32) {
    %c0_i32 = arith.constant 0 : i32
    %c0_i32_0 = arith.constant 0 : i32
    %c0_i32_1 = arith.constant 0 : i32
    return %c0_i32, %c0_i32_0 : i32, i32
  }
  func.func @transform_2(%arg0: i32) -> (i32, i32) {
    %c0_i32 = arith.constant 0 : i32
    %c0_i32_0 = arith.constant 0 : i32
    return %arg0, %c0_i32 : i32, i32
  }
}

module attributes {stable_mosaic.version = 14 : i64} {
  func.func @body(%arg0: i32, %arg1: memref<2000x1xf32, #tpu.memory_space<vmem>>, %arg2: memref<2000x128xf32, #tpu.memory_space<vmem>>, %arg3: memref<2000x128xf32, #tpu.memory_space<vmem>>, %arg4: memref<8x128xf32, #tpu.memory_space<vmem>>, %arg5: memref<2000x128xf32, #tpu.memory_space<vmem>>, %arg6: memref<2000x128xf32, #tpu.memory_space<vmem>>, %arg7: memref<2000x128xf32, #tpu.memory_space<vmem>>, %arg8: memref<2000x128xf32, #tpu.memory_space<vmem>>) attributes {dimension_semantics = [#tpu.dimension_semantics<arbitrary>], iteration_bounds = array<i64: 160>, scalar_prefetch = 0 : i64, scratch_operands = 0 : i64, tpu.core_type = #tpu.core_type<tc>, window_params = [{transform_indices = @transform_0, window_bounds = array<i64: 2000, 1>}, {transform_indices = @transform_1, window_bounds = array<i64: 2000, 128>}, {transform_indices = @transform_2, window_bounds = array<i64: 2000, 128>}, {pipeline_mode = #tpu.pipeline_mode<synchronous>, transform_indices = @transform_3, window_bounds = array<i64: 8, 128>}, {transform_indices = @transform_4, window_bounds = array<i64: 2000, 128>}, {transform_indices = @transform_5, window_bounds = array<i64: 2000, 128>}, {transform_indices = @transform_6, window_bounds = array<i64: 2000, 128>}, {transform_indices = @transform_7, window_bounds = array<i64: 2000, 128>}]} {
    %get3A = arith.constant 0 : index
    %get3A_0 = arith.constant 0 : index
    %get3A_1 = vector.load %arg1[%get3A, %get3A_0] : memref<2000x1xf32, #tpu.memory_space<vmem>>, vector<2000x1xf32>
    %get3A_2 = arith.constant 0 : index
    %get3A_3 = arith.constant 0 : index
    %get3A_4 = vector.load %arg2[%get3A_2, %get3A_3] : memref<2000x128xf32, #tpu.memory_space<vmem>>, vector<2000x128xf32>
    %get3A_5 = arith.constant 0 : index
    %get3A_6 = arith.constant 0 : index
    %get3A_7 = vector.load %arg3[%get3A_5, %get3A_6] : memref<2000x128xf32, #tpu.memory_space<vmem>>, vector<2000x128xf32>
    %get3A_8 = arith.constant 0 : index
    %get3A_9 = arith.constant 0 : index
    %get3A_10 = vector.load %arg4[%get3A_8, %get3A_9] : memref<8x128xf32, #tpu.memory_space<vmem>>, vector<8x128xf32>
    %broadcast_in_dim3A = arith.constant 0.000000e+00 : f32
    %broadcast_in_dim3A_11 = vector.broadcast %broadcast_in_dim3A : f32 to vector<2000x127xf32>
    %slice3A = vector.extract_strided_slice %get3A_10 {offsets = [0, 0], sizes = [1, 128], strides = [1, 1]} : vector<8x128xf32> to vector<1x128xf32>
    %mul3A = vector.broadcast %get3A_1 : vector<2000x1xf32> to vector<2000x128xf32>
    %mul3A_12 = vector.broadcast %slice3A : vector<1x128xf32> to vector<2000x128xf32>
    %mul3A_13 = arith.mulf %mul3A, %mul3A_12 : vector<2000x128xf32>
    %slice3A_14 = vector.extract_strided_slice %get3A_10 {offsets = [1, 0], sizes = [1, 128], strides = [1, 1]} : vector<8x128xf32> to vector<1x128xf32>
    %add3A = vector.broadcast %slice3A_14 : vector<1x128xf32> to vector<2000x128xf32>
    %add3A_15 = arith.addf %mul3A_13, %add3A : vector<2000x128xf32>
    %cos3A = math.cos %add3A_15 : vector<2000x128xf32>
    %add3A_16 = arith.addf %cos3A, %get3A_4 : vector<2000x128xf32>
    %mul3A_17 = arith.mulf %add3A_16, %get3A_7 : vector<2000x128xf32>
    %reduce_sum3A = arith.constant dense<0.000000e+00> : vector<2000xf32>
    %reduce_sum3A_18 = vector.multi_reduction <add>, %mul3A_17, %reduce_sum3A [1] : vector<2000x128xf32> to vector<2000xf32>
    %broadcast_in_dim3A_19 = vector.shape_cast %reduce_sum3A_18 : vector<2000xf32> to vector<2000x1xf32>
    %mul3A_20 = arith.constant 0.0883883461 : f32
    %mul3A_21 = vector.broadcast %mul3A_20 : f32 to vector<2000x1xf32>
    %mul3A_22 = arith.mulf %broadcast_in_dim3A_19, %mul3A_21 : vector<2000x1xf32>
    %exp3A = math.exp %mul3A_22 : vector<2000x1xf32>
    %slice3A_23 = vector.extract_strided_slice %get3A_10 {offsets = [2, 0], sizes = [1, 128], strides = [1, 1]} : vector<8x128xf32> to vector<1x128xf32>
    %mul3A_24 = vector.broadcast %get3A_1 : vector<2000x1xf32> to vector<2000x128xf32>
    %mul3A_25 = vector.broadcast %slice3A_23 : vector<1x128xf32> to vector<2000x128xf32>
    %mul3A_26 = arith.mulf %mul3A_24, %mul3A_25 : vector<2000x128xf32>
    %slice3A_27 = vector.extract_strided_slice %get3A_10 {offsets = [3, 0], sizes = [1, 128], strides = [1, 1]} : vector<8x128xf32> to vector<1x128xf32>
    %add3A_28 = vector.broadcast %slice3A_27 : vector<1x128xf32> to vector<2000x128xf32>
    %add3A_29 = arith.addf %mul3A_26, %add3A_28 : vector<2000x128xf32>
    %cos3A_30 = math.cos %add3A_29 : vector<2000x128xf32>
    %add3A_31 = arith.addf %get3A_4, %cos3A_30 : vector<2000x128xf32>
    %mul3A_32 = vector.broadcast %exp3A : vector<2000x1xf32> to vector<2000x128xf32>
    %mul3A_33 = arith.mulf %mul3A_32, %add3A_31 : vector<2000x128xf32>
    %swap3A = arith.constant 0 : index
    %swap3A_34 = arith.constant 0 : index
    %swap3A_35 = vector.load %arg5[%swap3A, %swap3A_34] : memref<2000x128xf32, #tpu.memory_space<vmem>>, vector<2000x128xf32>
    tpu.vector_store %arg5[%swap3A, %swap3A_34], %mul3A_33 {strides = array<i32>} : memref<2000x128xf32, #tpu.memory_space<vmem>>, vector<2000x128xf32>,
    %concatenate3A = tpu.concatenate %exp3A, %broadcast_in_dim3A_11 in 1 : vector<2000x1xf32>, vector<2000x127xf32> -> vector<2000x128xf32>
    %swap3A_36 = arith.constant 0 : index
    %swap3A_37 = arith.constant 0 : index
    %swap3A_38 = vector.load %arg6[%swap3A_36, %swap3A_37] : memref<2000x128xf32, #tpu.memory_space<vmem>>, vector<2000x128xf32>
    tpu.vector_store %arg6[%swap3A_36, %swap3A_37], %concatenate3A {strides = array<i32>} : memref<2000x128xf32, #tpu.memory_space<vmem>>, vector<2000x128xf32>,
    %slice3A_39 = vector.extract_strided_slice %get3A_10 {offsets = [4, 0], sizes = [1, 128], strides = [1, 1]} : vector<8x128xf32> to vector<1x128xf32>
    %mul3A_40 = vector.broadcast %get3A_1 : vector<2000x1xf32> to vector<2000x128xf32>
    %mul3A_41 = vector.broadcast %slice3A_39 : vector<1x128xf32> to vector<2000x128xf32>
    %mul3A_42 = arith.mulf %mul3A_40, %mul3A_41 : vector<2000x128xf32>
    %slice3A_43 = vector.extract_strided_slice %get3A_10 {offsets = [5, 0], sizes = [1, 128], strides = [1, 1]} : vector<8x128xf32> to vector<1x128xf32>
    %add3A_44 = vector.broadcast %slice3A_43 : vector<1x128xf32> to vector<2000x128xf32>
    %add3A_45 = arith.addf %mul3A_42, %add3A_44 : vector<2000x128xf32>
    %cos3A_46 = math.cos %add3A_45 : vector<2000x128xf32>
    %add3A_47 = arith.addf %cos3A_46, %get3A_7 : vector<2000x128xf32>
    %mul3A_48 = arith.mulf %add3A_47, %get3A_4 : vector<2000x128xf32>
    %reduce_sum3A_49 = arith.constant dense<0.000000e+00> : vector<2000xf32>
    %reduce_sum3A_50 = vector.multi_reduction <add>, %mul3A_48, %reduce_sum3A_49 [1] : vector<2000x128xf32> to vector<2000xf32>
    %broadcast_in_dim3A_51 = vector.shape_cast %reduce_sum3A_50 : vector<2000xf32> to vector<2000x1xf32>
    %mul3A_52 = arith.constant 0.0883883461 : f32
    %mul3A_53 = vector.broadcast %mul3A_52 : f32 to vector<2000x1xf32>
    %mul3A_54 = arith.mulf %broadcast_in_dim3A_51, %mul3A_53 : vector<2000x1xf32>
    %exp3A_55 = math.exp %mul3A_54 : vector<2000x1xf32>
    %slice3A_56 = vector.extract_strided_slice %get3A_10 {offsets = [6, 0], sizes = [1, 128], strides = [1, 1]} : vector<8x128xf32> to vector<1x128xf32>
    %mul3A_57 = vector.broadcast %get3A_1 : vector<2000x1xf32> to vector<2000x128xf32>
    %mul3A_58 = vector.broadcast %slice3A_56 : vector<1x128xf32> to vector<2000x128xf32>
    %mul3A_59 = arith.mulf %mul3A_57, %mul3A_58 : vector<2000x128xf32>
    %slice3A_60 = vector.extract_strided_slice %get3A_10 {offsets = [7, 0], sizes = [1, 128], strides = [1, 1]} : vector<8x128xf32> to vector<1x128xf32>
    %add3A_61 = vector.broadcast %slice3A_60 : vector<1x128xf32> to vector<2000x128xf32>
    %add3A_62 = arith.addf %mul3A_59, %add3A_61 : vector<2000x128xf32>
    %cos3A_63 = math.cos %add3A_62 : vector<2000x128xf32>
    %add3A_64 = arith.addf %get3A_7, %cos3A_63 : vector<2000x128xf32>
    %mul3A_65 = vector.broadcast %exp3A_55 : vector<2000x1xf32> to vector<2000x128xf32>
    %mul3A_66 = arith.mulf %mul3A_65, %add3A_64 : vector<2000x128xf32>
    %swap3A_67 = arith.constant 0 : index
    %swap3A_68 = arith.constant 0 : index
    %swap3A_69 = vector.load %arg7[%swap3A_67, %swap3A_68] : memref<2000x128xf32, #tpu.memory_space<vmem>>, vector<2000x128xf32>
    tpu.vector_store %arg7[%swap3A_67, %swap3A_68], %mul3A_66 {strides = array<i32>} : memref<2000x128xf32, #tpu.memory_space<vmem>>, vector<2000x128xf32>,
    %concatenate3A_70 = tpu.concatenate %exp3A_55, %broadcast_in_dim3A_11 in 1 : vector<2000x1xf32>, vector<2000x127xf32> -> vector<2000x128xf32>
    %swap3A_71 = arith.constant 0 : index
    %swap3A_72 = arith.constant 0 : index
    %swap3A_73 = vector.load %arg8[%swap3A_71, %swap3A_72] : memref<2000x128xf32, #tpu.memory_space<vmem>>, vector<2000x128xf32>
    tpu.vector_store %arg8[%swap3A_71, %swap3A_72], %concatenate3A_70 {strides = array<i32>} : memref<2000x128xf32, #tpu.memory_space<vmem>>, vector<2000x128xf32>,
    return
  }
  func.func @transform_0(%arg0: i32) -> (i32, i32) {
    %c0_i32 = arith.constant 0 : i32
    %c0_i32_0 = arith.constant 0 : i32
    return %arg0, %c0_i32 : i32, i32
  }
  func.func @transform_1(%arg0: i32) -> (i32, i32) {
    %c0_i32 = arith.constant 0 : i32
    %c0_i32_0 = arith.constant 0 : i32
    return %arg0, %c0_i32 : i32, i32
  }
  func.func @transform_2(%arg0: i32) -> (i32, i32) {
    %c0_i32 = arith.constant 0 : i32
    %c0_i32_0 = arith.constant 0 : i32
    return %arg0, %c0_i32 : i32, i32
  }
  func.func @transform_3(%arg0: i32) -> (i32, i32) {
    %c0_i32 = arith.constant 0 : i32
    %c0_i32_0 = arith.constant 0 : i32
    %c0_i32_1 = arith.constant 0 : i32
    return %c0_i32, %c0_i32_0 : i32, i32
  }
  func.func @transform_4(%arg0: i32) -> (i32, i32) {
    %c0_i32 = arith.constant 0 : i32
    %c0_i32_0 = arith.constant 0 : i32
    return %arg0, %c0_i32 : i32, i32
  }
  func.func @transform_5(%arg0: i32) -> (i32, i32) {
    %c0_i32 = arith.constant 0 : i32
    %c0_i32_0 = arith.constant 0 : i32
    return %arg0, %c0_i32 : i32, i32
  }
  func.func @transform_6(%arg0: i32) -> (i32, i32) {
    %c0_i32 = arith.constant 0 : i32
    %c0_i32_0 = arith.constant 0 : i32
    return %arg0, %c0_i32 : i32, i32
  }
  func.func @transform_7(%arg0: i32) -> (i32, i32) {
    %c0_i32 = arith.constant 0 : i32
    %c0_i32_0 = arith.constant 0 : i32
    return %arg0, %c0_i32 : i32, i32
  }
}

module attributes {stable_mosaic.version = 14 : i64} {
  func.func @body(%arg0: i32, %arg1: memref<2x2000x128xf32, #tpu.memory_space<vmem>>, %arg2: memref<2x2000x128xf32, #tpu.memory_space<vmem>>, %arg3: memref<2000x128xf32, #tpu.memory_space<vmem>>, %arg4: memref<256x128xf32, #tpu.memory_space<vmem>>, %arg5: memref<2000x128xf32, #tpu.memory_space<vmem>>) attributes {dimension_semantics = [#tpu.dimension_semantics<arbitrary>], iteration_bounds = array<i64: 5>, scalar_prefetch = 0 : i64, scratch_operands = 0 : i64, tpu.core_type = #tpu.core_type<tc>, window_params = [{transform_indices = @transform_0, window_bounds = array<i64: 2, 2000, 128>}, {transform_indices = @transform_1, window_bounds = array<i64: 2, 2000, 128>}, {transform_indices = @transform_2, window_bounds = array<i64: 2000, 128>}, {pipeline_mode = #tpu.pipeline_mode<synchronous>, transform_indices = @transform_3, window_bounds = array<i64: 256, 128>}, {transform_indices = @transform_4, window_bounds = array<i64: 2000, 128>}]} {
    %get3A = arith.constant 0 : index
    %get3A_0 = arith.constant 0 : index
    %get3A_1 = arith.constant 0 : index
    %get3A_2 = vector.load %arg1[%get3A, %get3A_0, %get3A_1] : memref<2x2000x128xf32, #tpu.memory_space<vmem>>, vector<1x2000x128xf32>
    %get3A_3 = vector.shape_cast %get3A_2 : vector<1x2000x128xf32> to vector<2000x128xf32>
    %get3A_4 = arith.constant 1 : index
    %get3A_5 = arith.constant 0 : index
    %get3A_6 = arith.constant 0 : index
    %get3A_7 = vector.load %arg1[%get3A_4, %get3A_5, %get3A_6] : memref<2x2000x128xf32, #tpu.memory_space<vmem>>, vector<1x2000x128xf32>
    %get3A_8 = vector.shape_cast %get3A_7 : vector<1x2000x128xf32> to vector<2000x128xf32>
    %add3A = arith.addf %get3A_3, %get3A_8 : vector<2000x128xf32>
    %get3A_9 = arith.constant 0 : index
    %get3A_10 = arith.constant 0 : index
    %get3A_11 = arith.constant 0 : index
    %get3A_12 = vector.load %arg2[%get3A_9, %get3A_10, %get3A_11] : memref<2x2000x128xf32, #tpu.memory_space<vmem>>, vector<1x2000x128xf32>
    %get3A_13 = vector.shape_cast %get3A_12 : vector<1x2000x128xf32> to vector<2000x128xf32>
    %slice3A = vector.extract_strided_slice %get3A_13 {offsets = [0, 0], sizes = [2000, 1], strides = [1, 1]} : vector<2000x128xf32> to vector<2000x1xf32>
    %get3A_14 = arith.constant 1 : index
    %get3A_15 = arith.constant 0 : index
    %get3A_16 = arith.constant 0 : index
    %get3A_17 = vector.load %arg2[%get3A_14, %get3A_15, %get3A_16] : memref<2x2000x128xf32, #tpu.memory_space<vmem>>, vector<1x2000x128xf32>
    %get3A_18 = vector.shape_cast %get3A_17 : vector<1x2000x128xf32> to vector<2000x128xf32>
    %slice3A_19 = vector.extract_strided_slice %get3A_18 {offsets = [0, 0], sizes = [2000, 1], strides = [1, 1]} : vector<2000x128xf32> to vector<2000x1xf32>
    %add3A_20 = arith.addf %slice3A, %slice3A_19 : vector<2000x1xf32>
    %add3A_21 = arith.constant 9.99999971E-10 : f32
    %add3A_22 = vector.broadcast %add3A_21 : f32 to vector<2000x1xf32>
    %add3A_23 = arith.addf %add3A_20, %add3A_22 : vector<2000x1xf32>
    %div3A = vector.broadcast %add3A_23 : vector<2000x1xf32> to vector<2000x128xf32>
    %div3A_24 = arith.divf %add3A, %div3A : vector<2000x128xf32>
    %get3A_25 = arith.constant 0 : index
    %get3A_26 = arith.constant 0 : index
    %get3A_27 = vector.load %arg4[%get3A_25, %get3A_26] : memref<256x128xf32, #tpu.memory_space<vmem>>, vector<128x128xf32>
    %dot_general3A = arith.constant dense<0.000000e+00> : vector<2000x128xf32>
    %dot_general3A_28 = tpu.matmul %div3A_24, %get3A_27, %dot_general3A {dimension_numbers = #tpu.dot_dimension_numbers<[1], [0], [0], [1], [0, 0, 1, 1], [], []>, transpose_lhs_hint = false} : vector<2000x128xf32>, vector<128x128xf32>, vector<2000x128xf32> -> vector<2000x128xf32>
    %get3A_29 = arith.constant 0 : index
    %get3A_30 = arith.constant 0 : index
    %get3A_31 = vector.load %arg3[%get3A_29, %get3A_30] : memref<2000x128xf32, #tpu.memory_space<vmem>>, vector<2000x128xf32>
    %get3A_32 = arith.constant 128 : index
    %get3A_33 = arith.constant 0 : index
    %get3A_34 = vector.load %arg4[%get3A_32, %get3A_33] : memref<256x128xf32, #tpu.memory_space<vmem>>, vector<128x128xf32>
    %dot_general3A_35 = arith.constant dense<0.000000e+00> : vector<2000x128xf32>
    %dot_general3A_36 = tpu.matmul %get3A_31, %get3A_34, %dot_general3A_35 {dimension_numbers = #tpu.dot_dimension_numbers<[1], [0], [0], [1], [0, 0, 1, 1], [], []>, transpose_lhs_hint = false} : vector<2000x128xf32>, vector<128x128xf32>, vector<2000x128xf32> -> vector<2000x128xf32>
    %add3A_37 = arith.addf %dot_general3A_28, %dot_general3A_36 : vector<2000x128xf32>
    %gt3A = arith.constant 0.000000e+00 : f32
    %gt3A_38 = vector.broadcast %gt3A : f32 to vector<2000x128xf32>
    %gt3A_39 = arith.cmpf ogt, %add3A_37, %gt3A_38 : vector<2000x128xf32>
    %min3A = arith.constant 0.000000e+00 : f32
    %min3A_40 = vector.broadcast %min3A : f32 to vector<2000x128xf32>
    %min3A_41 = arith.minimumf %add3A_37, %min3A_40 : vector<2000x128xf32>
    %exp3A = math.exp %min3A_41 : vector<2000x128xf32>
    %sub3A = arith.constant 1.000000e+00 : f32
    %sub3A_42 = vector.broadcast %sub3A : f32 to vector<2000x128xf32>
    %sub3A_43 = arith.subf %exp3A, %sub3A_42 : vector<2000x128xf32>
    %select_n3A = arith.select %gt3A_39, %add3A_37, %sub3A_43 : vector<2000x128xi1>, vector<2000x128xf32>
    %swap3A = arith.constant 0 : index
    %swap3A_44 = arith.constant 0 : index
    %swap3A_45 = vector.load %arg5[%swap3A, %swap3A_44] : memref<2000x128xf32, #tpu.memory_space<vmem>>, vector<2000x128xf32>
    tpu.vector_store %arg5[%swap3A, %swap3A_44], %select_n3A {strides = array<i32>} : memref<2000x128xf32, #tpu.memory_space<vmem>>, vector<2000x128xf32>,
    return
  }
  func.func @transform_0(%arg0: i32) -> (i32, i32, i32) {
    %c0_i32 = arith.constant 0 : i32
    %c0_i32_0 = arith.constant 0 : i32
    %c0_i32_1 = arith.constant 0 : i32
    return %c0_i32, %arg0, %c0_i32_0 : i32, i32, i32
  }
  func.func @transform_1(%arg0: i32) -> (i32, i32, i32) {
    %c0_i32 = arith.constant 0 : i32
    %c0_i32_0 = arith.constant 0 : i32
    %c0_i32_1 = arith.constant 0 : i32
    return %c0_i32, %arg0, %c0_i32_0 : i32, i32, i32
  }
  func.func @transform_2(%arg0: i32) -> (i32, i32) {
    %c0_i32 = arith.constant 0 : i32
    %c0_i32_0 = arith.constant 0 : i32
    return %arg0, %c0_i32 : i32, i32
  }
  func.func @transform_3(%arg0: i32) -> (i32, i32) {
    %c0_i32 = arith.constant 0 : i32
    %c0_i32_0 = arith.constant 0 : i32
    %c0_i32_1 = arith.constant 0 : i32
    return %c0_i32, %c0_i32_0 : i32, i32
  }
  func.func @transform_4(%arg0: i32) -> (i32, i32) {
    %c0_i32 = arith.constant 0 : i32
    %c0_i32_0 = arith.constant 0 : i32
    return %arg0, %c0_i32 : i32, i32
  }
}

module attributes {stable_mosaic.version = 14 : i64} {
  func.func @body(%arg0: memref<256x128xf32, #tpu.memory_space<vmem>>, %arg1: memref<256x128xf32, #tpu.memory_space<vmem>>, %arg2: memref<256x128xf32, #tpu.memory_space<vmem>>, %arg3: memref<256x128xf32, #tpu.memory_space<vmem>>, %arg4: memref<512x128xf32, #tpu.memory_space<vmem>>, %arg5: memref<128x3xf32, #tpu.memory_space<vmem>>, %arg6: memref<1x3xf32, #tpu.memory_space<vmem>>, %arg7: memref<256x3xf32, #tpu.memory_space<vmem>>) attributes {dimension_semantics = [], scalar_prefetch = 0 : i64, scratch_operands = 0 : i64, tpu.core_type = #tpu.core_type<tc>} {
    %get3A = arith.constant 0 : index
    %get3A_0 = arith.constant 0 : index
    %get3A_1 = vector.load %arg0[%get3A, %get3A_0] : memref<256x128xf32, #tpu.memory_space<vmem>>, vector<256x128xf32>
    %get3A_2 = arith.constant 0 : index
    %get3A_3 = arith.constant 0 : index
    %get3A_4 = vector.load %arg1[%get3A_2, %get3A_3] : memref<256x128xf32, #tpu.memory_space<vmem>>, vector<256x128xf32>
    %get3A_5 = arith.constant 0 : index
    %get3A_6 = arith.constant 0 : index
    %get3A_7 = vector.load %arg2[%get3A_5, %get3A_6] : memref<256x128xf32, #tpu.memory_space<vmem>>, vector<256x128xf32>
    %get3A_8 = arith.constant 0 : index
    %get3A_9 = arith.constant 0 : index
    %get3A_10 = vector.load %arg3[%get3A_8, %get3A_9] : memref<256x128xf32, #tpu.memory_space<vmem>>, vector<256x128xf32>
    %concatenate3A = tpu.concatenate %get3A_1, %get3A_4, %get3A_7, %get3A_10 in 1 : vector<256x128xf32>, vector<256x128xf32>, vector<256x128xf32>, vector<256x128xf32> -> vector<256x512xf32>
    %get3A_11 = arith.constant 0 : index
    %get3A_12 = arith.constant 0 : index
    %get3A_13 = vector.load %arg4[%get3A_11, %get3A_12] : memref<512x128xf32, #tpu.memory_space<vmem>>, vector<512x128xf32>
    %dot_general3A = arith.constant dense<0.000000e+00> : vector<256x128xf32>
    %dot_general3A_14 = tpu.matmul %concatenate3A, %get3A_13, %dot_general3A {dimension_numbers = #tpu.dot_dimension_numbers<[1], [0], [0], [1], [0, 0, 1, 1], [], []>, transpose_lhs_hint = false} : vector<256x512xf32>, vector<512x128xf32>, vector<256x128xf32> -> vector<256x128xf32>
    %get3A_15 = arith.constant 0 : index
    %get3A_16 = arith.constant 0 : index
    %get3A_17 = vector.load %arg5[%get3A_15, %get3A_16] : memref<128x3xf32, #tpu.memory_space<vmem>>, vector<128x3xf32>
    %dot_general3A_18 = arith.constant dense<0.000000e+00> : vector<256x3xf32>
    %dot_general3A_19 = tpu.matmul %dot_general3A_14, %get3A_17, %dot_general3A_18 {dimension_numbers = #tpu.dot_dimension_numbers<[1], [0], [0], [1], [0, 0, 1, 1], [], []>, transpose_lhs_hint = false} : vector<256x128xf32>, vector<128x3xf32>, vector<256x3xf32> -> vector<256x3xf32>
    %get3A_20 = arith.constant 0 : index
    %get3A_21 = arith.constant 0 : index
    %get3A_22 = vector.load %arg6[%get3A_20, %get3A_21] : memref<1x3xf32, #tpu.memory_space<vmem>>, vector<1x3xf32>
    %add3A = vector.broadcast %get3A_22 : vector<1x3xf32> to vector<256x3xf32>
    %add3A_23 = arith.addf %dot_general3A_19, %add3A : vector<256x3xf32>
    %max3A = arith.constant 0.000000e+00 : f32
    %max3A_24 = vector.broadcast %max3A : f32 to vector<256x3xf32>
    %max3A_25 = arith.maximumf %add3A_23, %max3A_24 : vector<256x3xf32>
    %swap3A = arith.constant 0 : index
    %swap3A_26 = arith.constant 0 : index
    %swap3A_27 = vector.load %arg7[%swap3A, %swap3A_26] : memref<256x3xf32, #tpu.memory_space<vmem>>, vector<256x3xf32>
    tpu.vector_store %arg7[%swap3A, %swap3A_26], %max3A_25 {strides = array<i32>} : memref<256x3xf32, #tpu.memory_space<vmem>>, vector<256x3xf32>,
    return
  }
}

</mosaic_0001>

<sc_bundles>
// kernel: kernel.35.cloned.1.call-start
scs
__scs_entry_jumppad:
0x0: {  	(pc) =	sbr.rel $0x88, $3  }
0x1: {  	(tag) =	ssettag $0x0;
	lr =	simm.s32 $0x1  }
0x2: {  	[smem:$0x3F8A] =	sst lr;
	_ =	strace $0xD0000000  }
0x3: {  	_ = 	snop  }
0x4: {  	_ = 	snop  }
0x5: {  	_ = 	snop  }
0x6: {  	_ = 	snop  }
0x7: {  	_ = 	snop  }
__scs_overlays_trampoline_lowered:
0x8: {  	[smem:$0x3F99] =	sst s0  }
0x9: {  	[smem:$0x3F9A] =	sst s1  }
0xa: {  	[smem:$0x3F9B] =	sst s2  }
0xb: {  	[smem:$0x3F9C] =	sst s3  }
0xc: {  	[smem:$0x3F9D] =	sst s4  }
0xd: {  	[smem:$0x3F9E] =	sst s5  }
0xe: {  	[smem:$0x3F9F] =	sst s6  }
0xf: {  	[smem:$0x3FA0] =	sst s7  }
0x10: {  	[smem:$0x3FA1] =	sst s8  }
0x11: {  	[smem:$0x3FA2] =	sst s9;
	s0 =	simm.s32 @!p0 $0x0  }
0x12: {  	s1 =	sld [smem:$0x3F88];
	s0 =	simm.s32 @p0 $0x1  }
0x13: {  	[smem:$0x3FA3] =	sst s0;
	s0 =	simm.s32 @!p1 $0x0  }
0x14: {  	s2 =	sld [smem:$0x3F87];
	s0 =	simm.s32 @p1 $0x1  }
0x15: {  	[smem:$0x3FA4] =	sst s0;
	s0 =	simm.s32 @!p2 $0x0  }
0x16: {  	s3 =	sld [smem:$0x3FDB];
	s0 =	simm.s32 @p2 $0x1  }
0x17: {  	s4 =	simm.s32 $0x1BF5;
	[smem:$0x3FA6] =	sst s0  }
0x18: {  	s0 =	sld [smem:$0x3F89];
	_ =	swait.ge [sflag:s4], $0x0  }
0x19: {  	s7 =	sld [smem:$0x3F8A]  }
0x1a: {  	s8 =	sadd.s32 $0xFFFFE003, lr  }
0x1b: {  	s9 =	sadd.s32 $0xFFFFFEF7, lr;
	s5 =	simm.s32 $0xFFFFFFFF;
	p2 =	slt.u32 s8, $0xFFFFF086  }
0x1c: {  	p1 =	slt.u32 s9, $0xF7A;
	s5 =	simm.s32 @!p2 $0x0  }
0x1d: {  	s5 =	simm.s32 @p1 $0x1;
	p0 =	seq.s32 s7, s2  }
0x1e: {  	s7 =	smul.u32 @!p0 $0xF7A, s2;
	p2 =	seq.s32 @!p0 s5, $0x0  }
0x1f: {  	s9 =	smul.u32 $0xF7A, s1;
	s8 =	simm.s32 @!p0 $0x1BF5;
	p2 =	por !p2, p0  }
0x20: {  	[sflag:s8] =	ssyncset.s32 @!p0 $0xFFFFF086;
	s6 =	sadd.s32 @!p0 s3, s7;
	s7 =	simm.s32 @!p0 $0x108  }
0x21: {  	s3 =	sadd.s32 s3, s9;
	s6 =	sadd.s32 @!p0 $0x88, s6;
	s7 =	simm.s32 @p2 $0x1082  }
0x22: {  	[simem:s7], [sflag:s8] =	dma.local @!p0 [hbm:s6], $0xF7A  }
0x23: {  	s9 =	sor.u32 $0xD0000000, s2;
	s6 =	simm.s32 $0x108;
	_ =	swait.ge @!p0 [sflag:s8], $0x0  }
0x24: {  	s3 =	sadd.s32 $0x88, s3;
	s6 =	simm.s32 @!p1 $0x1082;
	[sflag:s4] =	ssyncset.s32 $0xFFFFF086  }
0x25: {  	[simem:s6], [sflag:s4] =	dma.local [hbm:s3], $0xF7A  }
0x26: {  	[smem:$0x3F8A] =	sst s1;
	(tag) =	ssettag s2;
	_ =	strace s9  }
0x27: {  	s1 =	sld [smem:$0x3F9A]  }
0x28: {  	s2 =	sld [smem:$0x3F9B]  }
0x29: {  	s4 =	sld [smem:$0x3F9D]  }
0x2a: {  	p0 =	seq.s32 s5, $0x0;
	s5 =	sld [smem:$0x3F9E]  }
0x2b: {  	s6 =	sld [smem:$0x3F9F]  }
0x2c: {  	s7 =	sld [smem:$0x3FA0]  }
0x2d: {  	s3 =	simm.s32 $0x108;
	s8 =	sld [smem:$0x3FA1]  }
0x2e: {  	s3 =	simm.s32 @!p0 $0x1082;
	s9 =	sld [smem:$0x3FA2]  }
0x2f: {  	lr =	sadd.s32 s0, s3;
	s0 =	sld [smem:$0x3F99]  }
0x30: {  	s3 =	sld [smem:$0x3F9C]  }
0x31: {  	[smem:$0x3FA5] =	sst s10  }
0x32: {  	s10 =	sld [smem:$0x3FA3];
	_ =	sdelay $0x3  }
0x33: {  	p0 =	seq.s32 s10, $0x1;
	s10 =	sld [smem:$0x3FA5];
	_ =	sdelay $0x3  }
0x34: {  	[smem:$0x3FA5] =	sst s10  }
0x35: {  	s10 =	sld [smem:$0x3FA4];
	_ =	sdelay $0x3  }
0x36: {  	p1 =	seq.s32 s10, $0x1;
	s10 =	sld [smem:$0x3FA5];
	_ =	sdelay $0x3  }
0x37: {  	[smem:$0x3FA5] =	sst s10  }
0x38: {  	s10 =	sld [smem:$0x3FA6]  }
0x39: {  	_ = 	snop;
	(pc) =	sbr.ind lr, $3  }
0x3a: {  	_ = 	snop  }
0x3b: {  	_ = 	snop  }
0x3c: {  	p2 =	seq.s32 s10, $0x1;
	s10 =	sld [smem:$0x3FA5]  }
0x3d: {  	_ =	shalt  }
0x3e: {  	_ =	shalt  }
0x3f: {  	_ =	shalt  }
0x40: {  	_ =	shalt  }
0x41: {  	_ =	shalt  }
0x42: {  	_ =	shalt  }
0x43: {  	_ =	shalt  }
0x44: {  	_ =	shalt  }
0x45: {  	_ =	shalt  }
0x46: {  	_ =	shalt  }
0x47: {  	_ =	shalt  }
0x48: {  	_ =	shalt  }
0x49: {  	_ =	shalt  }
0x4a: {  	_ =	shalt  }
0x4b: {  	_ =	shalt  }
0x4c: {  	_ =	shalt  }
0x4d: {  	_ =	shalt  }
0x4e: {  	_ =	shalt  }
0x4f: {  	_ =	shalt  }
0x50: {  	_ =	shalt  }
0x51: {  	_ =	shalt  }
0x52: {  	_ =	shalt  }
0x53: {  	_ =	shalt  }
0x54: {  	_ =	shalt  }
0x55: {  	_ =	shalt  }
0x56: {  	_ =	shalt  }
0x57: {  	_ =	shalt  }
0x58: {  	_ =	shalt  }
0x59: {  	_ =	shalt  }
0x5a: {  	_ =	shalt  }
0x5b: {  	_ =	shalt  }
0x5c: {  	_ =	shalt  }
0x5d: {  	_ =	shalt  }
0x5e: {  	_ =	shalt  }
0x5f: {  	_ =	shalt  }
0x60: {  	_ =	shalt  }
0x61: {  	_ =	shalt  }
0x62: {  	_ =	shalt  }
0x63: {  	_ =	shalt  }
0x64: {  	_ =	shalt  }
0x65: {  	_ =	shalt  }
0x66: {  	_ =	shalt  }
0x67: {  	_ =	shalt  }
0x68: {  	_ =	shalt  }
0x69: {  	_ =	shalt  }
0x6a: {  	_ =	shalt  }
0x6b: {  	_ =	shalt  }
0x6c: {  	_ =	shalt  }
0x6d: {  	_ =	shalt  }
0x6e: {  	_ =	shalt  }
0x6f: {  	_ =	shalt  }
0x70: {  	_ =	shalt  }
0x71: {  	_ =	shalt  }
0x72: {  	_ =	shalt  }
0x73: {  	_ =	shalt  }
0x74: {  	_ =	shalt  }
0x75: {  	_ =	shalt  }
0x76: {  	_ =	shalt  }
0x77: {  	_ =	shalt  }
0x78: {  	_ =	shalt  }
0x79: {  	_ =	shalt  }
0x7a: {  	_ =	shalt  }
0x7b: {  	_ =	shalt  }
0x7c: {  	_ =	shalt  }
0x7d: {  	_ =	shalt  }
0x7e: {  	_ =	shalt  }
0x7f: {  	_ =	shalt  }
0x80: {  	_ =	shalt  }
0x81: {  	_ =	shalt  }
0x82: {  	_ =	shalt  }
0x83: {  	_ =	shalt  }
0x84: {  	_ =	shalt  }
0x85: {  	_ =	shalt  }
0x86: {  	_ =	shalt  }
0x87: {  	_ =	shalt  }
.Lfunc_end0:
.L_simem_size_0:
called_computation_lowered:
.L_overlay_start_0:
0x88: {  	s2 =	sld [smem:$0x3FD9]  }
0x89: {  	s3 =	sld [smem:$0x3FFE];
	_ =	sdelay $0x1  }
0x8a: {  	s1 =	srdreg.scid  }
0x8b: {  	s0 =	sand.u32 $0x1, s1  }
0x8c: {  	s17 =	sshll.u32 s0, $0xA;
	s2 =	sadd.s32 s3, s2  }
0x8d: {  	s2 =	sadd.s32 s2, s17  }
0x8e: {  	[smem:$0x3FB1] =	sst s2  }
0x8f: {  	_ = 	snop  }
0x90: {  	s2 =	sld [smem:$0x3FC3]  }
0x91: {  	s18 =	sld [smem:$0x3FC2];
	(tm) =	ssettm $0x1  }
0x92: {  	s4 =	sld [smem:$0x3FFB];
	_ =	sdelay $0x3  }
0x93: {  	_ =	strace s4  }
0x94: {  	s4 =	sld [smem:$0x3FFC];
	_ =	sdelay $0x3  }
0x95: {  	_ =	strace s4  }
0x96: {  	s4 =	sld [smem:$0x3FFD];
	_ =	sdelay $0x3  }
0x97: {  	_ =	strace s4  }
0x98: {  	_ =	strace $0x8FFFFFFF  }
0x99: {  	s19 =	sld [smem:$0x3FDB];
	_ =	sdelay $0x1  }
0x9a: {  	s5 =	simm.s32 $_scs_section_size  }
0x9b: {  	s6 =	simm.s32 $_size__tile_overlayer_lowered;
	s7 =	simm.s32 $_tile_overlayer_lowered  }
0x9c: {  	s22 =	simm.s32 $0x1BFF;
	s21 =	sshll.u32 s7, $0x1;
	s4 =	sadd.s32 s5, s19  }
0x9d: {  	s8 =	simm.s32 $0x0;
	s20 =	sshll.u32 s6, $0x1;
	s6 =	sadd.s32 s21, s4  }
0x9e: {  	[timem:s8], [sflag:s22] =	dma.local [hbm:s6], s20  }
0x9f: {  	_ =	swait.ge [sflag:s22], s20  }
0xa0: {  	s5 =	ssub.s32 $0x0, s20;
	[sflag:s22] =	ssyncset.done $0x0  }
0xa1: {  	[sflag:s22] =	ssyncadd.s32 s5;
	_ =	sdelay $0x1  }
0xa2: {  	s23 =	simm.s32 $0x1B8B  }
0xa3: {  	_ =	swait.ge [sflag:s23], $0x1  }
0xa4: {  	[sflag:s23] =	ssyncset.done $0x0  }
0xa5: {  	s25 =	simm.s32 $0x1B8E;
	s24 =	sld [smem:$0x3FFE];
	[sflag:s23] =	ssyncadd.s32 $0xFFFFFFFF  }
0xa6: {  	s26 =	simm.s32 $execute0_lowered;
	[smem:$0x3FD2] =	sst s25  }
0xa7: {  	s6 =	sshll.u32 s26, $0x1;
	_ =	strace $0x80000046;
	[dreg:$0x1] =	wrdreg $0xFFFFFFFF  }
0xa8: {  	s28 =	simm.s32 $_size_execute0_lowered;
	s4 =	sadd.s32 s4, s6;
	[dreg:$0x0] =	wrdreg $0x0  }
0xa9: {  	s6 =	sshll.u32 s28, $0x1;
	[dreg:$0x2] =	wrdreg s4  }
0xaa: {  	[dreg:$0x3] =	wrdreg s6  }
0xab: {  	[dreg:$0x4] =	wrdreg $0xC0  }
0xac: {  	_ =	task [dreg:s8], $0x5FFFF  }
0xad: {  	[dreg:$0x1] =	wrdreg $0xFFFFFFFF  }
0xae: {  	[dreg:$0x0] =	wrdreg $0x60  }
0xaf: {  	[dreg:$0x2] =	wrdreg s2  }
0xb0: {  	[dreg:$0x3] =	wrdreg s24  }
0xb1: {  	[dreg:$0x4] =	wrdreg s18  }
0xb2: {  	[dreg:$0x5] =	wrdreg $0x9  }
0xb3: {  	_ =	task.clear_ibuf [dreg:s8], $0x6FFFF;
	_ =	strace $0x90000046  }
0xb4: {  	s29 =	simm.s32 $0x9;
	_ =	strace $0x80000048  }
0xb5: {  	_ =	swait.ge [sflag:s29], $0x1  }
0xb6: {  	[sflag:s29] =	ssyncadd.s32 $0xFFFFFFFF  }
0xb7: {  	_ =	strace $0x90000048  }
0xb8: {  	_ =	sfence  }
0xb9: {  	s30 =	sld [smem:$0x0];
	_ =	sdelay $0x2  }
0xba: {  	s31 =	sshll.u32 s1, $0xD;
	s1 =	sshrl.u32 s1, $0x2  }
0xbb: {  	s3 =	sand.u32 $0x4000, s31;
	s1 =	sadd.s32 s1, s30  }
0xbc: {  	s0 =	sor.u32 s3, s0;
	s1 =	sshll.u32 s1, $0x11  }
0xbd: {  	s0 =	sor.u32 s1, s0  }
0xbe: {  	s0 =	sadd.s32 $0x8F2B, s0  }
0xbf: {  	[sflag:s0] =	ssyncadd.remote.s32 $0x1  }
0xc0: {  	_ =	sfence.sel $0xFFFF  }
0xc1: {  	[dreg:$0x0] =	wrdreg $0xFFFFFFFF;
	(pc) =	sbr.abs _section_cstart, $3  }
0xc2: {  	[dreg:$0x1] =	wrdreg $0xFFFFFFFF  }
0xc3: {  	_ =	task.clear_ibuf [dreg:s8], $0x2FFFF;
	_ =	strace $0x9FFFFFFF  }
0xc4: {  	(tm) =	ssettm $0x7FFFFFFF  }
0xc5: {  	_ =	shalt  }
tec
execute0_lowered:
.L_overlay_start_1:
0x0: {  	(tag) =	ssettag $0x1  }
0x1: {  	s1 =	srdreg.scid;
	s0 =	stileid.u32  }
0x2: {  	s2 =	rddreg [dreg:$0x0];
	s12 =	sand.u32 $0x1, s1;
	s30 =	sshll.u32 s0, $0x1  }
0x3: {  	s10 =	rddreg [dreg:$0x1];
	s7 =	sor.u32 s12, s30  }
0x4: {  	s3 =	rddreg [dreg:$0x2];
	s5 =	smul.u32 $0x28, s7  }
0x5: {  	s4 =	simm.s32 $0x0;
	s1 =	rddreg [dreg:$0x3]  }
0x6: {  	[smem:$0x7FF] =	sst s4;
	s11 =	sadd.s32 s5, s10  }
0x7: {  	_ =	strace $0x80000047;
	s5 =	simm.s32 $0x2;
	s6 =	sadd.s32 $0x10C00, s11  }
0x8: {  	[tilespmem:s4], [sflag:$0x2] =	stream.linear.gather [hbm4b:s6+s4], $0x140, $0x38;
	[tilespmem:$0xA180] =	vst v63  }
0x9: {  	_ =	swait.ge [sflag:s5], $0x140  }
0xa: {  	s8 =	simm.s32 $0x180;
	s9 =	simm.s32 $0x1;
	[sflag:s5] =	ssyncset.done $0x0  }
0xb: {  	s13 =	smul.u32 $0x1400, s7;
	s7 =	simm.s32 $0x140;
	[sflag:s5] =	ssyncadd.s32 $0xFFFFFEC0  }
0xc: {  	[tilespmem:s8], [sflag:$0x1] =	stream.indirect.gather [hbm4b:s2+s7], $0x80, s4, s7, $0xb8;
	[tilespmem:$0xA180] =	vst v63  }
0xd: {  	_ =	swait.ge [sflag:s9], $0xA000  }
0xe: {  	s13 =	sadd.s32 s13, s10;
	[sflag:s9] =	ssyncset.done $0x0  }
0xf: {  	s10 =	sadd.s32 $0x11800, s13;
	[sflag:s9] =	ssyncadd.s32 $0xFFFF6000  }
0x10: {  	[hbm4b:s10+s4] =	stream.linear.scatter [tilespmem:s8], [sflag:$0x2], $0xA000, $0x38;
	[tilespmem:$0xA180] =	vst v63  }
0x11: {  	_ =	swait.ge [sflag:s5], $0xA000  }
0x12: {  	[sflag:s5] =	ssyncset.done $0x0  }
0x13: {  	s12 =	ssub.s32 $0x2, s12;
	s11 =	sadd.s32 $0x11200, s11;
	[sflag:s5] =	ssyncadd.s32 $0xFFFF6000  }
0x14: {  	[tilespmem:s4], [sflag:$0x2] =	stream.linear.gather [hbm4b:s11+s4], $0x140, $0x38;
	[tilespmem:$0xA180] =	vst v63  }
0x15: {  	s14 =	sshrl.u32 s12, $0x1;
	_ =	swait.ge [sflag:s5], $0x140  }
0x16: {  	s14 =	ssub.s32 s12, s14;
	[sflag:s5] =	ssyncset.done $0x0  }
0x17: {  	s31 =	smax.u32 s14, $0x1;
	[sflag:s5] =	ssyncadd.s32 $0xFFFFFEC0  }
0x18: {  	[tilespmem:s8], [sflag:$0x1] =	stream.indirect.gather [hbm4b:s3+s7], $0x80, s4, s7, $0xb8;
	[tilespmem:$0xA180] =	vst v63  }
0x19: {  	p0 =	sne.s32 s31, $0x1;
	_ =	swait.ge [sflag:s9], $0xA000  }
.Ltmp0:
0x1a: {  	[sflag:s9] =	ssyncset.done $0x0;
	(pc) =	sbr.rel @!p0 .LBB2_2-.Ltmp0, $4  }
0x1b: {  	s12 =	sadd.s32 $0x39800, s13;
	[sflag:s9] =	ssyncadd.s32 $0xFFFF6000  }
0x1c: {  	[hbm4b:s12+s4] =	stream.linear.scatter [tilespmem:s8], [sflag:$0x2], $0xA000, $0x38;
	[tilespmem:$0xA180] =	vst v63  }
0x1d: {  	_ =	swait.ge [sflag:s5], $0xA000  }
0x1e: {  	s13 =	sadd.s32 $0xFFFFFFFF, s31;
	[sflag:s5] =	ssyncset.done $0x0  }
.LBB2_1:
0x1f: {  	p0 =	sne.s32 s13, $0x1;
	s13 =	sadd.s32 $0xFFFFFFFF, s13;
	[sflag:s5] =	ssyncadd.s32 $0xFFFF6000  }
0x20: {  	[tilespmem:s4], [sflag:$0x2] =	stream.linear.gather [hbm4b:s6+s4], $0x140, $0x38;
	[tilespmem:$0xA180] =	vst v63  }
0x21: {  	_ =	swait.ge [sflag:s5], $0x140  }
0x22: {  	[sflag:s5] =	ssyncset.done $0x0  }
0x23: {  	[sflag:s5] =	ssyncadd.s32 $0xFFFFFEC0  }
0x24: {  	[tilespmem:s8], [sflag:$0x1] =	stream.indirect.gather [hbm4b:s2+s7], $0x80, s4, s7, $0xb8;
	[tilespmem:$0xA180] =	vst v63  }
0x25: {  	_ =	swait.ge [sflag:s9], $0xA000  }
0x26: {  	[sflag:s9] =	ssyncset.done $0x0  }
0x27: {  	[sflag:s9] =	ssyncadd.s32 $0xFFFF6000  }
0x28: {  	[hbm4b:s10+s4] =	stream.linear.scatter [tilespmem:s8], [sflag:$0x2], $0xA000, $0x38;
	[tilespmem:$0xA180] =	vst v63  }
0x29: {  	_ =	swait.ge [sflag:s5], $0xA000  }
0x2a: {  	[sflag:s5] =	ssyncset.done $0x0  }
0x2b: {  	[sflag:s5] =	ssyncadd.s32 $0xFFFF6000  }
0x2c: {  	[tilespmem:s4], [sflag:$0x2] =	stream.linear.gather [hbm4b:s11+s4], $0x140, $0x38;
	[tilespmem:$0xA180] =	vst v63  }
0x2d: {  	_ =	swait.ge [sflag:s5], $0x140  }
0x2e: {  	[sflag:s5] =	ssyncset.done $0x0  }
0x2f: {  	[sflag:s5] =	ssyncadd.s32 $0xFFFFFEC0  }
0x30: {  	[tilespmem:s8], [sflag:$0x1] =	stream.indirect.gather [hbm4b:s3+s7], $0x80, s4, s7, $0xb8;
	[tilespmem:$0xA180] =	vst v63  }
0x31: {  	_ =	swait.ge [sflag:s9], $0xA000  }
.Ltmp1:
0x32: {  	[sflag:s9] =	ssyncset.done $0x0;
	(pc) =	sbr.rel @p0 .LBB2_1-.Ltmp1, $4  }
0x33: {  	[sflag:s9] =	ssyncadd.s32 $0xFFFF6000  }
0x34: {  	[hbm4b:s12+s4] =	stream.linear.scatter [tilespmem:s8], [sflag:$0x2], $0xA000, $0x38;
	[tilespmem:$0xA180] =	vst v63  }
0x35: {  	_ =	swait.ge [sflag:s5], $0xA000  }
0x36: {  	[sflag:s5] =	ssyncset.done $0x0  }
.LBB2_2:
0x37: {  	[sflag:s5] =	ssyncadd.s32 $0xFFFF6000  }
0x38: {  	_ =	sfence.sel $0x180000  }
0x39: {  	[bflag:$0x0] =	sbarrier.arrive $0xFFFF  }
0x3a: {  	p0 =	sne.s32 s0, $0x0;
	_ =	strace $0x90000047  }
0x3b: {  	s0 =	sadd.s32 @!p0 $0x100000, s1;
	[bflag:$0x2] =	sbarrier.arrive $0xFFFF  }
0x3c: {  	[sflag:s0] =	ssyncadd.tile.s32 @!p0 $0x1;
	_ =	shalt  }
.Lfunc_end2:
_tile_overlayer_lowered:
.L_overlay_start_2:
0x3d: {  	(tag) =	ssettag $0x2  }
0x3e: {  	s0 =	rddreg [dreg:$0x0];
	s2 =	stileid.u32  }
0x3f: {  	s1 =	rddreg [dreg:$0x1];
	p0 =	sne.s32 s2, $0x0  }
0x40: {  	s3 =	rddreg [dreg:$0x2];
	[bflag:$0x3] =	sbarrier.arrive $0xFFFF;
	s2 =	simm.s32 @!p0 $0x1C02  }
0x41: {  	[timem:s3], [sflag:s2] =	dma.local @!p0 [hbm:s0], s1  }
0x42: {  	s0 =	simm.s32 @!p0 $0x2  }
0x43: {  	_ =	swait.ge @!p0 [sflag:s0], s1  }
0x44: {  	s1 =	ssub.s32 @!p0 $0x0, s1;
	[sflag:s0] =	ssyncset.done @!p0 $0x0  }
0x45: {  	[sflag:s0] =	ssyncadd.s32 @!p0 s1  }
0x46: {  	[bflag:$0x3] =	sbarrier.arrive $0xFFFF  }
0x47: {  	_ =	shalt  }

// kernel: kernel.38.cloned.1.call-start
scs
__scs_entry_jumppad:
0x0: {  	(pc) =	sbr.rel $0x88, $3  }
0x1: {  	(tag) =	ssettag $0x0;
	lr =	simm.s32 $0x1  }
0x2: {  	[smem:$0x3F8A] =	sst lr;
	_ =	strace $0xD0000000  }
0x3: {  	_ = 	snop  }
0x4: {  	_ = 	snop  }
0x5: {  	_ = 	snop  }
0x6: {  	_ = 	snop  }
0x7: {  	_ = 	snop  }
__scs_overlays_trampoline_lowered:
0x8: {  	[smem:$0x3F99] =	sst s0  }
0x9: {  	[smem:$0x3F9A] =	sst s1  }
0xa: {  	[smem:$0x3F9B] =	sst s2  }
0xb: {  	[smem:$0x3F9C] =	sst s3  }
0xc: {  	[smem:$0x3F9D] =	sst s4  }
0xd: {  	[smem:$0x3F9E] =	sst s5  }
0xe: {  	[smem:$0x3F9F] =	sst s6  }
0xf: {  	[smem:$0x3FA0] =	sst s7  }
0x10: {  	[smem:$0x3FA1] =	sst s8  }
0x11: {  	[smem:$0x3FA2] =	sst s9;
	s0 =	simm.s32 @!p0 $0x0  }
0x12: {  	s1 =	sld [smem:$0x3F88];
	s0 =	simm.s32 @p0 $0x1  }
0x13: {  	[smem:$0x3FA3] =	sst s0;
	s0 =	simm.s32 @!p1 $0x0  }
0x14: {  	s2 =	sld [smem:$0x3F87];
	s0 =	simm.s32 @p1 $0x1  }
0x15: {  	[smem:$0x3FA4] =	sst s0;
	s0 =	simm.s32 @!p2 $0x0  }
0x16: {  	s3 =	sld [smem:$0x3FDB];
	s0 =	simm.s32 @p2 $0x1  }
0x17: {  	s4 =	simm.s32 $0x1BF5;
	[smem:$0x3FA6] =	sst s0  }
0x18: {  	s0 =	sld [smem:$0x3F89];
	_ =	swait.ge [sflag:s4], $0x0  }
0x19: {  	s7 =	sld [smem:$0x3F8A]  }
0x1a: {  	s8 =	sadd.s32 $0xFFFFE003, lr  }
0x1b: {  	s9 =	sadd.s32 $0xFFFFFEF7, lr;
	s5 =	simm.s32 $0xFFFFFFFF;
	p2 =	slt.u32 s8, $0xFFFFF086  }
0x1c: {  	p1 =	slt.u32 s9, $0xF7A;
	s5 =	simm.s32 @!p2 $0x0  }
0x1d: {  	s5 =	simm.s32 @p1 $0x1;
	p0 =	seq.s32 s7, s2  }
0x1e: {  	s7 =	smul.u32 @!p0 $0xF7A, s2;
	p2 =	seq.s32 @!p0 s5, $0x0  }
0x1f: {  	s9 =	smul.u32 $0xF7A, s1;
	s8 =	simm.s32 @!p0 $0x1BF5;
	p2 =	por !p2, p0  }
0x20: {  	[sflag:s8] =	ssyncset.s32 @!p0 $0xFFFFF086;
	s6 =	sadd.s32 @!p0 s3, s7;
	s7 =	simm.s32 @!p0 $0x108  }
0x21: {  	s3 =	sadd.s32 s3, s9;
	s6 =	sadd.s32 @!p0 $0x88, s6;
	s7 =	simm.s32 @p2 $0x1082  }
0x22: {  	[simem:s7], [sflag:s8] =	dma.local @!p0 [hbm:s6], $0xF7A  }
0x23: {  	s9 =	sor.u32 $0xD0000000, s2;
	s6 =	simm.s32 $0x108;
	_ =	swait.ge @!p0 [sflag:s8], $0x0  }
0x24: {  	s3 =	sadd.s32 $0x88, s3;
	s6 =	simm.s32 @!p1 $0x1082;
	[sflag:s4] =	ssyncset.s32 $0xFFFFF086  }
0x25: {  	[simem:s6], [sflag:s4] =	dma.local [hbm:s3], $0xF7A  }
0x26: {  	[smem:$0x3F8A] =	sst s1;
	(tag) =	ssettag s2;
	_ =	strace s9  }
0x27: {  	s1 =	sld [smem:$0x3F9A]  }
0x28: {  	s2 =	sld [smem:$0x3F9B]  }
0x29: {  	s4 =	sld [smem:$0x3F9D]  }
0x2a: {  	p0 =	seq.s32 s5, $0x0;
	s5 =	sld [smem:$0x3F9E]  }
0x2b: {  	s6 =	sld [smem:$0x3F9F]  }
0x2c: {  	s7 =	sld [smem:$0x3FA0]  }
0x2d: {  	s3 =	simm.s32 $0x108;
	s8 =	sld [smem:$0x3FA1]  }
0x2e: {  	s3 =	simm.s32 @!p0 $0x1082;
	s9 =	sld [smem:$0x3FA2]  }
0x2f: {  	lr =	sadd.s32 s0, s3;
	s0 =	sld [smem:$0x3F99]  }
0x30: {  	s3 =	sld [smem:$0x3F9C]  }
0x31: {  	[smem:$0x3FA5] =	sst s10  }
0x32: {  	s10 =	sld [smem:$0x3FA3];
	_ =	sdelay $0x3  }
0x33: {  	p0 =	seq.s32 s10, $0x1;
	s10 =	sld [smem:$0x3FA5];
	_ =	sdelay $0x3  }
0x34: {  	[smem:$0x3FA5] =	sst s10  }
0x35: {  	s10 =	sld [smem:$0x3FA4];
	_ =	sdelay $0x3  }
0x36: {  	p1 =	seq.s32 s10, $0x1;
	s10 =	sld [smem:$0x3FA5];
	_ =	sdelay $0x3  }
0x37: {  	[smem:$0x3FA5] =	sst s10  }
0x38: {  	s10 =	sld [smem:$0x3FA6]  }
0x39: {  	_ = 	snop;
	(pc) =	sbr.ind lr, $3  }
0x3a: {  	_ = 	snop  }
0x3b: {  	_ = 	snop  }
0x3c: {  	p2 =	seq.s32 s10, $0x1;
	s10 =	sld [smem:$0x3FA5]  }
0x3d: {  	_ =	shalt  }
0x3e: {  	_ =	shalt  }
0x3f: {  	_ =	shalt  }
0x40: {  	_ =	shalt  }
0x41: {  	_ =	shalt  }
0x42: {  	_ =	shalt  }
0x43: {  	_ =	shalt  }
0x44: {  	_ =	shalt  }
0x45: {  	_ =	shalt  }
0x46: {  	_ =	shalt  }
0x47: {  	_ =	shalt  }
0x48: {  	_ =	shalt  }
0x49: {  	_ =	shalt  }
0x4a: {  	_ =	shalt  }
0x4b: {  	_ =	shalt  }
0x4c: {  	_ =	shalt  }
0x4d: {  	_ =	shalt  }
0x4e: {  	_ =	shalt  }
0x4f: {  	_ =	shalt  }
0x50: {  	_ =	shalt  }
0x51: {  	_ =	shalt  }
0x52: {  	_ =	shalt  }
0x53: {  	_ =	shalt  }
0x54: {  	_ =	shalt  }
0x55: {  	_ =	shalt  }
0x56: {  	_ =	shalt  }
0x57: {  	_ =	shalt  }
0x58: {  	_ =	shalt  }
0x59: {  	_ =	shalt  }
0x5a: {  	_ =	shalt  }
0x5b: {  	_ =	shalt  }
0x5c: {  	_ =	shalt  }
0x5d: {  	_ =	shalt  }
0x5e: {  	_ =	shalt  }
0x5f: {  	_ =	shalt  }
0x60: {  	_ =	shalt  }
0x61: {  	_ =	shalt  }
0x62: {  	_ =	shalt  }
0x63: {  	_ =	shalt  }
0x64: {  	_ =	shalt  }
0x65: {  	_ =	shalt  }
0x66: {  	_ =	shalt  }
0x67: {  	_ =	shalt  }
0x68: {  	_ =	shalt  }
0x69: {  	_ =	shalt  }
0x6a: {  	_ =	shalt  }
0x6b: {  	_ =	shalt  }
0x6c: {  	_ =	shalt  }
0x6d: {  	_ =	shalt  }
0x6e: {  	_ =	shalt  }
0x6f: {  	_ =	shalt  }
0x70: {  	_ =	shalt  }
0x71: {  	_ =	shalt  }
0x72: {  	_ =	shalt  }
0x73: {  	_ =	shalt  }
0x74: {  	_ =	shalt  }
0x75: {  	_ =	shalt  }
0x76: {  	_ =	shalt  }
0x77: {  	_ =	shalt  }
0x78: {  	_ =	shalt  }
0x79: {  	_ =	shalt  }
0x7a: {  	_ =	shalt  }
0x7b: {  	_ =	shalt  }
0x7c: {  	_ =	shalt  }
0x7d: {  	_ =	shalt  }
0x7e: {  	_ =	shalt  }
0x7f: {  	_ =	shalt  }
0x80: {  	_ =	shalt  }
0x81: {  	_ =	shalt  }
0x82: {  	_ =	shalt  }
0x83: {  	_ =	shalt  }
0x84: {  	_ =	shalt  }
0x85: {  	_ =	shalt  }
0x86: {  	_ =	shalt  }
0x87: {  	_ =	shalt  }
.Lfunc_end0:
.L_simem_size_0:
called_computation.1_lowered:
.L_overlay_start_0:
0x88: {  	s2 =	sld [smem:$0x3FD9]  }
0x89: {  	s3 =	sld [smem:$0x3FFE];
	_ =	sdelay $0x1  }
0x8a: {  	s1 =	srdreg.scid  }
0x8b: {  	s0 =	sand.u32 $0x1, s1  }
0x8c: {  	s16 =	sshll.u32 s0, $0xA;
	s2 =	sadd.s32 s3, s2  }
0x8d: {  	s2 =	sadd.s32 s2, s16  }
0x8e: {  	[smem:$0x3FB1] =	sst s2  }
0x8f: {  	_ = 	snop  }
0x90: {  	(tm) =	ssettm $0x1  }
0x91: {  	s17 =	sld [smem:$0x3FFB];
	_ =	sdelay $0x3  }
0x92: {  	_ =	strace s17  }
0x93: {  	s2 =	sld [smem:$0x3FFC];
	_ =	sdelay $0x3  }
0x94: {  	_ =	strace s2  }
0x95: {  	s2 =	sld [smem:$0x3FFD];
	_ =	sdelay $0x3  }
0x96: {  	_ =	strace s2  }
0x97: {  	_ =	strace $0x8FFFFFFF  }
0x98: {  	s18 =	sld [smem:$0x3FDB];
	_ =	sdelay $0x1  }
0x99: {  	s19 =	simm.s32 $_scs_section_size  }
0x9a: {  	s4 =	simm.s32 $_size__tile_overlayer_lowered;
	s5 =	simm.s32 $_tile_overlayer_lowered  }
0x9b: {  	s22 =	simm.s32 $0x1BFF;
	s21 =	sshll.u32 s5, $0x1;
	s2 =	sadd.s32 s19, s18  }
0x9c: {  	s6 =	simm.s32 $0x0;
	s20 =	sshll.u32 s4, $0x1;
	s4 =	sadd.s32 s21, s2  }
0x9d: {  	[timem:s6], [sflag:s22] =	dma.local [hbm:s4], s20  }
0x9e: {  	_ =	swait.ge [sflag:s22], s20  }
0x9f: {  	s3 =	ssub.s32 $0x0, s20;
	[sflag:s22] =	ssyncset.done $0x0  }
0xa0: {  	[sflag:s22] =	ssyncadd.s32 s3;
	_ =	sdelay $0x1  }
0xa1: {  	s23 =	simm.s32 $0x1B8B  }
0xa2: {  	_ =	swait.ge [sflag:s23], $0x1  }
0xa3: {  	[sflag:s23] =	ssyncset.done $0x0  }
0xa4: {  	s25 =	simm.s32 $0x1B8E;
	s24 =	sld [smem:$0x3FFE];
	[sflag:s23] =	ssyncadd.s32 $0xFFFFFFFF  }
0xa5: {  	s26 =	simm.s32 $execute0_lowered;
	[smem:$0x3FD2] =	sst s25  }
0xa6: {  	s4 =	sshll.u32 s26, $0x1;
	_ =	strace $0x80000049;
	[dreg:$0x1] =	wrdreg $0xFFFFFFFF  }
0xa7: {  	s28 =	simm.s32 $_size_execute0_lowered;
	s2 =	sadd.s32 s2, s4;
	[dreg:$0x0] =	wrdreg $0x0  }
0xa8: {  	s4 =	sshll.u32 s28, $0x1;
	[dreg:$0x2] =	wrdreg s2  }
0xa9: {  	[dreg:$0x3] =	wrdreg s4  }
0xaa: {  	[dreg:$0x4] =	wrdreg $0xC0  }
0xab: {  	_ =	task [dreg:s6], $0x5FFFF  }
0xac: {  	[dreg:$0x1] =	wrdreg $0xFFFFFFFF  }
0xad: {  	[dreg:$0x0] =	wrdreg $0x60  }
0xae: {  	[dreg:$0x2] =	wrdreg s24  }
0xaf: {  	[dreg:$0x3] =	wrdreg $0x9  }
0xb0: {  	_ =	task.clear_ibuf [dreg:s6], $0x4FFFF;
	_ =	strace $0x90000049  }
0xb1: {  	s29 =	simm.s32 $0x9;
	_ =	strace $0x8000004B  }
0xb2: {  	_ =	swait.ge [sflag:s29], $0x1  }
0xb3: {  	[sflag:s29] =	ssyncadd.s32 $0xFFFFFFFF  }
0xb4: {  	_ =	strace $0x9000004B  }
0xb5: {  	_ =	sfence  }
0xb6: {  	s30 =	sld [smem:$0x0];
	_ =	sdelay $0x2  }
0xb7: {  	s31 =	sshll.u32 s1, $0xD;
	s1 =	sshrl.u32 s1, $0x2  }
0xb8: {  	s3 =	sand.u32 $0x4000, s31;
	s1 =	sadd.s32 s1, s30  }
0xb9: {  	s0 =	sor.u32 s3, s0;
	s1 =	sshll.u32 s1, $0x11  }
0xba: {  	s0 =	sor.u32 s1, s0  }
0xbb: {  	s0 =	sadd.s32 $0x8F2B, s0  }
0xbc: {  	[sflag:s0] =	ssyncadd.remote.s32 $0x1  }
0xbd: {  	_ =	sfence.sel $0xFFFF  }
0xbe: {  	[dreg:$0x0] =	wrdreg $0xFFFFFFFF;
	(pc) =	sbr.abs _section_cstart, $3  }
0xbf: {  	[dreg:$0x1] =	wrdreg $0xFFFFFFFF  }
0xc0: {  	_ =	task.clear_ibuf [dreg:s6], $0x2FFFF;
	_ =	strace $0x9FFFFFFF  }
0xc1: {  	(tm) =	ssettm $0x7FFFFFFF  }
tec
execute0_lowered:
.L_overlay_start_1:
0x0: {  	(tag) =	ssettag $0x1  }
0x1: {  	s5 =	rddreg [dreg:$0x0]  }
0x2: {  	s0 =	rddreg [dreg:$0x1]  }
0x3: {  	s2 =	simm.s32 $0x0;
	s3 =	srdreg.scid;
	s1 =	stileid.u32  }
0x4: {  	s11 =	simm.s32 $0x190;
	s12 =	simm.s32 $0x200;
	s13 =	simm.s32 $0x1  }
0x5: {  	s14 =	simm.s32 $0x0;
	[smem:$0x7FF] =	sst s2;
	s7 =	smul.u32 $0x4E20, s1  }
0x6: {  	s6 =	sand.u32 $0x1, s3;
	s3 =	sadd.s32 $0x77400, s5;
	s9 =	smul.u32 $0x4E200, s1  }
0x7: {  	s4 =	sadd.s32 $0x9E600, s5;
	s8 =	smul.u32 $0x2710, s6;
	s10 =	ssub.s32 $0x2, s6  }
0x8: {  	_ =	strace $0x8000004A;
	s6 =	smul.u32 $0x27100, s6;
	s29 =	sshrl.u32 s10, $0x1  }
0x9: {  	s9 =	sadd.s32 s9, s5;
	s7 =	sadd.s32 s8, s7;
	s8 =	ssub.s32 s10, s29  }
0xa: {  	s31 =	sadd.s32 s6, s9;
	s10 =	simm.s32 $0x2;
	s7 =	sshrl.u32 s7, $0x3  }
0xb: {  	s6 =	sadd.s32 $0xC5800, s31;
	s30 =	sadd.s32 s7, s5;
	s5 =	smax.u32 s8, $0x1  }
0xc: {  	s8 =	sadd.s32 $0x5A7800, s31;
	s7 =	sadd.s32 $0x6D600, s30;
	s9 =	sadd.s32 $0x63800, s30  }
.LBB2_1:
0xd: {  	s15 =	sadd.s32 $0x0, s7  }
0xe: {  	[tilespmem:s2], [sflag:$0x2] =	stream.linear.gather [hbm4b:s15+s2], $0x190, $0x38;
	[tilespmem:$0xCA00] =	vst v63  }
0xf: {  	_ =	swait.ge [sflag:s10], $0x190  }
0x10: {  	[sflag:s10] =	ssyncset.done $0x0  }
0x11: {  	[sflag:s10] =	ssyncadd.s32 $0xFFFFFE70  }
0x12: {  	[tilespmem:s12], [sflag:$0x1] =	stream.indirect.gather [hbm4b:s3+s11], $0x80, s2, s11, $0xb8;
	[tilespmem:$0xCA00] =	vst v63  }
0x13: {  	_ =	swait.ge [sflag:s13], $0xC800  }
0x14: {  	[sflag:s13] =	ssyncset.done $0x0  }
0x15: {  	[sflag:s13] =	ssyncadd.s32 $0xFFFF3800  }
0x16: {  	[hbm4b:s6+s2] =	stream.linear.scatter [tilespmem:s12], [sflag:$0x2], $0xC800, $0x38;
	[tilespmem:$0xCA00] =	vst v63  }
0x17: {  	s18 =	sadd.s32 $0x32, s7;
	_ =	swait.ge [sflag:s10], $0xC800  }
0x18: {  	s16 =	simm.s32 $0x64;
	s15 =	sadd.s32 $0x1900, s6;
	[sflag:s10] =	ssyncset.done $0x0  }
.LBB2_2:
0x19: {  	s19 =	sadd.s32 s16, s7;
	s17 =	simm.s32 $0x0;
	[sflag:s10] =	ssyncadd.s32 $0xFFFF3800  }
0x1a: {  	[tilespmem:s17], [sflag:$0x2] =	stream.linear.gather [hbm4b:s18+s17], $0x190, $0x38;
	[tilespmem:$0xCA00] =	vst v63  }
0x1b: {  	p0 =	sne.s32 s16, $0x4B0;
	s16 =	sadd.s32 $0x32, s16;
	_ =	swait.ge [sflag:s10], $0x190  }
0x1c: {  	s18 =	smov.u32 s19;
	[sflag:s10] =	ssyncset.done $0x0  }
0x1d: {  	[sflag:s10] =	ssyncadd.s32 $0xFFFFFE70  }
0x1e: {  	[tilespmem:s12], [sflag:$0x1] =	stream.indirect.gather [hbm4b:s3+s11], $0x80, s17, s11, $0xb8;
	[tilespmem:$0xCA00] =	vst v63  }
0x1f: {  	_ =	swait.ge [sflag:s13], $0xC800  }
.Ltmp0:
0x20: {  	[sflag:s13] =	ssyncset.done $0x0;
	(pc) =	sbr.rel @p0 .LBB2_2-.Ltmp0, $4  }
0x21: {  	[sflag:s13] =	ssyncadd.s32 $0xFFFF3800  }
0x22: {  	[hbm4b:s15+s17] =	stream.linear.scatter [tilespmem:s12], [sflag:$0x2], $0xC800, $0x38;
	[tilespmem:$0xCA00] =	vst v63  }
0x23: {  	_ =	swait.ge [sflag:s10], $0xC800  }
0x24: {  	s15 =	sadd.s32 $0x1900, s15;
	[sflag:s10] =	ssyncset.done $0x0  }
0x25: {  	[sflag:s10] =	ssyncadd.s32 $0xFFFF3800  }
0x26: {  	[tilespmem:s17], [sflag:$0x2] =	stream.linear.gather [hbm4b:s18+s17], $0x190, $0x38;
	[tilespmem:$0xCA00] =	vst v63  }
0x27: {  	_ =	swait.ge [sflag:s10], $0x190  }
0x28: {  	[sflag:s10] =	ssyncset.done $0x0  }
0x29: {  	[sflag:s10] =	ssyncadd.s32 $0xFFFFFE70  }
0x2a: {  	[tilespmem:s12], [sflag:$0x1] =	stream.indirect.gather [hbm4b:s3+s11], $0x80, s17, s11, $0xb8;
	[tilespmem:$0xCA00] =	vst v63  }
0x2b: {  	_ =	swait.ge [sflag:s13], $0xC800  }
0x2c: {  	p1 =	por $0x1, $0x1;
	[sflag:s13] =	ssyncset.done $0x0  }
.Ltmp1:
0x2d: {  	[sflag:s13] =	ssyncadd.s32 $0xFFFF3800;
	(pc) =	sbr.rel @!p1 .LBB2_8-.Ltmp1, $4  }
0x2e: {  	[hbm4b:s15+s17] =	stream.linear.scatter [tilespmem:s12], [sflag:$0x2], $0xC800, $0x38;
	[tilespmem:$0xCA00] =	vst v63  }
0x2f: {  	_ =	swait.ge [sflag:s10], $0xC800  }
0x30: {  	p0 =	por $0x0, $0x0;
	[sflag:s10] =	ssyncset.done $0x0  }
0x31: {  	s16 =	smov.u32 s8;
	s15 =	simm.s32 $0x32;
	[sflag:s10] =	ssyncadd.s32 $0xFFFF3800  }
0x32: {  	s16 =	sadd.s32 $0x0, s9  }
0x33: {  	[tilespmem:s2], [sflag:$0x2] =	stream.linear.gather [hbm4b:s16+s2], $0x190, $0x38;
	[tilespmem:$0xCA00] =	vst v63  }
0x34: {  	_ =	swait.ge [sflag:s10], $0x190  }
0x35: {  	[sflag:s10] =	ssyncset.done $0x0  }
0x36: {  	[sflag:s10] =	ssyncadd.s32 $0xFFFFFE70  }
0x37: {  	[tilespmem:s12], [sflag:$0x1] =	stream.indirect.gather [hbm4b:s4+s11], $0x80, s2, s11, $0xb8;
	[tilespmem:$0xCA00] =	vst v63  }
0x38: {  	p1 =	por $0x1, $0x1;
	_ =	swait.ge [sflag:s13], $0xC800  }
.Ltmp2:
0x39: {  	[sflag:s13] =	ssyncset.done $0x0;
	(pc) =	sbr.rel @!p1 .LBB2_5-.Ltmp2, $4  }
0x3a: {  	[sflag:s13] =	ssyncadd.s32 $0xFFFF3800  }
0x3b: {  	[hbm4b:s8+s2] =	stream.linear.scatter [tilespmem:s12], [sflag:$0x2], $0xC800, $0x38;
	[tilespmem:$0xCA00] =	vst v63  }
0x3c: {  	s17 =	simm.s32 $0x64;
	_ =	swait.ge [sflag:s10], $0xC800  }
0x3d: {  	p0 =	por $0x1, $0x1;
	s16 =	sadd.s32 $0x1900, s8;
	[sflag:s10] =	ssyncset.done $0x0  }
.LBB2_6:
0x3e: {  	s18 =	sadd.s32 s15, s9  }
0x3f: {  	[sflag:s10] =	ssyncadd.s32 $0xFFFF3800;
	s15 =	smov.u32 s17;
	s19 =	sadd.s32 $0x32, s17  }
0x40: {  	[tilespmem:s2], [sflag:$0x2] =	stream.linear.gather [hbm4b:s18+s2], $0x190, $0x38;
	[tilespmem:$0xCA00] =	vst v63  }
0x41: {  	p1 =	sne.s32 s17, $0x4B0;
	_ =	swait.ge [sflag:s10], $0x190  }
0x42: {  	[sflag:s10] =	ssyncset.done $0x0  }
0x43: {  	[sflag:s10] =	ssyncadd.s32 $0xFFFFFE70  }
0x44: {  	[tilespmem:s12], [sflag:$0x1] =	stream.indirect.gather [hbm4b:s4+s11], $0x80, s2, s11, $0xb8;
	[tilespmem:$0xCA00] =	vst v63  }
0x45: {  	_ =	swait.ge [sflag:s13], $0xC800  }
.Ltmp3:
0x46: {  	[sflag:s13] =	ssyncset.done $0x0;
	(pc) =	sbr.rel @p1 .LBB2_6-.Ltmp3, $4  }
0x47: {  	[sflag:s13] =	ssyncadd.s32 $0xFFFF3800  }
0x48: {  	[hbm4b:s16+s2] =	stream.linear.scatter [tilespmem:s12], [sflag:$0x2], $0xC800, $0x38;
	[tilespmem:$0xCA00] =	vst v63  }
0x49: {  	_ =	swait.ge [sflag:s10], $0xC800  }
0x4a: {  	s17 =	smov.u32 s19;
	s16 =	sadd.s32 $0x1900, s16;
	[sflag:s10] =	ssyncset.done $0x0  }
0x4b: {  	s17 =	smov.u32 s15  }
.LBB2_8:
0x4c: {  	s15 =	sadd.s32 s17, s9;
	[sflag:s10] =	ssyncadd.s32 @p0 $0xFFFF3800  }
0x4d: {  	[tilespmem:s2], [sflag:$0x2] =	stream.linear.gather [hbm4b:s15+s2], $0x190, $0x38;
	[tilespmem:$0xCA00] =	vst v63  }
0x4e: {  	_ =	swait.ge [sflag:s10], $0x190  }
0x4f: {  	[sflag:s10] =	ssyncset.done $0x0  }
0x50: {  	[sflag:s10] =	ssyncadd.s32 $0xFFFFFE70  }
0x51: {  	[tilespmem:s12], [sflag:$0x1] =	stream.indirect.gather [hbm4b:s4+s11], $0x80, s2, s11, $0xb8;
	[tilespmem:$0xCA00] =	vst v63  }
0x52: {  	_ =	swait.ge [sflag:s13], $0xC800  }
0x53: {  	s14 =	sadd.s32 $0x1, s14;
	[sflag:s13] =	ssyncset.done $0x0  }
0x54: {  	p0 =	sne.s32 s14, s5;
	[sflag:s13] =	ssyncadd.s32 $0xFFFF3800  }
0x55: {  	[hbm4b:s16+s2] =	stream.linear.scatter [tilespmem:s12], [sflag:$0x2], $0xC800, $0x38;
	[tilespmem:$0xCA00] =	vst v63  }
.Ltmp4:
0x56: {  	_ = 	snop;
	(pc) =	sbr.rel @p0 .LBB2_1-.Ltmp4, $4  }
.Ltmp5:
0x57: {  	_ = 	snop;
	(pc) =	sbr.rel @!p0 .LBB2_9-.Ltmp5, $4  }
0x58: {  	_ =	swait.ge [sflag:s10], $0xC800  }
0x59: {  	[sflag:s10] =	ssyncset.done $0x0  }
0x5a: {  	[sflag:s10] =	ssyncadd.s32 $0xFFFF3800  }
0x5b: {  	_ = 	snop  }
.LBB2_5:
.Ltmp6:
0x5c: {  	(pc) =	sbr.rel .LBB2_8-.Ltmp6, $2  }
0x5d: {  	_ =	sdelay $0x2  }
0x5e: {  	s17 =	simm.s32 $0x32  }
.LBB2_9:
0x5f: {  	_ =	sfence.sel $0x180000  }
0x60: {  	[bflag:$0x0] =	sbarrier.arrive $0xFFFF  }
0x61: {  	p0 =	sne.s32 s1, $0x0;
	_ =	strace $0x9000004A  }
0x62: {  	s0 =	sadd.s32 @!p0 $0x100000, s0;
	[bflag:$0x2] =	sbarrier.arrive $0xFFFF  }
0x63: {  	[sflag:s0] =	ssyncadd.tile.s32 @!p0 $0x1;
	_ =	shalt  }
.Lfunc_end2:
_tile_overlayer_lowered:
.L_overlay_start_2:
0x64: {  	(tag) =	ssettag $0x2  }
0x65: {  	s0 =	rddreg [dreg:$0x0];
	s2 =	stileid.u32  }
0x66: {  	s1 =	rddreg [dreg:$0x1];
	p0 =	sne.s32 s2, $0x0  }
0x67: {  	s3 =	rddreg [dreg:$0x2];
	[bflag:$0x3] =	sbarrier.arrive $0xFFFF;
	s2 =	simm.s32 @!p0 $0x1C02  }
0x68: {  	[timem:s3], [sflag:s2] =	dma.local @!p0 [hbm:s0], s1  }
0x69: {  	s0 =	simm.s32 @!p0 $0x2  }
0x6a: {  	_ =	swait.ge @!p0 [sflag:s0], s1  }
0x6b: {  	s1 =	ssub.s32 @!p0 $0x0, s1;
	[sflag:s0] =	ssyncset.done @!p0 $0x0  }
0x6c: {  	[sflag:s0] =	ssyncadd.s32 @!p0 s1  }
0x6d: {  	[bflag:$0x3] =	sbarrier.arrive $0xFFFF  }
0x6e: {  	_ =	shalt  }

// kernel: kernel.41.cloned.1.call-start
scs
__scs_entry_jumppad:
0x0: {  	(pc) =	sbr.rel $0x88, $3  }
0x1: {  	(tag) =	ssettag $0x0;
	lr =	simm.s32 $0x1  }
0x2: {  	[smem:$0x3F8A] =	sst lr;
	_ =	strace $0xD0000000  }
0x3: {  	_ = 	snop  }
0x4: {  	_ = 	snop  }
0x5: {  	_ = 	snop  }
0x6: {  	_ = 	snop  }
0x7: {  	_ = 	snop  }
__scs_overlays_trampoline_lowered:
0x8: {  	[smem:$0x3F99] =	sst s0  }
0x9: {  	[smem:$0x3F9A] =	sst s1  }
0xa: {  	[smem:$0x3F9B] =	sst s2  }
0xb: {  	[smem:$0x3F9C] =	sst s3  }
0xc: {  	[smem:$0x3F9D] =	sst s4  }
0xd: {  	[smem:$0x3F9E] =	sst s5  }
0xe: {  	[smem:$0x3F9F] =	sst s6  }
0xf: {  	[smem:$0x3FA0] =	sst s7  }
0x10: {  	[smem:$0x3FA1] =	sst s8  }
0x11: {  	[smem:$0x3FA2] =	sst s9;
	s0 =	simm.s32 @!p0 $0x0  }
0x12: {  	s1 =	sld [smem:$0x3F88];
	s0 =	simm.s32 @p0 $0x1  }
0x13: {  	[smem:$0x3FA3] =	sst s0;
	s0 =	simm.s32 @!p1 $0x0  }
0x14: {  	s2 =	sld [smem:$0x3F87];
	s0 =	simm.s32 @p1 $0x1  }
0x15: {  	[smem:$0x3FA4] =	sst s0;
	s0 =	simm.s32 @!p2 $0x0  }
0x16: {  	s3 =	sld [smem:$0x3FDB];
	s0 =	simm.s32 @p2 $0x1  }
0x17: {  	s4 =	simm.s32 $0x1BF5;
	[smem:$0x3FA6] =	sst s0  }
0x18: {  	s0 =	sld [smem:$0x3F89];
	_ =	swait.ge [sflag:s4], $0x0  }
0x19: {  	s7 =	sld [smem:$0x3F8A]  }
0x1a: {  	s8 =	sadd.s32 $0xFFFFE003, lr  }
0x1b: {  	s9 =	sadd.s32 $0xFFFFFEF7, lr;
	s5 =	simm.s32 $0xFFFFFFFF;
	p2 =	slt.u32 s8, $0xFFFFF086  }
0x1c: {  	p1 =	slt.u32 s9, $0xF7A;
	s5 =	simm.s32 @!p2 $0x0  }
0x1d: {  	s5 =	simm.s32 @p1 $0x1;
	p0 =	seq.s32 s7, s2  }
0x1e: {  	s7 =	smul.u32 @!p0 $0xF7A, s2;
	p2 =	seq.s32 @!p0 s5, $0x0  }
0x1f: {  	s9 =	smul.u32 $0xF7A, s1;
	s8 =	simm.s32 @!p0 $0x1BF5;
	p2 =	por !p2, p0  }
0x20: {  	[sflag:s8] =	ssyncset.s32 @!p0 $0xFFFFF086;
	s6 =	sadd.s32 @!p0 s3, s7;
	s7 =	simm.s32 @!p0 $0x108  }
0x21: {  	s3 =	sadd.s32 s3, s9;
	s6 =	sadd.s32 @!p0 $0x88, s6;
	s7 =	simm.s32 @p2 $0x1082  }
0x22: {  	[simem:s7], [sflag:s8] =	dma.local @!p0 [hbm:s6], $0xF7A  }
0x23: {  	s9 =	sor.u32 $0xD0000000, s2;
	s6 =	simm.s32 $0x108;
	_ =	swait.ge @!p0 [sflag:s8], $0x0  }
0x24: {  	s3 =	sadd.s32 $0x88, s3;
	s6 =	simm.s32 @!p1 $0x1082;
	[sflag:s4] =	ssyncset.s32 $0xFFFFF086  }
0x25: {  	[simem:s6], [sflag:s4] =	dma.local [hbm:s3], $0xF7A  }
0x26: {  	[smem:$0x3F8A] =	sst s1;
	(tag) =	ssettag s2;
	_ =	strace s9  }
0x27: {  	s1 =	sld [smem:$0x3F9A]  }
0x28: {  	s2 =	sld [smem:$0x3F9B]  }
0x29: {  	s4 =	sld [smem:$0x3F9D]  }
0x2a: {  	p0 =	seq.s32 s5, $0x0;
	s5 =	sld [smem:$0x3F9E]  }
0x2b: {  	s6 =	sld [smem:$0x3F9F]  }
0x2c: {  	s7 =	sld [smem:$0x3FA0]  }
0x2d: {  	s3 =	simm.s32 $0x108;
	s8 =	sld [smem:$0x3FA1]  }
0x2e: {  	s3 =	simm.s32 @!p0 $0x1082;
	s9 =	sld [smem:$0x3FA2]  }
0x2f: {  	lr =	sadd.s32 s0, s3;
	s0 =	sld [smem:$0x3F99]  }
0x30: {  	s3 =	sld [smem:$0x3F9C]  }
0x31: {  	[smem:$0x3FA5] =	sst s10  }
0x32: {  	s10 =	sld [smem:$0x3FA3];
	_ =	sdelay $0x3  }
0x33: {  	p0 =	seq.s32 s10, $0x1;
	s10 =	sld [smem:$0x3FA5];
	_ =	sdelay $0x3  }
0x34: {  	[smem:$0x3FA5] =	sst s10  }
0x35: {  	s10 =	sld [smem:$0x3FA4];
	_ =	sdelay $0x3  }
0x36: {  	p1 =	seq.s32 s10, $0x1;
	s10 =	sld [smem:$0x3FA5];
	_ =	sdelay $0x3  }
0x37: {  	[smem:$0x3FA5] =	sst s10  }
0x38: {  	s10 =	sld [smem:$0x3FA6]  }
0x39: {  	_ = 	snop;
	(pc) =	sbr.ind lr, $3  }
0x3a: {  	_ = 	snop  }
0x3b: {  	_ = 	snop  }
0x3c: {  	p2 =	seq.s32 s10, $0x1;
	s10 =	sld [smem:$0x3FA5]  }
0x3d: {  	_ =	shalt  }
0x3e: {  	_ =	shalt  }
0x3f: {  	_ =	shalt  }
0x40: {  	_ =	shalt  }
0x41: {  	_ =	shalt  }
0x42: {  	_ =	shalt  }
0x43: {  	_ =	shalt  }
0x44: {  	_ =	shalt  }
0x45: {  	_ =	shalt  }
0x46: {  	_ =	shalt  }
0x47: {  	_ =	shalt  }
0x48: {  	_ =	shalt  }
0x49: {  	_ =	shalt  }
0x4a: {  	_ =	shalt  }
0x4b: {  	_ =	shalt  }
0x4c: {  	_ =	shalt  }
0x4d: {  	_ =	shalt  }
0x4e: {  	_ =	shalt  }
0x4f: {  	_ =	shalt  }
0x50: {  	_ =	shalt  }
0x51: {  	_ =	shalt  }
0x52: {  	_ =	shalt  }
0x53: {  	_ =	shalt  }
0x54: {  	_ =	shalt  }
0x55: {  	_ =	shalt  }
0x56: {  	_ =	shalt  }
0x57: {  	_ =	shalt  }
0x58: {  	_ =	shalt  }
0x59: {  	_ =	shalt  }
0x5a: {  	_ =	shalt  }
0x5b: {  	_ =	shalt  }
0x5c: {  	_ =	shalt  }
0x5d: {  	_ =	shalt  }
0x5e: {  	_ =	shalt  }
0x5f: {  	_ =	shalt  }
0x60: {  	_ =	shalt  }
0x61: {  	_ =	shalt  }
0x62: {  	_ =	shalt  }
0x63: {  	_ =	shalt  }
0x64: {  	_ =	shalt  }
0x65: {  	_ =	shalt  }
0x66: {  	_ =	shalt  }
0x67: {  	_ =	shalt  }
0x68: {  	_ =	shalt  }
0x69: {  	_ =	shalt  }
0x6a: {  	_ =	shalt  }
0x6b: {  	_ =	shalt  }
0x6c: {  	_ =	shalt  }
0x6d: {  	_ =	shalt  }
0x6e: {  	_ =	shalt  }
0x6f: {  	_ =	shalt  }
0x70: {  	_ =	shalt  }
0x71: {  	_ =	shalt  }
0x72: {  	_ =	shalt  }
0x73: {  	_ =	shalt  }
0x74: {  	_ =	shalt  }
0x75: {  	_ =	shalt  }
0x76: {  	_ =	shalt  }
0x77: {  	_ =	shalt  }
0x78: {  	_ =	shalt  }
0x79: {  	_ =	shalt  }
0x7a: {  	_ =	shalt  }
0x7b: {  	_ =	shalt  }
0x7c: {  	_ =	shalt  }
0x7d: {  	_ =	shalt  }
0x7e: {  	_ =	shalt  }
0x7f: {  	_ =	shalt  }
0x80: {  	_ =	shalt  }
0x81: {  	_ =	shalt  }
0x82: {  	_ =	shalt  }
0x83: {  	_ =	shalt  }
0x84: {  	_ =	shalt  }
0x85: {  	_ =	shalt  }
0x86: {  	_ =	shalt  }
0x87: {  	_ =	shalt  }
.Lfunc_end0:
.L_simem_size_0:
called_computation.2_lowered:
.L_overlay_start_0:
0x88: {  	s2 =	sld [smem:$0x3FD9]  }
0x89: {  	s3 =	sld [smem:$0x3FFE];
	_ =	sdelay $0x1  }
0x8a: {  	s1 =	srdreg.scid  }
0x8b: {  	s0 =	sand.u32 $0x1, s1  }
0x8c: {  	s16 =	sshll.u32 s0, $0xA;
	s2 =	sadd.s32 s3, s2  }
0x8d: {  	s2 =	sadd.s32 s2, s16  }
0x8e: {  	[smem:$0x3FB1] =	sst s2  }
0x8f: {  	_ = 	snop  }
0x90: {  	(tm) =	ssettm $0x1  }
0x91: {  	s17 =	sld [smem:$0x3FFB];
	_ =	sdelay $0x3  }
0x92: {  	_ =	strace s17  }
0x93: {  	s2 =	sld [smem:$0x3FFC];
	_ =	sdelay $0x3  }
0x94: {  	_ =	strace s2  }
0x95: {  	s2 =	sld [smem:$0x3FFD];
	_ =	sdelay $0x3  }
0x96: {  	_ =	strace s2  }
0x97: {  	_ =	strace $0x8FFFFFFF  }
0x98: {  	s18 =	sld [smem:$0x3FDB];
	_ =	sdelay $0x1  }
0x99: {  	s19 =	simm.s32 $_scs_section_size  }
0x9a: {  	s4 =	simm.s32 $_size__tile_overlayer_lowered;
	s5 =	simm.s32 $_tile_overlayer_lowered  }
0x9b: {  	s22 =	simm.s32 $0x1BFF;
	s21 =	sshll.u32 s5, $0x1;
	s2 =	sadd.s32 s19, s18  }
0x9c: {  	s6 =	simm.s32 $0x0;
	s20 =	sshll.u32 s4, $0x1;
	s4 =	sadd.s32 s21, s2  }
0x9d: {  	[timem:s6], [sflag:s22] =	dma.local [hbm:s4], s20  }
0x9e: {  	_ =	swait.ge [sflag:s22], s20  }
0x9f: {  	s3 =	ssub.s32 $0x0, s20;
	[sflag:s22] =	ssyncset.done $0x0  }
0xa0: {  	[sflag:s22] =	ssyncadd.s32 s3;
	_ =	sdelay $0x1  }
0xa1: {  	s23 =	simm.s32 $0x1B8B  }
0xa2: {  	_ =	swait.ge [sflag:s23], $0x1  }
0xa3: {  	[sflag:s23] =	ssyncset.done $0x0  }
0xa4: {  	s25 =	simm.s32 $0x1B8E;
	s24 =	sld [smem:$0x3FFE];
	[sflag:s23] =	ssyncadd.s32 $0xFFFFFFFF  }
0xa5: {  	s26 =	simm.s32 $execute0_lowered;
	[smem:$0x3FD2] =	sst s25  }
0xa6: {  	s4 =	sshll.u32 s26, $0x1;
	_ =	strace $0x8000004C;
	[dreg:$0x1] =	wrdreg $0xFFFFFFFF  }
0xa7: {  	s28 =	simm.s32 $_size_execute0_lowered;
	s2 =	sadd.s32 s2, s4;
	[dreg:$0x0] =	wrdreg $0x0  }
0xa8: {  	s4 =	sshll.u32 s28, $0x1;
	[dreg:$0x2] =	wrdreg s2  }
0xa9: {  	[dreg:$0x3] =	wrdreg s4  }
0xaa: {  	[dreg:$0x4] =	wrdreg $0xC0  }
0xab: {  	_ =	task [dreg:s6], $0x5FFFF  }
0xac: {  	[dreg:$0x1] =	wrdreg $0xFFFFFFFF  }
0xad: {  	[dreg:$0x0] =	wrdreg $0x60  }
0xae: {  	[dreg:$0x2] =	wrdreg s24  }
0xaf: {  	[dreg:$0x3] =	wrdreg $0x0  }
0xb0: {  	[dreg:$0x4] =	wrdreg $0x9  }
0xb1: {  	_ =	task.clear_ibuf [dreg:s6], $0x5FFFF;
	_ =	strace $0x9000004C  }
0xb2: {  	s29 =	simm.s32 $0x9;
	_ =	strace $0x8000004E  }
0xb3: {  	_ =	swait.ge [sflag:s29], $0x1  }
0xb4: {  	[sflag:s29] =	ssyncadd.s32 $0xFFFFFFFF  }
0xb5: {  	_ =	strace $0x9000004E  }
0xb6: {  	_ =	sfence  }
0xb7: {  	s30 =	sld [smem:$0x0];
	_ =	sdelay $0x2  }
0xb8: {  	s31 =	sshll.u32 s1, $0xD;
	s1 =	sshrl.u32 s1, $0x2  }
0xb9: {  	s3 =	sand.u32 $0x4000, s31;
	s1 =	sadd.s32 s1, s30  }
0xba: {  	s0 =	sor.u32 s3, s0;
	s1 =	sshll.u32 s1, $0x11  }
0xbb: {  	s0 =	sor.u32 s1, s0  }
0xbc: {  	s0 =	sadd.s32 $0x8F2B, s0  }
0xbd: {  	[sflag:s0] =	ssyncadd.remote.s32 $0x1  }
0xbe: {  	_ =	sfence.sel $0xFFFF  }
0xbf: {  	[dreg:$0x0] =	wrdreg $0xFFFFFFFF;
	(pc) =	sbr.abs _section_cstart, $3  }
0xc0: {  	[dreg:$0x1] =	wrdreg $0xFFFFFFFF  }
0xc1: {  	_ =	task.clear_ibuf [dreg:s6], $0x2FFFF;
	_ =	strace $0x9FFFFFFF  }
0xc2: {  	(tm) =	ssettm $0x7FFFFFFF  }
0xc3: {  	_ =	shalt  }
tec
execute0_lowered:
.L_overlay_start_1:
0x0: {  	(tag) =	ssettag $0x1  }
0x1: {  	s0 =	stileid.u32;
	s1 =	srdreg.scid  }
0x2: {  	s5 =	rddreg [dreg:$0x0];
	s4 =	smul.u32 $0x4E200, s0  }
0x3: {  	s2 =	rddreg [dreg:$0x1];
	s7 =	smul.u32 $0x4E20, s0  }
0x4: {  	s3 =	simm.s32 $0x0;
	s13 =	simm.s32 $0x14100;
	s10 =	smul.u32 $0x14000, s0  }
0x5: {  	s14 =	simm.s32 $0xC8;
	s6 =	sand.u32 $0x1, s1;
	s29 =	smul.u32 $0x50000, s0  }
0x6: {  	s15 =	simm.s32 $0x0;
	s1 =	rddreg [dreg:$0x2];
	s8 =	smul.u32 $0x2710, s6  }
0x7: {  	[smem:$0x7FF] =	sst s3;
	s31 =	sshll.u32 s0, $0x6;
	s9 =	smul.u32 $0x140000, s6  }
0x8: {  	_ =	strace $0x8000004D;
	s30 =	ssub.s32 $0x2, s6;
	s12 =	smul.u32 $0x27100, s6  }
0x9: {  	s24 =	sadd.s32 s4, s5;
	s4 =	sadd.s32 $0x77400, s5;
	s11 =	sshrl.u32 s30, $0x1  }
0xa: {  	s7 =	sadd.s32 s8, s7;
	s26 =	sadd.s32 s10, s9;
	s10 =	sshrl.u32 s29, $0x2  }
0xb: {  	s11 =	ssub.s32 s30, s11;
	s8 =	sadd.s32 s12, s24;
	s12 =	simm.s32 $0x14000  }
0xc: {  	s25 =	sshrl.u32 s7, $0x3;
	s7 =	sshrl.u32 s26, $0x3;
	s10 =	sadd.s32 s10, s2  }
0xd: {  	s8 =	sadd.s32 $0xF6B800, s8;
	s28 =	sadd.s32 s25, s5;
	s7 =	sadd.s32 s7, s5  }
0xe: {  	s5 =	sor.u32 $0x1C01, s31;
	s10 =	sshrl.u32 s10, $0x3;
	s6 =	sadd.s32 $0x79C00, s7  }
0xf: {  	s7 =	smax.u32 s11, $0x1;
	s9 =	sadd.s32 $0x63800, s28;
	s11 =	simm.s32 $0x1  }
.LBB2_1:
0x10: {  	[spmem:s10], [sflag:s5] =	dma.local [hbm:s4], $0x2800  }
0x11: {  	_ =	swait.ge [sflag:s11], $0x2800  }
0x12: {  	[sflag:s11] =	ssyncset.done $0x0  }
0x13: {  	[sflag:s11] =	ssyncadd.s32 $0xFFFFD800  }
0x14: {  	s16 =	sadd.s32 $0x0, s9;
	[bflag:$0x0] =	sbarrier.arrive $0xFFFF  }
0x15: {  	[tilespmem:s12], [sflag:$0x1] =	stream.linear.gather [hbm4b:s16+s3], $0xC8, $0x38;
	[tilespmem:$0x1A500] =	vst v63  }
0x16: {  	_ =	swait.ge [sflag:s11], $0xC8  }
0x17: {  	[sflag:s11] =	ssyncset.done $0x0  }
0x18: {  	[sflag:s11] =	ssyncadd.s32 $0xFFFFFF38  }
0x19: {  	[tilespmem:s13], [sflag:$0x1] =	stream.linear.gather [hbm4b:s8+s3], $0x6400, $0x38;
	[tilespmem:$0x1A500] =	vst v63  }
0x1a: {  	_ =	swait.ge [sflag:s11], $0x6400  }
0x1b: {  	[sflag:s11] =	ssyncset.done $0x0  }
0x1c: {  	[sflag:s11] =	ssyncadd.s32 $0xFFFF9C00  }
0x1d: {  	[spmem:s2] =	stream.indirect.scatter.add.f32 [tilespmem:s13], [sflag:$0x1], $0x80, s12, s14, $0xb8;
	[tilespmem:$0x1A500] =	vst v63  }
0x1e: {  	s17 =	simm.s32 $0x19;
	_ =	swait.ge [sflag:s11], $0x6400  }
0x1f: {  	s18 =	simm.s32 $0x32;
	s16 =	sadd.s32 $0xC80, s8;
	[sflag:s11] =	ssyncset.done $0x0  }
.LBB2_2:
0x20: {  	s19 =	sadd.s32 s17, s9  }
0x21: {  	[sflag:s11] =	ssyncadd.s32 $0xFFFF9C00;
	s17 =	smov.u32 s18;
	s20 =	sadd.s32 $0x19, s18  }
0x22: {  	[tilespmem:s12], [sflag:$0x1] =	stream.linear.gather [hbm4b:s19+s3], $0xC8, $0x38;
	[tilespmem:$0x1A500] =	vst v63  }
0x23: {  	p0 =	sne.s32 s18, $0x4C9;
	_ =	swait.ge [sflag:s11], $0xC8  }
0x24: {  	[sflag:s11] =	ssyncset.done $0x0  }
0x25: {  	[sflag:s11] =	ssyncadd.s32 $0xFFFFFF38  }
0x26: {  	[tilespmem:s13], [sflag:$0x1] =	stream.linear.gather [hbm4b:s16+s3], $0x6400, $0x38;
	[tilespmem:$0x1A500] =	vst v63  }
0x27: {  	_ =	swait.ge [sflag:s11], $0x6400  }
.Ltmp0:
0x28: {  	[sflag:s11] =	ssyncset.done $0x0;
	(pc) =	sbr.rel @p0 .LBB2_2-.Ltmp0, $4  }
0x29: {  	[sflag:s11] =	ssyncadd.s32 $0xFFFF9C00  }
0x2a: {  	[spmem:s2] =	stream.indirect.scatter.add.f32 [tilespmem:s13], [sflag:$0x1], $0x80, s12, s14, $0xb8;
	[tilespmem:$0x1A500] =	vst v63  }
0x2b: {  	_ =	swait.ge [sflag:s11], $0x6400  }
0x2c: {  	s18 =	smov.u32 s20;
	s16 =	sadd.s32 $0xC80, s16;
	[sflag:s11] =	ssyncset.done $0x0  }
0x2d: {  	s17 =	sadd.s32 s17, s9;
	[sflag:s11] =	ssyncadd.s32 $0xFFFF9C00  }
0x2e: {  	[tilespmem:s12], [sflag:$0x1] =	stream.linear.gather [hbm4b:s17+s3], $0xC8, $0x38;
	[tilespmem:$0x1A500] =	vst v63  }
0x2f: {  	_ =	swait.ge [sflag:s11], $0xC8  }
0x30: {  	[sflag:s11] =	ssyncset.done $0x0  }
0x31: {  	[sflag:s11] =	ssyncadd.s32 $0xFFFFFF38  }
0x32: {  	[tilespmem:s13], [sflag:$0x1] =	stream.linear.gather [hbm4b:s16+s3], $0x6400, $0x38;
	[tilespmem:$0x1A500] =	vst v63  }
0x33: {  	_ =	swait.ge [sflag:s11], $0x6400  }
0x34: {  	[sflag:s11] =	ssyncset.done $0x0  }
0x35: {  	[sflag:s11] =	ssyncadd.s32 $0xFFFF9C00  }
0x36: {  	[spmem:s2] =	stream.indirect.scatter.add.f32 [tilespmem:s13], [sflag:$0x1], $0x80, s12, s14, $0xb8;
	[tilespmem:$0x1A500] =	vst v63  }
0x37: {  	_ =	swait.ge [sflag:s11], $0x6400  }
0x38: {  	s15 =	sadd.s32 $0x1, s15;
	[sflag:s11] =	ssyncset.done $0x0  }
0x39: {  	p0 =	sne.s32 s15, s7;
	[sflag:s11] =	ssyncadd.s32 $0xFFFF9C00  }
.Ltmp1:
0x3a: {  	[bflag:$0x0] =	sbarrier.arrive $0xFFFF;
	(pc) =	sbr.rel @p0 .LBB2_1-.Ltmp1, $4  }
0x3b: {  	[hbm:s6], [sflag:s5] =	dma.local [spmem:s10], $0x2800  }
0x3c: {  	_ =	swait.ge [sflag:s11], $0x2800  }
0x3d: {  	[sflag:s11] =	ssyncset.done $0x0  }
0x3e: {  	[sflag:s11] =	ssyncadd.s32 $0xFFFFD800  }
0x3f: {  	_ =	sfence.sel $0x180000  }
0x40: {  	[bflag:$0x0] =	sbarrier.arrive $0xFFFF  }
0x41: {  	p0 =	sne.s32 s0, $0x0;
	_ =	strace $0x9000004D  }
0x42: {  	s0 =	sadd.s32 @!p0 $0x100000, s1;
	[bflag:$0x2] =	sbarrier.arrive $0xFFFF  }
0x43: {  	[sflag:s0] =	ssyncadd.tile.s32 @!p0 $0x1;
	_ =	shalt  }
.Lfunc_end2:
_tile_overlayer_lowered:
.L_overlay_start_2:
0x44: {  	(tag) =	ssettag $0x2  }
0x45: {  	s0 =	rddreg [dreg:$0x0];
	s2 =	stileid.u32  }
0x46: {  	s1 =	rddreg [dreg:$0x1];
	p0 =	sne.s32 s2, $0x0  }
0x47: {  	s3 =	rddreg [dreg:$0x2];
	[bflag:$0x3] =	sbarrier.arrive $0xFFFF;
	s2 =	simm.s32 @!p0 $0x1C01  }
0x48: {  	[timem:s3], [sflag:s2] =	dma.local @!p0 [hbm:s0], s1  }
0x49: {  	s0 =	simm.s32 @!p0 $0x1  }
0x4a: {  	_ =	swait.ge @!p0 [sflag:s0], s1  }
0x4b: {  	s1 =	ssub.s32 @!p0 $0x0, s1;
	[sflag:s0] =	ssyncset.done @!p0 $0x0  }
0x4c: {  	[sflag:s0] =	ssyncadd.s32 @!p0 s1  }
0x4d: {  	[bflag:$0x3] =	sbarrier.arrive $0xFFFF  }
0x4e: {  	_ =	shalt  }

// kernel: kernel.44.cloned.1.call-start
scs
__scs_entry_jumppad:
0x0: {  	(pc) =	sbr.rel $0x88, $3  }
0x1: {  	(tag) =	ssettag $0x0;
	lr =	simm.s32 $0x1  }
0x2: {  	[smem:$0x3F8A] =	sst lr;
	_ =	strace $0xD0000000  }
0x3: {  	_ = 	snop  }
0x4: {  	_ = 	snop  }
0x5: {  	_ = 	snop  }
0x6: {  	_ = 	snop  }
0x7: {  	_ = 	snop  }
__scs_overlays_trampoline_lowered:
0x8: {  	[smem:$0x3F99] =	sst s0  }
0x9: {  	[smem:$0x3F9A] =	sst s1  }
0xa: {  	[smem:$0x3F9B] =	sst s2  }
0xb: {  	[smem:$0x3F9C] =	sst s3  }
0xc: {  	[smem:$0x3F9D] =	sst s4  }
0xd: {  	[smem:$0x3F9E] =	sst s5  }
0xe: {  	[smem:$0x3F9F] =	sst s6  }
0xf: {  	[smem:$0x3FA0] =	sst s7  }
0x10: {  	[smem:$0x3FA1] =	sst s8  }
0x11: {  	[smem:$0x3FA2] =	sst s9;
	s0 =	simm.s32 @!p0 $0x0  }
0x12: {  	s1 =	sld [smem:$0x3F88];
	s0 =	simm.s32 @p0 $0x1  }
0x13: {  	[smem:$0x3FA3] =	sst s0;
	s0 =	simm.s32 @!p1 $0x0  }
0x14: {  	s2 =	sld [smem:$0x3F87];
	s0 =	simm.s32 @p1 $0x1  }
0x15: {  	[smem:$0x3FA4] =	sst s0;
	s0 =	simm.s32 @!p2 $0x0  }
0x16: {  	s3 =	sld [smem:$0x3FDB];
	s0 =	simm.s32 @p2 $0x1  }
0x17: {  	s4 =	simm.s32 $0x1BF5;
	[smem:$0x3FA6] =	sst s0  }
0x18: {  	s0 =	sld [smem:$0x3F89];
	_ =	swait.ge [sflag:s4], $0x0  }
0x19: {  	s7 =	sld [smem:$0x3F8A]  }
0x1a: {  	s8 =	sadd.s32 $0xFFFFE003, lr  }
0x1b: {  	s9 =	sadd.s32 $0xFFFFFEF7, lr;
	s5 =	simm.s32 $0xFFFFFFFF;
	p2 =	slt.u32 s8, $0xFFFFF086  }
0x1c: {  	p1 =	slt.u32 s9, $0xF7A;
	s5 =	simm.s32 @!p2 $0x0  }
0x1d: {  	s5 =	simm.s32 @p1 $0x1;
	p0 =	seq.s32 s7, s2  }
0x1e: {  	s7 =	smul.u32 @!p0 $0xF7A, s2;
	p2 =	seq.s32 @!p0 s5, $0x0  }
0x1f: {  	s9 =	smul.u32 $0xF7A, s1;
	s8 =	simm.s32 @!p0 $0x1BF5;
	p2 =	por !p2, p0  }
0x20: {  	[sflag:s8] =	ssyncset.s32 @!p0 $0xFFFFF086;
	s6 =	sadd.s32 @!p0 s3, s7;
	s7 =	simm.s32 @!p0 $0x108  }
0x21: {  	s3 =	sadd.s32 s3, s9;
	s6 =	sadd.s32 @!p0 $0x88, s6;
	s7 =	simm.s32 @p2 $0x1082  }
0x22: {  	[simem:s7], [sflag:s8] =	dma.local @!p0 [hbm:s6], $0xF7A  }
0x23: {  	s9 =	sor.u32 $0xD0000000, s2;
	s6 =	simm.s32 $0x108;
	_ =	swait.ge @!p0 [sflag:s8], $0x0  }
0x24: {  	s3 =	sadd.s32 $0x88, s3;
	s6 =	simm.s32 @!p1 $0x1082;
	[sflag:s4] =	ssyncset.s32 $0xFFFFF086  }
0x25: {  	[simem:s6], [sflag:s4] =	dma.local [hbm:s3], $0xF7A  }
0x26: {  	[smem:$0x3F8A] =	sst s1;
	(tag) =	ssettag s2;
	_ =	strace s9  }
0x27: {  	s1 =	sld [smem:$0x3F9A]  }
0x28: {  	s2 =	sld [smem:$0x3F9B]  }
0x29: {  	s4 =	sld [smem:$0x3F9D]  }
0x2a: {  	p0 =	seq.s32 s5, $0x0;
	s5 =	sld [smem:$0x3F9E]  }
0x2b: {  	s6 =	sld [smem:$0x3F9F]  }
0x2c: {  	s7 =	sld [smem:$0x3FA0]  }
0x2d: {  	s3 =	simm.s32 $0x108;
	s8 =	sld [smem:$0x3FA1]  }
0x2e: {  	s3 =	simm.s32 @!p0 $0x1082;
	s9 =	sld [smem:$0x3FA2]  }
0x2f: {  	lr =	sadd.s32 s0, s3;
	s0 =	sld [smem:$0x3F99]  }
0x30: {  	s3 =	sld [smem:$0x3F9C]  }
0x31: {  	[smem:$0x3FA5] =	sst s10  }
0x32: {  	s10 =	sld [smem:$0x3FA3];
	_ =	sdelay $0x3  }
0x33: {  	p0 =	seq.s32 s10, $0x1;
	s10 =	sld [smem:$0x3FA5];
	_ =	sdelay $0x3  }
0x34: {  	[smem:$0x3FA5] =	sst s10  }
0x35: {  	s10 =	sld [smem:$0x3FA4];
	_ =	sdelay $0x3  }
0x36: {  	p1 =	seq.s32 s10, $0x1;
	s10 =	sld [smem:$0x3FA5];
	_ =	sdelay $0x3  }
0x37: {  	[smem:$0x3FA5] =	sst s10  }
0x38: {  	s10 =	sld [smem:$0x3FA6]  }
0x39: {  	_ = 	snop;
	(pc) =	sbr.ind lr, $3  }
0x3a: {  	_ = 	snop  }
0x3b: {  	_ = 	snop  }
0x3c: {  	p2 =	seq.s32 s10, $0x1;
	s10 =	sld [smem:$0x3FA5]  }
0x3d: {  	_ =	shalt  }
0x3e: {  	_ =	shalt  }
0x3f: {  	_ =	shalt  }
0x40: {  	_ =	shalt  }
0x41: {  	_ =	shalt  }
0x42: {  	_ =	shalt  }
0x43: {  	_ =	shalt  }
0x44: {  	_ =	shalt  }
0x45: {  	_ =	shalt  }
0x46: {  	_ =	shalt  }
0x47: {  	_ =	shalt  }
0x48: {  	_ =	shalt  }
0x49: {  	_ =	shalt  }
0x4a: {  	_ =	shalt  }
0x4b: {  	_ =	shalt  }
0x4c: {  	_ =	shalt  }
0x4d: {  	_ =	shalt  }
0x4e: {  	_ =	shalt  }
0x4f: {  	_ =	shalt  }
0x50: {  	_ =	shalt  }
0x51: {  	_ =	shalt  }
0x52: {  	_ =	shalt  }
0x53: {  	_ =	shalt  }
0x54: {  	_ =	shalt  }
0x55: {  	_ =	shalt  }
0x56: {  	_ =	shalt  }
0x57: {  	_ =	shalt  }
0x58: {  	_ =	shalt  }
0x59: {  	_ =	shalt  }
0x5a: {  	_ =	shalt  }
0x5b: {  	_ =	shalt  }
0x5c: {  	_ =	shalt  }
0x5d: {  	_ =	shalt  }
0x5e: {  	_ =	shalt  }
0x5f: {  	_ =	shalt  }
0x60: {  	_ =	shalt  }
0x61: {  	_ =	shalt  }
0x62: {  	_ =	shalt  }
0x63: {  	_ =	shalt  }
0x64: {  	_ =	shalt  }
0x65: {  	_ =	shalt  }
0x66: {  	_ =	shalt  }
0x67: {  	_ =	shalt  }
0x68: {  	_ =	shalt  }
0x69: {  	_ =	shalt  }
0x6a: {  	_ =	shalt  }
0x6b: {  	_ =	shalt  }
0x6c: {  	_ =	shalt  }
0x6d: {  	_ =	shalt  }
0x6e: {  	_ =	shalt  }
0x6f: {  	_ =	shalt  }
0x70: {  	_ =	shalt  }
0x71: {  	_ =	shalt  }
0x72: {  	_ =	shalt  }
0x73: {  	_ =	shalt  }
0x74: {  	_ =	shalt  }
0x75: {  	_ =	shalt  }
0x76: {  	_ =	shalt  }
0x77: {  	_ =	shalt  }
0x78: {  	_ =	shalt  }
0x79: {  	_ =	shalt  }
0x7a: {  	_ =	shalt  }
0x7b: {  	_ =	shalt  }
0x7c: {  	_ =	shalt  }
0x7d: {  	_ =	shalt  }
0x7e: {  	_ =	shalt  }
0x7f: {  	_ =	shalt  }
0x80: {  	_ =	shalt  }
0x81: {  	_ =	shalt  }
0x82: {  	_ =	shalt  }
0x83: {  	_ =	shalt  }
0x84: {  	_ =	shalt  }
0x85: {  	_ =	shalt  }
0x86: {  	_ =	shalt  }
0x87: {  	_ =	shalt  }
.Lfunc_end0:
.L_simem_size_0:
called_computation.3_lowered:
.L_overlay_start_0:
0x88: {  	s2 =	sld [smem:$0x3FD9]  }
0x89: {  	s3 =	sld [smem:$0x3FFE];
	_ =	sdelay $0x1  }
0x8a: {  	s1 =	srdreg.scid  }
0x8b: {  	s0 =	sand.u32 $0x1, s1  }
0x8c: {  	s17 =	sshll.u32 s0, $0xA;
	s2 =	sadd.s32 s3, s2  }
0x8d: {  	s2 =	sadd.s32 s2, s17  }
0x8e: {  	[smem:$0x3FB1] =	sst s2  }
0x8f: {  	_ = 	snop  }
0x90: {  	(tm) =	ssettm $0x1  }
0x91: {  	s18 =	sld [smem:$0x3FFB];
	_ =	sdelay $0x3  }
0x92: {  	_ =	strace s18  }
0x93: {  	s2 =	sld [smem:$0x3FFC];
	_ =	sdelay $0x3  }
0x94: {  	_ =	strace s2  }
0x95: {  	s2 =	sld [smem:$0x3FFD];
	_ =	sdelay $0x3  }
0x96: {  	_ =	strace s2  }
0x97: {  	_ =	strace $0x8FFFFFFF  }
0x98: {  	s19 =	sld [smem:$0x3FDB];
	_ =	sdelay $0x1  }
0x99: {  	s20 =	simm.s32 $_scs_section_size  }
0x9a: {  	s4 =	simm.s32 $_size__tile_overlayer_lowered;
	s5 =	simm.s32 $_tile_overlayer_lowered  }
0x9b: {  	s6 =	simm.s32 $0x1BFF;
	s21 =	sshll.u32 s5, $0x1;
	s3 =	sadd.s32 s20, s19  }
0x9c: {  	s22 =	simm.s32 $0x0;
	s4 =	sshll.u32 s4, $0x1;
	s5 =	sadd.s32 s21, s3  }
0x9d: {  	[timem:s22], [sflag:s6] =	dma.local [hbm:s5], s4  }
0x9e: {  	_ =	swait.ge [sflag:s6], s4  }
0x9f: {  	s4 =	ssub.s32 $0x0, s4;
	[sflag:s6] =	ssyncset.done $0x0  }
0xa0: {  	[sflag:s6] =	ssyncadd.s32 s4;
	_ =	sdelay $0x1  }
0xa1: {  	s23 =	simm.s32 $0x1B8B  }
0xa2: {  	_ =	swait.ge [sflag:s23], $0x1  }
0xa3: {  	[sflag:s23] =	ssyncset.done $0x0  }
0xa4: {  	[sflag:s23] =	ssyncadd.s32 $0xFFFFFFFF  }
0xa5: {  	s4 =	sld [smem:$0x0]  }
0xa6: {  	s5 =	sand.u32 $0xFFFFFFFE, s1  }
0xa7: {  	p0 =	sne.s32 s1, s5  }
0xa8: {  	s5 =	sshll.u32 @p0 s5, $0xE  }
0xa9: {  	s5 =	sadd.s32 @p0 $0x11B8D, s5;
	s6 =	sshll.u32 @p0 s4, $0x11  }
0xaa: {  	s5 =	sor.u32 @p0 s6, s5  }
0xab: {  	[sflag:s5] =	ssyncadd.remote.s32 @p0 $0x1;
	_ =	sdelay $0x1  }
0xac: {  	s5 =	simm.s32 @p0 $0x1B8D  }
0xad: {  	_ =	swait.eq @p0 [sflag:s5], $0x1  }
0xae: {  	[sflag:s5] =	ssyncadd.s32 @p0 $0xFFFFFFFF  }
0xaf: {  	s6 =	sshll.u32 @!p0 s1, $0xE  }
0xb0: {  	s6 =	sor.u32 @!p0 $0x4000, s6;
	s5 =	simm.s32 @!p0 $0x1B8D  }
0xb1: {  	s4 =	sshll.u32 @!p0 s4, $0x11;
	s6 =	sadd.s32 @!p0 $0x11B8D, s6;
	_ =	swait.eq @!p0 [sflag:s5], $0x1  }
0xb2: {  	s4 =	sor.u32 @!p0 s4, s6;
	[sflag:s5] =	ssyncadd.s32 @!p0 $0xFFFFFFFF  }
0xb3: {  	s25 =	simm.s32 $0x1B8E;
	s24 =	sld [smem:$0x3FFE];
	[sflag:s4] =	ssyncadd.remote.s32 @!p0 $0x1  }
0xb4: {  	s26 =	simm.s32 $execute0_lowered;
	[smem:$0x3FD2] =	sst s25  }
0xb5: {  	s5 =	sshll.u32 s26, $0x1;
	_ =	strace $0x8000004F;
	[dreg:$0x1] =	wrdreg $0xFFFFFFFF  }
0xb6: {  	s28 =	simm.s32 $_size_execute0_lowered;
	s3 =	sadd.s32 s3, s5;
	[dreg:$0x0] =	wrdreg $0x0  }
0xb7: {  	s5 =	sshll.u32 s28, $0x1;
	[dreg:$0x2] =	wrdreg s3  }
0xb8: {  	[dreg:$0x3] =	wrdreg s5  }
0xb9: {  	[dreg:$0x4] =	wrdreg $0xC0  }
0xba: {  	_ =	task [dreg:s22], $0x5FFFF  }
0xbb: {  	[dreg:$0x1] =	wrdreg $0xFFFFFFFF  }
0xbc: {  	[dreg:$0x0] =	wrdreg $0x60  }
0xbd: {  	[dreg:$0x2] =	wrdreg s24  }
0xbe: {  	[dreg:$0x3] =	wrdreg $0x0  }
0xbf: {  	[dreg:$0x4] =	wrdreg $0xA  }
0xc0: {  	_ =	task.clear_ibuf [dreg:s22], $0x5FFFF;
	_ =	strace $0x9000004F  }
0xc1: {  	s29 =	simm.s32 $0xA;
	_ =	strace $0x80000051  }
0xc2: {  	_ =	swait.ge [sflag:s29], $0x1  }
0xc3: {  	[sflag:s29] =	ssyncadd.s32 $0xFFFFFFFF  }
0xc4: {  	_ =	strace $0x90000051  }
0xc5: {  	_ =	sfence  }
0xc6: {  	s30 =	sld [smem:$0x0];
	_ =	sdelay $0x2  }
0xc7: {  	s31 =	sshll.u32 s1, $0xD;
	s1 =	sshrl.u32 s1, $0x2  }
0xc8: {  	s4 =	sand.u32 $0x4000, s31;
	s1 =	sadd.s32 s1, s30  }
0xc9: {  	s0 =	sor.u32 s4, s0;
	s1 =	sshll.u32 s1, $0x11  }
0xca: {  	s0 =	sor.u32 s1, s0  }
0xcb: {  	s0 =	sadd.s32 $0x8F2B, s0  }
0xcc: {  	[sflag:s0] =	ssyncadd.remote.s32 $0x1  }
0xcd: {  	_ =	sfence.sel $0xFFFF  }
0xce: {  	[dreg:$0x0] =	wrdreg $0xFFFFFFFF;
	(pc) =	sbr.abs _section_cstart, $3  }
0xcf: {  	[dreg:$0x1] =	wrdreg $0xFFFFFFFF  }
0xd0: {  	_ =	task.clear_ibuf [dreg:s22], $0x2FFFF;
	_ =	strace $0x9FFFFFFF  }
0xd1: {  	(tm) =	ssettm $0x7FFFFFFF  }
tec
execute0_lowered:
.L_overlay_start_1:
0x0: {  	(tag) =	ssettag $0x1  }
0x1: {  	s0 =	stileid.u32;
	s1 =	srdreg.scid  }
0x2: {  	s5 =	rddreg [dreg:$0x0];
	s4 =	smul.u32 $0x4E200, s0  }
0x3: {  	s2 =	rddreg [dreg:$0x1];
	s7 =	smul.u32 $0x4E20, s0  }
0x4: {  	s3 =	simm.s32 $0x0;
	s13 =	simm.s32 $0x14100;
	s10 =	smul.u32 $0x14000, s0  }
0x5: {  	s14 =	simm.s32 $0xC8;
	s6 =	sand.u32 $0x1, s1;
	s29 =	smul.u32 $0x50000, s0  }
0x6: {  	s15 =	simm.s32 $0x0;
	s1 =	rddreg [dreg:$0x2];
	s8 =	smul.u32 $0x2710, s6  }
0x7: {  	[smem:$0x7FF] =	sst s3;
	s31 =	sshll.u32 s0, $0x6;
	s9 =	smul.u32 $0x140000, s6  }
0x8: {  	_ =	strace $0x80000050;
	s30 =	ssub.s32 $0x2, s6;
	s12 =	smul.u32 $0x27100, s6  }
0x9: {  	s24 =	sadd.s32 s4, s5;
	s4 =	sadd.s32 $0x77400, s5;
	s11 =	sshrl.u32 s30, $0x1  }
0xa: {  	s7 =	sadd.s32 s8, s7;
	s26 =	sadd.s32 s10, s9;
	s10 =	sshrl.u32 s29, $0x2  }
0xb: {  	s11 =	ssub.s32 s30, s11;
	s8 =	sadd.s32 s12, s24;
	s12 =	simm.s32 $0x14000  }
0xc: {  	s25 =	sshrl.u32 s7, $0x3;
	s7 =	sshrl.u32 s26, $0x3;
	s10 =	sadd.s32 s10, s2  }
0xd: {  	s8 =	sadd.s32 $0x144D800, s8;
	s28 =	sadd.s32 s25, s5;
	s7 =	sadd.s32 s7, s5  }
0xe: {  	s5 =	sor.u32 $0x1C01, s31;
	s10 =	sshrl.u32 s10, $0x3;
	s6 =	sadd.s32 $0xC9C00, s7  }
0xf: {  	s7 =	smax.u32 s11, $0x1;
	s9 =	sadd.s32 $0x63800, s28;
	s11 =	simm.s32 $0x1  }
.LBB2_1:
0x10: {  	[spmem:s10], [sflag:s5] =	dma.local [hbm:s4], $0x2800  }
0x11: {  	_ =	swait.ge [sflag:s11], $0x2800  }
0x12: {  	[sflag:s11] =	ssyncset.done $0x0  }
0x13: {  	[sflag:s11] =	ssyncadd.s32 $0xFFFFD800  }
0x14: {  	s16 =	sadd.s32 $0x0, s9;
	[bflag:$0x0] =	sbarrier.arrive $0xFFFF  }
0x15: {  	[tilespmem:s12], [sflag:$0x1] =	stream.linear.gather [hbm4b:s16+s3], $0xC8, $0x38;
	[tilespmem:$0x1A500] =	vst v63  }
0x16: {  	_ =	swait.ge [sflag:s11], $0xC8  }
0x17: {  	[sflag:s11] =	ssyncset.done $0x0  }
0x18: {  	[sflag:s11] =	ssyncadd.s32 $0xFFFFFF38  }
0x19: {  	[tilespmem:s13], [sflag:$0x1] =	stream.linear.gather [hbm4b:s8+s3], $0x6400, $0x38;
	[tilespmem:$0x1A500] =	vst v63  }
0x1a: {  	_ =	swait.ge [sflag:s11], $0x6400  }
0x1b: {  	[sflag:s11] =	ssyncset.done $0x0  }
0x1c: {  	[sflag:s11] =	ssyncadd.s32 $0xFFFF9C00  }
0x1d: {  	[spmem:s2] =	stream.indirect.scatter.add.f32 [tilespmem:s13], [sflag:$0x1], $0x80, s12, s14, $0xb8;
	[tilespmem:$0x1A500] =	vst v63  }
0x1e: {  	s17 =	simm.s32 $0x19;
	_ =	swait.ge [sflag:s11], $0x6400  }
0x1f: {  	s18 =	simm.s32 $0x32;
	s16 =	sadd.s32 $0xC80, s8;
	[sflag:s11] =	ssyncset.done $0x0  }
.LBB2_2:
0x20: {  	s19 =	sadd.s32 s17, s9  }
0x21: {  	[sflag:s11] =	ssyncadd.s32 $0xFFFF9C00;
	s17 =	smov.u32 s18;
	s20 =	sadd.s32 $0x19, s18  }
0x22: {  	[tilespmem:s12], [sflag:$0x1] =	stream.linear.gather [hbm4b:s19+s3], $0xC8, $0x38;
	[tilespmem:$0x1A500] =	vst v63  }
0x23: {  	p0 =	sne.s32 s18, $0x4C9;
	_ =	swait.ge [sflag:s11], $0xC8  }
0x24: {  	[sflag:s11] =	ssyncset.done $0x0  }
0x25: {  	[sflag:s11] =	ssyncadd.s32 $0xFFFFFF38  }
0x26: {  	[tilespmem:s13], [sflag:$0x1] =	stream.linear.gather [hbm4b:s16+s3], $0x6400, $0x38;
	[tilespmem:$0x1A500] =	vst v63  }
0x27: {  	_ =	swait.ge [sflag:s11], $0x6400  }
.Ltmp0:
0x28: {  	[sflag:s11] =	ssyncset.done $0x0;
	(pc) =	sbr.rel @p0 .LBB2_2-.Ltmp0, $4  }
0x29: {  	[sflag:s11] =	ssyncadd.s32 $0xFFFF9C00  }
0x2a: {  	[spmem:s2] =	stream.indirect.scatter.add.f32 [tilespmem:s13], [sflag:$0x1], $0x80, s12, s14, $0xb8;
	[tilespmem:$0x1A500] =	vst v63  }
0x2b: {  	_ =	swait.ge [sflag:s11], $0x6400  }
0x2c: {  	s18 =	smov.u32 s20;
	s16 =	sadd.s32 $0xC80, s16;
	[sflag:s11] =	ssyncset.done $0x0  }
0x2d: {  	s17 =	sadd.s32 s17, s9;
	[sflag:s11] =	ssyncadd.s32 $0xFFFF9C00  }
0x2e: {  	[tilespmem:s12], [sflag:$0x1] =	stream.linear.gather [hbm4b:s17+s3], $0xC8, $0x38;
	[tilespmem:$0x1A500] =	vst v63  }
0x2f: {  	_ =	swait.ge [sflag:s11], $0xC8  }
0x30: {  	[sflag:s11] =	ssyncset.done $0x0  }
0x31: {  	[sflag:s11] =	ssyncadd.s32 $0xFFFFFF38  }
0x32: {  	[tilespmem:s13], [sflag:$0x1] =	stream.linear.gather [hbm4b:s16+s3], $0x6400, $0x38;
	[tilespmem:$0x1A500] =	vst v63  }
0x33: {  	_ =	swait.ge [sflag:s11], $0x6400  }
0x34: {  	[sflag:s11] =	ssyncset.done $0x0  }
0x35: {  	[sflag:s11] =	ssyncadd.s32 $0xFFFF9C00  }
0x36: {  	[spmem:s2] =	stream.indirect.scatter.add.f32 [tilespmem:s13], [sflag:$0x1], $0x80, s12, s14, $0xb8;
	[tilespmem:$0x1A500] =	vst v63  }
0x37: {  	_ =	swait.ge [sflag:s11], $0x6400  }
0x38: {  	s15 =	sadd.s32 $0x1, s15;
	[sflag:s11] =	ssyncset.done $0x0  }
0x39: {  	p0 =	sne.s32 s15, s7;
	[sflag:s11] =	ssyncadd.s32 $0xFFFF9C00  }
.Ltmp1:
0x3a: {  	[bflag:$0x0] =	sbarrier.arrive $0xFFFF;
	(pc) =	sbr.rel @p0 .LBB2_1-.Ltmp1, $4  }
0x3b: {  	[hbm:s6], [sflag:s5] =	dma.local [spmem:s10], $0x2800  }
0x3c: {  	_ =	swait.ge [sflag:s11], $0x2800  }
0x3d: {  	[sflag:s11] =	ssyncset.done $0x0  }
0x3e: {  	[sflag:s11] =	ssyncadd.s32 $0xFFFFD800  }
0x3f: {  	_ =	sfence.sel $0x180000  }
0x40: {  	[bflag:$0x0] =	sbarrier.arrive $0xFFFF  }
0x41: {  	p0 =	sne.s32 s0, $0x0;
	_ =	strace $0x90000050  }
0x42: {  	s0 =	sadd.s32 @!p0 $0x100000, s1;
	[bflag:$0x2] =	sbarrier.arrive $0xFFFF  }
0x43: {  	[sflag:s0] =	ssyncadd.tile.s32 @!p0 $0x1;
	_ =	shalt  }
.Lfunc_end2:
_tile_overlayer_lowered:
.L_overlay_start_2:
0x44: {  	(tag) =	ssettag $0x2  }
0x45: {  	s0 =	rddreg [dreg:$0x0];
	s2 =	stileid.u32  }
0x46: {  	s1 =	rddreg [dreg:$0x1];
	p0 =	sne.s32 s2, $0x0  }
0x47: {  	s3 =	rddreg [dreg:$0x2];
	[bflag:$0x3] =	sbarrier.arrive $0xFFFF;
	s2 =	simm.s32 @!p0 $0x1C01  }
0x48: {  	[timem:s3], [sflag:s2] =	dma.local @!p0 [hbm:s0], s1  }
0x49: {  	s0 =	simm.s32 @!p0 $0x1  }
0x4a: {  	_ =	swait.ge @!p0 [sflag:s0], s1  }
0x4b: {  	s1 =	ssub.s32 @!p0 $0x0, s1;
	[sflag:s0] =	ssyncset.done @!p0 $0x0  }
0x4c: {  	[sflag:s0] =	ssyncadd.s32 @!p0 s1  }
0x4d: {  	[bflag:$0x3] =	sbarrier.arrive $0xFFFF  }
0x4e: {  	_ =	shalt  }

// kernel: kernel.47.cloned.1.call-start
scs
__scs_entry_jumppad:
0x0: {  	(pc) =	sbr.rel $0x88, $3  }
0x1: {  	(tag) =	ssettag $0x0;
	lr =	simm.s32 $0x1  }
0x2: {  	[smem:$0x3F8A] =	sst lr;
	_ =	strace $0xD0000000  }
0x3: {  	_ = 	snop  }
0x4: {  	_ = 	snop  }
0x5: {  	_ = 	snop  }
0x6: {  	_ = 	snop  }
0x7: {  	_ = 	snop  }
__scs_overlays_trampoline_lowered:
0x8: {  	[smem:$0x3F99] =	sst s0  }
0x9: {  	[smem:$0x3F9A] =	sst s1  }
0xa: {  	[smem:$0x3F9B] =	sst s2  }
0xb: {  	[smem:$0x3F9C] =	sst s3  }
0xc: {  	[smem:$0x3F9D] =	sst s4  }
0xd: {  	[smem:$0x3F9E] =	sst s5  }
0xe: {  	[smem:$0x3F9F] =	sst s6  }
0xf: {  	[smem:$0x3FA0] =	sst s7  }
0x10: {  	[smem:$0x3FA1] =	sst s8  }
0x11: {  	[smem:$0x3FA2] =	sst s9;
	s0 =	simm.s32 @!p0 $0x0  }
0x12: {  	s1 =	sld [smem:$0x3F88];
	s0 =	simm.s32 @p0 $0x1  }
0x13: {  	[smem:$0x3FA3] =	sst s0;
	s0 =	simm.s32 @!p1 $0x0  }
0x14: {  	s2 =	sld [smem:$0x3F87];
	s0 =	simm.s32 @p1 $0x1  }
0x15: {  	[smem:$0x3FA4] =	sst s0;
	s0 =	simm.s32 @!p2 $0x0  }
0x16: {  	s3 =	sld [smem:$0x3FDB];
	s0 =	simm.s32 @p2 $0x1  }
0x17: {  	s4 =	simm.s32 $0x1BF5;
	[smem:$0x3FA6] =	sst s0  }
0x18: {  	s0 =	sld [smem:$0x3F89];
	_ =	swait.ge [sflag:s4], $0x0  }
0x19: {  	s7 =	sld [smem:$0x3F8A]  }
0x1a: {  	s8 =	sadd.s32 $0xFFFFE003, lr  }
0x1b: {  	s9 =	sadd.s32 $0xFFFFFEF7, lr;
	s5 =	simm.s32 $0xFFFFFFFF;
	p2 =	slt.u32 s8, $0xFFFFF086  }
0x1c: {  	p1 =	slt.u32 s9, $0xF7A;
	s5 =	simm.s32 @!p2 $0x0  }
0x1d: {  	s5 =	simm.s32 @p1 $0x1;
	p0 =	seq.s32 s7, s2  }
0x1e: {  	s7 =	smul.u32 @!p0 $0xF7A, s2;
	p2 =	seq.s32 @!p0 s5, $0x0  }
0x1f: {  	s9 =	smul.u32 $0xF7A, s1;
	s8 =	simm.s32 @!p0 $0x1BF5;
	p2 =	por !p2, p0  }
0x20: {  	[sflag:s8] =	ssyncset.s32 @!p0 $0xFFFFF086;
	s6 =	sadd.s32 @!p0 s3, s7;
	s7 =	simm.s32 @!p0 $0x108  }
0x21: {  	s3 =	sadd.s32 s3, s9;
	s6 =	sadd.s32 @!p0 $0x88, s6;
	s7 =	simm.s32 @p2 $0x1082  }
0x22: {  	[simem:s7], [sflag:s8] =	dma.local @!p0 [hbm:s6], $0xF7A  }
0x23: {  	s9 =	sor.u32 $0xD0000000, s2;
	s6 =	simm.s32 $0x108;
	_ =	swait.ge @!p0 [sflag:s8], $0x0  }
0x24: {  	s3 =	sadd.s32 $0x88, s3;
	s6 =	simm.s32 @!p1 $0x1082;
	[sflag:s4] =	ssyncset.s32 $0xFFFFF086  }
0x25: {  	[simem:s6], [sflag:s4] =	dma.local [hbm:s3], $0xF7A  }
0x26: {  	[smem:$0x3F8A] =	sst s1;
	(tag) =	ssettag s2;
	_ =	strace s9  }
0x27: {  	s1 =	sld [smem:$0x3F9A]  }
0x28: {  	s2 =	sld [smem:$0x3F9B]  }
0x29: {  	s4 =	sld [smem:$0x3F9D]  }
0x2a: {  	p0 =	seq.s32 s5, $0x0;
	s5 =	sld [smem:$0x3F9E]  }
0x2b: {  	s6 =	sld [smem:$0x3F9F]  }
0x2c: {  	s7 =	sld [smem:$0x3FA0]  }
0x2d: {  	s3 =	simm.s32 $0x108;
	s8 =	sld [smem:$0x3FA1]  }
0x2e: {  	s3 =	simm.s32 @!p0 $0x1082;
	s9 =	sld [smem:$0x3FA2]  }
0x2f: {  	lr =	sadd.s32 s0, s3;
	s0 =	sld [smem:$0x3F99]  }
0x30: {  	s3 =	sld [smem:$0x3F9C]  }
0x31: {  	[smem:$0x3FA5] =	sst s10  }
0x32: {  	s10 =	sld [smem:$0x3FA3];
	_ =	sdelay $0x3  }
0x33: {  	p0 =	seq.s32 s10, $0x1;
	s10 =	sld [smem:$0x3FA5];
	_ =	sdelay $0x3  }
0x34: {  	[smem:$0x3FA5] =	sst s10  }
0x35: {  	s10 =	sld [smem:$0x3FA4];
	_ =	sdelay $0x3  }
0x36: {  	p1 =	seq.s32 s10, $0x1;
	s10 =	sld [smem:$0x3FA5];
	_ =	sdelay $0x3  }
0x37: {  	[smem:$0x3FA5] =	sst s10  }
0x38: {  	s10 =	sld [smem:$0x3FA6]  }
0x39: {  	_ = 	snop;
	(pc) =	sbr.ind lr, $3  }
0x3a: {  	_ = 	snop  }
0x3b: {  	_ = 	snop  }
0x3c: {  	p2 =	seq.s32 s10, $0x1;
	s10 =	sld [smem:$0x3FA5]  }
0x3d: {  	_ =	shalt  }
0x3e: {  	_ =	shalt  }
0x3f: {  	_ =	shalt  }
0x40: {  	_ =	shalt  }
0x41: {  	_ =	shalt  }
0x42: {  	_ =	shalt  }
0x43: {  	_ =	shalt  }
0x44: {  	_ =	shalt  }
0x45: {  	_ =	shalt  }
0x46: {  	_ =	shalt  }
0x47: {  	_ =	shalt  }
0x48: {  	_ =	shalt  }
0x49: {  	_ =	shalt  }
0x4a: {  	_ =	shalt  }
0x4b: {  	_ =	shalt  }
0x4c: {  	_ =	shalt  }
0x4d: {  	_ =	shalt  }
0x4e: {  	_ =	shalt  }
0x4f: {  	_ =	shalt  }
0x50: {  	_ =	shalt  }
0x51: {  	_ =	shalt  }
0x52: {  	_ =	shalt  }
0x53: {  	_ =	shalt  }
0x54: {  	_ =	shalt  }
0x55: {  	_ =	shalt  }
0x56: {  	_ =	shalt  }
0x57: {  	_ =	shalt  }
0x58: {  	_ =	shalt  }
0x59: {  	_ =	shalt  }
0x5a: {  	_ =	shalt  }
0x5b: {  	_ =	shalt  }
0x5c: {  	_ =	shalt  }
0x5d: {  	_ =	shalt  }
0x5e: {  	_ =	shalt  }
0x5f: {  	_ =	shalt  }
0x60: {  	_ =	shalt  }
0x61: {  	_ =	shalt  }
0x62: {  	_ =	shalt  }
0x63: {  	_ =	shalt  }
0x64: {  	_ =	shalt  }
0x65: {  	_ =	shalt  }
0x66: {  	_ =	shalt  }
0x67: {  	_ =	shalt  }
0x68: {  	_ =	shalt  }
0x69: {  	_ =	shalt  }
0x6a: {  	_ =	shalt  }
0x6b: {  	_ =	shalt  }
0x6c: {  	_ =	shalt  }
0x6d: {  	_ =	shalt  }
0x6e: {  	_ =	shalt  }
0x6f: {  	_ =	shalt  }
0x70: {  	_ =	shalt  }
0x71: {  	_ =	shalt  }
0x72: {  	_ =	shalt  }
0x73: {  	_ =	shalt  }
0x74: {  	_ =	shalt  }
0x75: {  	_ =	shalt  }
0x76: {  	_ =	shalt  }
0x77: {  	_ =	shalt  }
0x78: {  	_ =	shalt  }
0x79: {  	_ =	shalt  }
0x7a: {  	_ =	shalt  }
0x7b: {  	_ =	shalt  }
0x7c: {  	_ =	shalt  }
0x7d: {  	_ =	shalt  }
0x7e: {  	_ =	shalt  }
0x7f: {  	_ =	shalt  }
0x80: {  	_ =	shalt  }
0x81: {  	_ =	shalt  }
0x82: {  	_ =	shalt  }
0x83: {  	_ =	shalt  }
0x84: {  	_ =	shalt  }
0x85: {  	_ =	shalt  }
0x86: {  	_ =	shalt  }
0x87: {  	_ =	shalt  }
.Lfunc_end0:
.L_simem_size_0:
called_computation.4_lowered:
.L_overlay_start_0:
0x88: {  	s2 =	sld [smem:$0x3FD9]  }
0x89: {  	s3 =	sld [smem:$0x3FFE];
	_ =	sdelay $0x1  }
0x8a: {  	s1 =	srdreg.scid  }
0x8b: {  	s0 =	sand.u32 $0x1, s1  }
0x8c: {  	s17 =	sshll.u32 s0, $0xA;
	s2 =	sadd.s32 s3, s2  }
0x8d: {  	s2 =	sadd.s32 s2, s17  }
0x8e: {  	[smem:$0x3FB1] =	sst s2  }
0x8f: {  	_ = 	snop  }
0x90: {  	(tm) =	ssettm $0x1  }
0x91: {  	s18 =	sld [smem:$0x3FFB];
	_ =	sdelay $0x3  }
0x92: {  	_ =	strace s18  }
0x93: {  	s2 =	sld [smem:$0x3FFC];
	_ =	sdelay $0x3  }
0x94: {  	_ =	strace s2  }
0x95: {  	s2 =	sld [smem:$0x3FFD];
	_ =	sdelay $0x3  }
0x96: {  	_ =	strace s2  }
0x97: {  	_ =	strace $0x8FFFFFFF  }
0x98: {  	s19 =	sld [smem:$0x3FDB];
	_ =	sdelay $0x1  }
0x99: {  	s20 =	simm.s32 $_scs_section_size  }
0x9a: {  	s4 =	simm.s32 $_size__tile_overlayer_lowered;
	s5 =	simm.s32 $_tile_overlayer_lowered  }
0x9b: {  	s6 =	simm.s32 $0x1BFF;
	s21 =	sshll.u32 s5, $0x1;
	s3 =	sadd.s32 s20, s19  }
0x9c: {  	s22 =	simm.s32 $0x0;
	s4 =	sshll.u32 s4, $0x1;
	s5 =	sadd.s32 s21, s3  }
0x9d: {  	[timem:s22], [sflag:s6] =	dma.local [hbm:s5], s4  }
0x9e: {  	_ =	swait.ge [sflag:s6], s4  }
0x9f: {  	s4 =	ssub.s32 $0x0, s4;
	[sflag:s6] =	ssyncset.done $0x0  }
0xa0: {  	[sflag:s6] =	ssyncadd.s32 s4;
	_ =	sdelay $0x1  }
0xa1: {  	s23 =	simm.s32 $0x1B8B  }
0xa2: {  	_ =	swait.ge [sflag:s23], $0x1  }
0xa3: {  	[sflag:s23] =	ssyncset.done $0x0  }
0xa4: {  	[sflag:s23] =	ssyncadd.s32 $0xFFFFFFFF  }
0xa5: {  	s4 =	sld [smem:$0x0]  }
0xa6: {  	s5 =	sand.u32 $0xFFFFFFFE, s1  }
0xa7: {  	p0 =	sne.s32 s1, s5  }
0xa8: {  	s5 =	sshll.u32 @p0 s5, $0xE  }
0xa9: {  	s5 =	sadd.s32 @p0 $0x11B8D, s5;
	s6 =	sshll.u32 @p0 s4, $0x11  }
0xaa: {  	s5 =	sor.u32 @p0 s6, s5  }
0xab: {  	[sflag:s5] =	ssyncadd.remote.s32 @p0 $0x1;
	_ =	sdelay $0x1  }
0xac: {  	s5 =	simm.s32 @p0 $0x1B8D  }
0xad: {  	_ =	swait.eq @p0 [sflag:s5], $0x1  }
0xae: {  	[sflag:s5] =	ssyncadd.s32 @p0 $0xFFFFFFFF  }
0xaf: {  	s6 =	sshll.u32 @!p0 s1, $0xE  }
0xb0: {  	s6 =	sor.u32 @!p0 $0x4000, s6;
	s5 =	simm.s32 @!p0 $0x1B8D  }
0xb1: {  	s4 =	sshll.u32 @!p0 s4, $0x11;
	s6 =	sadd.s32 @!p0 $0x11B8D, s6;
	_ =	swait.eq @!p0 [sflag:s5], $0x1  }
0xb2: {  	s4 =	sor.u32 @!p0 s4, s6;
	[sflag:s5] =	ssyncadd.s32 @!p0 $0xFFFFFFFF  }
0xb3: {  	s25 =	simm.s32 $0x1B8E;
	s24 =	sld [smem:$0x3FFE];
	[sflag:s4] =	ssyncadd.remote.s32 @!p0 $0x1  }
0xb4: {  	s26 =	simm.s32 $execute0_lowered;
	[smem:$0x3FD2] =	sst s25  }
0xb5: {  	s5 =	sshll.u32 s26, $0x1;
	_ =	strace $0x80000055;
	[dreg:$0x1] =	wrdreg $0xFFFFFFFF  }
0xb6: {  	s28 =	simm.s32 $_size_execute0_lowered;
	s3 =	sadd.s32 s3, s5;
	[dreg:$0x0] =	wrdreg $0x0  }
0xb7: {  	s5 =	sshll.u32 s28, $0x1;
	[dreg:$0x2] =	wrdreg s3  }
0xb8: {  	[dreg:$0x3] =	wrdreg s5  }
0xb9: {  	[dreg:$0x4] =	wrdreg $0xC0  }
0xba: {  	_ =	task [dreg:s22], $0x5FFFF  }
0xbb: {  	[dreg:$0x1] =	wrdreg $0xFFFFFFFF  }
0xbc: {  	[dreg:$0x0] =	wrdreg $0x60  }
0xbd: {  	[dreg:$0x2] =	wrdreg s24  }
0xbe: {  	[dreg:$0x3] =	wrdreg $0x0  }
0xbf: {  	[dreg:$0x4] =	wrdreg $0xB  }
0xc0: {  	_ =	task.clear_ibuf [dreg:s22], $0x5FFFF;
	_ =	strace $0x90000055  }
0xc1: {  	s29 =	simm.s32 $0xB;
	_ =	strace $0x80000057  }
0xc2: {  	_ =	swait.ge [sflag:s29], $0x1  }
0xc3: {  	[sflag:s29] =	ssyncadd.s32 $0xFFFFFFFF  }
0xc4: {  	_ =	strace $0x90000057  }
0xc5: {  	_ =	sfence  }
0xc6: {  	s30 =	sld [smem:$0x0];
	_ =	sdelay $0x2  }
0xc7: {  	s31 =	sshll.u32 s1, $0xD;
	s1 =	sshrl.u32 s1, $0x2  }
0xc8: {  	s4 =	sand.u32 $0x4000, s31;
	s1 =	sadd.s32 s1, s30  }
0xc9: {  	s0 =	sor.u32 s4, s0;
	s1 =	sshll.u32 s1, $0x11  }
0xca: {  	s0 =	sor.u32 s1, s0  }
0xcb: {  	s0 =	sadd.s32 $0x8F2B, s0  }
0xcc: {  	[sflag:s0] =	ssyncadd.remote.s32 $0x1  }
0xcd: {  	_ =	sfence.sel $0xFFFF  }
0xce: {  	[dreg:$0x0] =	wrdreg $0xFFFFFFFF;
	(pc) =	sbr.abs _section_cstart, $3  }
0xcf: {  	[dreg:$0x1] =	wrdreg $0xFFFFFFFF  }
0xd0: {  	_ =	task.clear_ibuf [dreg:s22], $0x2FFFF;
	_ =	strace $0x9FFFFFFF  }
0xd1: {  	(tm) =	ssettm $0x7FFFFFFF  }
tec
execute0_lowered:
.L_overlay_start_1:
0x0: {  	(tag) =	ssettag $0x1  }
0x1: {  	s0 =	stileid.u32;
	s1 =	srdreg.scid  }
0x2: {  	s5 =	rddreg [dreg:$0x0];
	s4 =	smul.u32 $0x4E200, s0  }
0x3: {  	s2 =	rddreg [dreg:$0x1];
	s7 =	smul.u32 $0x4E20, s0  }
0x4: {  	s3 =	simm.s32 $0x0;
	s13 =	simm.s32 $0x14100;
	s10 =	smul.u32 $0x14000, s0  }
0x5: {  	s14 =	simm.s32 $0xC8;
	s6 =	sand.u32 $0x1, s1;
	s29 =	smul.u32 $0x50000, s0  }
0x6: {  	s15 =	simm.s32 $0x0;
	s1 =	rddreg [dreg:$0x2];
	s8 =	smul.u32 $0x2710, s6  }
0x7: {  	[smem:$0x7FF] =	sst s3;
	s31 =	sshll.u32 s0, $0x6;
	s9 =	smul.u32 $0x140000, s6  }
0x8: {  	_ =	strace $0x80000056;
	s30 =	ssub.s32 $0x2, s6;
	s12 =	smul.u32 $0x27100, s6  }
0x9: {  	s24 =	sadd.s32 s4, s5;
	s4 =	sadd.s32 $0x77400, s5;
	s11 =	sshrl.u32 s30, $0x1  }
0xa: {  	s7 =	sadd.s32 s8, s7;
	s26 =	sadd.s32 s10, s9;
	s10 =	sshrl.u32 s29, $0x2  }
0xb: {  	s11 =	ssub.s32 s30, s11;
	s8 =	sadd.s32 s12, s24;
	s12 =	simm.s32 $0x14000  }
0xc: {  	s25 =	sshrl.u32 s7, $0x3;
	s7 =	sshrl.u32 s26, $0x3;
	s10 =	sadd.s32 s10, s2  }
0xd: {  	s8 =	sadd.s32 $0x1E11800, s8;
	s28 =	sadd.s32 s25, s5;
	s7 =	sadd.s32 s7, s5  }
0xe: {  	s5 =	sor.u32 $0x1C01, s31;
	s10 =	sshrl.u32 s10, $0x3;
	s6 =	sadd.s32 $0x169C00, s7  }
0xf: {  	s7 =	smax.u32 s11, $0x1;
	s9 =	sadd.s32 $0x6D600, s28;
	s11 =	simm.s32 $0x1  }
.LBB2_1:
0x10: {  	[spmem:s10], [sflag:s5] =	dma.local [hbm:s4], $0x2800  }
0x11: {  	_ =	swait.ge [sflag:s11], $0x2800  }
0x12: {  	[sflag:s11] =	ssyncset.done $0x0  }
0x13: {  	[sflag:s11] =	ssyncadd.s32 $0xFFFFD800  }
0x14: {  	s16 =	sadd.s32 $0x0, s9;
	[bflag:$0x0] =	sbarrier.arrive $0xFFFF  }
0x15: {  	[tilespmem:s12], [sflag:$0x1] =	stream.linear.gather [hbm4b:s16+s3], $0xC8, $0x38;
	[tilespmem:$0x1A500] =	vst v63  }
0x16: {  	_ =	swait.ge [sflag:s11], $0xC8  }
0x17: {  	[sflag:s11] =	ssyncset.done $0x0  }
0x18: {  	[sflag:s11] =	ssyncadd.s32 $0xFFFFFF38  }
0x19: {  	[tilespmem:s13], [sflag:$0x1] =	stream.linear.gather [hbm4b:s8+s3], $0x6400, $0x38;
	[tilespmem:$0x1A500] =	vst v63  }
0x1a: {  	_ =	swait.ge [sflag:s11], $0x6400  }
0x1b: {  	[sflag:s11] =	ssyncset.done $0x0  }
0x1c: {  	[sflag:s11] =	ssyncadd.s32 $0xFFFF9C00  }
0x1d: {  	[spmem:s2] =	stream.indirect.scatter.add.f32 [tilespmem:s13], [sflag:$0x1], $0x80, s12, s14, $0xb8;
	[tilespmem:$0x1A500] =	vst v63  }
0x1e: {  	s17 =	simm.s32 $0x19;
	_ =	swait.ge [sflag:s11], $0x6400  }
0x1f: {  	s18 =	simm.s32 $0x32;
	s16 =	sadd.s32 $0xC80, s8;
	[sflag:s11] =	ssyncset.done $0x0  }
.LBB2_2:
0x20: {  	s19 =	sadd.s32 s17, s9  }
0x21: {  	[sflag:s11] =	ssyncadd.s32 $0xFFFF9C00;
	s17 =	smov.u32 s18;
	s20 =	sadd.s32 $0x19, s18  }
0x22: {  	[tilespmem:s12], [sflag:$0x1] =	stream.linear.gather [hbm4b:s19+s3], $0xC8, $0x38;
	[tilespmem:$0x1A500] =	vst v63  }
0x23: {  	p0 =	sne.s32 s18, $0x4C9;
	_ =	swait.ge [sflag:s11], $0xC8  }
0x24: {  	[sflag:s11] =	ssyncset.done $0x0  }
0x25: {  	[sflag:s11] =	ssyncadd.s32 $0xFFFFFF38  }
0x26: {  	[tilespmem:s13], [sflag:$0x1] =	stream.linear.gather [hbm4b:s16+s3], $0x6400, $0x38;
	[tilespmem:$0x1A500] =	vst v63  }
0x27: {  	_ =	swait.ge [sflag:s11], $0x6400  }
.Ltmp0:
0x28: {  	[sflag:s11] =	ssyncset.done $0x0;
	(pc) =	sbr.rel @p0 .LBB2_2-.Ltmp0, $4  }
0x29: {  	[sflag:s11] =	ssyncadd.s32 $0xFFFF9C00  }
0x2a: {  	[spmem:s2] =	stream.indirect.scatter.add.f32 [tilespmem:s13], [sflag:$0x1], $0x80, s12, s14, $0xb8;
	[tilespmem:$0x1A500] =	vst v63  }
0x2b: {  	_ =	swait.ge [sflag:s11], $0x6400  }
0x2c: {  	s18 =	smov.u32 s20;
	s16 =	sadd.s32 $0xC80, s16;
	[sflag:s11] =	ssyncset.done $0x0  }
0x2d: {  	s17 =	sadd.s32 s17, s9;
	[sflag:s11] =	ssyncadd.s32 $0xFFFF9C00  }
0x2e: {  	[tilespmem:s12], [sflag:$0x1] =	stream.linear.gather [hbm4b:s17+s3], $0xC8, $0x38;
	[tilespmem:$0x1A500] =	vst v63  }
0x2f: {  	_ =	swait.ge [sflag:s11], $0xC8  }
0x30: {  	[sflag:s11] =	ssyncset.done $0x0  }
0x31: {  	[sflag:s11] =	ssyncadd.s32 $0xFFFFFF38  }
0x32: {  	[tilespmem:s13], [sflag:$0x1] =	stream.linear.gather [hbm4b:s16+s3], $0x6400, $0x38;
	[tilespmem:$0x1A500] =	vst v63  }
0x33: {  	_ =	swait.ge [sflag:s11], $0x6400  }
0x34: {  	[sflag:s11] =	ssyncset.done $0x0  }
0x35: {  	[sflag:s11] =	ssyncadd.s32 $0xFFFF9C00  }
0x36: {  	[spmem:s2] =	stream.indirect.scatter.add.f32 [tilespmem:s13], [sflag:$0x1], $0x80, s12, s14, $0xb8;
	[tilespmem:$0x1A500] =	vst v63  }
0x37: {  	_ =	swait.ge [sflag:s11], $0x6400  }
0x38: {  	s15 =	sadd.s32 $0x1, s15;
	[sflag:s11] =	ssyncset.done $0x0  }
0x39: {  	p0 =	sne.s32 s15, s7;
	[sflag:s11] =	ssyncadd.s32 $0xFFFF9C00  }
.Ltmp1:
0x3a: {  	[bflag:$0x0] =	sbarrier.arrive $0xFFFF;
	(pc) =	sbr.rel @p0 .LBB2_1-.Ltmp1, $4  }
0x3b: {  	[hbm:s6], [sflag:s5] =	dma.local [spmem:s10], $0x2800  }
0x3c: {  	_ =	swait.ge [sflag:s11], $0x2800  }
0x3d: {  	[sflag:s11] =	ssyncset.done $0x0  }
0x3e: {  	[sflag:s11] =	ssyncadd.s32 $0xFFFFD800  }
0x3f: {  	_ =	sfence.sel $0x180000  }
0x40: {  	[bflag:$0x0] =	sbarrier.arrive $0xFFFF  }
0x41: {  	p0 =	sne.s32 s0, $0x0;
	_ =	strace $0x90000056  }
0x42: {  	s0 =	sadd.s32 @!p0 $0x100000, s1;
	[bflag:$0x2] =	sbarrier.arrive $0xFFFF  }
0x43: {  	[sflag:s0] =	ssyncadd.tile.s32 @!p0 $0x1;
	_ =	shalt  }
.Lfunc_end2:
_tile_overlayer_lowered:
.L_overlay_start_2:
0x44: {  	(tag) =	ssettag $0x2  }
0x45: {  	s0 =	rddreg [dreg:$0x0];
	s2 =	stileid.u32  }
0x46: {  	s1 =	rddreg [dreg:$0x1];
	p0 =	sne.s32 s2, $0x0  }
0x47: {  	s3 =	rddreg [dreg:$0x2];
	[bflag:$0x3] =	sbarrier.arrive $0xFFFF;
	s2 =	simm.s32 @!p0 $0x1C01  }
0x48: {  	[timem:s3], [sflag:s2] =	dma.local @!p0 [hbm:s0], s1  }
0x49: {  	s0 =	simm.s32 @!p0 $0x1  }
0x4a: {  	_ =	swait.ge @!p0 [sflag:s0], s1  }
0x4b: {  	s1 =	ssub.s32 @!p0 $0x0, s1;
	[sflag:s0] =	ssyncset.done @!p0 $0x0  }
0x4c: {  	[sflag:s0] =	ssyncadd.s32 @!p0 s1  }
0x4d: {  	[bflag:$0x3] =	sbarrier.arrive $0xFFFF  }
0x4e: {  	_ =	shalt  }

// kernel: kernel.50.cloned.1.call-start
scs
__scs_entry_jumppad:
0x0: {  	(pc) =	sbr.rel $0x88, $3  }
0x1: {  	(tag) =	ssettag $0x0;
	lr =	simm.s32 $0x1  }
0x2: {  	[smem:$0x3F8A] =	sst lr;
	_ =	strace $0xD0000000  }
0x3: {  	_ = 	snop  }
0x4: {  	_ = 	snop  }
0x5: {  	_ = 	snop  }
0x6: {  	_ = 	snop  }
0x7: {  	_ = 	snop  }
__scs_overlays_trampoline_lowered:
0x8: {  	[smem:$0x3F99] =	sst s0  }
0x9: {  	[smem:$0x3F9A] =	sst s1  }
0xa: {  	[smem:$0x3F9B] =	sst s2  }
0xb: {  	[smem:$0x3F9C] =	sst s3  }
0xc: {  	[smem:$0x3F9D] =	sst s4  }
0xd: {  	[smem:$0x3F9E] =	sst s5  }
0xe: {  	[smem:$0x3F9F] =	sst s6  }
0xf: {  	[smem:$0x3FA0] =	sst s7  }
0x10: {  	[smem:$0x3FA1] =	sst s8  }
0x11: {  	[smem:$0x3FA2] =	sst s9;
	s0 =	simm.s32 @!p0 $0x0  }
0x12: {  	s1 =	sld [smem:$0x3F88];
	s0 =	simm.s32 @p0 $0x1  }
0x13: {  	[smem:$0x3FA3] =	sst s0;
	s0 =	simm.s32 @!p1 $0x0  }
0x14: {  	s2 =	sld [smem:$0x3F87];
	s0 =	simm.s32 @p1 $0x1  }
0x15: {  	[smem:$0x3FA4] =	sst s0;
	s0 =	simm.s32 @!p2 $0x0  }
0x16: {  	s3 =	sld [smem:$0x3FDB];
	s0 =	simm.s32 @p2 $0x1  }
0x17: {  	s4 =	simm.s32 $0x1BF5;
	[smem:$0x3FA6] =	sst s0  }
0x18: {  	s0 =	sld [smem:$0x3F89];
	_ =	swait.ge [sflag:s4], $0x0  }
0x19: {  	s7 =	sld [smem:$0x3F8A]  }
0x1a: {  	s8 =	sadd.s32 $0xFFFFE003, lr  }
0x1b: {  	s9 =	sadd.s32 $0xFFFFFEF7, lr;
	s5 =	simm.s32 $0xFFFFFFFF;
	p2 =	slt.u32 s8, $0xFFFFF086  }
0x1c: {  	p1 =	slt.u32 s9, $0xF7A;
	s5 =	simm.s32 @!p2 $0x0  }
0x1d: {  	s5 =	simm.s32 @p1 $0x1;
	p0 =	seq.s32 s7, s2  }
0x1e: {  	s7 =	smul.u32 @!p0 $0xF7A, s2;
	p2 =	seq.s32 @!p0 s5, $0x0  }
0x1f: {  	s9 =	smul.u32 $0xF7A, s1;
	s8 =	simm.s32 @!p0 $0x1BF5;
	p2 =	por !p2, p0  }
0x20: {  	[sflag:s8] =	ssyncset.s32 @!p0 $0xFFFFF086;
	s6 =	sadd.s32 @!p0 s3, s7;
	s7 =	simm.s32 @!p0 $0x108  }
0x21: {  	s3 =	sadd.s32 s3, s9;
	s6 =	sadd.s32 @!p0 $0x88, s6;
	s7 =	simm.s32 @p2 $0x1082  }
0x22: {  	[simem:s7], [sflag:s8] =	dma.local @!p0 [hbm:s6], $0xF7A  }
0x23: {  	s9 =	sor.u32 $0xD0000000, s2;
	s6 =	simm.s32 $0x108;
	_ =	swait.ge @!p0 [sflag:s8], $0x0  }
0x24: {  	s3 =	sadd.s32 $0x88, s3;
	s6 =	simm.s32 @!p1 $0x1082;
	[sflag:s4] =	ssyncset.s32 $0xFFFFF086  }
0x25: {  	[simem:s6], [sflag:s4] =	dma.local [hbm:s3], $0xF7A  }
0x26: {  	[smem:$0x3F8A] =	sst s1;
	(tag) =	ssettag s2;
	_ =	strace s9  }
0x27: {  	s1 =	sld [smem:$0x3F9A]  }
0x28: {  	s2 =	sld [smem:$0x3F9B]  }
0x29: {  	s4 =	sld [smem:$0x3F9D]  }
0x2a: {  	p0 =	seq.s32 s5, $0x0;
	s5 =	sld [smem:$0x3F9E]  }
0x2b: {  	s6 =	sld [smem:$0x3F9F]  }
0x2c: {  	s7 =	sld [smem:$0x3FA0]  }
0x2d: {  	s3 =	simm.s32 $0x108;
	s8 =	sld [smem:$0x3FA1]  }
0x2e: {  	s3 =	simm.s32 @!p0 $0x1082;
	s9 =	sld [smem:$0x3FA2]  }
0x2f: {  	lr =	sadd.s32 s0, s3;
	s0 =	sld [smem:$0x3F99]  }
0x30: {  	s3 =	sld [smem:$0x3F9C]  }
0x31: {  	[smem:$0x3FA5] =	sst s10  }
0x32: {  	s10 =	sld [smem:$0x3FA3];
	_ =	sdelay $0x3  }
0x33: {  	p0 =	seq.s32 s10, $0x1;
	s10 =	sld [smem:$0x3FA5];
	_ =	sdelay $0x3  }
0x34: {  	[smem:$0x3FA5] =	sst s10  }
0x35: {  	s10 =	sld [smem:$0x3FA4];
	_ =	sdelay $0x3  }
0x36: {  	p1 =	seq.s32 s10, $0x1;
	s10 =	sld [smem:$0x3FA5];
	_ =	sdelay $0x3  }
0x37: {  	[smem:$0x3FA5] =	sst s10  }
0x38: {  	s10 =	sld [smem:$0x3FA6]  }
0x39: {  	_ = 	snop;
	(pc) =	sbr.ind lr, $3  }
0x3a: {  	_ = 	snop  }
0x3b: {  	_ = 	snop  }
0x3c: {  	p2 =	seq.s32 s10, $0x1;
	s10 =	sld [smem:$0x3FA5]  }
0x3d: {  	_ =	shalt  }
0x3e: {  	_ =	shalt  }
0x3f: {  	_ =	shalt  }
0x40: {  	_ =	shalt  }
0x41: {  	_ =	shalt  }
0x42: {  	_ =	shalt  }
0x43: {  	_ =	shalt  }
0x44: {  	_ =	shalt  }
0x45: {  	_ =	shalt  }
0x46: {  	_ =	shalt  }
0x47: {  	_ =	shalt  }
0x48: {  	_ =	shalt  }
0x49: {  	_ =	shalt  }
0x4a: {  	_ =	shalt  }
0x4b: {  	_ =	shalt  }
0x4c: {  	_ =	shalt  }
0x4d: {  	_ =	shalt  }
0x4e: {  	_ =	shalt  }
0x4f: {  	_ =	shalt  }
0x50: {  	_ =	shalt  }
0x51: {  	_ =	shalt  }
0x52: {  	_ =	shalt  }
0x53: {  	_ =	shalt  }
0x54: {  	_ =	shalt  }
0x55: {  	_ =	shalt  }
0x56: {  	_ =	shalt  }
0x57: {  	_ =	shalt  }
0x58: {  	_ =	shalt  }
0x59: {  	_ =	shalt  }
0x5a: {  	_ =	shalt  }
0x5b: {  	_ =	shalt  }
0x5c: {  	_ =	shalt  }
0x5d: {  	_ =	shalt  }
0x5e: {  	_ =	shalt  }
0x5f: {  	_ =	shalt  }
0x60: {  	_ =	shalt  }
0x61: {  	_ =	shalt  }
0x62: {  	_ =	shalt  }
0x63: {  	_ =	shalt  }
0x64: {  	_ =	shalt  }
0x65: {  	_ =	shalt  }
0x66: {  	_ =	shalt  }
0x67: {  	_ =	shalt  }
0x68: {  	_ =	shalt  }
0x69: {  	_ =	shalt  }
0x6a: {  	_ =	shalt  }
0x6b: {  	_ =	shalt  }
0x6c: {  	_ =	shalt  }
0x6d: {  	_ =	shalt  }
0x6e: {  	_ =	shalt  }
0x6f: {  	_ =	shalt  }
0x70: {  	_ =	shalt  }
0x71: {  	_ =	shalt  }
0x72: {  	_ =	shalt  }
0x73: {  	_ =	shalt  }
0x74: {  	_ =	shalt  }
0x75: {  	_ =	shalt  }
0x76: {  	_ =	shalt  }
0x77: {  	_ =	shalt  }
0x78: {  	_ =	shalt  }
0x79: {  	_ =	shalt  }
0x7a: {  	_ =	shalt  }
0x7b: {  	_ =	shalt  }
0x7c: {  	_ =	shalt  }
0x7d: {  	_ =	shalt  }
0x7e: {  	_ =	shalt  }
0x7f: {  	_ =	shalt  }
0x80: {  	_ =	shalt  }
0x81: {  	_ =	shalt  }
0x82: {  	_ =	shalt  }
0x83: {  	_ =	shalt  }
0x84: {  	_ =	shalt  }
0x85: {  	_ =	shalt  }
0x86: {  	_ =	shalt  }
0x87: {  	_ =	shalt  }
.Lfunc_end0:
.L_simem_size_0:
called_computation.5_lowered:
.L_overlay_start_0:
0x88: {  	s2 =	sld [smem:$0x3FD9]  }
0x89: {  	s3 =	sld [smem:$0x3FFE];
	_ =	sdelay $0x1  }
0x8a: {  	s1 =	srdreg.scid  }
0x8b: {  	s0 =	sand.u32 $0x1, s1  }
0x8c: {  	s17 =	sshll.u32 s0, $0xA;
	s2 =	sadd.s32 s3, s2  }
0x8d: {  	s2 =	sadd.s32 s2, s17  }
0x8e: {  	[smem:$0x3FB1] =	sst s2  }
0x8f: {  	_ = 	snop  }
0x90: {  	(tm) =	ssettm $0x1  }
0x91: {  	s18 =	sld [smem:$0x3FFB];
	_ =	sdelay $0x3  }
0x92: {  	_ =	strace s18  }
0x93: {  	s2 =	sld [smem:$0x3FFC];
	_ =	sdelay $0x3  }
0x94: {  	_ =	strace s2  }
0x95: {  	s2 =	sld [smem:$0x3FFD];
	_ =	sdelay $0x3  }
0x96: {  	_ =	strace s2  }
0x97: {  	_ =	strace $0x8FFFFFFF  }
0x98: {  	s19 =	sld [smem:$0x3FDB];
	_ =	sdelay $0x1  }
0x99: {  	s20 =	simm.s32 $_scs_section_size  }
0x9a: {  	s4 =	simm.s32 $_size__tile_overlayer_lowered;
	s5 =	simm.s32 $_tile_overlayer_lowered  }
0x9b: {  	s6 =	simm.s32 $0x1BFF;
	s21 =	sshll.u32 s5, $0x1;
	s3 =	sadd.s32 s20, s19  }
0x9c: {  	s22 =	simm.s32 $0x0;
	s4 =	sshll.u32 s4, $0x1;
	s5 =	sadd.s32 s21, s3  }
0x9d: {  	[timem:s22], [sflag:s6] =	dma.local [hbm:s5], s4  }
0x9e: {  	_ =	swait.ge [sflag:s6], s4  }
0x9f: {  	s4 =	ssub.s32 $0x0, s4;
	[sflag:s6] =	ssyncset.done $0x0  }
0xa0: {  	[sflag:s6] =	ssyncadd.s32 s4;
	_ =	sdelay $0x1  }
0xa1: {  	s23 =	simm.s32 $0x1B8B  }
0xa2: {  	_ =	swait.ge [sflag:s23], $0x1  }
0xa3: {  	[sflag:s23] =	ssyncset.done $0x0  }
0xa4: {  	[sflag:s23] =	ssyncadd.s32 $0xFFFFFFFF  }
0xa5: {  	s4 =	sld [smem:$0x0]  }
0xa6: {  	s5 =	sand.u32 $0xFFFFFFFE, s1  }
0xa7: {  	p0 =	sne.s32 s1, s5  }
0xa8: {  	s5 =	sshll.u32 @p0 s5, $0xE  }
0xa9: {  	s5 =	sadd.s32 @p0 $0x11B8D, s5;
	s6 =	sshll.u32 @p0 s4, $0x11  }
0xaa: {  	s5 =	sor.u32 @p0 s6, s5  }
0xab: {  	[sflag:s5] =	ssyncadd.remote.s32 @p0 $0x1;
	_ =	sdelay $0x1  }
0xac: {  	s5 =	simm.s32 @p0 $0x1B8D  }
0xad: {  	_ =	swait.eq @p0 [sflag:s5], $0x1  }
0xae: {  	[sflag:s5] =	ssyncadd.s32 @p0 $0xFFFFFFFF  }
0xaf: {  	s6 =	sshll.u32 @!p0 s1, $0xE  }
0xb0: {  	s6 =	sor.u32 @!p0 $0x4000, s6;
	s5 =	simm.s32 @!p0 $0x1B8D  }
0xb1: {  	s4 =	sshll.u32 @!p0 s4, $0x11;
	s6 =	sadd.s32 @!p0 $0x11B8D, s6;
	_ =	swait.eq @!p0 [sflag:s5], $0x1  }
0xb2: {  	s4 =	sor.u32 @!p0 s4, s6;
	[sflag:s5] =	ssyncadd.s32 @!p0 $0xFFFFFFFF  }
0xb3: {  	s25 =	simm.s32 $0x1B8E;
	s24 =	sld [smem:$0x3FFE];
	[sflag:s4] =	ssyncadd.remote.s32 @!p0 $0x1  }
0xb4: {  	s26 =	simm.s32 $execute0_lowered;
	[smem:$0x3FD2] =	sst s25  }
0xb5: {  	s5 =	sshll.u32 s26, $0x1;
	_ =	strace $0x80000052;
	[dreg:$0x1] =	wrdreg $0xFFFFFFFF  }
0xb6: {  	s28 =	simm.s32 $_size_execute0_lowered;
	s3 =	sadd.s32 s3, s5;
	[dreg:$0x0] =	wrdreg $0x0  }
0xb7: {  	s5 =	sshll.u32 s28, $0x1;
	[dreg:$0x2] =	wrdreg s3  }
0xb8: {  	[dreg:$0x3] =	wrdreg s5  }
0xb9: {  	[dreg:$0x4] =	wrdreg $0xC0  }
0xba: {  	_ =	task [dreg:s22], $0x5FFFF  }
0xbb: {  	[dreg:$0x1] =	wrdreg $0xFFFFFFFF  }
0xbc: {  	[dreg:$0x0] =	wrdreg $0x60  }
0xbd: {  	[dreg:$0x2] =	wrdreg s24  }
0xbe: {  	[dreg:$0x3] =	wrdreg $0x0  }
0xbf: {  	[dreg:$0x4] =	wrdreg $0xC  }
0xc0: {  	_ =	task.clear_ibuf [dreg:s22], $0x5FFFF;
	_ =	strace $0x90000052  }
0xc1: {  	s29 =	simm.s32 $0xC;
	_ =	strace $0x80000054  }
0xc2: {  	_ =	swait.ge [sflag:s29], $0x1  }
0xc3: {  	[sflag:s29] =	ssyncadd.s32 $0xFFFFFFFF  }
0xc4: {  	_ =	strace $0x90000054  }
0xc5: {  	_ =	sfence  }
0xc6: {  	s30 =	sld [smem:$0x0];
	_ =	sdelay $0x2  }
0xc7: {  	s31 =	sshll.u32 s1, $0xD;
	s1 =	sshrl.u32 s1, $0x2  }
0xc8: {  	s4 =	sand.u32 $0x4000, s31;
	s1 =	sadd.s32 s1, s30  }
0xc9: {  	s0 =	sor.u32 s4, s0;
	s1 =	sshll.u32 s1, $0x11  }
0xca: {  	s0 =	sor.u32 s1, s0  }
0xcb: {  	s0 =	sadd.s32 $0x8F2B, s0  }
0xcc: {  	[sflag:s0] =	ssyncadd.remote.s32 $0x1  }
0xcd: {  	_ =	sfence.sel $0xFFFF  }
0xce: {  	[dreg:$0x0] =	wrdreg $0xFFFFFFFF;
	(pc) =	sbr.abs _section_cstart, $3  }
0xcf: {  	[dreg:$0x1] =	wrdreg $0xFFFFFFFF  }
0xd0: {  	_ =	task.clear_ibuf [dreg:s22], $0x2FFFF;
	_ =	strace $0x9FFFFFFF  }
0xd1: {  	(tm) =	ssettm $0x7FFFFFFF  }
tec
execute0_lowered:
.L_overlay_start_1:
0x0: {  	(tag) =	ssettag $0x1  }
0x1: {  	s0 =	stileid.u32;
	s1 =	srdreg.scid  }
0x2: {  	s5 =	rddreg [dreg:$0x0];
	s4 =	smul.u32 $0x4E200, s0  }
0x3: {  	s2 =	rddreg [dreg:$0x1];
	s7 =	smul.u32 $0x4E20, s0  }
0x4: {  	s3 =	simm.s32 $0x0;
	s13 =	simm.s32 $0x14100;
	s10 =	smul.u32 $0x14000, s0  }
0x5: {  	s14 =	simm.s32 $0xC8;
	s6 =	sand.u32 $0x1, s1;
	s29 =	smul.u32 $0x50000, s0  }
0x6: {  	s15 =	simm.s32 $0x0;
	s1 =	rddreg [dreg:$0x2];
	s8 =	smul.u32 $0x2710, s6  }
0x7: {  	[smem:$0x7FF] =	sst s3;
	s31 =	sshll.u32 s0, $0x6;
	s9 =	smul.u32 $0x140000, s6  }
0x8: {  	_ =	strace $0x80000053;
	s30 =	ssub.s32 $0x2, s6;
	s12 =	smul.u32 $0x27100, s6  }
0x9: {  	s24 =	sadd.s32 s4, s5;
	s4 =	sadd.s32 $0x77400, s5;
	s11 =	sshrl.u32 s30, $0x1  }
0xa: {  	s7 =	sadd.s32 s8, s7;
	s26 =	sadd.s32 s10, s9;
	s10 =	sshrl.u32 s29, $0x2  }
0xb: {  	s11 =	ssub.s32 s30, s11;
	s8 =	sadd.s32 s12, s24;
	s12 =	simm.s32 $0x14000  }
0xc: {  	s25 =	sshrl.u32 s7, $0x3;
	s7 =	sshrl.u32 s26, $0x3;
	s10 =	sadd.s32 s10, s2  }
0xd: {  	s8 =	sadd.s32 $0x192F800, s8;
	s28 =	sadd.s32 s25, s5;
	s7 =	sadd.s32 s7, s5  }
0xe: {  	s5 =	sor.u32 $0x1C01, s31;
	s10 =	sshrl.u32 s10, $0x3;
	s6 =	sadd.s32 $0x119C00, s7  }
0xf: {  	s7 =	smax.u32 s11, $0x1;
	s9 =	sadd.s32 $0x6D600, s28;
	s11 =	simm.s32 $0x1  }
.LBB2_1:
0x10: {  	[spmem:s10], [sflag:s5] =	dma.local [hbm:s4], $0x2800  }
0x11: {  	_ =	swait.ge [sflag:s11], $0x2800  }
0x12: {  	[sflag:s11] =	ssyncset.done $0x0  }
0x13: {  	[sflag:s11] =	ssyncadd.s32 $0xFFFFD800  }
0x14: {  	s16 =	sadd.s32 $0x0, s9;
	[bflag:$0x0] =	sbarrier.arrive $0xFFFF  }
0x15: {  	[tilespmem:s12], [sflag:$0x1] =	stream.linear.gather [hbm4b:s16+s3], $0xC8, $0x38;
	[tilespmem:$0x1A500] =	vst v63  }
0x16: {  	_ =	swait.ge [sflag:s11], $0xC8  }
0x17: {  	[sflag:s11] =	ssyncset.done $0x0  }
0x18: {  	[sflag:s11] =	ssyncadd.s32 $0xFFFFFF38  }
0x19: {  	[tilespmem:s13], [sflag:$0x1] =	stream.linear.gather [hbm4b:s8+s3], $0x6400, $0x38;
	[tilespmem:$0x1A500] =	vst v63  }
0x1a: {  	_ =	swait.ge [sflag:s11], $0x6400  }
0x1b: {  	[sflag:s11] =	ssyncset.done $0x0  }
0x1c: {  	[sflag:s11] =	ssyncadd.s32 $0xFFFF9C00  }
0x1d: {  	[spmem:s2] =	stream.indirect.scatter.add.f32 [tilespmem:s13], [sflag:$0x1], $0x80, s12, s14, $0xb8;
	[tilespmem:$0x1A500] =	vst v63  }
0x1e: {  	s17 =	simm.s32 $0x19;
	_ =	swait.ge [sflag:s11], $0x6400  }
0x1f: {  	s18 =	simm.s32 $0x32;
	s16 =	sadd.s32 $0xC80, s8;
	[sflag:s11] =	ssyncset.done $0x0  }
.LBB2_2:
0x20: {  	s19 =	sadd.s32 s17, s9  }
0x21: {  	[sflag:s11] =	ssyncadd.s32 $0xFFFF9C00;
	s17 =	smov.u32 s18;
	s20 =	sadd.s32 $0x19, s18  }
0x22: {  	[tilespmem:s12], [sflag:$0x1] =	stream.linear.gather [hbm4b:s19+s3], $0xC8, $0x38;
	[tilespmem:$0x1A500] =	vst v63  }
0x23: {  	p0 =	sne.s32 s18, $0x4C9;
	_ =	swait.ge [sflag:s11], $0xC8  }
0x24: {  	[sflag:s11] =	ssyncset.done $0x0  }
0x25: {  	[sflag:s11] =	ssyncadd.s32 $0xFFFFFF38  }
0x26: {  	[tilespmem:s13], [sflag:$0x1] =	stream.linear.gather [hbm4b:s16+s3], $0x6400, $0x38;
	[tilespmem:$0x1A500] =	vst v63  }
0x27: {  	_ =	swait.ge [sflag:s11], $0x6400  }
.Ltmp0:
0x28: {  	[sflag:s11] =	ssyncset.done $0x0;
	(pc) =	sbr.rel @p0 .LBB2_2-.Ltmp0, $4  }
0x29: {  	[sflag:s11] =	ssyncadd.s32 $0xFFFF9C00  }
0x2a: {  	[spmem:s2] =	stream.indirect.scatter.add.f32 [tilespmem:s13], [sflag:$0x1], $0x80, s12, s14, $0xb8;
	[tilespmem:$0x1A500] =	vst v63  }
0x2b: {  	_ =	swait.ge [sflag:s11], $0x6400  }
0x2c: {  	s18 =	smov.u32 s20;
	s16 =	sadd.s32 $0xC80, s16;
	[sflag:s11] =	ssyncset.done $0x0  }
0x2d: {  	s17 =	sadd.s32 s17, s9;
	[sflag:s11] =	ssyncadd.s32 $0xFFFF9C00  }
0x2e: {  	[tilespmem:s12], [sflag:$0x1] =	stream.linear.gather [hbm4b:s17+s3], $0xC8, $0x38;
	[tilespmem:$0x1A500] =	vst v63  }
0x2f: {  	_ =	swait.ge [sflag:s11], $0xC8  }
0x30: {  	[sflag:s11] =	ssyncset.done $0x0  }
0x31: {  	[sflag:s11] =	ssyncadd.s32 $0xFFFFFF38  }
0x32: {  	[tilespmem:s13], [sflag:$0x1] =	stream.linear.gather [hbm4b:s16+s3], $0x6400, $0x38;
	[tilespmem:$0x1A500] =	vst v63  }
0x33: {  	_ =	swait.ge [sflag:s11], $0x6400  }
0x34: {  	[sflag:s11] =	ssyncset.done $0x0  }
0x35: {  	[sflag:s11] =	ssyncadd.s32 $0xFFFF9C00  }
0x36: {  	[spmem:s2] =	stream.indirect.scatter.add.f32 [tilespmem:s13], [sflag:$0x1], $0x80, s12, s14, $0xb8;
	[tilespmem:$0x1A500] =	vst v63  }
0x37: {  	_ =	swait.ge [sflag:s11], $0x6400  }
0x38: {  	s15 =	sadd.s32 $0x1, s15;
	[sflag:s11] =	ssyncset.done $0x0  }
0x39: {  	p0 =	sne.s32 s15, s7;
	[sflag:s11] =	ssyncadd.s32 $0xFFFF9C00  }
.Ltmp1:
0x3a: {  	[bflag:$0x0] =	sbarrier.arrive $0xFFFF;
	(pc) =	sbr.rel @p0 .LBB2_1-.Ltmp1, $4  }
0x3b: {  	[hbm:s6], [sflag:s5] =	dma.local [spmem:s10], $0x2800  }
0x3c: {  	_ =	swait.ge [sflag:s11], $0x2800  }
0x3d: {  	[sflag:s11] =	ssyncset.done $0x0  }
0x3e: {  	[sflag:s11] =	ssyncadd.s32 $0xFFFFD800  }
0x3f: {  	_ =	sfence.sel $0x180000  }
0x40: {  	[bflag:$0x0] =	sbarrier.arrive $0xFFFF  }
0x41: {  	p0 =	sne.s32 s0, $0x0;
	_ =	strace $0x90000053  }
0x42: {  	s0 =	sadd.s32 @!p0 $0x100000, s1;
	[bflag:$0x2] =	sbarrier.arrive $0xFFFF  }
0x43: {  	[sflag:s0] =	ssyncadd.tile.s32 @!p0 $0x1;
	_ =	shalt  }
.Lfunc_end2:
_tile_overlayer_lowered:
.L_overlay_start_2:
0x44: {  	(tag) =	ssettag $0x2  }
0x45: {  	s0 =	rddreg [dreg:$0x0];
	s2 =	stileid.u32  }
0x46: {  	s1 =	rddreg [dreg:$0x1];
	p0 =	sne.s32 s2, $0x0  }
0x47: {  	s3 =	rddreg [dreg:$0x2];
	[bflag:$0x3] =	sbarrier.arrive $0xFFFF;
	s2 =	simm.s32 @!p0 $0x1C01  }
0x48: {  	[timem:s3], [sflag:s2] =	dma.local @!p0 [hbm:s0], s1  }
0x49: {  	s0 =	simm.s32 @!p0 $0x1  }
0x4a: {  	_ =	swait.ge @!p0 [sflag:s0], s1  }
0x4b: {  	s1 =	ssub.s32 @!p0 $0x0, s1;
	[sflag:s0] =	ssyncset.done @!p0 $0x0  }
0x4c: {  	[sflag:s0] =	ssyncadd.s32 @!p0 s1  }
0x4d: {  	[bflag:$0x3] =	sbarrier.arrive $0xFFFF  }
0x4e: {  	_ =	shalt  }

// kernel: kernel.53.cloned.1.call-start
scs
__scs_entry_jumppad:
0x0: {  	(pc) =	sbr.rel $0x88, $3  }
0x1: {  	(tag) =	ssettag $0x0;
	lr =	simm.s32 $0x1  }
0x2: {  	[smem:$0x3F8A] =	sst lr;
	_ =	strace $0xD0000000  }
0x3: {  	_ = 	snop  }
0x4: {  	_ = 	snop  }
0x5: {  	_ = 	snop  }
0x6: {  	_ = 	snop  }
0x7: {  	_ = 	snop  }
__scs_overlays_trampoline_lowered:
0x8: {  	[smem:$0x3F99] =	sst s0  }
0x9: {  	[smem:$0x3F9A] =	sst s1  }
0xa: {  	[smem:$0x3F9B] =	sst s2  }
0xb: {  	[smem:$0x3F9C] =	sst s3  }
0xc: {  	[smem:$0x3F9D] =	sst s4  }
0xd: {  	[smem:$0x3F9E] =	sst s5  }
0xe: {  	[smem:$0x3F9F] =	sst s6  }
0xf: {  	[smem:$0x3FA0] =	sst s7  }
0x10: {  	[smem:$0x3FA1] =	sst s8  }
0x11: {  	[smem:$0x3FA2] =	sst s9;
	s0 =	simm.s32 @!p0 $0x0  }
0x12: {  	s1 =	sld [smem:$0x3F88];
	s0 =	simm.s32 @p0 $0x1  }
0x13: {  	[smem:$0x3FA3] =	sst s0;
	s0 =	simm.s32 @!p1 $0x0  }
0x14: {  	s2 =	sld [smem:$0x3F87];
	s0 =	simm.s32 @p1 $0x1  }
0x15: {  	[smem:$0x3FA4] =	sst s0;
	s0 =	simm.s32 @!p2 $0x0  }
0x16: {  	s3 =	sld [smem:$0x3FDB];
	s0 =	simm.s32 @p2 $0x1  }
0x17: {  	s4 =	simm.s32 $0x1BF5;
	[smem:$0x3FA6] =	sst s0  }
0x18: {  	s0 =	sld [smem:$0x3F89];
	_ =	swait.ge [sflag:s4], $0x0  }
0x19: {  	s7 =	sld [smem:$0x3F8A]  }
0x1a: {  	s8 =	sadd.s32 $0xFFFFE003, lr  }
0x1b: {  	s9 =	sadd.s32 $0xFFFFFEF7, lr;
	s5 =	simm.s32 $0xFFFFFFFF;
	p2 =	slt.u32 s8, $0xFFFFF086  }
0x1c: {  	p1 =	slt.u32 s9, $0xF7A;
	s5 =	simm.s32 @!p2 $0x0  }
0x1d: {  	s5 =	simm.s32 @p1 $0x1;
	p0 =	seq.s32 s7, s2  }
0x1e: {  	s7 =	smul.u32 @!p0 $0xF7A, s2;
	p2 =	seq.s32 @!p0 s5, $0x0  }
0x1f: {  	s9 =	smul.u32 $0xF7A, s1;
	s8 =	simm.s32 @!p0 $0x1BF5;
	p2 =	por !p2, p0  }
0x20: {  	[sflag:s8] =	ssyncset.s32 @!p0 $0xFFFFF086;
	s6 =	sadd.s32 @!p0 s3, s7;
	s7 =	simm.s32 @!p0 $0x108  }
0x21: {  	s3 =	sadd.s32 s3, s9;
	s6 =	sadd.s32 @!p0 $0x88, s6;
	s7 =	simm.s32 @p2 $0x1082  }
0x22: {  	[simem:s7], [sflag:s8] =	dma.local @!p0 [hbm:s6], $0xF7A  }
0x23: {  	s9 =	sor.u32 $0xD0000000, s2;
	s6 =	simm.s32 $0x108;
	_ =	swait.ge @!p0 [sflag:s8], $0x0  }
0x24: {  	s3 =	sadd.s32 $0x88, s3;
	s6 =	simm.s32 @!p1 $0x1082;
	[sflag:s4] =	ssyncset.s32 $0xFFFFF086  }
0x25: {  	[simem:s6], [sflag:s4] =	dma.local [hbm:s3], $0xF7A  }
0x26: {  	[smem:$0x3F8A] =	sst s1;
	(tag) =	ssettag s2;
	_ =	strace s9  }
0x27: {  	s1 =	sld [smem:$0x3F9A]  }
0x28: {  	s2 =	sld [smem:$0x3F9B]  }
0x29: {  	s4 =	sld [smem:$0x3F9D]  }
0x2a: {  	p0 =	seq.s32 s5, $0x0;
	s5 =	sld [smem:$0x3F9E]  }
0x2b: {  	s6 =	sld [smem:$0x3F9F]  }
0x2c: {  	s7 =	sld [smem:$0x3FA0]  }
0x2d: {  	s3 =	simm.s32 $0x108;
	s8 =	sld [smem:$0x3FA1]  }
0x2e: {  	s3 =	simm.s32 @!p0 $0x1082;
	s9 =	sld [smem:$0x3FA2]  }
0x2f: {  	lr =	sadd.s32 s0, s3;
	s0 =	sld [smem:$0x3F99]  }
0x30: {  	s3 =	sld [smem:$0x3F9C]  }
0x31: {  	[smem:$0x3FA5] =	sst s10  }
0x32: {  	s10 =	sld [smem:$0x3FA3];
	_ =	sdelay $0x3  }
0x33: {  	p0 =	seq.s32 s10, $0x1;
	s10 =	sld [smem:$0x3FA5];
	_ =	sdelay $0x3  }
0x34: {  	[smem:$0x3FA5] =	sst s10  }
0x35: {  	s10 =	sld [smem:$0x3FA4];
	_ =	sdelay $0x3  }
0x36: {  	p1 =	seq.s32 s10, $0x1;
	s10 =	sld [smem:$0x3FA5];
	_ =	sdelay $0x3  }
0x37: {  	[smem:$0x3FA5] =	sst s10  }
0x38: {  	s10 =	sld [smem:$0x3FA6]  }
0x39: {  	_ = 	snop;
	(pc) =	sbr.ind lr, $3  }
0x3a: {  	_ = 	snop  }
0x3b: {  	_ = 	snop  }
0x3c: {  	p2 =	seq.s32 s10, $0x1;
	s10 =	sld [smem:$0x3FA5]  }
0x3d: {  	_ =	shalt  }
0x3e: {  	_ =	shalt  }
0x3f: {  	_ =	shalt  }
0x40: {  	_ =	shalt  }
0x41: {  	_ =	shalt  }
0x42: {  	_ =	shalt  }
0x43: {  	_ =	shalt  }
0x44: {  	_ =	shalt  }
0x45: {  	_ =	shalt  }
0x46: {  	_ =	shalt  }
0x47: {  	_ =	shalt  }
0x48: {  	_ =	shalt  }
0x49: {  	_ =	shalt  }
0x4a: {  	_ =	shalt  }
0x4b: {  	_ =	shalt  }
0x4c: {  	_ =	shalt  }
0x4d: {  	_ =	shalt  }
0x4e: {  	_ =	shalt  }
0x4f: {  	_ =	shalt  }
0x50: {  	_ =	shalt  }
0x51: {  	_ =	shalt  }
0x52: {  	_ =	shalt  }
0x53: {  	_ =	shalt  }
0x54: {  	_ =	shalt  }
0x55: {  	_ =	shalt  }
0x56: {  	_ =	shalt  }
0x57: {  	_ =	shalt  }
0x58: {  	_ =	shalt  }
0x59: {  	_ =	shalt  }
0x5a: {  	_ =	shalt  }
0x5b: {  	_ =	shalt  }
0x5c: {  	_ =	shalt  }
0x5d: {  	_ =	shalt  }
0x5e: {  	_ =	shalt  }
0x5f: {  	_ =	shalt  }
0x60: {  	_ =	shalt  }
0x61: {  	_ =	shalt  }
0x62: {  	_ =	shalt  }
0x63: {  	_ =	shalt  }
0x64: {  	_ =	shalt  }
0x65: {  	_ =	shalt  }
0x66: {  	_ =	shalt  }
0x67: {  	_ =	shalt  }
0x68: {  	_ =	shalt  }
0x69: {  	_ =	shalt  }
0x6a: {  	_ =	shalt  }
0x6b: {  	_ =	shalt  }
0x6c: {  	_ =	shalt  }
0x6d: {  	_ =	shalt  }
0x6e: {  	_ =	shalt  }
0x6f: {  	_ =	shalt  }
0x70: {  	_ =	shalt  }
0x71: {  	_ =	shalt  }
0x72: {  	_ =	shalt  }
0x73: {  	_ =	shalt  }
0x74: {  	_ =	shalt  }
0x75: {  	_ =	shalt  }
0x76: {  	_ =	shalt  }
0x77: {  	_ =	shalt  }
0x78: {  	_ =	shalt  }
0x79: {  	_ =	shalt  }
0x7a: {  	_ =	shalt  }
0x7b: {  	_ =	shalt  }
0x7c: {  	_ =	shalt  }
0x7d: {  	_ =	shalt  }
0x7e: {  	_ =	shalt  }
0x7f: {  	_ =	shalt  }
0x80: {  	_ =	shalt  }
0x81: {  	_ =	shalt  }
0x82: {  	_ =	shalt  }
0x83: {  	_ =	shalt  }
0x84: {  	_ =	shalt  }
0x85: {  	_ =	shalt  }
0x86: {  	_ =	shalt  }
0x87: {  	_ =	shalt  }
.Lfunc_end0:
.L_simem_size_0:
called_computation.6_lowered:
.L_overlay_start_0:
0x88: {  	s2 =	sld [smem:$0x3FD9]  }
0x89: {  	s3 =	sld [smem:$0x3FFE];
	_ =	sdelay $0x1  }
0x8a: {  	s1 =	srdreg.scid  }
0x8b: {  	s0 =	sand.u32 $0x1, s1  }
0x8c: {  	s16 =	sshll.u32 s0, $0xA;
	s2 =	sadd.s32 s3, s2  }
0x8d: {  	s2 =	sadd.s32 s2, s16  }
0x8e: {  	[smem:$0x3FB1] =	sst s2  }
0x8f: {  	_ = 	snop  }
0x90: {  	(tm) =	ssettm $0x1  }
0x91: {  	s17 =	sld [smem:$0x3FFB];
	_ =	sdelay $0x3  }
0x92: {  	_ =	strace s17  }
0x93: {  	s2 =	sld [smem:$0x3FFC];
	_ =	sdelay $0x3  }
0x94: {  	_ =	strace s2  }
0x95: {  	s2 =	sld [smem:$0x3FFD];
	_ =	sdelay $0x3  }
0x96: {  	_ =	strace s2  }
0x97: {  	_ =	strace $0x8FFFFFFF  }
0x98: {  	s18 =	sld [smem:$0x3FDB];
	_ =	sdelay $0x1  }
0x99: {  	s19 =	simm.s32 $_scs_section_size  }
0x9a: {  	s4 =	simm.s32 $_size__tile_overlayer_lowered;
	s5 =	simm.s32 $_tile_overlayer_lowered  }
0x9b: {  	s22 =	simm.s32 $0x1BFF;
	s21 =	sshll.u32 s5, $0x1;
	s2 =	sadd.s32 s19, s18  }
0x9c: {  	s6 =	simm.s32 $0x0;
	s20 =	sshll.u32 s4, $0x1;
	s4 =	sadd.s32 s21, s2  }
0x9d: {  	[timem:s6], [sflag:s22] =	dma.local [hbm:s4], s20  }
0x9e: {  	_ =	swait.ge [sflag:s22], s20  }
0x9f: {  	s3 =	ssub.s32 $0x0, s20;
	[sflag:s22] =	ssyncset.done $0x0  }
0xa0: {  	[sflag:s22] =	ssyncadd.s32 s3;
	_ =	sdelay $0x1  }
0xa1: {  	s23 =	simm.s32 $0x1B8B  }
0xa2: {  	_ =	swait.ge [sflag:s23], $0x1  }
0xa3: {  	[sflag:s23] =	ssyncset.done $0x0  }
0xa4: {  	s25 =	simm.s32 $0x1B8E;
	s24 =	sld [smem:$0x3FFE];
	[sflag:s23] =	ssyncadd.s32 $0xFFFFFFFF  }
0xa5: {  	s26 =	simm.s32 $execute0_lowered;
	[smem:$0x3FD2] =	sst s25  }
0xa6: {  	s4 =	sshll.u32 s26, $0x1;
	_ =	strace $0x80000058;
	[dreg:$0x1] =	wrdreg $0xFFFFFFFF  }
0xa7: {  	s28 =	simm.s32 $_size_execute0_lowered;
	s2 =	sadd.s32 s2, s4;
	[dreg:$0x0] =	wrdreg $0x0  }
0xa8: {  	s4 =	sshll.u32 s28, $0x1;
	[dreg:$0x2] =	wrdreg s2  }
0xa9: {  	[dreg:$0x3] =	wrdreg s4  }
0xaa: {  	[dreg:$0x4] =	wrdreg $0xC0  }
0xab: {  	_ =	task [dreg:s6], $0x5FFFF  }
0xac: {  	[dreg:$0x1] =	wrdreg $0xFFFFFFFF  }
0xad: {  	[dreg:$0x0] =	wrdreg $0x60  }
0xae: {  	[dreg:$0x2] =	wrdreg s24  }
0xaf: {  	[dreg:$0x3] =	wrdreg $0x9  }
0xb0: {  	_ =	task.clear_ibuf [dreg:s6], $0x4FFFF;
	_ =	strace $0x90000058  }
0xb1: {  	s29 =	simm.s32 $0x9;
	_ =	strace $0x8000005A  }
0xb2: {  	_ =	swait.ge [sflag:s29], $0x1  }
0xb3: {  	[sflag:s29] =	ssyncadd.s32 $0xFFFFFFFF  }
0xb4: {  	_ =	strace $0x9000005A  }
0xb5: {  	_ =	sfence  }
0xb6: {  	s30 =	sld [smem:$0x0];
	_ =	sdelay $0x2  }
0xb7: {  	s31 =	sshll.u32 s1, $0xD;
	s1 =	sshrl.u32 s1, $0x2  }
0xb8: {  	s3 =	sand.u32 $0x4000, s31;
	s1 =	sadd.s32 s1, s30  }
0xb9: {  	s0 =	sor.u32 s3, s0;
	s1 =	sshll.u32 s1, $0x11  }
0xba: {  	s0 =	sor.u32 s1, s0  }
0xbb: {  	s0 =	sadd.s32 $0x8F2B, s0  }
0xbc: {  	[sflag:s0] =	ssyncadd.remote.s32 $0x1  }
0xbd: {  	_ =	sfence.sel $0xFFFF  }
0xbe: {  	[dreg:$0x0] =	wrdreg $0xFFFFFFFF;
	(pc) =	sbr.abs _section_cstart, $3  }
0xbf: {  	[dreg:$0x1] =	wrdreg $0xFFFFFFFF  }
0xc0: {  	_ =	task.clear_ibuf [dreg:s6], $0x2FFFF;
	_ =	strace $0x9FFFFFFF  }
0xc1: {  	(tm) =	ssettm $0x7FFFFFFF  }
tec
execute0_lowered:
.L_overlay_start_1:
0x0: {  	(tag) =	ssettag $0x1  }
0x1: {  	s5 =	rddreg [dreg:$0x0]  }
0x2: {  	s0 =	rddreg [dreg:$0x1]  }
0x3: {  	s3 =	srdreg.scid;
	s1 =	stileid.u32;
	s2 =	simm.s32 $0x0  }
0x4: {  	s11 =	simm.s32 $0x190;
	s12 =	simm.s32 $0x200;
	s7 =	smul.u32 $0x4E20, s1  }
0x5: {  	s13 =	simm.s32 $0x1;
	s6 =	sand.u32 $0x1, s3;
	s9 =	smul.u32 $0x4E200, s1  }
0x6: {  	s14 =	simm.s32 $0x0;
	[smem:$0x7FF] =	sst s2;
	s8 =	smul.u32 $0x2710, s6  }
0x7: {  	s3 =	sadd.s32 $0xA0E00, s5;
	s4 =	sadd.s32 $0x79C00, s5;
	s10 =	smul.u32 $0x27100, s6  }
0x8: {  	_ =	strace $0x80000059;
	s6 =	ssub.s32 $0x2, s6;
	s29 =	sadd.s32 s9, s5  }
0x9: {  	s30 =	sshrl.u32 s6, $0x1;
	s7 =	sadd.s32 s8, s7;
	s8 =	sadd.s32 s10, s29  }
0xa: {  	s6 =	ssub.s32 s6, s30;
	s10 =	simm.s32 $0x2;
	s7 =	sshrl.u32 s7, $0x3  }
0xb: {  	s6 =	smax.u32 s6, $0x1;
	s31 =	sadd.s32 s7, s5;
	s5 =	sadd.s32 $0x1BDC00, s8  }
0xc: {  	s8 =	sadd.s32 $0xF6B800, s8;
	s7 =	sadd.s32 $0x6D600, s31;
	s9 =	sadd.s32 $0x63800, s31  }
.LBB2_1:
0xd: {  	s15 =	sadd.s32 $0x0, s7  }
0xe: {  	[tilespmem:s2], [sflag:$0x2] =	stream.linear.gather [hbm4b:s15+s2], $0x190, $0x38;
	[tilespmem:$0xCA00] =	vst v63  }
0xf: {  	_ =	swait.ge [sflag:s10], $0x190  }
0x10: {  	[sflag:s10] =	ssyncset.done $0x0  }
0x11: {  	[sflag:s10] =	ssyncadd.s32 $0xFFFFFE70  }
0x12: {  	[tilespmem:s12], [sflag:$0x1] =	stream.indirect.gather [hbm4b:s3+s11], $0x80, s2, s11, $0xb8;
	[tilespmem:$0xCA00] =	vst v63  }
0x13: {  	_ =	swait.ge [sflag:s13], $0xC800  }
0x14: {  	[sflag:s13] =	ssyncset.done $0x0  }
0x15: {  	[sflag:s13] =	ssyncadd.s32 $0xFFFF3800  }
0x16: {  	[hbm4b:s5+s2] =	stream.linear.scatter [tilespmem:s12], [sflag:$0x2], $0xC800, $0x38;
	[tilespmem:$0xCA00] =	vst v63  }
0x17: {  	s18 =	sadd.s32 $0x32, s7;
	_ =	swait.ge [sflag:s10], $0xC800  }
0x18: {  	s16 =	simm.s32 $0x64;
	s15 =	sadd.s32 $0x1900, s5;
	[sflag:s10] =	ssyncset.done $0x0  }
.LBB2_2:
0x19: {  	s19 =	sadd.s32 s16, s7;
	s17 =	simm.s32 $0x0;
	[sflag:s10] =	ssyncadd.s32 $0xFFFF3800  }
0x1a: {  	[tilespmem:s17], [sflag:$0x2] =	stream.linear.gather [hbm4b:s18+s17], $0x190, $0x38;
	[tilespmem:$0xCA00] =	vst v63  }
0x1b: {  	p0 =	sne.s32 s16, $0x4B0;
	s16 =	sadd.s32 $0x32, s16;
	_ =	swait.ge [sflag:s10], $0x190  }
0x1c: {  	s18 =	smov.u32 s19;
	[sflag:s10] =	ssyncset.done $0x0  }
0x1d: {  	[sflag:s10] =	ssyncadd.s32 $0xFFFFFE70  }
0x1e: {  	[tilespmem:s12], [sflag:$0x1] =	stream.indirect.gather [hbm4b:s3+s11], $0x80, s17, s11, $0xb8;
	[tilespmem:$0xCA00] =	vst v63  }
0x1f: {  	_ =	swait.ge [sflag:s13], $0xC800  }
.Ltmp0:
0x20: {  	[sflag:s13] =	ssyncset.done $0x0;
	(pc) =	sbr.rel @p0 .LBB2_2-.Ltmp0, $4  }
0x21: {  	[sflag:s13] =	ssyncadd.s32 $0xFFFF3800  }
0x22: {  	[hbm4b:s15+s17] =	stream.linear.scatter [tilespmem:s12], [sflag:$0x2], $0xC800, $0x38;
	[tilespmem:$0xCA00] =	vst v63  }
0x23: {  	_ =	swait.ge [sflag:s10], $0xC800  }
0x24: {  	s15 =	sadd.s32 $0x1900, s15;
	[sflag:s10] =	ssyncset.done $0x0  }
0x25: {  	[sflag:s10] =	ssyncadd.s32 $0xFFFF3800  }
0x26: {  	[tilespmem:s17], [sflag:$0x2] =	stream.linear.gather [hbm4b:s18+s17], $0x190, $0x38;
	[tilespmem:$0xCA00] =	vst v63  }
0x27: {  	_ =	swait.ge [sflag:s10], $0x190  }
0x28: {  	[sflag:s10] =	ssyncset.done $0x0  }
0x29: {  	[sflag:s10] =	ssyncadd.s32 $0xFFFFFE70  }
0x2a: {  	[tilespmem:s12], [sflag:$0x1] =	stream.indirect.gather [hbm4b:s3+s11], $0x80, s17, s11, $0xb8;
	[tilespmem:$0xCA00] =	vst v63  }
0x2b: {  	_ =	swait.ge [sflag:s13], $0xC800  }
0x2c: {  	p1 =	por $0x1, $0x1;
	[sflag:s13] =	ssyncset.done $0x0  }
.Ltmp1:
0x2d: {  	[sflag:s13] =	ssyncadd.s32 $0xFFFF3800;
	(pc) =	sbr.rel @!p1 .LBB2_8-.Ltmp1, $4  }
0x2e: {  	[hbm4b:s15+s17] =	stream.linear.scatter [tilespmem:s12], [sflag:$0x2], $0xC800, $0x38;
	[tilespmem:$0xCA00] =	vst v63  }
0x2f: {  	_ =	swait.ge [sflag:s10], $0xC800  }
0x30: {  	p0 =	por $0x0, $0x0;
	[sflag:s10] =	ssyncset.done $0x0  }
0x31: {  	s16 =	smov.u32 s8;
	s15 =	simm.s32 $0x32;
	[sflag:s10] =	ssyncadd.s32 $0xFFFF3800  }
0x32: {  	s16 =	sadd.s32 $0x0, s9  }
0x33: {  	[tilespmem:s2], [sflag:$0x2] =	stream.linear.gather [hbm4b:s16+s2], $0x190, $0x38;
	[tilespmem:$0xCA00] =	vst v63  }
0x34: {  	_ =	swait.ge [sflag:s10], $0x190  }
0x35: {  	[sflag:s10] =	ssyncset.done $0x0  }
0x36: {  	[sflag:s10] =	ssyncadd.s32 $0xFFFFFE70  }
0x37: {  	[tilespmem:s12], [sflag:$0x1] =	stream.indirect.gather [hbm4b:s4+s11], $0x80, s2, s11, $0xb8;
	[tilespmem:$0xCA00] =	vst v63  }
0x38: {  	p1 =	por $0x1, $0x1;
	_ =	swait.ge [sflag:s13], $0xC800  }
.Ltmp2:
0x39: {  	[sflag:s13] =	ssyncset.done $0x0;
	(pc) =	sbr.rel @!p1 .LBB2_5-.Ltmp2, $4  }
0x3a: {  	[sflag:s13] =	ssyncadd.s32 $0xFFFF3800  }
0x3b: {  	[hbm4b:s8+s2] =	stream.linear.scatter [tilespmem:s12], [sflag:$0x2], $0xC800, $0x38;
	[tilespmem:$0xCA00] =	vst v63  }
0x3c: {  	s17 =	simm.s32 $0x64;
	_ =	swait.ge [sflag:s10], $0xC800  }
0x3d: {  	p0 =	por $0x1, $0x1;
	s16 =	sadd.s32 $0x1900, s8;
	[sflag:s10] =	ssyncset.done $0x0  }
.LBB2_6:
0x3e: {  	s18 =	sadd.s32 s15, s9  }
0x3f: {  	[sflag:s10] =	ssyncadd.s32 $0xFFFF3800;
	s15 =	smov.u32 s17;
	s19 =	sadd.s32 $0x32, s17  }
0x40: {  	[tilespmem:s2], [sflag:$0x2] =	stream.linear.gather [hbm4b:s18+s2], $0x190, $0x38;
	[tilespmem:$0xCA00] =	vst v63  }
0x41: {  	p1 =	sne.s32 s17, $0x4B0;
	_ =	swait.ge [sflag:s10], $0x190  }
0x42: {  	[sflag:s10] =	ssyncset.done $0x0  }
0x43: {  	[sflag:s10] =	ssyncadd.s32 $0xFFFFFE70  }
0x44: {  	[tilespmem:s12], [sflag:$0x1] =	stream.indirect.gather [hbm4b:s4+s11], $0x80, s2, s11, $0xb8;
	[tilespmem:$0xCA00] =	vst v63  }
0x45: {  	_ =	swait.ge [sflag:s13], $0xC800  }
.Ltmp3:
0x46: {  	[sflag:s13] =	ssyncset.done $0x0;
	(pc) =	sbr.rel @p1 .LBB2_6-.Ltmp3, $4  }
0x47: {  	[sflag:s13] =	ssyncadd.s32 $0xFFFF3800  }
0x48: {  	[hbm4b:s16+s2] =	stream.linear.scatter [tilespmem:s12], [sflag:$0x2], $0xC800, $0x38;
	[tilespmem:$0xCA00] =	vst v63  }
0x49: {  	_ =	swait.ge [sflag:s10], $0xC800  }
0x4a: {  	s17 =	smov.u32 s19;
	s16 =	sadd.s32 $0x1900, s16;
	[sflag:s10] =	ssyncset.done $0x0  }
0x4b: {  	s17 =	smov.u32 s15  }
.LBB2_8:
0x4c: {  	s15 =	sadd.s32 s17, s9;
	[sflag:s10] =	ssyncadd.s32 @p0 $0xFFFF3800  }
0x4d: {  	[tilespmem:s2], [sflag:$0x2] =	stream.linear.gather [hbm4b:s15+s2], $0x190, $0x38;
	[tilespmem:$0xCA00] =	vst v63  }
0x4e: {  	_ =	swait.ge [sflag:s10], $0x190  }
0x4f: {  	[sflag:s10] =	ssyncset.done $0x0  }
0x50: {  	[sflag:s10] =	ssyncadd.s32 $0xFFFFFE70  }
0x51: {  	[tilespmem:s12], [sflag:$0x1] =	stream.indirect.gather [hbm4b:s4+s11], $0x80, s2, s11, $0xb8;
	[tilespmem:$0xCA00] =	vst v63  }
0x52: {  	_ =	swait.ge [sflag:s13], $0xC800  }
0x53: {  	s14 =	sadd.s32 $0x1, s14;
	[sflag:s13] =	ssyncset.done $0x0  }
0x54: {  	p0 =	sne.s32 s14, s6;
	[sflag:s13] =	ssyncadd.s32 $0xFFFF3800  }
0x55: {  	[hbm4b:s16+s2] =	stream.linear.scatter [tilespmem:s12], [sflag:$0x2], $0xC800, $0x38;
	[tilespmem:$0xCA00] =	vst v63  }
.Ltmp4:
0x56: {  	_ = 	snop;
	(pc) =	sbr.rel @p0 .LBB2_1-.Ltmp4, $4  }
.Ltmp5:
0x57: {  	_ = 	snop;
	(pc) =	sbr.rel @!p0 .LBB2_9-.Ltmp5, $4  }
0x58: {  	_ =	swait.ge [sflag:s10], $0xC800  }
0x59: {  	[sflag:s10] =	ssyncset.done $0x0  }
0x5a: {  	[sflag:s10] =	ssyncadd.s32 $0xFFFF3800  }
0x5b: {  	_ = 	snop  }
.LBB2_5:
.Ltmp6:
0x5c: {  	(pc) =	sbr.rel .LBB2_8-.Ltmp6, $2  }
0x5d: {  	_ =	sdelay $0x2  }
0x5e: {  	s17 =	simm.s32 $0x32  }
.LBB2_9:
0x5f: {  	_ =	sfence.sel $0x180000  }
0x60: {  	[bflag:$0x0] =	sbarrier.arrive $0xFFFF  }
0x61: {  	p0 =	sne.s32 s1, $0x0;
	_ =	strace $0x90000059  }
0x62: {  	s0 =	sadd.s32 @!p0 $0x100000, s0;
	[bflag:$0x2] =	sbarrier.arrive $0xFFFF  }
0x63: {  	[sflag:s0] =	ssyncadd.tile.s32 @!p0 $0x1;
	_ =	shalt  }
.Lfunc_end2:
_tile_overlayer_lowered:
.L_overlay_start_2:
0x64: {  	(tag) =	ssettag $0x2  }
0x65: {  	s0 =	rddreg [dreg:$0x0];
	s2 =	stileid.u32  }
0x66: {  	s1 =	rddreg [dreg:$0x1];
	p0 =	sne.s32 s2, $0x0  }
0x67: {  	s3 =	rddreg [dreg:$0x2];
	[bflag:$0x3] =	sbarrier.arrive $0xFFFF;
	s2 =	simm.s32 @!p0 $0x1C02  }
0x68: {  	[timem:s3], [sflag:s2] =	dma.local @!p0 [hbm:s0], s1  }
0x69: {  	s0 =	simm.s32 @!p0 $0x2  }
0x6a: {  	_ =	swait.ge @!p0 [sflag:s0], s1  }
0x6b: {  	s1 =	ssub.s32 @!p0 $0x0, s1;
	[sflag:s0] =	ssyncset.done @!p0 $0x0  }
0x6c: {  	[sflag:s0] =	ssyncadd.s32 @!p0 s1  }
0x6d: {  	[bflag:$0x3] =	sbarrier.arrive $0xFFFF  }
0x6e: {  	_ =	shalt  }

// kernel: kernel.56.cloned.1.call-start
scs
__scs_entry_jumppad:
0x0: {  	(pc) =	sbr.rel $0x88, $3  }
0x1: {  	(tag) =	ssettag $0x0;
	lr =	simm.s32 $0x1  }
0x2: {  	[smem:$0x3F8A] =	sst lr;
	_ =	strace $0xD0000000  }
0x3: {  	_ = 	snop  }
0x4: {  	_ = 	snop  }
0x5: {  	_ = 	snop  }
0x6: {  	_ = 	snop  }
0x7: {  	_ = 	snop  }
__scs_overlays_trampoline_lowered:
0x8: {  	[smem:$0x3F99] =	sst s0  }
0x9: {  	[smem:$0x3F9A] =	sst s1  }
0xa: {  	[smem:$0x3F9B] =	sst s2  }
0xb: {  	[smem:$0x3F9C] =	sst s3  }
0xc: {  	[smem:$0x3F9D] =	sst s4  }
0xd: {  	[smem:$0x3F9E] =	sst s5  }
0xe: {  	[smem:$0x3F9F] =	sst s6  }
0xf: {  	[smem:$0x3FA0] =	sst s7  }
0x10: {  	[smem:$0x3FA1] =	sst s8  }
0x11: {  	[smem:$0x3FA2] =	sst s9;
	s0 =	simm.s32 @!p0 $0x0  }
0x12: {  	s1 =	sld [smem:$0x3F88];
	s0 =	simm.s32 @p0 $0x1  }
0x13: {  	[smem:$0x3FA3] =	sst s0;
	s0 =	simm.s32 @!p1 $0x0  }
0x14: {  	s2 =	sld [smem:$0x3F87];
	s0 =	simm.s32 @p1 $0x1  }
0x15: {  	[smem:$0x3FA4] =	sst s0;
	s0 =	simm.s32 @!p2 $0x0  }
0x16: {  	s3 =	sld [smem:$0x3FDB];
	s0 =	simm.s32 @p2 $0x1  }
0x17: {  	s4 =	simm.s32 $0x1BF5;
	[smem:$0x3FA6] =	sst s0  }
0x18: {  	s0 =	sld [smem:$0x3F89];
	_ =	swait.ge [sflag:s4], $0x0  }
0x19: {  	s7 =	sld [smem:$0x3F8A]  }
0x1a: {  	s8 =	sadd.s32 $0xFFFFE003, lr  }
0x1b: {  	s9 =	sadd.s32 $0xFFFFFEF7, lr;
	s5 =	simm.s32 $0xFFFFFFFF;
	p2 =	slt.u32 s8, $0xFFFFF086  }
0x1c: {  	p1 =	slt.u32 s9, $0xF7A;
	s5 =	simm.s32 @!p2 $0x0  }
0x1d: {  	s5 =	simm.s32 @p1 $0x1;
	p0 =	seq.s32 s7, s2  }
0x1e: {  	s7 =	smul.u32 @!p0 $0xF7A, s2;
	p2 =	seq.s32 @!p0 s5, $0x0  }
0x1f: {  	s9 =	smul.u32 $0xF7A, s1;
	s8 =	simm.s32 @!p0 $0x1BF5;
	p2 =	por !p2, p0  }
0x20: {  	[sflag:s8] =	ssyncset.s32 @!p0 $0xFFFFF086;
	s6 =	sadd.s32 @!p0 s3, s7;
	s7 =	simm.s32 @!p0 $0x108  }
0x21: {  	s3 =	sadd.s32 s3, s9;
	s6 =	sadd.s32 @!p0 $0x88, s6;
	s7 =	simm.s32 @p2 $0x1082  }
0x22: {  	[simem:s7], [sflag:s8] =	dma.local @!p0 [hbm:s6], $0xF7A  }
0x23: {  	s9 =	sor.u32 $0xD0000000, s2;
	s6 =	simm.s32 $0x108;
	_ =	swait.ge @!p0 [sflag:s8], $0x0  }
0x24: {  	s3 =	sadd.s32 $0x88, s3;
	s6 =	simm.s32 @!p1 $0x1082;
	[sflag:s4] =	ssyncset.s32 $0xFFFFF086  }
0x25: {  	[simem:s6], [sflag:s4] =	dma.local [hbm:s3], $0xF7A  }
0x26: {  	[smem:$0x3F8A] =	sst s1;
	(tag) =	ssettag s2;
	_ =	strace s9  }
0x27: {  	s1 =	sld [smem:$0x3F9A]  }
0x28: {  	s2 =	sld [smem:$0x3F9B]  }
0x29: {  	s4 =	sld [smem:$0x3F9D]  }
0x2a: {  	p0 =	seq.s32 s5, $0x0;
	s5 =	sld [smem:$0x3F9E]  }
0x2b: {  	s6 =	sld [smem:$0x3F9F]  }
0x2c: {  	s7 =	sld [smem:$0x3FA0]  }
0x2d: {  	s3 =	simm.s32 $0x108;
	s8 =	sld [smem:$0x3FA1]  }
0x2e: {  	s3 =	simm.s32 @!p0 $0x1082;
	s9 =	sld [smem:$0x3FA2]  }
0x2f: {  	lr =	sadd.s32 s0, s3;
	s0 =	sld [smem:$0x3F99]  }
0x30: {  	s3 =	sld [smem:$0x3F9C]  }
0x31: {  	[smem:$0x3FA5] =	sst s10  }
0x32: {  	s10 =	sld [smem:$0x3FA3];
	_ =	sdelay $0x3  }
0x33: {  	p0 =	seq.s32 s10, $0x1;
	s10 =	sld [smem:$0x3FA5];
	_ =	sdelay $0x3  }
0x34: {  	[smem:$0x3FA5] =	sst s10  }
0x35: {  	s10 =	sld [smem:$0x3FA4];
	_ =	sdelay $0x3  }
0x36: {  	p1 =	seq.s32 s10, $0x1;
	s10 =	sld [smem:$0x3FA5];
	_ =	sdelay $0x3  }
0x37: {  	[smem:$0x3FA5] =	sst s10  }
0x38: {  	s10 =	sld [smem:$0x3FA6]  }
0x39: {  	_ = 	snop;
	(pc) =	sbr.ind lr, $3  }
0x3a: {  	_ = 	snop  }
0x3b: {  	_ = 	snop  }
0x3c: {  	p2 =	seq.s32 s10, $0x1;
	s10 =	sld [smem:$0x3FA5]  }
0x3d: {  	_ =	shalt  }
0x3e: {  	_ =	shalt  }
0x3f: {  	_ =	shalt  }
0x40: {  	_ =	shalt  }
0x41: {  	_ =	shalt  }
0x42: {  	_ =	shalt  }
0x43: {  	_ =	shalt  }
0x44: {  	_ =	shalt  }
0x45: {  	_ =	shalt  }
0x46: {  	_ =	shalt  }
0x47: {  	_ =	shalt  }
0x48: {  	_ =	shalt  }
0x49: {  	_ =	shalt  }
0x4a: {  	_ =	shalt  }
0x4b: {  	_ =	shalt  }
0x4c: {  	_ =	shalt  }
0x4d: {  	_ =	shalt  }
0x4e: {  	_ =	shalt  }
0x4f: {  	_ =	shalt  }
0x50: {  	_ =	shalt  }
0x51: {  	_ =	shalt  }
0x52: {  	_ =	shalt  }
0x53: {  	_ =	shalt  }
0x54: {  	_ =	shalt  }
0x55: {  	_ =	shalt  }
0x56: {  	_ =	shalt  }
0x57: {  	_ =	shalt  }
0x58: {  	_ =	shalt  }
0x59: {  	_ =	shalt  }
0x5a: {  	_ =	shalt  }
0x5b: {  	_ =	shalt  }
0x5c: {  	_ =	shalt  }
0x5d: {  	_ =	shalt  }
0x5e: {  	_ =	shalt  }
0x5f: {  	_ =	shalt  }
0x60: {  	_ =	shalt  }
0x61: {  	_ =	shalt  }
0x62: {  	_ =	shalt  }
0x63: {  	_ =	shalt  }
0x64: {  	_ =	shalt  }
0x65: {  	_ =	shalt  }
0x66: {  	_ =	shalt  }
0x67: {  	_ =	shalt  }
0x68: {  	_ =	shalt  }
0x69: {  	_ =	shalt  }
0x6a: {  	_ =	shalt  }
0x6b: {  	_ =	shalt  }
0x6c: {  	_ =	shalt  }
0x6d: {  	_ =	shalt  }
0x6e: {  	_ =	shalt  }
0x6f: {  	_ =	shalt  }
0x70: {  	_ =	shalt  }
0x71: {  	_ =	shalt  }
0x72: {  	_ =	shalt  }
0x73: {  	_ =	shalt  }
0x74: {  	_ =	shalt  }
0x75: {  	_ =	shalt  }
0x76: {  	_ =	shalt  }
0x77: {  	_ =	shalt  }
0x78: {  	_ =	shalt  }
0x79: {  	_ =	shalt  }
0x7a: {  	_ =	shalt  }
0x7b: {  	_ =	shalt  }
0x7c: {  	_ =	shalt  }
0x7d: {  	_ =	shalt  }
0x7e: {  	_ =	shalt  }
0x7f: {  	_ =	shalt  }
0x80: {  	_ =	shalt  }
0x81: {  	_ =	shalt  }
0x82: {  	_ =	shalt  }
0x83: {  	_ =	shalt  }
0x84: {  	_ =	shalt  }
0x85: {  	_ =	shalt  }
0x86: {  	_ =	shalt  }
0x87: {  	_ =	shalt  }
.Lfunc_end0:
.L_simem_size_0:
called_computation.7_lowered:
.L_overlay_start_0:
0x88: {  	s2 =	sld [smem:$0x3FD9]  }
0x89: {  	s3 =	sld [smem:$0x3FFE];
	_ =	sdelay $0x1  }
0x8a: {  	s1 =	srdreg.scid  }
0x8b: {  	s0 =	sand.u32 $0x1, s1  }
0x8c: {  	s16 =	sshll.u32 s0, $0xA;
	s2 =	sadd.s32 s3, s2  }
0x8d: {  	s2 =	sadd.s32 s2, s16  }
0x8e: {  	[smem:$0x3FB1] =	sst s2  }
0x8f: {  	_ = 	snop  }
0x90: {  	(tm) =	ssettm $0x1  }
0x91: {  	s17 =	sld [smem:$0x3FFB];
	_ =	sdelay $0x3  }
0x92: {  	_ =	strace s17  }
0x93: {  	s2 =	sld [smem:$0x3FFC];
	_ =	sdelay $0x3  }
0x94: {  	_ =	strace s2  }
0x95: {  	s2 =	sld [smem:$0x3FFD];
	_ =	sdelay $0x3  }
0x96: {  	_ =	strace s2  }
0x97: {  	_ =	strace $0x8FFFFFFF  }
0x98: {  	s18 =	sld [smem:$0x3FDB];
	_ =	sdelay $0x1  }
0x99: {  	s19 =	simm.s32 $_scs_section_size  }
0x9a: {  	s4 =	simm.s32 $_size__tile_overlayer_lowered;
	s5 =	simm.s32 $_tile_overlayer_lowered  }
0x9b: {  	s22 =	simm.s32 $0x1BFF;
	s21 =	sshll.u32 s5, $0x1;
	s2 =	sadd.s32 s19, s18  }
0x9c: {  	s6 =	simm.s32 $0x0;
	s20 =	sshll.u32 s4, $0x1;
	s4 =	sadd.s32 s21, s2  }
0x9d: {  	[timem:s6], [sflag:s22] =	dma.local [hbm:s4], s20  }
0x9e: {  	_ =	swait.ge [sflag:s22], s20  }
0x9f: {  	s3 =	ssub.s32 $0x0, s20;
	[sflag:s22] =	ssyncset.done $0x0  }
0xa0: {  	[sflag:s22] =	ssyncadd.s32 s3;
	_ =	sdelay $0x1  }
0xa1: {  	s23 =	simm.s32 $0x1B8B  }
0xa2: {  	_ =	swait.ge [sflag:s23], $0x1  }
0xa3: {  	[sflag:s23] =	ssyncset.done $0x0  }
0xa4: {  	s25 =	simm.s32 $0x1B8E;
	s24 =	sld [smem:$0x3FFE];
	[sflag:s23] =	ssyncadd.s32 $0xFFFFFFFF  }
0xa5: {  	s26 =	simm.s32 $execute0_lowered;
	[smem:$0x3FD2] =	sst s25  }
0xa6: {  	s4 =	sshll.u32 s26, $0x1;
	_ =	strace $0x8000005B;
	[dreg:$0x1] =	wrdreg $0xFFFFFFFF  }
0xa7: {  	s28 =	simm.s32 $_size_execute0_lowered;
	s2 =	sadd.s32 s2, s4;
	[dreg:$0x0] =	wrdreg $0x0  }
0xa8: {  	s4 =	sshll.u32 s28, $0x1;
	[dreg:$0x2] =	wrdreg s2  }
0xa9: {  	[dreg:$0x3] =	wrdreg s4  }
0xaa: {  	[dreg:$0x4] =	wrdreg $0xC0  }
0xab: {  	_ =	task [dreg:s6], $0x5FFFF  }
0xac: {  	[dreg:$0x1] =	wrdreg $0xFFFFFFFF  }
0xad: {  	[dreg:$0x0] =	wrdreg $0x60  }
0xae: {  	[dreg:$0x2] =	wrdreg s24  }
0xaf: {  	[dreg:$0x3] =	wrdreg $0x0  }
0xb0: {  	[dreg:$0x4] =	wrdreg $0x9  }
0xb1: {  	_ =	task.clear_ibuf [dreg:s6], $0x5FFFF;
	_ =	strace $0x9000005B  }
0xb2: {  	s29 =	simm.s32 $0x9;
	_ =	strace $0x8000005D  }
0xb3: {  	_ =	swait.ge [sflag:s29], $0x1  }
0xb4: {  	[sflag:s29] =	ssyncadd.s32 $0xFFFFFFFF  }
0xb5: {  	_ =	strace $0x9000005D  }
0xb6: {  	_ =	sfence  }
0xb7: {  	s30 =	sld [smem:$0x0];
	_ =	sdelay $0x2  }
0xb8: {  	s31 =	sshll.u32 s1, $0xD;
	s1 =	sshrl.u32 s1, $0x2  }
0xb9: {  	s3 =	sand.u32 $0x4000, s31;
	s1 =	sadd.s32 s1, s30  }
0xba: {  	s0 =	sor.u32 s3, s0;
	s1 =	sshll.u32 s1, $0x11  }
0xbb: {  	s0 =	sor.u32 s1, s0  }
0xbc: {  	s0 =	sadd.s32 $0x8F2B, s0  }
0xbd: {  	[sflag:s0] =	ssyncadd.remote.s32 $0x1  }
0xbe: {  	_ =	sfence.sel $0xFFFF  }
0xbf: {  	[dreg:$0x0] =	wrdreg $0xFFFFFFFF;
	(pc) =	sbr.abs _section_cstart, $3  }
0xc0: {  	[dreg:$0x1] =	wrdreg $0xFFFFFFFF  }
0xc1: {  	_ =	task.clear_ibuf [dreg:s6], $0x2FFFF;
	_ =	strace $0x9FFFFFFF  }
0xc2: {  	(tm) =	ssettm $0x7FFFFFFF  }
0xc3: {  	_ =	shalt  }
tec
execute0_lowered:
.L_overlay_start_1:
0x0: {  	(tag) =	ssettag $0x1  }
0x1: {  	s0 =	stileid.u32;
	s1 =	srdreg.scid  }
0x2: {  	s5 =	rddreg [dreg:$0x0];
	s4 =	smul.u32 $0x4E200, s0  }
0x3: {  	s2 =	rddreg [dreg:$0x1];
	s7 =	smul.u32 $0x4E20, s0  }
0x4: {  	s3 =	simm.s32 $0x0;
	s13 =	simm.s32 $0x14100;
	s10 =	smul.u32 $0x14000, s0  }
0x5: {  	s14 =	simm.s32 $0xC8;
	s6 =	sand.u32 $0x1, s1;
	s29 =	smul.u32 $0x50000, s0  }
0x6: {  	s15 =	simm.s32 $0x0;
	s1 =	rddreg [dreg:$0x2];
	s8 =	smul.u32 $0x2710, s6  }
0x7: {  	[smem:$0x7FF] =	sst s3;
	s31 =	sshll.u32 s0, $0x6;
	s9 =	smul.u32 $0x140000, s6  }
0x8: {  	_ =	strace $0x8000005C;
	s30 =	ssub.s32 $0x2, s6;
	s12 =	smul.u32 $0x27100, s6  }
0x9: {  	s24 =	sadd.s32 s4, s5;
	s4 =	sadd.s32 $0x77400, s5;
	s11 =	sshrl.u32 s30, $0x1  }
0xa: {  	s7 =	sadd.s32 s8, s7;
	s26 =	sadd.s32 s10, s9;
	s10 =	sshrl.u32 s29, $0x2  }
0xb: {  	s11 =	ssub.s32 s30, s11;
	s8 =	sadd.s32 s12, s24;
	s12 =	simm.s32 $0x14000  }
0xc: {  	s25 =	sshrl.u32 s7, $0x3;
	s7 =	sshrl.u32 s26, $0x3;
	s10 =	sadd.s32 s10, s2  }
0xd: {  	s8 =	sadd.s32 $0x144D800, s8;
	s28 =	sadd.s32 s25, s5;
	s7 =	sadd.s32 s7, s5  }
0xe: {  	s5 =	sor.u32 $0x1C01, s31;
	s10 =	sshrl.u32 s10, $0x3;
	s6 =	sadd.s32 $0x79C00, s7  }
0xf: {  	s7 =	smax.u32 s11, $0x1;
	s9 =	sadd.s32 $0x63800, s28;
	s11 =	simm.s32 $0x1  }
.LBB2_1:
0x10: {  	[spmem:s10], [sflag:s5] =	dma.local [hbm:s4], $0x2800  }
0x11: {  	_ =	swait.ge [sflag:s11], $0x2800  }
0x12: {  	[sflag:s11] =	ssyncset.done $0x0  }
0x13: {  	[sflag:s11] =	ssyncadd.s32 $0xFFFFD800  }
0x14: {  	s16 =	sadd.s32 $0x0, s9;
	[bflag:$0x0] =	sbarrier.arrive $0xFFFF  }
0x15: {  	[tilespmem:s12], [sflag:$0x1] =	stream.linear.gather [hbm4b:s16+s3], $0xC8, $0x38;
	[tilespmem:$0x1A500] =	vst v63  }
0x16: {  	_ =	swait.ge [sflag:s11], $0xC8  }
0x17: {  	[sflag:s11] =	ssyncset.done $0x0  }
0x18: {  	[sflag:s11] =	ssyncadd.s32 $0xFFFFFF38  }
0x19: {  	[tilespmem:s13], [sflag:$0x1] =	stream.linear.gather [hbm4b:s8+s3], $0x6400, $0x38;
	[tilespmem:$0x1A500] =	vst v63  }
0x1a: {  	_ =	swait.ge [sflag:s11], $0x6400  }
0x1b: {  	[sflag:s11] =	ssyncset.done $0x0  }
0x1c: {  	[sflag:s11] =	ssyncadd.s32 $0xFFFF9C00  }
0x1d: {  	[spmem:s2] =	stream.indirect.scatter.add.f32 [tilespmem:s13], [sflag:$0x1], $0x80, s12, s14, $0xb8;
	[tilespmem:$0x1A500] =	vst v63  }
0x1e: {  	s17 =	simm.s32 $0x19;
	_ =	swait.ge [sflag:s11], $0x6400  }
0x1f: {  	s18 =	simm.s32 $0x32;
	s16 =	sadd.s32 $0xC80, s8;
	[sflag:s11] =	ssyncset.done $0x0  }
.LBB2_2:
0x20: {  	s19 =	sadd.s32 s17, s9  }
0x21: {  	[sflag:s11] =	ssyncadd.s32 $0xFFFF9C00;
	s17 =	smov.u32 s18;
	s20 =	sadd.s32 $0x19, s18  }
0x22: {  	[tilespmem:s12], [sflag:$0x1] =	stream.linear.gather [hbm4b:s19+s3], $0xC8, $0x38;
	[tilespmem:$0x1A500] =	vst v63  }
0x23: {  	p0 =	sne.s32 s18, $0x4C9;
	_ =	swait.ge [sflag:s11], $0xC8  }
0x24: {  	[sflag:s11] =	ssyncset.done $0x0  }
0x25: {  	[sflag:s11] =	ssyncadd.s32 $0xFFFFFF38  }
0x26: {  	[tilespmem:s13], [sflag:$0x1] =	stream.linear.gather [hbm4b:s16+s3], $0x6400, $0x38;
	[tilespmem:$0x1A500] =	vst v63  }
0x27: {  	_ =	swait.ge [sflag:s11], $0x6400  }
.Ltmp0:
0x28: {  	[sflag:s11] =	ssyncset.done $0x0;
	(pc) =	sbr.rel @p0 .LBB2_2-.Ltmp0, $4  }
0x29: {  	[sflag:s11] =	ssyncadd.s32 $0xFFFF9C00  }
0x2a: {  	[spmem:s2] =	stream.indirect.scatter.add.f32 [tilespmem:s13], [sflag:$0x1], $0x80, s12, s14, $0xb8;
	[tilespmem:$0x1A500] =	vst v63  }
0x2b: {  	_ =	swait.ge [sflag:s11], $0x6400  }
0x2c: {  	s18 =	smov.u32 s20;
	s16 =	sadd.s32 $0xC80, s16;
	[sflag:s11] =	ssyncset.done $0x0  }
0x2d: {  	s17 =	sadd.s32 s17, s9;
	[sflag:s11] =	ssyncadd.s32 $0xFFFF9C00  }
0x2e: {  	[tilespmem:s12], [sflag:$0x1] =	stream.linear.gather [hbm4b:s17+s3], $0xC8, $0x38;
	[tilespmem:$0x1A500] =	vst v63  }
0x2f: {  	_ =	swait.ge [sflag:s11], $0xC8  }
0x30: {  	[sflag:s11] =	ssyncset.done $0x0  }
0x31: {  	[sflag:s11] =	ssyncadd.s32 $0xFFFFFF38  }
0x32: {  	[tilespmem:s13], [sflag:$0x1] =	stream.linear.gather [hbm4b:s16+s3], $0x6400, $0x38;
	[tilespmem:$0x1A500] =	vst v63  }
0x33: {  	_ =	swait.ge [sflag:s11], $0x6400  }
0x34: {  	[sflag:s11] =	ssyncset.done $0x0  }
0x35: {  	[sflag:s11] =	ssyncadd.s32 $0xFFFF9C00  }
0x36: {  	[spmem:s2] =	stream.indirect.scatter.add.f32 [tilespmem:s13], [sflag:$0x1], $0x80, s12, s14, $0xb8;
	[tilespmem:$0x1A500] =	vst v63  }
0x37: {  	_ =	swait.ge [sflag:s11], $0x6400  }
0x38: {  	s15 =	sadd.s32 $0x1, s15;
	[sflag:s11] =	ssyncset.done $0x0  }
0x39: {  	p0 =	sne.s32 s15, s7;
	[sflag:s11] =	ssyncadd.s32 $0xFFFF9C00  }
.Ltmp1:
0x3a: {  	[bflag:$0x0] =	sbarrier.arrive $0xFFFF;
	(pc) =	sbr.rel @p0 .LBB2_1-.Ltmp1, $4  }
0x3b: {  	[hbm:s6], [sflag:s5] =	dma.local [spmem:s10], $0x2800  }
0x3c: {  	_ =	swait.ge [sflag:s11], $0x2800  }
0x3d: {  	[sflag:s11] =	ssyncset.done $0x0  }
0x3e: {  	[sflag:s11] =	ssyncadd.s32 $0xFFFFD800  }
0x3f: {  	_ =	sfence.sel $0x180000  }
0x40: {  	[bflag:$0x0] =	sbarrier.arrive $0xFFFF  }
0x41: {  	p0 =	sne.s32 s0, $0x0;
	_ =	strace $0x9000005C  }
0x42: {  	s0 =	sadd.s32 @!p0 $0x100000, s1;
	[bflag:$0x2] =	sbarrier.arrive $0xFFFF  }
0x43: {  	[sflag:s0] =	ssyncadd.tile.s32 @!p0 $0x1;
	_ =	shalt  }
.Lfunc_end2:
_tile_overlayer_lowered:
.L_overlay_start_2:
0x44: {  	(tag) =	ssettag $0x2  }
0x45: {  	s0 =	rddreg [dreg:$0x0];
	s2 =	stileid.u32  }
0x46: {  	s1 =	rddreg [dreg:$0x1];
	p0 =	sne.s32 s2, $0x0  }
0x47: {  	s3 =	rddreg [dreg:$0x2];
	[bflag:$0x3] =	sbarrier.arrive $0xFFFF;
	s2 =	simm.s32 @!p0 $0x1C01  }
0x48: {  	[timem:s3], [sflag:s2] =	dma.local @!p0 [hbm:s0], s1  }
0x49: {  	s0 =	simm.s32 @!p0 $0x1  }
0x4a: {  	_ =	swait.ge @!p0 [sflag:s0], s1  }
0x4b: {  	s1 =	ssub.s32 @!p0 $0x0, s1;
	[sflag:s0] =	ssyncset.done @!p0 $0x0  }
0x4c: {  	[sflag:s0] =	ssyncadd.s32 @!p0 s1  }
0x4d: {  	[bflag:$0x3] =	sbarrier.arrive $0xFFFF  }
0x4e: {  	_ =	shalt  }

// kernel: kernel.59.cloned.1.call-start
scs
__scs_entry_jumppad:
0x0: {  	(pc) =	sbr.rel $0x88, $3  }
0x1: {  	(tag) =	ssettag $0x0;
	lr =	simm.s32 $0x1  }
0x2: {  	[smem:$0x3F8A] =	sst lr;
	_ =	strace $0xD0000000  }
0x3: {  	_ = 	snop  }
0x4: {  	_ = 	snop  }
0x5: {  	_ = 	snop  }
0x6: {  	_ = 	snop  }
0x7: {  	_ = 	snop  }
__scs_overlays_trampoline_lowered:
0x8: {  	[smem:$0x3F99] =	sst s0  }
0x9: {  	[smem:$0x3F9A] =	sst s1  }
0xa: {  	[smem:$0x3F9B] =	sst s2  }
0xb: {  	[smem:$0x3F9C] =	sst s3  }
0xc: {  	[smem:$0x3F9D] =	sst s4  }
0xd: {  	[smem:$0x3F9E] =	sst s5  }
0xe: {  	[smem:$0x3F9F] =	sst s6  }
0xf: {  	[smem:$0x3FA0] =	sst s7  }
0x10: {  	[smem:$0x3FA1] =	sst s8  }
0x11: {  	[smem:$0x3FA2] =	sst s9;
	s0 =	simm.s32 @!p0 $0x0  }
0x12: {  	s1 =	sld [smem:$0x3F88];
	s0 =	simm.s32 @p0 $0x1  }
0x13: {  	[smem:$0x3FA3] =	sst s0;
	s0 =	simm.s32 @!p1 $0x0  }
0x14: {  	s2 =	sld [smem:$0x3F87];
	s0 =	simm.s32 @p1 $0x1  }
0x15: {  	[smem:$0x3FA4] =	sst s0;
	s0 =	simm.s32 @!p2 $0x0  }
0x16: {  	s3 =	sld [smem:$0x3FDB];
	s0 =	simm.s32 @p2 $0x1  }
0x17: {  	s4 =	simm.s32 $0x1BF5;
	[smem:$0x3FA6] =	sst s0  }
0x18: {  	s0 =	sld [smem:$0x3F89];
	_ =	swait.ge [sflag:s4], $0x0  }
0x19: {  	s7 =	sld [smem:$0x3F8A]  }
0x1a: {  	s8 =	sadd.s32 $0xFFFFE003, lr  }
0x1b: {  	s9 =	sadd.s32 $0xFFFFFEF7, lr;
	s5 =	simm.s32 $0xFFFFFFFF;
	p2 =	slt.u32 s8, $0xFFFFF086  }
0x1c: {  	p1 =	slt.u32 s9, $0xF7A;
	s5 =	simm.s32 @!p2 $0x0  }
0x1d: {  	s5 =	simm.s32 @p1 $0x1;
	p0 =	seq.s32 s7, s2  }
0x1e: {  	s7 =	smul.u32 @!p0 $0xF7A, s2;
	p2 =	seq.s32 @!p0 s5, $0x0  }
0x1f: {  	s9 =	smul.u32 $0xF7A, s1;
	s8 =	simm.s32 @!p0 $0x1BF5;
	p2 =	por !p2, p0  }
0x20: {  	[sflag:s8] =	ssyncset.s32 @!p0 $0xFFFFF086;
	s6 =	sadd.s32 @!p0 s3, s7;
	s7 =	simm.s32 @!p0 $0x108  }
0x21: {  	s3 =	sadd.s32 s3, s9;
	s6 =	sadd.s32 @!p0 $0x88, s6;
	s7 =	simm.s32 @p2 $0x1082  }
0x22: {  	[simem:s7], [sflag:s8] =	dma.local @!p0 [hbm:s6], $0xF7A  }
0x23: {  	s9 =	sor.u32 $0xD0000000, s2;
	s6 =	simm.s32 $0x108;
	_ =	swait.ge @!p0 [sflag:s8], $0x0  }
0x24: {  	s3 =	sadd.s32 $0x88, s3;
	s6 =	simm.s32 @!p1 $0x1082;
	[sflag:s4] =	ssyncset.s32 $0xFFFFF086  }
0x25: {  	[simem:s6], [sflag:s4] =	dma.local [hbm:s3], $0xF7A  }
0x26: {  	[smem:$0x3F8A] =	sst s1;
	(tag) =	ssettag s2;
	_ =	strace s9  }
0x27: {  	s1 =	sld [smem:$0x3F9A]  }
0x28: {  	s2 =	sld [smem:$0x3F9B]  }
0x29: {  	s4 =	sld [smem:$0x3F9D]  }
0x2a: {  	p0 =	seq.s32 s5, $0x0;
	s5 =	sld [smem:$0x3F9E]  }
0x2b: {  	s6 =	sld [smem:$0x3F9F]  }
0x2c: {  	s7 =	sld [smem:$0x3FA0]  }
0x2d: {  	s3 =	simm.s32 $0x108;
	s8 =	sld [smem:$0x3FA1]  }
0x2e: {  	s3 =	simm.s32 @!p0 $0x1082;
	s9 =	sld [smem:$0x3FA2]  }
0x2f: {  	lr =	sadd.s32 s0, s3;
	s0 =	sld [smem:$0x3F99]  }
0x30: {  	s3 =	sld [smem:$0x3F9C]  }
0x31: {  	[smem:$0x3FA5] =	sst s10  }
0x32: {  	s10 =	sld [smem:$0x3FA3];
	_ =	sdelay $0x3  }
0x33: {  	p0 =	seq.s32 s10, $0x1;
	s10 =	sld [smem:$0x3FA5];
	_ =	sdelay $0x3  }
0x34: {  	[smem:$0x3FA5] =	sst s10  }
0x35: {  	s10 =	sld [smem:$0x3FA4];
	_ =	sdelay $0x3  }
0x36: {  	p1 =	seq.s32 s10, $0x1;
	s10 =	sld [smem:$0x3FA5];
	_ =	sdelay $0x3  }
0x37: {  	[smem:$0x3FA5] =	sst s10  }
0x38: {  	s10 =	sld [smem:$0x3FA6]  }
0x39: {  	_ = 	snop;
	(pc) =	sbr.ind lr, $3  }
0x3a: {  	_ = 	snop  }
0x3b: {  	_ = 	snop  }
0x3c: {  	p2 =	seq.s32 s10, $0x1;
	s10 =	sld [smem:$0x3FA5]  }
0x3d: {  	_ =	shalt  }
0x3e: {  	_ =	shalt  }
0x3f: {  	_ =	shalt  }
0x40: {  	_ =	shalt  }
0x41: {  	_ =	shalt  }
0x42: {  	_ =	shalt  }
0x43: {  	_ =	shalt  }
0x44: {  	_ =	shalt  }
0x45: {  	_ =	shalt  }
0x46: {  	_ =	shalt  }
0x47: {  	_ =	shalt  }
0x48: {  	_ =	shalt  }
0x49: {  	_ =	shalt  }
0x4a: {  	_ =	shalt  }
0x4b: {  	_ =	shalt  }
0x4c: {  	_ =	shalt  }
0x4d: {  	_ =	shalt  }
0x4e: {  	_ =	shalt  }
0x4f: {  	_ =	shalt  }
0x50: {  	_ =	shalt  }
0x51: {  	_ =	shalt  }
0x52: {  	_ =	shalt  }
0x53: {  	_ =	shalt  }
0x54: {  	_ =	shalt  }
0x55: {  	_ =	shalt  }
0x56: {  	_ =	shalt  }
0x57: {  	_ =	shalt  }
0x58: {  	_ =	shalt  }
0x59: {  	_ =	shalt  }
0x5a: {  	_ =	shalt  }
0x5b: {  	_ =	shalt  }
0x5c: {  	_ =	shalt  }
0x5d: {  	_ =	shalt  }
0x5e: {  	_ =	shalt  }
0x5f: {  	_ =	shalt  }
0x60: {  	_ =	shalt  }
0x61: {  	_ =	shalt  }
0x62: {  	_ =	shalt  }
0x63: {  	_ =	shalt  }
0x64: {  	_ =	shalt  }
0x65: {  	_ =	shalt  }
0x66: {  	_ =	shalt  }
0x67: {  	_ =	shalt  }
0x68: {  	_ =	shalt  }
0x69: {  	_ =	shalt  }
0x6a: {  	_ =	shalt  }
0x6b: {  	_ =	shalt  }
0x6c: {  	_ =	shalt  }
0x6d: {  	_ =	shalt  }
0x6e: {  	_ =	shalt  }
0x6f: {  	_ =	shalt  }
0x70: {  	_ =	shalt  }
0x71: {  	_ =	shalt  }
0x72: {  	_ =	shalt  }
0x73: {  	_ =	shalt  }
0x74: {  	_ =	shalt  }
0x75: {  	_ =	shalt  }
0x76: {  	_ =	shalt  }
0x77: {  	_ =	shalt  }
0x78: {  	_ =	shalt  }
0x79: {  	_ =	shalt  }
0x7a: {  	_ =	shalt  }
0x7b: {  	_ =	shalt  }
0x7c: {  	_ =	shalt  }
0x7d: {  	_ =	shalt  }
0x7e: {  	_ =	shalt  }
0x7f: {  	_ =	shalt  }
0x80: {  	_ =	shalt  }
0x81: {  	_ =	shalt  }
0x82: {  	_ =	shalt  }
0x83: {  	_ =	shalt  }
0x84: {  	_ =	shalt  }
0x85: {  	_ =	shalt  }
0x86: {  	_ =	shalt  }
0x87: {  	_ =	shalt  }
.Lfunc_end0:
.L_simem_size_0:
called_computation.8_lowered:
.L_overlay_start_0:
0x88: {  	s2 =	sld [smem:$0x3FD9]  }
0x89: {  	s3 =	sld [smem:$0x3FFE];
	_ =	sdelay $0x1  }
0x8a: {  	s1 =	srdreg.scid  }
0x8b: {  	s0 =	sand.u32 $0x1, s1  }
0x8c: {  	s17 =	sshll.u32 s0, $0xA;
	s2 =	sadd.s32 s3, s2  }
0x8d: {  	s2 =	sadd.s32 s2, s17  }
0x8e: {  	[smem:$0x3FB1] =	sst s2  }
0x8f: {  	_ = 	snop  }
0x90: {  	(tm) =	ssettm $0x1  }
0x91: {  	s18 =	sld [smem:$0x3FFB];
	_ =	sdelay $0x3  }
0x92: {  	_ =	strace s18  }
0x93: {  	s2 =	sld [smem:$0x3FFC];
	_ =	sdelay $0x3  }
0x94: {  	_ =	strace s2  }
0x95: {  	s2 =	sld [smem:$0x3FFD];
	_ =	sdelay $0x3  }
0x96: {  	_ =	strace s2  }
0x97: {  	_ =	strace $0x8FFFFFFF  }
0x98: {  	s19 =	sld [smem:$0x3FDB];
	_ =	sdelay $0x1  }
0x99: {  	s20 =	simm.s32 $_scs_section_size  }
0x9a: {  	s4 =	simm.s32 $_size__tile_overlayer_lowered;
	s5 =	simm.s32 $_tile_overlayer_lowered  }
0x9b: {  	s6 =	simm.s32 $0x1BFF;
	s21 =	sshll.u32 s5, $0x1;
	s3 =	sadd.s32 s20, s19  }
0x9c: {  	s22 =	simm.s32 $0x0;
	s4 =	sshll.u32 s4, $0x1;
	s5 =	sadd.s32 s21, s3  }
0x9d: {  	[timem:s22], [sflag:s6] =	dma.local [hbm:s5], s4  }
0x9e: {  	_ =	swait.ge [sflag:s6], s4  }
0x9f: {  	s4 =	ssub.s32 $0x0, s4;
	[sflag:s6] =	ssyncset.done $0x0  }
0xa0: {  	[sflag:s6] =	ssyncadd.s32 s4;
	_ =	sdelay $0x1  }
0xa1: {  	s23 =	simm.s32 $0x1B8B  }
0xa2: {  	_ =	swait.ge [sflag:s23], $0x1  }
0xa3: {  	[sflag:s23] =	ssyncset.done $0x0  }
0xa4: {  	[sflag:s23] =	ssyncadd.s32 $0xFFFFFFFF  }
0xa5: {  	s4 =	sld [smem:$0x0]  }
0xa6: {  	s5 =	sand.u32 $0xFFFFFFFE, s1  }
0xa7: {  	p0 =	sne.s32 s1, s5  }
0xa8: {  	s5 =	sshll.u32 @p0 s5, $0xE  }
0xa9: {  	s5 =	sadd.s32 @p0 $0x11B8D, s5;
	s6 =	sshll.u32 @p0 s4, $0x11  }
0xaa: {  	s5 =	sor.u32 @p0 s6, s5  }
0xab: {  	[sflag:s5] =	ssyncadd.remote.s32 @p0 $0x1;
	_ =	sdelay $0x1  }
0xac: {  	s5 =	simm.s32 @p0 $0x1B8D  }
0xad: {  	_ =	swait.eq @p0 [sflag:s5], $0x1  }
0xae: {  	[sflag:s5] =	ssyncadd.s32 @p0 $0xFFFFFFFF  }
0xaf: {  	s6 =	sshll.u32 @!p0 s1, $0xE  }
0xb0: {  	s6 =	sor.u32 @!p0 $0x4000, s6;
	s5 =	simm.s32 @!p0 $0x1B8D  }
0xb1: {  	s4 =	sshll.u32 @!p0 s4, $0x11;
	s6 =	sadd.s32 @!p0 $0x11B8D, s6;
	_ =	swait.eq @!p0 [sflag:s5], $0x1  }
0xb2: {  	s4 =	sor.u32 @!p0 s4, s6;
	[sflag:s5] =	ssyncadd.s32 @!p0 $0xFFFFFFFF  }
0xb3: {  	s25 =	simm.s32 $0x1B8E;
	s24 =	sld [smem:$0x3FFE];
	[sflag:s4] =	ssyncadd.remote.s32 @!p0 $0x1  }
0xb4: {  	s26 =	simm.s32 $execute0_lowered;
	[smem:$0x3FD2] =	sst s25  }
0xb5: {  	s5 =	sshll.u32 s26, $0x1;
	_ =	strace $0x8000005E;
	[dreg:$0x1] =	wrdreg $0xFFFFFFFF  }
0xb6: {  	s28 =	simm.s32 $_size_execute0_lowered;
	s3 =	sadd.s32 s3, s5;
	[dreg:$0x0] =	wrdreg $0x0  }
0xb7: {  	s5 =	sshll.u32 s28, $0x1;
	[dreg:$0x2] =	wrdreg s3  }
0xb8: {  	[dreg:$0x3] =	wrdreg s5  }
0xb9: {  	[dreg:$0x4] =	wrdreg $0xC0  }
0xba: {  	_ =	task [dreg:s22], $0x5FFFF  }
0xbb: {  	[dreg:$0x1] =	wrdreg $0xFFFFFFFF  }
0xbc: {  	[dreg:$0x0] =	wrdreg $0x60  }
0xbd: {  	[dreg:$0x2] =	wrdreg s24  }
0xbe: {  	[dreg:$0x3] =	wrdreg $0x0  }
0xbf: {  	[dreg:$0x4] =	wrdreg $0xA  }
0xc0: {  	_ =	task.clear_ibuf [dreg:s22], $0x5FFFF;
	_ =	strace $0x9000005E  }
0xc1: {  	s29 =	simm.s32 $0xA;
	_ =	strace $0x80000060  }
0xc2: {  	_ =	swait.ge [sflag:s29], $0x1  }
0xc3: {  	[sflag:s29] =	ssyncadd.s32 $0xFFFFFFFF  }
0xc4: {  	_ =	strace $0x90000060  }
0xc5: {  	_ =	sfence  }
0xc6: {  	s30 =	sld [smem:$0x0];
	_ =	sdelay $0x2  }
0xc7: {  	s31 =	sshll.u32 s1, $0xD;
	s1 =	sshrl.u32 s1, $0x2  }
0xc8: {  	s4 =	sand.u32 $0x4000, s31;
	s1 =	sadd.s32 s1, s30  }
0xc9: {  	s0 =	sor.u32 s4, s0;
	s1 =	sshll.u32 s1, $0x11  }
0xca: {  	s0 =	sor.u32 s1, s0  }
0xcb: {  	s0 =	sadd.s32 $0x8F2B, s0  }
0xcc: {  	[sflag:s0] =	ssyncadd.remote.s32 $0x1  }
0xcd: {  	_ =	sfence.sel $0xFFFF  }
0xce: {  	[dreg:$0x0] =	wrdreg $0xFFFFFFFF;
	(pc) =	sbr.abs _section_cstart, $3  }
0xcf: {  	[dreg:$0x1] =	wrdreg $0xFFFFFFFF  }
0xd0: {  	_ =	task.clear_ibuf [dreg:s22], $0x2FFFF;
	_ =	strace $0x9FFFFFFF  }
0xd1: {  	(tm) =	ssettm $0x7FFFFFFF  }
tec
execute0_lowered:
.L_overlay_start_1:
0x0: {  	(tag) =	ssettag $0x1  }
0x1: {  	s0 =	stileid.u32;
	s1 =	srdreg.scid  }
0x2: {  	s5 =	rddreg [dreg:$0x0];
	s4 =	smul.u32 $0x4E200, s0  }
0x3: {  	s2 =	rddreg [dreg:$0x1];
	s7 =	smul.u32 $0x4E20, s0  }
0x4: {  	s3 =	simm.s32 $0x0;
	s13 =	simm.s32 $0x14100;
	s10 =	smul.u32 $0x14000, s0  }
0x5: {  	s14 =	simm.s32 $0xC8;
	s6 =	sand.u32 $0x1, s1;
	s29 =	smul.u32 $0x50000, s0  }
0x6: {  	s15 =	simm.s32 $0x0;
	s1 =	rddreg [dreg:$0x2];
	s8 =	smul.u32 $0x2710, s6  }
0x7: {  	[smem:$0x7FF] =	sst s3;
	s31 =	sshll.u32 s0, $0x6;
	s9 =	smul.u32 $0x140000, s6  }
0x8: {  	_ =	strace $0x8000005F;
	s30 =	ssub.s32 $0x2, s6;
	s12 =	smul.u32 $0x27100, s6  }
0x9: {  	s24 =	sadd.s32 s4, s5;
	s4 =	sadd.s32 $0x77400, s5;
	s11 =	sshrl.u32 s30, $0x1  }
0xa: {  	s7 =	sadd.s32 s8, s7;
	s26 =	sadd.s32 s10, s9;
	s10 =	sshrl.u32 s29, $0x2  }
0xb: {  	s11 =	ssub.s32 s30, s11;
	s8 =	sadd.s32 s12, s24;
	s12 =	simm.s32 $0x14000  }
0xc: {  	s25 =	sshrl.u32 s7, $0x3;
	s7 =	sshrl.u32 s26, $0x3;
	s10 =	sadd.s32 s10, s2  }
0xd: {  	s8 =	sadd.s32 $0x192F800, s8;
	s28 =	sadd.s32 s25, s5;
	s7 =	sadd.s32 s7, s5  }
0xe: {  	s5 =	sor.u32 $0x1C01, s31;
	s10 =	sshrl.u32 s10, $0x3;
	s6 =	sadd.s32 $0xC9C00, s7  }
0xf: {  	s7 =	smax.u32 s11, $0x1;
	s9 =	sadd.s32 $0x63800, s28;
	s11 =	simm.s32 $0x1  }
.LBB2_1:
0x10: {  	[spmem:s10], [sflag:s5] =	dma.local [hbm:s4], $0x2800  }
0x11: {  	_ =	swait.ge [sflag:s11], $0x2800  }
0x12: {  	[sflag:s11] =	ssyncset.done $0x0  }
0x13: {  	[sflag:s11] =	ssyncadd.s32 $0xFFFFD800  }
0x14: {  	s16 =	sadd.s32 $0x0, s9;
	[bflag:$0x0] =	sbarrier.arrive $0xFFFF  }
0x15: {  	[tilespmem:s12], [sflag:$0x1] =	stream.linear.gather [hbm4b:s16+s3], $0xC8, $0x38;
	[tilespmem:$0x1A500] =	vst v63  }
0x16: {  	_ =	swait.ge [sflag:s11], $0xC8  }
0x17: {  	[sflag:s11] =	ssyncset.done $0x0  }
0x18: {  	[sflag:s11] =	ssyncadd.s32 $0xFFFFFF38  }
0x19: {  	[tilespmem:s13], [sflag:$0x1] =	stream.linear.gather [hbm4b:s8+s3], $0x6400, $0x38;
	[tilespmem:$0x1A500] =	vst v63  }
0x1a: {  	_ =	swait.ge [sflag:s11], $0x6400  }
0x1b: {  	[sflag:s11] =	ssyncset.done $0x0  }
0x1c: {  	[sflag:s11] =	ssyncadd.s32 $0xFFFF9C00  }
0x1d: {  	[spmem:s2] =	stream.indirect.scatter.add.f32 [tilespmem:s13], [sflag:$0x1], $0x80, s12, s14, $0xb8;
	[tilespmem:$0x1A500] =	vst v63  }
0x1e: {  	s17 =	simm.s32 $0x19;
	_ =	swait.ge [sflag:s11], $0x6400  }
0x1f: {  	s18 =	simm.s32 $0x32;
	s16 =	sadd.s32 $0xC80, s8;
	[sflag:s11] =	ssyncset.done $0x0  }
.LBB2_2:
0x20: {  	s19 =	sadd.s32 s17, s9  }
0x21: {  	[sflag:s11] =	ssyncadd.s32 $0xFFFF9C00;
	s17 =	smov.u32 s18;
	s20 =	sadd.s32 $0x19, s18  }
0x22: {  	[tilespmem:s12], [sflag:$0x1] =	stream.linear.gather [hbm4b:s19+s3], $0xC8, $0x38;
	[tilespmem:$0x1A500] =	vst v63  }
0x23: {  	p0 =	sne.s32 s18, $0x4C9;
	_ =	swait.ge [sflag:s11], $0xC8  }
0x24: {  	[sflag:s11] =	ssyncset.done $0x0  }
0x25: {  	[sflag:s11] =	ssyncadd.s32 $0xFFFFFF38  }
0x26: {  	[tilespmem:s13], [sflag:$0x1] =	stream.linear.gather [hbm4b:s16+s3], $0x6400, $0x38;
	[tilespmem:$0x1A500] =	vst v63  }
0x27: {  	_ =	swait.ge [sflag:s11], $0x6400  }
.Ltmp0:
0x28: {  	[sflag:s11] =	ssyncset.done $0x0;
	(pc) =	sbr.rel @p0 .LBB2_2-.Ltmp0, $4  }
0x29: {  	[sflag:s11] =	ssyncadd.s32 $0xFFFF9C00  }
0x2a: {  	[spmem:s2] =	stream.indirect.scatter.add.f32 [tilespmem:s13], [sflag:$0x1], $0x80, s12, s14, $0xb8;
	[tilespmem:$0x1A500] =	vst v63  }
0x2b: {  	_ =	swait.ge [sflag:s11], $0x6400  }
0x2c: {  	s18 =	smov.u32 s20;
	s16 =	sadd.s32 $0xC80, s16;
	[sflag:s11] =	ssyncset.done $0x0  }
0x2d: {  	s17 =	sadd.s32 s17, s9;
	[sflag:s11] =	ssyncadd.s32 $0xFFFF9C00  }
0x2e: {  	[tilespmem:s12], [sflag:$0x1] =	stream.linear.gather [hbm4b:s17+s3], $0xC8, $0x38;
	[tilespmem:$0x1A500] =	vst v63  }
0x2f: {  	_ =	swait.ge [sflag:s11], $0xC8  }
0x30: {  	[sflag:s11] =	ssyncset.done $0x0  }
0x31: {  	[sflag:s11] =	ssyncadd.s32 $0xFFFFFF38  }
0x32: {  	[tilespmem:s13], [sflag:$0x1] =	stream.linear.gather [hbm4b:s16+s3], $0x6400, $0x38;
	[tilespmem:$0x1A500] =	vst v63  }
0x33: {  	_ =	swait.ge [sflag:s11], $0x6400  }
0x34: {  	[sflag:s11] =	ssyncset.done $0x0  }
0x35: {  	[sflag:s11] =	ssyncadd.s32 $0xFFFF9C00  }
0x36: {  	[spmem:s2] =	stream.indirect.scatter.add.f32 [tilespmem:s13], [sflag:$0x1], $0x80, s12, s14, $0xb8;
	[tilespmem:$0x1A500] =	vst v63  }
0x37: {  	_ =	swait.ge [sflag:s11], $0x6400  }
0x38: {  	s15 =	sadd.s32 $0x1, s15;
	[sflag:s11] =	ssyncset.done $0x0  }
0x39: {  	p0 =	sne.s32 s15, s7;
	[sflag:s11] =	ssyncadd.s32 $0xFFFF9C00  }
.Ltmp1:
0x3a: {  	[bflag:$0x0] =	sbarrier.arrive $0xFFFF;
	(pc) =	sbr.rel @p0 .LBB2_1-.Ltmp1, $4  }
0x3b: {  	[hbm:s6], [sflag:s5] =	dma.local [spmem:s10], $0x2800  }
0x3c: {  	_ =	swait.ge [sflag:s11], $0x2800  }
0x3d: {  	[sflag:s11] =	ssyncset.done $0x0  }
0x3e: {  	[sflag:s11] =	ssyncadd.s32 $0xFFFFD800  }
0x3f: {  	_ =	sfence.sel $0x180000  }
0x40: {  	[bflag:$0x0] =	sbarrier.arrive $0xFFFF  }
0x41: {  	p0 =	sne.s32 s0, $0x0;
	_ =	strace $0x9000005F  }
0x42: {  	s0 =	sadd.s32 @!p0 $0x100000, s1;
	[bflag:$0x2] =	sbarrier.arrive $0xFFFF  }
0x43: {  	[sflag:s0] =	ssyncadd.tile.s32 @!p0 $0x1;
	_ =	shalt  }
.Lfunc_end2:
_tile_overlayer_lowered:
.L_overlay_start_2:
0x44: {  	(tag) =	ssettag $0x2  }
0x45: {  	s0 =	rddreg [dreg:$0x0];
	s2 =	stileid.u32  }
0x46: {  	s1 =	rddreg [dreg:$0x1];
	p0 =	sne.s32 s2, $0x0  }
0x47: {  	s3 =	rddreg [dreg:$0x2];
	[bflag:$0x3] =	sbarrier.arrive $0xFFFF;
	s2 =	simm.s32 @!p0 $0x1C01  }
0x48: {  	[timem:s3], [sflag:s2] =	dma.local @!p0 [hbm:s0], s1  }
0x49: {  	s0 =	simm.s32 @!p0 $0x1  }
0x4a: {  	_ =	swait.ge @!p0 [sflag:s0], s1  }
0x4b: {  	s1 =	ssub.s32 @!p0 $0x0, s1;
	[sflag:s0] =	ssyncset.done @!p0 $0x0  }
0x4c: {  	[sflag:s0] =	ssyncadd.s32 @!p0 s1  }
0x4d: {  	[bflag:$0x3] =	sbarrier.arrive $0xFFFF  }
0x4e: {  	_ =	shalt  }

// kernel: kernel.62.cloned.1.call-start
scs
__scs_entry_jumppad:
0x0: {  	(pc) =	sbr.rel $0x88, $3  }
0x1: {  	(tag) =	ssettag $0x0;
	lr =	simm.s32 $0x1  }
0x2: {  	[smem:$0x3F8A] =	sst lr;
	_ =	strace $0xD0000000  }
0x3: {  	_ = 	snop  }
0x4: {  	_ = 	snop  }
0x5: {  	_ = 	snop  }
0x6: {  	_ = 	snop  }
0x7: {  	_ = 	snop  }
__scs_overlays_trampoline_lowered:
0x8: {  	[smem:$0x3F99] =	sst s0  }
0x9: {  	[smem:$0x3F9A] =	sst s1  }
0xa: {  	[smem:$0x3F9B] =	sst s2  }
0xb: {  	[smem:$0x3F9C] =	sst s3  }
0xc: {  	[smem:$0x3F9D] =	sst s4  }
0xd: {  	[smem:$0x3F9E] =	sst s5  }
0xe: {  	[smem:$0x3F9F] =	sst s6  }
0xf: {  	[smem:$0x3FA0] =	sst s7  }
0x10: {  	[smem:$0x3FA1] =	sst s8  }
0x11: {  	[smem:$0x3FA2] =	sst s9;
	s0 =	simm.s32 @!p0 $0x0  }
0x12: {  	s1 =	sld [smem:$0x3F88];
	s0 =	simm.s32 @p0 $0x1  }
0x13: {  	[smem:$0x3FA3] =	sst s0;
	s0 =	simm.s32 @!p1 $0x0  }
0x14: {  	s2 =	sld [smem:$0x3F87];
	s0 =	simm.s32 @p1 $0x1  }
0x15: {  	[smem:$0x3FA4] =	sst s0;
	s0 =	simm.s32 @!p2 $0x0  }
0x16: {  	s3 =	sld [smem:$0x3FDB];
	s0 =	simm.s32 @p2 $0x1  }
0x17: {  	s4 =	simm.s32 $0x1BF5;
	[smem:$0x3FA6] =	sst s0  }
0x18: {  	s0 =	sld [smem:$0x3F89];
	_ =	swait.ge [sflag:s4], $0x0  }
0x19: {  	s7 =	sld [smem:$0x3F8A]  }
0x1a: {  	s8 =	sadd.s32 $0xFFFFE003, lr  }
0x1b: {  	s9 =	sadd.s32 $0xFFFFFEF7, lr;
	s5 =	simm.s32 $0xFFFFFFFF;
	p2 =	slt.u32 s8, $0xFFFFF086  }
0x1c: {  	p1 =	slt.u32 s9, $0xF7A;
	s5 =	simm.s32 @!p2 $0x0  }
0x1d: {  	s5 =	simm.s32 @p1 $0x1;
	p0 =	seq.s32 s7, s2  }
0x1e: {  	s7 =	smul.u32 @!p0 $0xF7A, s2;
	p2 =	seq.s32 @!p0 s5, $0x0  }
0x1f: {  	s9 =	smul.u32 $0xF7A, s1;
	s8 =	simm.s32 @!p0 $0x1BF5;
	p2 =	por !p2, p0  }
0x20: {  	[sflag:s8] =	ssyncset.s32 @!p0 $0xFFFFF086;
	s6 =	sadd.s32 @!p0 s3, s7;
	s7 =	simm.s32 @!p0 $0x108  }
0x21: {  	s3 =	sadd.s32 s3, s9;
	s6 =	sadd.s32 @!p0 $0x88, s6;
	s7 =	simm.s32 @p2 $0x1082  }
0x22: {  	[simem:s7], [sflag:s8] =	dma.local @!p0 [hbm:s6], $0xF7A  }
0x23: {  	s9 =	sor.u32 $0xD0000000, s2;
	s6 =	simm.s32 $0x108;
	_ =	swait.ge @!p0 [sflag:s8], $0x0  }
0x24: {  	s3 =	sadd.s32 $0x88, s3;
	s6 =	simm.s32 @!p1 $0x1082;
	[sflag:s4] =	ssyncset.s32 $0xFFFFF086  }
0x25: {  	[simem:s6], [sflag:s4] =	dma.local [hbm:s3], $0xF7A  }
0x26: {  	[smem:$0x3F8A] =	sst s1;
	(tag) =	ssettag s2;
	_ =	strace s9  }
0x27: {  	s1 =	sld [smem:$0x3F9A]  }
0x28: {  	s2 =	sld [smem:$0x3F9B]  }
0x29: {  	s4 =	sld [smem:$0x3F9D]  }
0x2a: {  	p0 =	seq.s32 s5, $0x0;
	s5 =	sld [smem:$0x3F9E]  }
0x2b: {  	s6 =	sld [smem:$0x3F9F]  }
0x2c: {  	s7 =	sld [smem:$0x3FA0]  }
0x2d: {  	s3 =	simm.s32 $0x108;
	s8 =	sld [smem:$0x3FA1]  }
0x2e: {  	s3 =	simm.s32 @!p0 $0x1082;
	s9 =	sld [smem:$0x3FA2]  }
0x2f: {  	lr =	sadd.s32 s0, s3;
	s0 =	sld [smem:$0x3F99]  }
0x30: {  	s3 =	sld [smem:$0x3F9C]  }
0x31: {  	[smem:$0x3FA5] =	sst s10  }
0x32: {  	s10 =	sld [smem:$0x3FA3];
	_ =	sdelay $0x3  }
0x33: {  	p0 =	seq.s32 s10, $0x1;
	s10 =	sld [smem:$0x3FA5];
	_ =	sdelay $0x3  }
0x34: {  	[smem:$0x3FA5] =	sst s10  }
0x35: {  	s10 =	sld [smem:$0x3FA4];
	_ =	sdelay $0x3  }
0x36: {  	p1 =	seq.s32 s10, $0x1;
	s10 =	sld [smem:$0x3FA5];
	_ =	sdelay $0x3  }
0x37: {  	[smem:$0x3FA5] =	sst s10  }
0x38: {  	s10 =	sld [smem:$0x3FA6]  }
0x39: {  	_ = 	snop;
	(pc) =	sbr.ind lr, $3  }
0x3a: {  	_ = 	snop  }
0x3b: {  	_ = 	snop  }
0x3c: {  	p2 =	seq.s32 s10, $0x1;
	s10 =	sld [smem:$0x3FA5]  }
0x3d: {  	_ =	shalt  }
0x3e: {  	_ =	shalt  }
0x3f: {  	_ =	shalt  }
0x40: {  	_ =	shalt  }
0x41: {  	_ =	shalt  }
0x42: {  	_ =	shalt  }
0x43: {  	_ =	shalt  }
0x44: {  	_ =	shalt  }
0x45: {  	_ =	shalt  }
0x46: {  	_ =	shalt  }
0x47: {  	_ =	shalt  }
0x48: {  	_ =	shalt  }
0x49: {  	_ =	shalt  }
0x4a: {  	_ =	shalt  }
0x4b: {  	_ =	shalt  }
0x4c: {  	_ =	shalt  }
0x4d: {  	_ =	shalt  }
0x4e: {  	_ =	shalt  }
0x4f: {  	_ =	shalt  }
0x50: {  	_ =	shalt  }
0x51: {  	_ =	shalt  }
0x52: {  	_ =	shalt  }
0x53: {  	_ =	shalt  }
0x54: {  	_ =	shalt  }
0x55: {  	_ =	shalt  }
0x56: {  	_ =	shalt  }
0x57: {  	_ =	shalt  }
0x58: {  	_ =	shalt  }
0x59: {  	_ =	shalt  }
0x5a: {  	_ =	shalt  }
0x5b: {  	_ =	shalt  }
0x5c: {  	_ =	shalt  }
0x5d: {  	_ =	shalt  }
0x5e: {  	_ =	shalt  }
0x5f: {  	_ =	shalt  }
0x60: {  	_ =	shalt  }
0x61: {  	_ =	shalt  }
0x62: {  	_ =	shalt  }
0x63: {  	_ =	shalt  }
0x64: {  	_ =	shalt  }
0x65: {  	_ =	shalt  }
0x66: {  	_ =	shalt  }
0x67: {  	_ =	shalt  }
0x68: {  	_ =	shalt  }
0x69: {  	_ =	shalt  }
0x6a: {  	_ =	shalt  }
0x6b: {  	_ =	shalt  }
0x6c: {  	_ =	shalt  }
0x6d: {  	_ =	shalt  }
0x6e: {  	_ =	shalt  }
0x6f: {  	_ =	shalt  }
0x70: {  	_ =	shalt  }
0x71: {  	_ =	shalt  }
0x72: {  	_ =	shalt  }
0x73: {  	_ =	shalt  }
0x74: {  	_ =	shalt  }
0x75: {  	_ =	shalt  }
0x76: {  	_ =	shalt  }
0x77: {  	_ =	shalt  }
0x78: {  	_ =	shalt  }
0x79: {  	_ =	shalt  }
0x7a: {  	_ =	shalt  }
0x7b: {  	_ =	shalt  }
0x7c: {  	_ =	shalt  }
0x7d: {  	_ =	shalt  }
0x7e: {  	_ =	shalt  }
0x7f: {  	_ =	shalt  }
0x80: {  	_ =	shalt  }
0x81: {  	_ =	shalt  }
0x82: {  	_ =	shalt  }
0x83: {  	_ =	shalt  }
0x84: {  	_ =	shalt  }
0x85: {  	_ =	shalt  }
0x86: {  	_ =	shalt  }
0x87: {  	_ =	shalt  }
.Lfunc_end0:
.L_simem_size_0:
called_computation.9_lowered:
.L_overlay_start_0:
0x88: {  	s2 =	sld [smem:$0x3FD9]  }
0x89: {  	s3 =	sld [smem:$0x3FFE];
	_ =	sdelay $0x1  }
0x8a: {  	s1 =	srdreg.scid  }
0x8b: {  	s0 =	sand.u32 $0x1, s1  }
0x8c: {  	s17 =	sshll.u32 s0, $0xA;
	s2 =	sadd.s32 s3, s2  }
0x8d: {  	s2 =	sadd.s32 s2, s17  }
0x8e: {  	[smem:$0x3FB1] =	sst s2  }
0x8f: {  	_ = 	snop  }
0x90: {  	(tm) =	ssettm $0x1  }
0x91: {  	s18 =	sld [smem:$0x3FFB];
	_ =	sdelay $0x3  }
0x92: {  	_ =	strace s18  }
0x93: {  	s2 =	sld [smem:$0x3FFC];
	_ =	sdelay $0x3  }
0x94: {  	_ =	strace s2  }
0x95: {  	s2 =	sld [smem:$0x3FFD];
	_ =	sdelay $0x3  }
0x96: {  	_ =	strace s2  }
0x97: {  	_ =	strace $0x8FFFFFFF  }
0x98: {  	s19 =	sld [smem:$0x3FDB];
	_ =	sdelay $0x1  }
0x99: {  	s20 =	simm.s32 $_scs_section_size  }
0x9a: {  	s4 =	simm.s32 $_size__tile_overlayer_lowered;
	s5 =	simm.s32 $_tile_overlayer_lowered  }
0x9b: {  	s6 =	simm.s32 $0x1BFF;
	s21 =	sshll.u32 s5, $0x1;
	s3 =	sadd.s32 s20, s19  }
0x9c: {  	s22 =	simm.s32 $0x0;
	s4 =	sshll.u32 s4, $0x1;
	s5 =	sadd.s32 s21, s3  }
0x9d: {  	[timem:s22], [sflag:s6] =	dma.local [hbm:s5], s4  }
0x9e: {  	_ =	swait.ge [sflag:s6], s4  }
0x9f: {  	s4 =	ssub.s32 $0x0, s4;
	[sflag:s6] =	ssyncset.done $0x0  }
0xa0: {  	[sflag:s6] =	ssyncadd.s32 s4;
	_ =	sdelay $0x1  }
0xa1: {  	s23 =	simm.s32 $0x1B8B  }
0xa2: {  	_ =	swait.ge [sflag:s23], $0x1  }
0xa3: {  	[sflag:s23] =	ssyncset.done $0x0  }
0xa4: {  	[sflag:s23] =	ssyncadd.s32 $0xFFFFFFFF  }
0xa5: {  	s4 =	sld [smem:$0x0]  }
0xa6: {  	s5 =	sand.u32 $0xFFFFFFFE, s1  }
0xa7: {  	p0 =	sne.s32 s1, s5  }
0xa8: {  	s5 =	sshll.u32 @p0 s5, $0xE  }
0xa9: {  	s5 =	sadd.s32 @p0 $0x11B8D, s5;
	s6 =	sshll.u32 @p0 s4, $0x11  }
0xaa: {  	s5 =	sor.u32 @p0 s6, s5  }
0xab: {  	[sflag:s5] =	ssyncadd.remote.s32 @p0 $0x1;
	_ =	sdelay $0x1  }
0xac: {  	s5 =	simm.s32 @p0 $0x1B8D  }
0xad: {  	_ =	swait.eq @p0 [sflag:s5], $0x1  }
0xae: {  	[sflag:s5] =	ssyncadd.s32 @p0 $0xFFFFFFFF  }
0xaf: {  	s6 =	sshll.u32 @!p0 s1, $0xE  }
0xb0: {  	s6 =	sor.u32 @!p0 $0x4000, s6;
	s5 =	simm.s32 @!p0 $0x1B8D  }
0xb1: {  	s4 =	sshll.u32 @!p0 s4, $0x11;
	s6 =	sadd.s32 @!p0 $0x11B8D, s6;
	_ =	swait.eq @!p0 [sflag:s5], $0x1  }
0xb2: {  	s4 =	sor.u32 @!p0 s4, s6;
	[sflag:s5] =	ssyncadd.s32 @!p0 $0xFFFFFFFF  }
0xb3: {  	s25 =	simm.s32 $0x1B8E;
	s24 =	sld [smem:$0x3FFE];
	[sflag:s4] =	ssyncadd.remote.s32 @!p0 $0x1  }
0xb4: {  	s26 =	simm.s32 $execute0_lowered;
	[smem:$0x3FD2] =	sst s25  }
0xb5: {  	s5 =	sshll.u32 s26, $0x1;
	_ =	strace $0x80000064;
	[dreg:$0x1] =	wrdreg $0xFFFFFFFF  }
0xb6: {  	s28 =	simm.s32 $_size_execute0_lowered;
	s3 =	sadd.s32 s3, s5;
	[dreg:$0x0] =	wrdreg $0x0  }
0xb7: {  	s5 =	sshll.u32 s28, $0x1;
	[dreg:$0x2] =	wrdreg s3  }
0xb8: {  	[dreg:$0x3] =	wrdreg s5  }
0xb9: {  	[dreg:$0x4] =	wrdreg $0xC0  }
0xba: {  	_ =	task [dreg:s22], $0x5FFFF  }
0xbb: {  	[dreg:$0x1] =	wrdreg $0xFFFFFFFF  }
0xbc: {  	[dreg:$0x0] =	wrdreg $0x60  }
0xbd: {  	[dreg:$0x2] =	wrdreg s24  }
0xbe: {  	[dreg:$0x3] =	wrdreg $0x0  }
0xbf: {  	[dreg:$0x4] =	wrdreg $0xB  }
0xc0: {  	_ =	task.clear_ibuf [dreg:s22], $0x5FFFF;
	_ =	strace $0x90000064  }
0xc1: {  	s29 =	simm.s32 $0xB;
	_ =	strace $0x80000066  }
0xc2: {  	_ =	swait.ge [sflag:s29], $0x1  }
0xc3: {  	[sflag:s29] =	ssyncadd.s32 $0xFFFFFFFF  }
0xc4: {  	_ =	strace $0x90000066  }
0xc5: {  	_ =	sfence  }
0xc6: {  	s30 =	sld [smem:$0x0];
	_ =	sdelay $0x2  }
0xc7: {  	s31 =	sshll.u32 s1, $0xD;
	s1 =	sshrl.u32 s1, $0x2  }
0xc8: {  	s4 =	sand.u32 $0x4000, s31;
	s1 =	sadd.s32 s1, s30  }
0xc9: {  	s0 =	sor.u32 s4, s0;
	s1 =	sshll.u32 s1, $0x11  }
0xca: {  	s0 =	sor.u32 s1, s0  }
0xcb: {  	s0 =	sadd.s32 $0x8F2B, s0  }
0xcc: {  	[sflag:s0] =	ssyncadd.remote.s32 $0x1  }
0xcd: {  	_ =	sfence.sel $0xFFFF  }
0xce: {  	[dreg:$0x0] =	wrdreg $0xFFFFFFFF;
	(pc) =	sbr.abs _section_cstart, $3  }
0xcf: {  	[dreg:$0x1] =	wrdreg $0xFFFFFFFF  }
0xd0: {  	_ =	task.clear_ibuf [dreg:s22], $0x2FFFF;
	_ =	strace $0x9FFFFFFF  }
0xd1: {  	(tm) =	ssettm $0x7FFFFFFF  }
tec
execute0_lowered:
.L_overlay_start_1:
0x0: {  	(tag) =	ssettag $0x1  }
0x1: {  	s0 =	stileid.u32;
	s1 =	srdreg.scid  }
0x2: {  	s5 =	rddreg [dreg:$0x0];
	s4 =	smul.u32 $0x4E200, s0  }
0x3: {  	s2 =	rddreg [dreg:$0x1];
	s7 =	smul.u32 $0x4E20, s0  }
0x4: {  	s3 =	simm.s32 $0x0;
	s13 =	simm.s32 $0x14100;
	s10 =	smul.u32 $0x14000, s0  }
0x5: {  	s14 =	simm.s32 $0xC8;
	s6 =	sand.u32 $0x1, s1;
	s29 =	smul.u32 $0x50000, s0  }
0x6: {  	s15 =	simm.s32 $0x0;
	s1 =	rddreg [dreg:$0x2];
	s8 =	smul.u32 $0x2710, s6  }
0x7: {  	[smem:$0x7FF] =	sst s3;
	s31 =	sshll.u32 s0, $0x6;
	s9 =	smul.u32 $0x140000, s6  }
0x8: {  	_ =	strace $0x80000065;
	s30 =	ssub.s32 $0x2, s6;
	s12 =	smul.u32 $0x27100, s6  }
0x9: {  	s24 =	sadd.s32 s4, s5;
	s4 =	sadd.s32 $0x77400, s5;
	s11 =	sshrl.u32 s30, $0x1  }
0xa: {  	s7 =	sadd.s32 s8, s7;
	s26 =	sadd.s32 s10, s9;
	s10 =	sshrl.u32 s29, $0x2  }
0xb: {  	s11 =	ssub.s32 s30, s11;
	s8 =	sadd.s32 s12, s24;
	s12 =	simm.s32 $0x14000  }
0xc: {  	s25 =	sshrl.u32 s7, $0x3;
	s7 =	sshrl.u32 s26, $0x3;
	s10 =	sadd.s32 s10, s2  }
0xd: {  	s8 =	sadd.s32 $0x22F3800, s8;
	s28 =	sadd.s32 s25, s5;
	s7 =	sadd.s32 s7, s5  }
0xe: {  	s5 =	sor.u32 $0x1C01, s31;
	s10 =	sshrl.u32 s10, $0x3;
	s6 =	sadd.s32 $0x169C00, s7  }
0xf: {  	s7 =	smax.u32 s11, $0x1;
	s9 =	sadd.s32 $0x6D600, s28;
	s11 =	simm.s32 $0x1  }
.LBB2_1:
0x10: {  	[spmem:s10], [sflag:s5] =	dma.local [hbm:s4], $0x2800  }
0x11: {  	_ =	swait.ge [sflag:s11], $0x2800  }
0x12: {  	[sflag:s11] =	ssyncset.done $0x0  }
0x13: {  	[sflag:s11] =	ssyncadd.s32 $0xFFFFD800  }
0x14: {  	s16 =	sadd.s32 $0x0, s9;
	[bflag:$0x0] =	sbarrier.arrive $0xFFFF  }
0x15: {  	[tilespmem:s12], [sflag:$0x1] =	stream.linear.gather [hbm4b:s16+s3], $0xC8, $0x38;
	[tilespmem:$0x1A500] =	vst v63  }
0x16: {  	_ =	swait.ge [sflag:s11], $0xC8  }
0x17: {  	[sflag:s11] =	ssyncset.done $0x0  }
0x18: {  	[sflag:s11] =	ssyncadd.s32 $0xFFFFFF38  }
0x19: {  	[tilespmem:s13], [sflag:$0x1] =	stream.linear.gather [hbm4b:s8+s3], $0x6400, $0x38;
	[tilespmem:$0x1A500] =	vst v63  }
0x1a: {  	_ =	swait.ge [sflag:s11], $0x6400  }
0x1b: {  	[sflag:s11] =	ssyncset.done $0x0  }
0x1c: {  	[sflag:s11] =	ssyncadd.s32 $0xFFFF9C00  }
0x1d: {  	[spmem:s2] =	stream.indirect.scatter.add.f32 [tilespmem:s13], [sflag:$0x1], $0x80, s12, s14, $0xb8;
	[tilespmem:$0x1A500] =	vst v63  }
0x1e: {  	s17 =	simm.s32 $0x19;
	_ =	swait.ge [sflag:s11], $0x6400  }
0x1f: {  	s18 =	simm.s32 $0x32;
	s16 =	sadd.s32 $0xC80, s8;
	[sflag:s11] =	ssyncset.done $0x0  }
.LBB2_2:
0x20: {  	s19 =	sadd.s32 s17, s9  }
0x21: {  	[sflag:s11] =	ssyncadd.s32 $0xFFFF9C00;
	s17 =	smov.u32 s18;
	s20 =	sadd.s32 $0x19, s18  }
0x22: {  	[tilespmem:s12], [sflag:$0x1] =	stream.linear.gather [hbm4b:s19+s3], $0xC8, $0x38;
	[tilespmem:$0x1A500] =	vst v63  }
0x23: {  	p0 =	sne.s32 s18, $0x4C9;
	_ =	swait.ge [sflag:s11], $0xC8  }
0x24: {  	[sflag:s11] =	ssyncset.done $0x0  }
0x25: {  	[sflag:s11] =	ssyncadd.s32 $0xFFFFFF38  }
0x26: {  	[tilespmem:s13], [sflag:$0x1] =	stream.linear.gather [hbm4b:s16+s3], $0x6400, $0x38;
	[tilespmem:$0x1A500] =	vst v63  }
0x27: {  	_ =	swait.ge [sflag:s11], $0x6400  }
.Ltmp0:
0x28: {  	[sflag:s11] =	ssyncset.done $0x0;
	(pc) =	sbr.rel @p0 .LBB2_2-.Ltmp0, $4  }
0x29: {  	[sflag:s11] =	ssyncadd.s32 $0xFFFF9C00  }
0x2a: {  	[spmem:s2] =	stream.indirect.scatter.add.f32 [tilespmem:s13], [sflag:$0x1], $0x80, s12, s14, $0xb8;
	[tilespmem:$0x1A500] =	vst v63  }
0x2b: {  	_ =	swait.ge [sflag:s11], $0x6400  }
0x2c: {  	s18 =	smov.u32 s20;
	s16 =	sadd.s32 $0xC80, s16;
	[sflag:s11] =	ssyncset.done $0x0  }
0x2d: {  	s17 =	sadd.s32 s17, s9;
	[sflag:s11] =	ssyncadd.s32 $0xFFFF9C00  }
0x2e: {  	[tilespmem:s12], [sflag:$0x1] =	stream.linear.gather [hbm4b:s17+s3], $0xC8, $0x38;
	[tilespmem:$0x1A500] =	vst v63  }
0x2f: {  	_ =	swait.ge [sflag:s11], $0xC8  }
0x30: {  	[sflag:s11] =	ssyncset.done $0x0  }
0x31: {  	[sflag:s11] =	ssyncadd.s32 $0xFFFFFF38  }
0x32: {  	[tilespmem:s13], [sflag:$0x1] =	stream.linear.gather [hbm4b:s16+s3], $0x6400, $0x38;
	[tilespmem:$0x1A500] =	vst v63  }
0x33: {  	_ =	swait.ge [sflag:s11], $0x6400  }
0x34: {  	[sflag:s11] =	ssyncset.done $0x0  }
0x35: {  	[sflag:s11] =	ssyncadd.s32 $0xFFFF9C00  }
0x36: {  	[spmem:s2] =	stream.indirect.scatter.add.f32 [tilespmem:s13], [sflag:$0x1], $0x80, s12, s14, $0xb8;
	[tilespmem:$0x1A500] =	vst v63  }
0x37: {  	_ =	swait.ge [sflag:s11], $0x6400  }
0x38: {  	s15 =	sadd.s32 $0x1, s15;
	[sflag:s11] =	ssyncset.done $0x0  }
0x39: {  	p0 =	sne.s32 s15, s7;
	[sflag:s11] =	ssyncadd.s32 $0xFFFF9C00  }
.Ltmp1:
0x3a: {  	[bflag:$0x0] =	sbarrier.arrive $0xFFFF;
	(pc) =	sbr.rel @p0 .LBB2_1-.Ltmp1, $4  }
0x3b: {  	[hbm:s6], [sflag:s5] =	dma.local [spmem:s10], $0x2800  }
0x3c: {  	_ =	swait.ge [sflag:s11], $0x2800  }
0x3d: {  	[sflag:s11] =	ssyncset.done $0x0  }
0x3e: {  	[sflag:s11] =	ssyncadd.s32 $0xFFFFD800  }
0x3f: {  	_ =	sfence.sel $0x180000  }
0x40: {  	[bflag:$0x0] =	sbarrier.arrive $0xFFFF  }
0x41: {  	p0 =	sne.s32 s0, $0x0;
	_ =	strace $0x90000065  }
0x42: {  	s0 =	sadd.s32 @!p0 $0x100000, s1;
	[bflag:$0x2] =	sbarrier.arrive $0xFFFF  }
0x43: {  	[sflag:s0] =	ssyncadd.tile.s32 @!p0 $0x1;
	_ =	shalt  }
.Lfunc_end2:
_tile_overlayer_lowered:
.L_overlay_start_2:
0x44: {  	(tag) =	ssettag $0x2  }
0x45: {  	s0 =	rddreg [dreg:$0x0];
	s2 =	stileid.u32  }
0x46: {  	s1 =	rddreg [dreg:$0x1];
	p0 =	sne.s32 s2, $0x0  }
0x47: {  	s3 =	rddreg [dreg:$0x2];
	[bflag:$0x3] =	sbarrier.arrive $0xFFFF;
	s2 =	simm.s32 @!p0 $0x1C01  }
0x48: {  	[timem:s3], [sflag:s2] =	dma.local @!p0 [hbm:s0], s1  }
0x49: {  	s0 =	simm.s32 @!p0 $0x1  }
0x4a: {  	_ =	swait.ge @!p0 [sflag:s0], s1  }
0x4b: {  	s1 =	ssub.s32 @!p0 $0x0, s1;
	[sflag:s0] =	ssyncset.done @!p0 $0x0  }
0x4c: {  	[sflag:s0] =	ssyncadd.s32 @!p0 s1  }
0x4d: {  	[bflag:$0x3] =	sbarrier.arrive $0xFFFF  }
0x4e: {  	_ =	shalt  }

// kernel: kernel.65.cloned.1.call-start
scs
__scs_entry_jumppad:
0x0: {  	(pc) =	sbr.rel $0x88, $3  }
0x1: {  	(tag) =	ssettag $0x0;
	lr =	simm.s32 $0x1  }
0x2: {  	[smem:$0x3F8A] =	sst lr;
	_ =	strace $0xD0000000  }
0x3: {  	_ = 	snop  }
0x4: {  	_ = 	snop  }
0x5: {  	_ = 	snop  }
0x6: {  	_ = 	snop  }
0x7: {  	_ = 	snop  }
__scs_overlays_trampoline_lowered:
0x8: {  	[smem:$0x3F99] =	sst s0  }
0x9: {  	[smem:$0x3F9A] =	sst s1  }
0xa: {  	[smem:$0x3F9B] =	sst s2  }
0xb: {  	[smem:$0x3F9C] =	sst s3  }
0xc: {  	[smem:$0x3F9D] =	sst s4  }
0xd: {  	[smem:$0x3F9E] =	sst s5  }
0xe: {  	[smem:$0x3F9F] =	sst s6  }
0xf: {  	[smem:$0x3FA0] =	sst s7  }
0x10: {  	[smem:$0x3FA1] =	sst s8  }
0x11: {  	[smem:$0x3FA2] =	sst s9;
	s0 =	simm.s32 @!p0 $0x0  }
0x12: {  	s1 =	sld [smem:$0x3F88];
	s0 =	simm.s32 @p0 $0x1  }
0x13: {  	[smem:$0x3FA3] =	sst s0;
	s0 =	simm.s32 @!p1 $0x0  }
0x14: {  	s2 =	sld [smem:$0x3F87];
	s0 =	simm.s32 @p1 $0x1  }
0x15: {  	[smem:$0x3FA4] =	sst s0;
	s0 =	simm.s32 @!p2 $0x0  }
0x16: {  	s3 =	sld [smem:$0x3FDB];
	s0 =	simm.s32 @p2 $0x1  }
0x17: {  	s4 =	simm.s32 $0x1BF5;
	[smem:$0x3FA6] =	sst s0  }
0x18: {  	s0 =	sld [smem:$0x3F89];
	_ =	swait.ge [sflag:s4], $0x0  }
0x19: {  	s7 =	sld [smem:$0x3F8A]  }
0x1a: {  	s8 =	sadd.s32 $0xFFFFE003, lr  }
0x1b: {  	s9 =	sadd.s32 $0xFFFFFEF7, lr;
	s5 =	simm.s32 $0xFFFFFFFF;
	p2 =	slt.u32 s8, $0xFFFFF086  }
0x1c: {  	p1 =	slt.u32 s9, $0xF7A;
	s5 =	simm.s32 @!p2 $0x0  }
0x1d: {  	s5 =	simm.s32 @p1 $0x1;
	p0 =	seq.s32 s7, s2  }
0x1e: {  	s7 =	smul.u32 @!p0 $0xF7A, s2;
	p2 =	seq.s32 @!p0 s5, $0x0  }
0x1f: {  	s9 =	smul.u32 $0xF7A, s1;
	s8 =	simm.s32 @!p0 $0x1BF5;
	p2 =	por !p2, p0  }
0x20: {  	[sflag:s8] =	ssyncset.s32 @!p0 $0xFFFFF086;
	s6 =	sadd.s32 @!p0 s3, s7;
	s7 =	simm.s32 @!p0 $0x108  }
0x21: {  	s3 =	sadd.s32 s3, s9;
	s6 =	sadd.s32 @!p0 $0x88, s6;
	s7 =	simm.s32 @p2 $0x1082  }
0x22: {  	[simem:s7], [sflag:s8] =	dma.local @!p0 [hbm:s6], $0xF7A  }
0x23: {  	s9 =	sor.u32 $0xD0000000, s2;
	s6 =	simm.s32 $0x108;
	_ =	swait.ge @!p0 [sflag:s8], $0x0  }
0x24: {  	s3 =	sadd.s32 $0x88, s3;
	s6 =	simm.s32 @!p1 $0x1082;
	[sflag:s4] =	ssyncset.s32 $0xFFFFF086  }
0x25: {  	[simem:s6], [sflag:s4] =	dma.local [hbm:s3], $0xF7A  }
0x26: {  	[smem:$0x3F8A] =	sst s1;
	(tag) =	ssettag s2;
	_ =	strace s9  }
0x27: {  	s1 =	sld [smem:$0x3F9A]  }
0x28: {  	s2 =	sld [smem:$0x3F9B]  }
0x29: {  	s4 =	sld [smem:$0x3F9D]  }
0x2a: {  	p0 =	seq.s32 s5, $0x0;
	s5 =	sld [smem:$0x3F9E]  }
0x2b: {  	s6 =	sld [smem:$0x3F9F]  }
0x2c: {  	s7 =	sld [smem:$0x3FA0]  }
0x2d: {  	s3 =	simm.s32 $0x108;
	s8 =	sld [smem:$0x3FA1]  }
0x2e: {  	s3 =	simm.s32 @!p0 $0x1082;
	s9 =	sld [smem:$0x3FA2]  }
0x2f: {  	lr =	sadd.s32 s0, s3;
	s0 =	sld [smem:$0x3F99]  }
0x30: {  	s3 =	sld [smem:$0x3F9C]  }
0x31: {  	[smem:$0x3FA5] =	sst s10  }
0x32: {  	s10 =	sld [smem:$0x3FA3];
	_ =	sdelay $0x3  }
0x33: {  	p0 =	seq.s32 s10, $0x1;
	s10 =	sld [smem:$0x3FA5];
	_ =	sdelay $0x3  }
0x34: {  	[smem:$0x3FA5] =	sst s10  }
0x35: {  	s10 =	sld [smem:$0x3FA4];
	_ =	sdelay $0x3  }
0x36: {  	p1 =	seq.s32 s10, $0x1;
	s10 =	sld [smem:$0x3FA5];
	_ =	sdelay $0x3  }
0x37: {  	[smem:$0x3FA5] =	sst s10  }
0x38: {  	s10 =	sld [smem:$0x3FA6]  }
0x39: {  	_ = 	snop;
	(pc) =	sbr.ind lr, $3  }
0x3a: {  	_ = 	snop  }
0x3b: {  	_ = 	snop  }
0x3c: {  	p2 =	seq.s32 s10, $0x1;
	s10 =	sld [smem:$0x3FA5]  }
0x3d: {  	_ =	shalt  }
0x3e: {  	_ =	shalt  }
0x3f: {  	_ =	shalt  }
0x40: {  	_ =	shalt  }
0x41: {  	_ =	shalt  }
0x42: {  	_ =	shalt  }
0x43: {  	_ =	shalt  }
0x44: {  	_ =	shalt  }
0x45: {  	_ =	shalt  }
0x46: {  	_ =	shalt  }
0x47: {  	_ =	shalt  }
0x48: {  	_ =	shalt  }
0x49: {  	_ =	shalt  }
0x4a: {  	_ =	shalt  }
0x4b: {  	_ =	shalt  }
0x4c: {  	_ =	shalt  }
0x4d: {  	_ =	shalt  }
0x4e: {  	_ =	shalt  }
0x4f: {  	_ =	shalt  }
0x50: {  	_ =	shalt  }
0x51: {  	_ =	shalt  }
0x52: {  	_ =	shalt  }
0x53: {  	_ =	shalt  }
0x54: {  	_ =	shalt  }
0x55: {  	_ =	shalt  }
0x56: {  	_ =	shalt  }
0x57: {  	_ =	shalt  }
0x58: {  	_ =	shalt  }
0x59: {  	_ =	shalt  }
0x5a: {  	_ =	shalt  }
0x5b: {  	_ =	shalt  }
0x5c: {  	_ =	shalt  }
0x5d: {  	_ =	shalt  }
0x5e: {  	_ =	shalt  }
0x5f: {  	_ =	shalt  }
0x60: {  	_ =	shalt  }
0x61: {  	_ =	shalt  }
0x62: {  	_ =	shalt  }
0x63: {  	_ =	shalt  }
0x64: {  	_ =	shalt  }
0x65: {  	_ =	shalt  }
0x66: {  	_ =	shalt  }
0x67: {  	_ =	shalt  }
0x68: {  	_ =	shalt  }
0x69: {  	_ =	shalt  }
0x6a: {  	_ =	shalt  }
0x6b: {  	_ =	shalt  }
0x6c: {  	_ =	shalt  }
0x6d: {  	_ =	shalt  }
0x6e: {  	_ =	shalt  }
0x6f: {  	_ =	shalt  }
0x70: {  	_ =	shalt  }
0x71: {  	_ =	shalt  }
0x72: {  	_ =	shalt  }
0x73: {  	_ =	shalt  }
0x74: {  	_ =	shalt  }
0x75: {  	_ =	shalt  }
0x76: {  	_ =	shalt  }
0x77: {  	_ =	shalt  }
0x78: {  	_ =	shalt  }
0x79: {  	_ =	shalt  }
0x7a: {  	_ =	shalt  }
0x7b: {  	_ =	shalt  }
0x7c: {  	_ =	shalt  }
0x7d: {  	_ =	shalt  }
0x7e: {  	_ =	shalt  }
0x7f: {  	_ =	shalt  }
0x80: {  	_ =	shalt  }
0x81: {  	_ =	shalt  }
0x82: {  	_ =	shalt  }
0x83: {  	_ =	shalt  }
0x84: {  	_ =	shalt  }
0x85: {  	_ =	shalt  }
0x86: {  	_ =	shalt  }
0x87: {  	_ =	shalt  }
.Lfunc_end0:
.L_simem_size_0:
called_computation.10_lowered:
.L_overlay_start_0:
0x88: {  	s2 =	sld [smem:$0x3FD9]  }
0x89: {  	s3 =	sld [smem:$0x3FFE];
	_ =	sdelay $0x1  }
0x8a: {  	s1 =	srdreg.scid  }
0x8b: {  	s0 =	sand.u32 $0x1, s1  }
0x8c: {  	s17 =	sshll.u32 s0, $0xA;
	s2 =	sadd.s32 s3, s2  }
0x8d: {  	s2 =	sadd.s32 s2, s17  }
0x8e: {  	[smem:$0x3FB1] =	sst s2  }
0x8f: {  	_ = 	snop  }
0x90: {  	(tm) =	ssettm $0x1  }
0x91: {  	s18 =	sld [smem:$0x3FFB];
	_ =	sdelay $0x3  }
0x92: {  	_ =	strace s18  }
0x93: {  	s2 =	sld [smem:$0x3FFC];
	_ =	sdelay $0x3  }
0x94: {  	_ =	strace s2  }
0x95: {  	s2 =	sld [smem:$0x3FFD];
	_ =	sdelay $0x3  }
0x96: {  	_ =	strace s2  }
0x97: {  	_ =	strace $0x8FFFFFFF  }
0x98: {  	s19 =	sld [smem:$0x3FDB];
	_ =	sdelay $0x1  }
0x99: {  	s20 =	simm.s32 $_scs_section_size  }
0x9a: {  	s4 =	simm.s32 $_size__tile_overlayer_lowered;
	s5 =	simm.s32 $_tile_overlayer_lowered  }
0x9b: {  	s6 =	simm.s32 $0x1BFF;
	s21 =	sshll.u32 s5, $0x1;
	s3 =	sadd.s32 s20, s19  }
0x9c: {  	s22 =	simm.s32 $0x0;
	s4 =	sshll.u32 s4, $0x1;
	s5 =	sadd.s32 s21, s3  }
0x9d: {  	[timem:s22], [sflag:s6] =	dma.local [hbm:s5], s4  }
0x9e: {  	_ =	swait.ge [sflag:s6], s4  }
0x9f: {  	s4 =	ssub.s32 $0x0, s4;
	[sflag:s6] =	ssyncset.done $0x0  }
0xa0: {  	[sflag:s6] =	ssyncadd.s32 s4;
	_ =	sdelay $0x1  }
0xa1: {  	s23 =	simm.s32 $0x1B8B  }
0xa2: {  	_ =	swait.ge [sflag:s23], $0x1  }
0xa3: {  	[sflag:s23] =	ssyncset.done $0x0  }
0xa4: {  	[sflag:s23] =	ssyncadd.s32 $0xFFFFFFFF  }
0xa5: {  	s4 =	sld [smem:$0x0]  }
0xa6: {  	s5 =	sand.u32 $0xFFFFFFFE, s1  }
0xa7: {  	p0 =	sne.s32 s1, s5  }
0xa8: {  	s5 =	sshll.u32 @p0 s5, $0xE  }
0xa9: {  	s5 =	sadd.s32 @p0 $0x11B8D, s5;
	s6 =	sshll.u32 @p0 s4, $0x11  }
0xaa: {  	s5 =	sor.u32 @p0 s6, s5  }
0xab: {  	[sflag:s5] =	ssyncadd.remote.s32 @p0 $0x1;
	_ =	sdelay $0x1  }
0xac: {  	s5 =	simm.s32 @p0 $0x1B8D  }
0xad: {  	_ =	swait.eq @p0 [sflag:s5], $0x1  }
0xae: {  	[sflag:s5] =	ssyncadd.s32 @p0 $0xFFFFFFFF  }
0xaf: {  	s6 =	sshll.u32 @!p0 s1, $0xE  }
0xb0: {  	s6 =	sor.u32 @!p0 $0x4000, s6;
	s5 =	simm.s32 @!p0 $0x1B8D  }
0xb1: {  	s4 =	sshll.u32 @!p0 s4, $0x11;
	s6 =	sadd.s32 @!p0 $0x11B8D, s6;
	_ =	swait.eq @!p0 [sflag:s5], $0x1  }
0xb2: {  	s4 =	sor.u32 @!p0 s4, s6;
	[sflag:s5] =	ssyncadd.s32 @!p0 $0xFFFFFFFF  }
0xb3: {  	s25 =	simm.s32 $0x1B8E;
	s24 =	sld [smem:$0x3FFE];
	[sflag:s4] =	ssyncadd.remote.s32 @!p0 $0x1  }
0xb4: {  	s26 =	simm.s32 $execute0_lowered;
	[smem:$0x3FD2] =	sst s25  }
0xb5: {  	s5 =	sshll.u32 s26, $0x1;
	_ =	strace $0x80000061;
	[dreg:$0x1] =	wrdreg $0xFFFFFFFF  }
0xb6: {  	s28 =	simm.s32 $_size_execute0_lowered;
	s3 =	sadd.s32 s3, s5;
	[dreg:$0x0] =	wrdreg $0x0  }
0xb7: {  	s5 =	sshll.u32 s28, $0x1;
	[dreg:$0x2] =	wrdreg s3  }
0xb8: {  	[dreg:$0x3] =	wrdreg s5  }
0xb9: {  	[dreg:$0x4] =	wrdreg $0xC0  }
0xba: {  	_ =	task [dreg:s22], $0x5FFFF  }
0xbb: {  	[dreg:$0x1] =	wrdreg $0xFFFFFFFF  }
0xbc: {  	[dreg:$0x0] =	wrdreg $0x60  }
0xbd: {  	[dreg:$0x2] =	wrdreg s24  }
0xbe: {  	[dreg:$0x3] =	wrdreg $0x0  }
0xbf: {  	[dreg:$0x4] =	wrdreg $0xC  }
0xc0: {  	_ =	task.clear_ibuf [dreg:s22], $0x5FFFF;
	_ =	strace $0x90000061  }
0xc1: {  	s29 =	simm.s32 $0xC;
	_ =	strace $0x80000063  }
0xc2: {  	_ =	swait.ge [sflag:s29], $0x1  }
0xc3: {  	[sflag:s29] =	ssyncadd.s32 $0xFFFFFFFF  }
0xc4: {  	_ =	strace $0x90000063  }
0xc5: {  	_ =	sfence  }
0xc6: {  	s30 =	sld [smem:$0x0];
	_ =	sdelay $0x2  }
0xc7: {  	s31 =	sshll.u32 s1, $0xD;
	s1 =	sshrl.u32 s1, $0x2  }
0xc8: {  	s4 =	sand.u32 $0x4000, s31;
	s1 =	sadd.s32 s1, s30  }
0xc9: {  	s0 =	sor.u32 s4, s0;
	s1 =	sshll.u32 s1, $0x11  }
0xca: {  	s0 =	sor.u32 s1, s0  }
0xcb: {  	s0 =	sadd.s32 $0x8F2B, s0  }
0xcc: {  	[sflag:s0] =	ssyncadd.remote.s32 $0x1  }
0xcd: {  	_ =	sfence.sel $0xFFFF  }
0xce: {  	[dreg:$0x0] =	wrdreg $0xFFFFFFFF;
	(pc) =	sbr.abs _section_cstart, $3  }
0xcf: {  	[dreg:$0x1] =	wrdreg $0xFFFFFFFF  }
0xd0: {  	_ =	task.clear_ibuf [dreg:s22], $0x2FFFF;
	_ =	strace $0x9FFFFFFF  }
0xd1: {  	(tm) =	ssettm $0x7FFFFFFF  }
tec
execute0_lowered:
.L_overlay_start_1:
0x0: {  	(tag) =	ssettag $0x1  }
0x1: {  	s0 =	stileid.u32;
	s1 =	srdreg.scid  }
0x2: {  	s5 =	rddreg [dreg:$0x0];
	s4 =	smul.u32 $0x4E200, s0  }
0x3: {  	s2 =	rddreg [dreg:$0x1];
	s7 =	smul.u32 $0x4E20, s0  }
0x4: {  	s3 =	simm.s32 $0x0;
	s13 =	simm.s32 $0x14100;
	s10 =	smul.u32 $0x14000, s0  }
0x5: {  	s14 =	simm.s32 $0xC8;
	s6 =	sand.u32 $0x1, s1;
	s29 =	smul.u32 $0x50000, s0  }
0x6: {  	s15 =	simm.s32 $0x0;
	s1 =	rddreg [dreg:$0x2];
	s8 =	smul.u32 $0x2710, s6  }
0x7: {  	[smem:$0x7FF] =	sst s3;
	s31 =	sshll.u32 s0, $0x6;
	s9 =	smul.u32 $0x140000, s6  }
0x8: {  	_ =	strace $0x80000062;
	s30 =	ssub.s32 $0x2, s6;
	s12 =	smul.u32 $0x27100, s6  }
0x9: {  	s24 =	sadd.s32 s4, s5;
	s4 =	sadd.s32 $0x77400, s5;
	s11 =	sshrl.u32 s30, $0x1  }
0xa: {  	s7 =	sadd.s32 s8, s7;
	s26 =	sadd.s32 s10, s9;
	s10 =	sshrl.u32 s29, $0x2  }
0xb: {  	s11 =	ssub.s32 s30, s11;
	s8 =	sadd.s32 s12, s24;
	s12 =	simm.s32 $0x14000  }
0xc: {  	s25 =	sshrl.u32 s7, $0x3;
	s7 =	sshrl.u32 s26, $0x3;
	s10 =	sadd.s32 s10, s2  }
0xd: {  	s8 =	sadd.s32 $0x1E11800, s8;
	s28 =	sadd.s32 s25, s5;
	s7 =	sadd.s32 s7, s5  }
0xe: {  	s5 =	sor.u32 $0x1C01, s31;
	s10 =	sshrl.u32 s10, $0x3;
	s6 =	sadd.s32 $0x119C00, s7  }
0xf: {  	s7 =	smax.u32 s11, $0x1;
	s9 =	sadd.s32 $0x6D600, s28;
	s11 =	simm.s32 $0x1  }
.LBB2_1:
0x10: {  	[spmem:s10], [sflag:s5] =	dma.local [hbm:s4], $0x2800  }
0x11: {  	_ =	swait.ge [sflag:s11], $0x2800  }
0x12: {  	[sflag:s11] =	ssyncset.done $0x0  }
0x13: {  	[sflag:s11] =	ssyncadd.s32 $0xFFFFD800  }
0x14: {  	s16 =	sadd.s32 $0x0, s9;
	[bflag:$0x0] =	sbarrier.arrive $0xFFFF  }
0x15: {  	[tilespmem:s12], [sflag:$0x1] =	stream.linear.gather [hbm4b:s16+s3], $0xC8, $0x38;
	[tilespmem:$0x1A500] =	vst v63  }
0x16: {  	_ =	swait.ge [sflag:s11], $0xC8  }
0x17: {  	[sflag:s11] =	ssyncset.done $0x0  }
0x18: {  	[sflag:s11] =	ssyncadd.s32 $0xFFFFFF38  }
0x19: {  	[tilespmem:s13], [sflag:$0x1] =	stream.linear.gather [hbm4b:s8+s3], $0x6400, $0x38;
	[tilespmem:$0x1A500] =	vst v63  }
0x1a: {  	_ =	swait.ge [sflag:s11], $0x6400  }
0x1b: {  	[sflag:s11] =	ssyncset.done $0x0  }
0x1c: {  	[sflag:s11] =	ssyncadd.s32 $0xFFFF9C00  }
0x1d: {  	[spmem:s2] =	stream.indirect.scatter.add.f32 [tilespmem:s13], [sflag:$0x1], $0x80, s12, s14, $0xb8;
	[tilespmem:$0x1A500] =	vst v63  }
0x1e: {  	s17 =	simm.s32 $0x19;
	_ =	swait.ge [sflag:s11], $0x6400  }
0x1f: {  	s18 =	simm.s32 $0x32;
	s16 =	sadd.s32 $0xC80, s8;
	[sflag:s11] =	ssyncset.done $0x0  }
.LBB2_2:
0x20: {  	s19 =	sadd.s32 s17, s9  }
0x21: {  	[sflag:s11] =	ssyncadd.s32 $0xFFFF9C00;
	s17 =	smov.u32 s18;
	s20 =	sadd.s32 $0x19, s18  }
0x22: {  	[tilespmem:s12], [sflag:$0x1] =	stream.linear.gather [hbm4b:s19+s3], $0xC8, $0x38;
	[tilespmem:$0x1A500] =	vst v63  }
0x23: {  	p0 =	sne.s32 s18, $0x4C9;
	_ =	swait.ge [sflag:s11], $0xC8  }
0x24: {  	[sflag:s11] =	ssyncset.done $0x0  }
0x25: {  	[sflag:s11] =	ssyncadd.s32 $0xFFFFFF38  }
0x26: {  	[tilespmem:s13], [sflag:$0x1] =	stream.linear.gather [hbm4b:s16+s3], $0x6400, $0x38;
	[tilespmem:$0x1A500] =	vst v63  }
0x27: {  	_ =	swait.ge [sflag:s11], $0x6400  }
.Ltmp0:
0x28: {  	[sflag:s11] =	ssyncset.done $0x0;
	(pc) =	sbr.rel @p0 .LBB2_2-.Ltmp0, $4  }
0x29: {  	[sflag:s11] =	ssyncadd.s32 $0xFFFF9C00  }
0x2a: {  	[spmem:s2] =	stream.indirect.scatter.add.f32 [tilespmem:s13], [sflag:$0x1], $0x80, s12, s14, $0xb8;
	[tilespmem:$0x1A500] =	vst v63  }
0x2b: {  	_ =	swait.ge [sflag:s11], $0x6400  }
0x2c: {  	s18 =	smov.u32 s20;
	s16 =	sadd.s32 $0xC80, s16;
	[sflag:s11] =	ssyncset.done $0x0  }
0x2d: {  	s17 =	sadd.s32 s17, s9;
	[sflag:s11] =	ssyncadd.s32 $0xFFFF9C00  }
0x2e: {  	[tilespmem:s12], [sflag:$0x1] =	stream.linear.gather [hbm4b:s17+s3], $0xC8, $0x38;
	[tilespmem:$0x1A500] =	vst v63  }
0x2f: {  	_ =	swait.ge [sflag:s11], $0xC8  }
0x30: {  	[sflag:s11] =	ssyncset.done $0x0  }
0x31: {  	[sflag:s11] =	ssyncadd.s32 $0xFFFFFF38  }
0x32: {  	[tilespmem:s13], [sflag:$0x1] =	stream.linear.gather [hbm4b:s16+s3], $0x6400, $0x38;
	[tilespmem:$0x1A500] =	vst v63  }
0x33: {  	_ =	swait.ge [sflag:s11], $0x6400  }
0x34: {  	[sflag:s11] =	ssyncset.done $0x0  }
0x35: {  	[sflag:s11] =	ssyncadd.s32 $0xFFFF9C00  }
0x36: {  	[spmem:s2] =	stream.indirect.scatter.add.f32 [tilespmem:s13], [sflag:$0x1], $0x80, s12, s14, $0xb8;
	[tilespmem:$0x1A500] =	vst v63  }
0x37: {  	_ =	swait.ge [sflag:s11], $0x6400  }
0x38: {  	s15 =	sadd.s32 $0x1, s15;
	[sflag:s11] =	ssyncset.done $0x0  }
0x39: {  	p0 =	sne.s32 s15, s7;
	[sflag:s11] =	ssyncadd.s32 $0xFFFF9C00  }
.Ltmp1:
0x3a: {  	[bflag:$0x0] =	sbarrier.arrive $0xFFFF;
	(pc) =	sbr.rel @p0 .LBB2_1-.Ltmp1, $4  }
0x3b: {  	[hbm:s6], [sflag:s5] =	dma.local [spmem:s10], $0x2800  }
0x3c: {  	_ =	swait.ge [sflag:s11], $0x2800  }
0x3d: {  	[sflag:s11] =	ssyncset.done $0x0  }
0x3e: {  	[sflag:s11] =	ssyncadd.s32 $0xFFFFD800  }
0x3f: {  	_ =	sfence.sel $0x180000  }
0x40: {  	[bflag:$0x0] =	sbarrier.arrive $0xFFFF  }
0x41: {  	p0 =	sne.s32 s0, $0x0;
	_ =	strace $0x90000062  }
0x42: {  	s0 =	sadd.s32 @!p0 $0x100000, s1;
	[bflag:$0x2] =	sbarrier.arrive $0xFFFF  }
0x43: {  	[sflag:s0] =	ssyncadd.tile.s32 @!p0 $0x1;
	_ =	shalt  }
.Lfunc_end2:
_tile_overlayer_lowered:
.L_overlay_start_2:
0x44: {  	(tag) =	ssettag $0x2  }
0x45: {  	s0 =	rddreg [dreg:$0x0];
	s2 =	stileid.u32  }
0x46: {  	s1 =	rddreg [dreg:$0x1];
	p0 =	sne.s32 s2, $0x0  }
0x47: {  	s3 =	rddreg [dreg:$0x2];
	[bflag:$0x3] =	sbarrier.arrive $0xFFFF;
	s2 =	simm.s32 @!p0 $0x1C01  }
0x48: {  	[timem:s3], [sflag:s2] =	dma.local @!p0 [hbm:s0], s1  }
0x49: {  	s0 =	simm.s32 @!p0 $0x1  }
0x4a: {  	_ =	swait.ge @!p0 [sflag:s0], s1  }
0x4b: {  	s1 =	ssub.s32 @!p0 $0x0, s1;
	[sflag:s0] =	ssyncset.done @!p0 $0x0  }
0x4c: {  	[sflag:s0] =	ssyncadd.s32 @!p0 s1  }
0x4d: {  	[bflag:$0x3] =	sbarrier.arrive $0xFFFF  }
0x4e: {  	_ =	shalt  }

// kernel: kernel.68.cloned.1.call-start
scs
__scs_entry_jumppad:
0x0: {  	(pc) =	sbr.rel $0x88, $3  }
0x1: {  	(tag) =	ssettag $0x0;
	lr =	simm.s32 $0x1  }
0x2: {  	[smem:$0x3F8A] =	sst lr;
	_ =	strace $0xD0000000  }
0x3: {  	_ = 	snop  }
0x4: {  	_ = 	snop  }
0x5: {  	_ = 	snop  }
0x6: {  	_ = 	snop  }
0x7: {  	_ = 	snop  }
__scs_overlays_trampoline_lowered:
0x8: {  	[smem:$0x3F99] =	sst s0  }
0x9: {  	[smem:$0x3F9A] =	sst s1  }
0xa: {  	[smem:$0x3F9B] =	sst s2  }
0xb: {  	[smem:$0x3F9C] =	sst s3  }
0xc: {  	[smem:$0x3F9D] =	sst s4  }
0xd: {  	[smem:$0x3F9E] =	sst s5  }
0xe: {  	[smem:$0x3F9F] =	sst s6  }
0xf: {  	[smem:$0x3FA0] =	sst s7  }
0x10: {  	[smem:$0x3FA1] =	sst s8  }
0x11: {  	[smem:$0x3FA2] =	sst s9;
	s0 =	simm.s32 @!p0 $0x0  }
0x12: {  	s1 =	sld [smem:$0x3F88];
	s0 =	simm.s32 @p0 $0x1  }
0x13: {  	[smem:$0x3FA3] =	sst s0;
	s0 =	simm.s32 @!p1 $0x0  }
0x14: {  	s2 =	sld [smem:$0x3F87];
	s0 =	simm.s32 @p1 $0x1  }
0x15: {  	[smem:$0x3FA4] =	sst s0;
	s0 =	simm.s32 @!p2 $0x0  }
0x16: {  	s3 =	sld [smem:$0x3FDB];
	s0 =	simm.s32 @p2 $0x1  }
0x17: {  	s4 =	simm.s32 $0x1BF5;
	[smem:$0x3FA6] =	sst s0  }
0x18: {  	s0 =	sld [smem:$0x3F89];
	_ =	swait.ge [sflag:s4], $0x0  }
0x19: {  	s7 =	sld [smem:$0x3F8A]  }
0x1a: {  	s8 =	sadd.s32 $0xFFFFE003, lr  }
0x1b: {  	s9 =	sadd.s32 $0xFFFFFEF7, lr;
	s5 =	simm.s32 $0xFFFFFFFF;
	p2 =	slt.u32 s8, $0xFFFFF086  }
0x1c: {  	p1 =	slt.u32 s9, $0xF7A;
	s5 =	simm.s32 @!p2 $0x0  }
0x1d: {  	s5 =	simm.s32 @p1 $0x1;
	p0 =	seq.s32 s7, s2  }
0x1e: {  	s7 =	smul.u32 @!p0 $0xF7A, s2;
	p2 =	seq.s32 @!p0 s5, $0x0  }
0x1f: {  	s9 =	smul.u32 $0xF7A, s1;
	s8 =	simm.s32 @!p0 $0x1BF5;
	p2 =	por !p2, p0  }
0x20: {  	[sflag:s8] =	ssyncset.s32 @!p0 $0xFFFFF086;
	s6 =	sadd.s32 @!p0 s3, s7;
	s7 =	simm.s32 @!p0 $0x108  }
0x21: {  	s3 =	sadd.s32 s3, s9;
	s6 =	sadd.s32 @!p0 $0x88, s6;
	s7 =	simm.s32 @p2 $0x1082  }
0x22: {  	[simem:s7], [sflag:s8] =	dma.local @!p0 [hbm:s6], $0xF7A  }
0x23: {  	s9 =	sor.u32 $0xD0000000, s2;
	s6 =	simm.s32 $0x108;
	_ =	swait.ge @!p0 [sflag:s8], $0x0  }
0x24: {  	s3 =	sadd.s32 $0x88, s3;
	s6 =	simm.s32 @!p1 $0x1082;
	[sflag:s4] =	ssyncset.s32 $0xFFFFF086  }
0x25: {  	[simem:s6], [sflag:s4] =	dma.local [hbm:s3], $0xF7A  }
0x26: {  	[smem:$0x3F8A] =	sst s1;
	(tag) =	ssettag s2;
	_ =	strace s9  }
0x27: {  	s1 =	sld [smem:$0x3F9A]  }
0x28: {  	s2 =	sld [smem:$0x3F9B]  }
0x29: {  	s4 =	sld [smem:$0x3F9D]  }
0x2a: {  	p0 =	seq.s32 s5, $0x0;
	s5 =	sld [smem:$0x3F9E]  }
0x2b: {  	s6 =	sld [smem:$0x3F9F]  }
0x2c: {  	s7 =	sld [smem:$0x3FA0]  }
0x2d: {  	s3 =	simm.s32 $0x108;
	s8 =	sld [smem:$0x3FA1]  }
0x2e: {  	s3 =	simm.s32 @!p0 $0x1082;
	s9 =	sld [smem:$0x3FA2]  }
0x2f: {  	lr =	sadd.s32 s0, s3;
	s0 =	sld [smem:$0x3F99]  }
0x30: {  	s3 =	sld [smem:$0x3F9C]  }
0x31: {  	[smem:$0x3FA5] =	sst s10  }
0x32: {  	s10 =	sld [smem:$0x3FA3];
	_ =	sdelay $0x3  }
0x33: {  	p0 =	seq.s32 s10, $0x1;
	s10 =	sld [smem:$0x3FA5];
	_ =	sdelay $0x3  }
0x34: {  	[smem:$0x3FA5] =	sst s10  }
0x35: {  	s10 =	sld [smem:$0x3FA4];
	_ =	sdelay $0x3  }
0x36: {  	p1 =	seq.s32 s10, $0x1;
	s10 =	sld [smem:$0x3FA5];
	_ =	sdelay $0x3  }
0x37: {  	[smem:$0x3FA5] =	sst s10  }
0x38: {  	s10 =	sld [smem:$0x3FA6]  }
0x39: {  	_ = 	snop;
	(pc) =	sbr.ind lr, $3  }
0x3a: {  	_ = 	snop  }
0x3b: {  	_ = 	snop  }
0x3c: {  	p2 =	seq.s32 s10, $0x1;
	s10 =	sld [smem:$0x3FA5]  }
0x3d: {  	_ =	shalt  }
0x3e: {  	_ =	shalt  }
0x3f: {  	_ =	shalt  }
0x40: {  	_ =	shalt  }
0x41: {  	_ =	shalt  }
0x42: {  	_ =	shalt  }
0x43: {  	_ =	shalt  }
0x44: {  	_ =	shalt  }
0x45: {  	_ =	shalt  }
0x46: {  	_ =	shalt  }
0x47: {  	_ =	shalt  }
0x48: {  	_ =	shalt  }
0x49: {  	_ =	shalt  }
0x4a: {  	_ =	shalt  }
0x4b: {  	_ =	shalt  }
0x4c: {  	_ =	shalt  }
0x4d: {  	_ =	shalt  }
0x4e: {  	_ =	shalt  }
0x4f: {  	_ =	shalt  }
0x50: {  	_ =	shalt  }
0x51: {  	_ =	shalt  }
0x52: {  	_ =	shalt  }
0x53: {  	_ =	shalt  }
0x54: {  	_ =	shalt  }
0x55: {  	_ =	shalt  }
0x56: {  	_ =	shalt  }
0x57: {  	_ =	shalt  }
0x58: {  	_ =	shalt  }
0x59: {  	_ =	shalt  }
0x5a: {  	_ =	shalt  }
0x5b: {  	_ =	shalt  }
0x5c: {  	_ =	shalt  }
0x5d: {  	_ =	shalt  }
0x5e: {  	_ =	shalt  }
0x5f: {  	_ =	shalt  }
0x60: {  	_ =	shalt  }
0x61: {  	_ =	shalt  }
0x62: {  	_ =	shalt  }
0x63: {  	_ =	shalt  }
0x64: {  	_ =	shalt  }
0x65: {  	_ =	shalt  }
0x66: {  	_ =	shalt  }
0x67: {  	_ =	shalt  }
0x68: {  	_ =	shalt  }
0x69: {  	_ =	shalt  }
0x6a: {  	_ =	shalt  }
0x6b: {  	_ =	shalt  }
0x6c: {  	_ =	shalt  }
0x6d: {  	_ =	shalt  }
0x6e: {  	_ =	shalt  }
0x6f: {  	_ =	shalt  }
0x70: {  	_ =	shalt  }
0x71: {  	_ =	shalt  }
0x72: {  	_ =	shalt  }
0x73: {  	_ =	shalt  }
0x74: {  	_ =	shalt  }
0x75: {  	_ =	shalt  }
0x76: {  	_ =	shalt  }
0x77: {  	_ =	shalt  }
0x78: {  	_ =	shalt  }
0x79: {  	_ =	shalt  }
0x7a: {  	_ =	shalt  }
0x7b: {  	_ =	shalt  }
0x7c: {  	_ =	shalt  }
0x7d: {  	_ =	shalt  }
0x7e: {  	_ =	shalt  }
0x7f: {  	_ =	shalt  }
0x80: {  	_ =	shalt  }
0x81: {  	_ =	shalt  }
0x82: {  	_ =	shalt  }
0x83: {  	_ =	shalt  }
0x84: {  	_ =	shalt  }
0x85: {  	_ =	shalt  }
0x86: {  	_ =	shalt  }
0x87: {  	_ =	shalt  }
.Lfunc_end0:
.L_simem_size_0:
called_computation.11_lowered:
.L_overlay_start_0:
0x88: {  	s2 =	sld [smem:$0x3FD9]  }
0x89: {  	s3 =	sld [smem:$0x3FFE];
	_ =	sdelay $0x1  }
0x8a: {  	s1 =	srdreg.scid  }
0x8b: {  	s0 =	sand.u32 $0x1, s1  }
0x8c: {  	s16 =	sshll.u32 s0, $0xA;
	s2 =	sadd.s32 s3, s2  }
0x8d: {  	s2 =	sadd.s32 s2, s16  }
0x8e: {  	[smem:$0x3FB1] =	sst s2  }
0x8f: {  	_ = 	snop  }
0x90: {  	(tm) =	ssettm $0x1  }
0x91: {  	s17 =	sld [smem:$0x3FFB];
	_ =	sdelay $0x3  }
0x92: {  	_ =	strace s17  }
0x93: {  	s2 =	sld [smem:$0x3FFC];
	_ =	sdelay $0x3  }
0x94: {  	_ =	strace s2  }
0x95: {  	s2 =	sld [smem:$0x3FFD];
	_ =	sdelay $0x3  }
0x96: {  	_ =	strace s2  }
0x97: {  	_ =	strace $0x8FFFFFFF  }
0x98: {  	s18 =	sld [smem:$0x3FDB];
	_ =	sdelay $0x1  }
0x99: {  	s19 =	simm.s32 $_scs_section_size  }
0x9a: {  	s4 =	simm.s32 $_size__tile_overlayer_lowered;
	s5 =	simm.s32 $_tile_overlayer_lowered  }
0x9b: {  	s22 =	simm.s32 $0x1BFF;
	s21 =	sshll.u32 s5, $0x1;
	s2 =	sadd.s32 s19, s18  }
0x9c: {  	s6 =	simm.s32 $0x0;
	s20 =	sshll.u32 s4, $0x1;
	s4 =	sadd.s32 s21, s2  }
0x9d: {  	[timem:s6], [sflag:s22] =	dma.local [hbm:s4], s20  }
0x9e: {  	_ =	swait.ge [sflag:s22], s20  }
0x9f: {  	s3 =	ssub.s32 $0x0, s20;
	[sflag:s22] =	ssyncset.done $0x0  }
0xa0: {  	[sflag:s22] =	ssyncadd.s32 s3;
	_ =	sdelay $0x1  }
0xa1: {  	s23 =	simm.s32 $0x1B8B  }
0xa2: {  	_ =	swait.ge [sflag:s23], $0x1  }
0xa3: {  	[sflag:s23] =	ssyncset.done $0x0  }
0xa4: {  	s25 =	simm.s32 $0x1B8E;
	s24 =	sld [smem:$0x3FFE];
	[sflag:s23] =	ssyncadd.s32 $0xFFFFFFFF  }
0xa5: {  	s26 =	simm.s32 $execute0_lowered;
	[smem:$0x3FD2] =	sst s25  }
0xa6: {  	s4 =	sshll.u32 s26, $0x1;
	_ =	strace $0x80000067;
	[dreg:$0x1] =	wrdreg $0xFFFFFFFF  }
0xa7: {  	s28 =	simm.s32 $_size_execute0_lowered;
	s2 =	sadd.s32 s2, s4;
	[dreg:$0x0] =	wrdreg $0x0  }
0xa8: {  	s4 =	sshll.u32 s28, $0x1;
	[dreg:$0x2] =	wrdreg s2  }
0xa9: {  	[dreg:$0x3] =	wrdreg s4  }
0xaa: {  	[dreg:$0x4] =	wrdreg $0xC0  }
0xab: {  	_ =	task [dreg:s6], $0x5FFFF  }
0xac: {  	[dreg:$0x1] =	wrdreg $0xFFFFFFFF  }
0xad: {  	[dreg:$0x0] =	wrdreg $0x60  }
0xae: {  	[dreg:$0x2] =	wrdreg s24  }
0xaf: {  	[dreg:$0x3] =	wrdreg $0x9  }
0xb0: {  	_ =	task.clear_ibuf [dreg:s6], $0x4FFFF;
	_ =	strace $0x90000067  }
0xb1: {  	s29 =	simm.s32 $0x9;
	_ =	strace $0x80000069  }
0xb2: {  	_ =	swait.ge [sflag:s29], $0x1  }
0xb3: {  	[sflag:s29] =	ssyncadd.s32 $0xFFFFFFFF  }
0xb4: {  	_ =	strace $0x90000069  }
0xb5: {  	_ =	sfence  }
0xb6: {  	s30 =	sld [smem:$0x0];
	_ =	sdelay $0x2  }
0xb7: {  	s31 =	sshll.u32 s1, $0xD;
	s1 =	sshrl.u32 s1, $0x2  }
0xb8: {  	s3 =	sand.u32 $0x4000, s31;
	s1 =	sadd.s32 s1, s30  }
0xb9: {  	s0 =	sor.u32 s3, s0;
	s1 =	sshll.u32 s1, $0x11  }
0xba: {  	s0 =	sor.u32 s1, s0  }
0xbb: {  	s0 =	sadd.s32 $0x8F2B, s0  }
0xbc: {  	[sflag:s0] =	ssyncadd.remote.s32 $0x1  }
0xbd: {  	_ =	sfence.sel $0xFFFF  }
0xbe: {  	[dreg:$0x0] =	wrdreg $0xFFFFFFFF;
	(pc) =	sbr.abs _section_cstart, $3  }
0xbf: {  	[dreg:$0x1] =	wrdreg $0xFFFFFFFF  }
0xc0: {  	_ =	task.clear_ibuf [dreg:s6], $0x2FFFF;
	_ =	strace $0x9FFFFFFF  }
0xc1: {  	(tm) =	ssettm $0x7FFFFFFF  }
tec
execute0_lowered:
.L_overlay_start_1:
0x0: {  	(tag) =	ssettag $0x1  }
0x1: {  	s5 =	rddreg [dreg:$0x0]  }
0x2: {  	s0 =	rddreg [dreg:$0x1]  }
0x3: {  	s3 =	srdreg.scid;
	s1 =	stileid.u32;
	s2 =	simm.s32 $0x0  }
0x4: {  	s11 =	simm.s32 $0x190;
	s12 =	simm.s32 $0x200;
	s7 =	smul.u32 $0x4E20, s1  }
0x5: {  	s13 =	simm.s32 $0x1;
	s6 =	sand.u32 $0x1, s3;
	s9 =	smul.u32 $0x4E200, s1  }
0x6: {  	s14 =	simm.s32 $0x0;
	[smem:$0x7FF] =	sst s2;
	s8 =	smul.u32 $0x2710, s6  }
0x7: {  	s3 =	sadd.s32 $0xC8000, s5;
	s4 =	sadd.s32 $0x79C00, s5;
	s10 =	smul.u32 $0x27100, s6  }
0x8: {  	_ =	strace $0x80000068;
	s6 =	ssub.s32 $0x2, s6;
	s29 =	sadd.s32 s9, s5  }
0x9: {  	s30 =	sshrl.u32 s6, $0x1;
	s7 =	sadd.s32 s8, s7;
	s8 =	sadd.s32 s10, s29  }
0xa: {  	s6 =	ssub.s32 s6, s30;
	s10 =	simm.s32 $0x2;
	s7 =	sshrl.u32 s7, $0x3  }
0xb: {  	s6 =	smax.u32 s6, $0x1;
	s31 =	sadd.s32 s7, s5;
	s5 =	sadd.s32 $0x1BDC00, s8  }
0xc: {  	s8 =	sadd.s32 $0xF6B800, s8;
	s7 =	sadd.s32 $0x6D600, s31;
	s9 =	sadd.s32 $0x63800, s31  }
.LBB2_1:
0xd: {  	s15 =	sadd.s32 $0x0, s7  }
0xe: {  	[tilespmem:s2], [sflag:$0x2] =	stream.linear.gather [hbm4b:s15+s2], $0x190, $0x38;
	[tilespmem:$0xCA00] =	vst v63  }
0xf: {  	_ =	swait.ge [sflag:s10], $0x190  }
0x10: {  	[sflag:s10] =	ssyncset.done $0x0  }
0x11: {  	[sflag:s10] =	ssyncadd.s32 $0xFFFFFE70  }
0x12: {  	[tilespmem:s12], [sflag:$0x1] =	stream.indirect.gather [hbm4b:s3+s11], $0x80, s2, s11, $0xb8;
	[tilespmem:$0xCA00] =	vst v63  }
0x13: {  	_ =	swait.ge [sflag:s13], $0xC800  }
0x14: {  	[sflag:s13] =	ssyncset.done $0x0  }
0x15: {  	[sflag:s13] =	ssyncadd.s32 $0xFFFF3800  }
0x16: {  	[hbm4b:s5+s2] =	stream.linear.scatter [tilespmem:s12], [sflag:$0x2], $0xC800, $0x38;
	[tilespmem:$0xCA00] =	vst v63  }
0x17: {  	s18 =	sadd.s32 $0x32, s7;
	_ =	swait.ge [sflag:s10], $0xC800  }
0x18: {  	s16 =	simm.s32 $0x64;
	s15 =	sadd.s32 $0x1900, s5;
	[sflag:s10] =	ssyncset.done $0x0  }
.LBB2_2:
0x19: {  	s19 =	sadd.s32 s16, s7;
	s17 =	simm.s32 $0x0;
	[sflag:s10] =	ssyncadd.s32 $0xFFFF3800  }
0x1a: {  	[tilespmem:s17], [sflag:$0x2] =	stream.linear.gather [hbm4b:s18+s17], $0x190, $0x38;
	[tilespmem:$0xCA00] =	vst v63  }
0x1b: {  	p0 =	sne.s32 s16, $0x4B0;
	s16 =	sadd.s32 $0x32, s16;
	_ =	swait.ge [sflag:s10], $0x190  }
0x1c: {  	s18 =	smov.u32 s19;
	[sflag:s10] =	ssyncset.done $0x0  }
0x1d: {  	[sflag:s10] =	ssyncadd.s32 $0xFFFFFE70  }
0x1e: {  	[tilespmem:s12], [sflag:$0x1] =	stream.indirect.gather [hbm4b:s3+s11], $0x80, s17, s11, $0xb8;
	[tilespmem:$0xCA00] =	vst v63  }
0x1f: {  	_ =	swait.ge [sflag:s13], $0xC800  }
.Ltmp0:
0x20: {  	[sflag:s13] =	ssyncset.done $0x0;
	(pc) =	sbr.rel @p0 .LBB2_2-.Ltmp0, $4  }
0x21: {  	[sflag:s13] =	ssyncadd.s32 $0xFFFF3800  }
0x22: {  	[hbm4b:s15+s17] =	stream.linear.scatter [tilespmem:s12], [sflag:$0x2], $0xC800, $0x38;
	[tilespmem:$0xCA00] =	vst v63  }
0x23: {  	_ =	swait.ge [sflag:s10], $0xC800  }
0x24: {  	s15 =	sadd.s32 $0x1900, s15;
	[sflag:s10] =	ssyncset.done $0x0  }
0x25: {  	[sflag:s10] =	ssyncadd.s32 $0xFFFF3800  }
0x26: {  	[tilespmem:s17], [sflag:$0x2] =	stream.linear.gather [hbm4b:s18+s17], $0x190, $0x38;
	[tilespmem:$0xCA00] =	vst v63  }
0x27: {  	_ =	swait.ge [sflag:s10], $0x190  }
0x28: {  	[sflag:s10] =	ssyncset.done $0x0  }
0x29: {  	[sflag:s10] =	ssyncadd.s32 $0xFFFFFE70  }
0x2a: {  	[tilespmem:s12], [sflag:$0x1] =	stream.indirect.gather [hbm4b:s3+s11], $0x80, s17, s11, $0xb8;
	[tilespmem:$0xCA00] =	vst v63  }
0x2b: {  	_ =	swait.ge [sflag:s13], $0xC800  }
0x2c: {  	p1 =	por $0x1, $0x1;
	[sflag:s13] =	ssyncset.done $0x0  }
.Ltmp1:
0x2d: {  	[sflag:s13] =	ssyncadd.s32 $0xFFFF3800;
	(pc) =	sbr.rel @!p1 .LBB2_8-.Ltmp1, $4  }
0x2e: {  	[hbm4b:s15+s17] =	stream.linear.scatter [tilespmem:s12], [sflag:$0x2], $0xC800, $0x38;
	[tilespmem:$0xCA00] =	vst v63  }
0x2f: {  	_ =	swait.ge [sflag:s10], $0xC800  }
0x30: {  	p0 =	por $0x0, $0x0;
	[sflag:s10] =	ssyncset.done $0x0  }
0x31: {  	s16 =	smov.u32 s8;
	s15 =	simm.s32 $0x32;
	[sflag:s10] =	ssyncadd.s32 $0xFFFF3800  }
0x32: {  	s16 =	sadd.s32 $0x0, s9  }
0x33: {  	[tilespmem:s2], [sflag:$0x2] =	stream.linear.gather [hbm4b:s16+s2], $0x190, $0x38;
	[tilespmem:$0xCA00] =	vst v63  }
0x34: {  	_ =	swait.ge [sflag:s10], $0x190  }
0x35: {  	[sflag:s10] =	ssyncset.done $0x0  }
0x36: {  	[sflag:s10] =	ssyncadd.s32 $0xFFFFFE70  }
0x37: {  	[tilespmem:s12], [sflag:$0x1] =	stream.indirect.gather [hbm4b:s4+s11], $0x80, s2, s11, $0xb8;
	[tilespmem:$0xCA00] =	vst v63  }
0x38: {  	p1 =	por $0x1, $0x1;
	_ =	swait.ge [sflag:s13], $0xC800  }
.Ltmp2:
0x39: {  	[sflag:s13] =	ssyncset.done $0x0;
	(pc) =	sbr.rel @!p1 .LBB2_5-.Ltmp2, $4  }
0x3a: {  	[sflag:s13] =	ssyncadd.s32 $0xFFFF3800  }
0x3b: {  	[hbm4b:s8+s2] =	stream.linear.scatter [tilespmem:s12], [sflag:$0x2], $0xC800, $0x38;
	[tilespmem:$0xCA00] =	vst v63  }
0x3c: {  	s17 =	simm.s32 $0x64;
	_ =	swait.ge [sflag:s10], $0xC800  }
0x3d: {  	p0 =	por $0x1, $0x1;
	s16 =	sadd.s32 $0x1900, s8;
	[sflag:s10] =	ssyncset.done $0x0  }
.LBB2_6:
0x3e: {  	s18 =	sadd.s32 s15, s9  }
0x3f: {  	[sflag:s10] =	ssyncadd.s32 $0xFFFF3800;
	s15 =	smov.u32 s17;
	s19 =	sadd.s32 $0x32, s17  }
0x40: {  	[tilespmem:s2], [sflag:$0x2] =	stream.linear.gather [hbm4b:s18+s2], $0x190, $0x38;
	[tilespmem:$0xCA00] =	vst v63  }
0x41: {  	p1 =	sne.s32 s17, $0x4B0;
	_ =	swait.ge [sflag:s10], $0x190  }
0x42: {  	[sflag:s10] =	ssyncset.done $0x0  }
0x43: {  	[sflag:s10] =	ssyncadd.s32 $0xFFFFFE70  }
0x44: {  	[tilespmem:s12], [sflag:$0x1] =	stream.indirect.gather [hbm4b:s4+s11], $0x80, s2, s11, $0xb8;
	[tilespmem:$0xCA00] =	vst v63  }
0x45: {  	_ =	swait.ge [sflag:s13], $0xC800  }
.Ltmp3:
0x46: {  	[sflag:s13] =	ssyncset.done $0x0;
	(pc) =	sbr.rel @p1 .LBB2_6-.Ltmp3, $4  }
0x47: {  	[sflag:s13] =	ssyncadd.s32 $0xFFFF3800  }
0x48: {  	[hbm4b:s16+s2] =	stream.linear.scatter [tilespmem:s12], [sflag:$0x2], $0xC800, $0x38;
	[tilespmem:$0xCA00] =	vst v63  }
0x49: {  	_ =	swait.ge [sflag:s10], $0xC800  }
0x4a: {  	s17 =	smov.u32 s19;
	s16 =	sadd.s32 $0x1900, s16;
	[sflag:s10] =	ssyncset.done $0x0  }
0x4b: {  	s17 =	smov.u32 s15  }
.LBB2_8:
0x4c: {  	s15 =	sadd.s32 s17, s9;
	[sflag:s10] =	ssyncadd.s32 @p0 $0xFFFF3800  }
0x4d: {  	[tilespmem:s2], [sflag:$0x2] =	stream.linear.gather [hbm4b:s15+s2], $0x190, $0x38;
	[tilespmem:$0xCA00] =	vst v63  }
0x4e: {  	_ =	swait.ge [sflag:s10], $0x190  }
0x4f: {  	[sflag:s10] =	ssyncset.done $0x0  }
0x50: {  	[sflag:s10] =	ssyncadd.s32 $0xFFFFFE70  }
0x51: {  	[tilespmem:s12], [sflag:$0x1] =	stream.indirect.gather [hbm4b:s4+s11], $0x80, s2, s11, $0xb8;
	[tilespmem:$0xCA00] =	vst v63  }
0x52: {  	_ =	swait.ge [sflag:s13], $0xC800  }
0x53: {  	s14 =	sadd.s32 $0x1, s14;
	[sflag:s13] =	ssyncset.done $0x0  }
0x54: {  	p0 =	sne.s32 s14, s6;
	[sflag:s13] =	ssyncadd.s32 $0xFFFF3800  }
0x55: {  	[hbm4b:s16+s2] =	stream.linear.scatter [tilespmem:s12], [sflag:$0x2], $0xC800, $0x38;
	[tilespmem:$0xCA00] =	vst v63  }
.Ltmp4:
0x56: {  	_ = 	snop;
	(pc) =	sbr.rel @p0 .LBB2_1-.Ltmp4, $4  }
.Ltmp5:
0x57: {  	_ = 	snop;
	(pc) =	sbr.rel @!p0 .LBB2_9-.Ltmp5, $4  }
0x58: {  	_ =	swait.ge [sflag:s10], $0xC800  }
0x59: {  	[sflag:s10] =	ssyncset.done $0x0  }
0x5a: {  	[sflag:s10] =	ssyncadd.s32 $0xFFFF3800  }
0x5b: {  	_ = 	snop  }
.LBB2_5:
.Ltmp6:
0x5c: {  	(pc) =	sbr.rel .LBB2_8-.Ltmp6, $2  }
0x5d: {  	_ =	sdelay $0x2  }
0x5e: {  	s17 =	simm.s32 $0x32  }
.LBB2_9:
0x5f: {  	_ =	sfence.sel $0x180000  }
0x60: {  	[bflag:$0x0] =	sbarrier.arrive $0xFFFF  }
0x61: {  	p0 =	sne.s32 s1, $0x0;
	_ =	strace $0x90000068  }
0x62: {  	s0 =	sadd.s32 @!p0 $0x100000, s0;
	[bflag:$0x2] =	sbarrier.arrive $0xFFFF  }
0x63: {  	[sflag:s0] =	ssyncadd.tile.s32 @!p0 $0x1;
	_ =	shalt  }
.Lfunc_end2:
_tile_overlayer_lowered:
.L_overlay_start_2:
0x64: {  	(tag) =	ssettag $0x2  }
0x65: {  	s0 =	rddreg [dreg:$0x0];
	s2 =	stileid.u32  }
0x66: {  	s1 =	rddreg [dreg:$0x1];
	p0 =	sne.s32 s2, $0x0  }
0x67: {  	s3 =	rddreg [dreg:$0x2];
	[bflag:$0x3] =	sbarrier.arrive $0xFFFF;
	s2 =	simm.s32 @!p0 $0x1C02  }
0x68: {  	[timem:s3], [sflag:s2] =	dma.local @!p0 [hbm:s0], s1  }
0x69: {  	s0 =	simm.s32 @!p0 $0x2  }
0x6a: {  	_ =	swait.ge @!p0 [sflag:s0], s1  }
0x6b: {  	s1 =	ssub.s32 @!p0 $0x0, s1;
	[sflag:s0] =	ssyncset.done @!p0 $0x0  }
0x6c: {  	[sflag:s0] =	ssyncadd.s32 @!p0 s1  }
0x6d: {  	[bflag:$0x3] =	sbarrier.arrive $0xFFFF  }
0x6e: {  	_ =	shalt  }

// kernel: kernel.71.cloned.1.call-start
scs
__scs_entry_jumppad:
0x0: {  	(pc) =	sbr.rel $0x88, $3  }
0x1: {  	(tag) =	ssettag $0x0;
	lr =	simm.s32 $0x1  }
0x2: {  	[smem:$0x3F8A] =	sst lr;
	_ =	strace $0xD0000000  }
0x3: {  	_ = 	snop  }
0x4: {  	_ = 	snop  }
0x5: {  	_ = 	snop  }
0x6: {  	_ = 	snop  }
0x7: {  	_ = 	snop  }
__scs_overlays_trampoline_lowered:
0x8: {  	[smem:$0x3F99] =	sst s0  }
0x9: {  	[smem:$0x3F9A] =	sst s1  }
0xa: {  	[smem:$0x3F9B] =	sst s2  }
0xb: {  	[smem:$0x3F9C] =	sst s3  }
0xc: {  	[smem:$0x3F9D] =	sst s4  }
0xd: {  	[smem:$0x3F9E] =	sst s5  }
0xe: {  	[smem:$0x3F9F] =	sst s6  }
0xf: {  	[smem:$0x3FA0] =	sst s7  }
0x10: {  	[smem:$0x3FA1] =	sst s8  }
0x11: {  	[smem:$0x3FA2] =	sst s9;
	s0 =	simm.s32 @!p0 $0x0  }
0x12: {  	s1 =	sld [smem:$0x3F88];
	s0 =	simm.s32 @p0 $0x1  }
0x13: {  	[smem:$0x3FA3] =	sst s0;
	s0 =	simm.s32 @!p1 $0x0  }
0x14: {  	s2 =	sld [smem:$0x3F87];
	s0 =	simm.s32 @p1 $0x1  }
0x15: {  	[smem:$0x3FA4] =	sst s0;
	s0 =	simm.s32 @!p2 $0x0  }
0x16: {  	s3 =	sld [smem:$0x3FDB];
	s0 =	simm.s32 @p2 $0x1  }
0x17: {  	s4 =	simm.s32 $0x1BF5;
	[smem:$0x3FA6] =	sst s0  }
0x18: {  	s0 =	sld [smem:$0x3F89];
	_ =	swait.ge [sflag:s4], $0x0  }
0x19: {  	s7 =	sld [smem:$0x3F8A]  }
0x1a: {  	s8 =	sadd.s32 $0xFFFFE003, lr  }
0x1b: {  	s9 =	sadd.s32 $0xFFFFFEF7, lr;
	s5 =	simm.s32 $0xFFFFFFFF;
	p2 =	slt.u32 s8, $0xFFFFF086  }
0x1c: {  	p1 =	slt.u32 s9, $0xF7A;
	s5 =	simm.s32 @!p2 $0x0  }
0x1d: {  	s5 =	simm.s32 @p1 $0x1;
	p0 =	seq.s32 s7, s2  }
0x1e: {  	s7 =	smul.u32 @!p0 $0xF7A, s2;
	p2 =	seq.s32 @!p0 s5, $0x0  }
0x1f: {  	s9 =	smul.u32 $0xF7A, s1;
	s8 =	simm.s32 @!p0 $0x1BF5;
	p2 =	por !p2, p0  }
0x20: {  	[sflag:s8] =	ssyncset.s32 @!p0 $0xFFFFF086;
	s6 =	sadd.s32 @!p0 s3, s7;
	s7 =	simm.s32 @!p0 $0x108  }
0x21: {  	s3 =	sadd.s32 s3, s9;
	s6 =	sadd.s32 @!p0 $0x88, s6;
	s7 =	simm.s32 @p2 $0x1082  }
0x22: {  	[simem:s7], [sflag:s8] =	dma.local @!p0 [hbm:s6], $0xF7A  }
0x23: {  	s9 =	sor.u32 $0xD0000000, s2;
	s6 =	simm.s32 $0x108;
	_ =	swait.ge @!p0 [sflag:s8], $0x0  }
0x24: {  	s3 =	sadd.s32 $0x88, s3;
	s6 =	simm.s32 @!p1 $0x1082;
	[sflag:s4] =	ssyncset.s32 $0xFFFFF086  }
0x25: {  	[simem:s6], [sflag:s4] =	dma.local [hbm:s3], $0xF7A  }
0x26: {  	[smem:$0x3F8A] =	sst s1;
	(tag) =	ssettag s2;
	_ =	strace s9  }
0x27: {  	s1 =	sld [smem:$0x3F9A]  }
0x28: {  	s2 =	sld [smem:$0x3F9B]  }
0x29: {  	s4 =	sld [smem:$0x3F9D]  }
0x2a: {  	p0 =	seq.s32 s5, $0x0;
	s5 =	sld [smem:$0x3F9E]  }
0x2b: {  	s6 =	sld [smem:$0x3F9F]  }
0x2c: {  	s7 =	sld [smem:$0x3FA0]  }
0x2d: {  	s3 =	simm.s32 $0x108;
	s8 =	sld [smem:$0x3FA1]  }
0x2e: {  	s3 =	simm.s32 @!p0 $0x1082;
	s9 =	sld [smem:$0x3FA2]  }
0x2f: {  	lr =	sadd.s32 s0, s3;
	s0 =	sld [smem:$0x3F99]  }
0x30: {  	s3 =	sld [smem:$0x3F9C]  }
0x31: {  	[smem:$0x3FA5] =	sst s10  }
0x32: {  	s10 =	sld [smem:$0x3FA3];
	_ =	sdelay $0x3  }
0x33: {  	p0 =	seq.s32 s10, $0x1;
	s10 =	sld [smem:$0x3FA5];
	_ =	sdelay $0x3  }
0x34: {  	[smem:$0x3FA5] =	sst s10  }
0x35: {  	s10 =	sld [smem:$0x3FA4];
	_ =	sdelay $0x3  }
0x36: {  	p1 =	seq.s32 s10, $0x1;
	s10 =	sld [smem:$0x3FA5];
	_ =	sdelay $0x3  }
0x37: {  	[smem:$0x3FA5] =	sst s10  }
0x38: {  	s10 =	sld [smem:$0x3FA6]  }
0x39: {  	_ = 	snop;
	(pc) =	sbr.ind lr, $3  }
0x3a: {  	_ = 	snop  }
0x3b: {  	_ = 	snop  }
0x3c: {  	p2 =	seq.s32 s10, $0x1;
	s10 =	sld [smem:$0x3FA5]  }
0x3d: {  	_ =	shalt  }
0x3e: {  	_ =	shalt  }
0x3f: {  	_ =	shalt  }
0x40: {  	_ =	shalt  }
0x41: {  	_ =	shalt  }
0x42: {  	_ =	shalt  }
0x43: {  	_ =	shalt  }
0x44: {  	_ =	shalt  }
0x45: {  	_ =	shalt  }
0x46: {  	_ =	shalt  }
0x47: {  	_ =	shalt  }
0x48: {  	_ =	shalt  }
0x49: {  	_ =	shalt  }
0x4a: {  	_ =	shalt  }
0x4b: {  	_ =	shalt  }
0x4c: {  	_ =	shalt  }
0x4d: {  	_ =	shalt  }
0x4e: {  	_ =	shalt  }
0x4f: {  	_ =	shalt  }
0x50: {  	_ =	shalt  }
0x51: {  	_ =	shalt  }
0x52: {  	_ =	shalt  }
0x53: {  	_ =	shalt  }
0x54: {  	_ =	shalt  }
0x55: {  	_ =	shalt  }
0x56: {  	_ =	shalt  }
0x57: {  	_ =	shalt  }
0x58: {  	_ =	shalt  }
0x59: {  	_ =	shalt  }
0x5a: {  	_ =	shalt  }
0x5b: {  	_ =	shalt  }
0x5c: {  	_ =	shalt  }
0x5d: {  	_ =	shalt  }
0x5e: {  	_ =	shalt  }
0x5f: {  	_ =	shalt  }
0x60: {  	_ =	shalt  }
0x61: {  	_ =	shalt  }
0x62: {  	_ =	shalt  }
0x63: {  	_ =	shalt  }
0x64: {  	_ =	shalt  }
0x65: {  	_ =	shalt  }
0x66: {  	_ =	shalt  }
0x67: {  	_ =	shalt  }
0x68: {  	_ =	shalt  }
0x69: {  	_ =	shalt  }
0x6a: {  	_ =	shalt  }
0x6b: {  	_ =	shalt  }
0x6c: {  	_ =	shalt  }
0x6d: {  	_ =	shalt  }
0x6e: {  	_ =	shalt  }
0x6f: {  	_ =	shalt  }
0x70: {  	_ =	shalt  }
0x71: {  	_ =	shalt  }
0x72: {  	_ =	shalt  }
0x73: {  	_ =	shalt  }
0x74: {  	_ =	shalt  }
0x75: {  	_ =	shalt  }
0x76: {  	_ =	shalt  }
0x77: {  	_ =	shalt  }
0x78: {  	_ =	shalt  }
0x79: {  	_ =	shalt  }
0x7a: {  	_ =	shalt  }
0x7b: {  	_ =	shalt  }
0x7c: {  	_ =	shalt  }
0x7d: {  	_ =	shalt  }
0x7e: {  	_ =	shalt  }
0x7f: {  	_ =	shalt  }
0x80: {  	_ =	shalt  }
0x81: {  	_ =	shalt  }
0x82: {  	_ =	shalt  }
0x83: {  	_ =	shalt  }
0x84: {  	_ =	shalt  }
0x85: {  	_ =	shalt  }
0x86: {  	_ =	shalt  }
0x87: {  	_ =	shalt  }
.Lfunc_end0:
.L_simem_size_0:
called_computation.12_lowered:
.L_overlay_start_0:
0x88: {  	s2 =	sld [smem:$0x3FD9]  }
0x89: {  	s3 =	sld [smem:$0x3FFE];
	_ =	sdelay $0x1  }
0x8a: {  	s1 =	srdreg.scid  }
0x8b: {  	s0 =	sand.u32 $0x1, s1  }
0x8c: {  	s16 =	sshll.u32 s0, $0xA;
	s2 =	sadd.s32 s3, s2  }
0x8d: {  	s2 =	sadd.s32 s2, s16  }
0x8e: {  	[smem:$0x3FB1] =	sst s2  }
0x8f: {  	_ = 	snop  }
0x90: {  	(tm) =	ssettm $0x1  }
0x91: {  	s17 =	sld [smem:$0x3FFB];
	_ =	sdelay $0x3  }
0x92: {  	_ =	strace s17  }
0x93: {  	s2 =	sld [smem:$0x3FFC];
	_ =	sdelay $0x3  }
0x94: {  	_ =	strace s2  }
0x95: {  	s2 =	sld [smem:$0x3FFD];
	_ =	sdelay $0x3  }
0x96: {  	_ =	strace s2  }
0x97: {  	_ =	strace $0x8FFFFFFF  }
0x98: {  	s18 =	sld [smem:$0x3FDB];
	_ =	sdelay $0x1  }
0x99: {  	s19 =	simm.s32 $_scs_section_size  }
0x9a: {  	s4 =	simm.s32 $_size__tile_overlayer_lowered;
	s5 =	simm.s32 $_tile_overlayer_lowered  }
0x9b: {  	s22 =	simm.s32 $0x1BFF;
	s21 =	sshll.u32 s5, $0x1;
	s2 =	sadd.s32 s19, s18  }
0x9c: {  	s6 =	simm.s32 $0x0;
	s20 =	sshll.u32 s4, $0x1;
	s4 =	sadd.s32 s21, s2  }
0x9d: {  	[timem:s6], [sflag:s22] =	dma.local [hbm:s4], s20  }
0x9e: {  	_ =	swait.ge [sflag:s22], s20  }
0x9f: {  	s3 =	ssub.s32 $0x0, s20;
	[sflag:s22] =	ssyncset.done $0x0  }
0xa0: {  	[sflag:s22] =	ssyncadd.s32 s3;
	_ =	sdelay $0x1  }
0xa1: {  	s23 =	simm.s32 $0x1B8B  }
0xa2: {  	_ =	swait.ge [sflag:s23], $0x1  }
0xa3: {  	[sflag:s23] =	ssyncset.done $0x0  }
0xa4: {  	s25 =	simm.s32 $0x1B8E;
	s24 =	sld [smem:$0x3FFE];
	[sflag:s23] =	ssyncadd.s32 $0xFFFFFFFF  }
0xa5: {  	s26 =	simm.s32 $execute0_lowered;
	[smem:$0x3FD2] =	sst s25  }
0xa6: {  	s4 =	sshll.u32 s26, $0x1;
	_ =	strace $0x8000006A;
	[dreg:$0x1] =	wrdreg $0xFFFFFFFF  }
0xa7: {  	s28 =	simm.s32 $_size_execute0_lowered;
	s2 =	sadd.s32 s2, s4;
	[dreg:$0x0] =	wrdreg $0x0  }
0xa8: {  	s4 =	sshll.u32 s28, $0x1;
	[dreg:$0x2] =	wrdreg s2  }
0xa9: {  	[dreg:$0x3] =	wrdreg s4  }
0xaa: {  	[dreg:$0x4] =	wrdreg $0xC0  }
0xab: {  	_ =	task [dreg:s6], $0x5FFFF  }
0xac: {  	[dreg:$0x1] =	wrdreg $0xFFFFFFFF  }
0xad: {  	[dreg:$0x0] =	wrdreg $0x60  }
0xae: {  	[dreg:$0x2] =	wrdreg s24  }
0xaf: {  	[dreg:$0x3] =	wrdreg $0x0  }
0xb0: {  	[dreg:$0x4] =	wrdreg $0x9  }
0xb1: {  	_ =	task.clear_ibuf [dreg:s6], $0x5FFFF;
	_ =	strace $0x9000006A  }
0xb2: {  	s29 =	simm.s32 $0x9;
	_ =	strace $0x8000006C  }
0xb3: {  	_ =	swait.ge [sflag:s29], $0x1  }
0xb4: {  	[sflag:s29] =	ssyncadd.s32 $0xFFFFFFFF  }
0xb5: {  	_ =	strace $0x9000006C  }
0xb6: {  	_ =	sfence  }
0xb7: {  	s30 =	sld [smem:$0x0];
	_ =	sdelay $0x2  }
0xb8: {  	s31 =	sshll.u32 s1, $0xD;
	s1 =	sshrl.u32 s1, $0x2  }
0xb9: {  	s3 =	sand.u32 $0x4000, s31;
	s1 =	sadd.s32 s1, s30  }
0xba: {  	s0 =	sor.u32 s3, s0;
	s1 =	sshll.u32 s1, $0x11  }
0xbb: {  	s0 =	sor.u32 s1, s0  }
0xbc: {  	s0 =	sadd.s32 $0x8F2B, s0  }
0xbd: {  	[sflag:s0] =	ssyncadd.remote.s32 $0x1  }
0xbe: {  	_ =	sfence.sel $0xFFFF  }
0xbf: {  	[dreg:$0x0] =	wrdreg $0xFFFFFFFF;
	(pc) =	sbr.abs _section_cstart, $3  }
0xc0: {  	[dreg:$0x1] =	wrdreg $0xFFFFFFFF  }
0xc1: {  	_ =	task.clear_ibuf [dreg:s6], $0x2FFFF;
	_ =	strace $0x9FFFFFFF  }
0xc2: {  	(tm) =	ssettm $0x7FFFFFFF  }
0xc3: {  	_ =	shalt  }
tec
execute0_lowered:
.L_overlay_start_1:
0x0: {  	(tag) =	ssettag $0x1  }
0x1: {  	s0 =	stileid.u32;
	s1 =	srdreg.scid  }
0x2: {  	s5 =	rddreg [dreg:$0x0];
	s4 =	smul.u32 $0x4E200, s0  }
0x3: {  	s2 =	rddreg [dreg:$0x1];
	s7 =	smul.u32 $0x4E20, s0  }
0x4: {  	s3 =	simm.s32 $0x0;
	s13 =	simm.s32 $0x14100;
	s10 =	smul.u32 $0x14000, s0  }
0x5: {  	s14 =	simm.s32 $0xC8;
	s6 =	sand.u32 $0x1, s1;
	s29 =	smul.u32 $0x50000, s0  }
0x6: {  	s15 =	simm.s32 $0x0;
	s1 =	rddreg [dreg:$0x2];
	s8 =	smul.u32 $0x2710, s6  }
0x7: {  	[smem:$0x7FF] =	sst s3;
	s31 =	sshll.u32 s0, $0x6;
	s9 =	smul.u32 $0x140000, s6  }
0x8: {  	_ =	strace $0x8000006B;
	s30 =	ssub.s32 $0x2, s6;
	s12 =	smul.u32 $0x27100, s6  }
0x9: {  	s24 =	sadd.s32 s4, s5;
	s4 =	sadd.s32 $0x77400, s5;
	s11 =	sshrl.u32 s30, $0x1  }
0xa: {  	s7 =	sadd.s32 s8, s7;
	s26 =	sadd.s32 s10, s9;
	s10 =	sshrl.u32 s29, $0x2  }
0xb: {  	s11 =	ssub.s32 s30, s11;
	s8 =	sadd.s32 s12, s24;
	s12 =	simm.s32 $0x14000  }
0xc: {  	s25 =	sshrl.u32 s7, $0x3;
	s7 =	sshrl.u32 s26, $0x3;
	s10 =	sadd.s32 s10, s2  }
0xd: {  	s8 =	sadd.s32 $0x144D800, s8;
	s28 =	sadd.s32 s25, s5;
	s7 =	sadd.s32 s7, s5  }
0xe: {  	s5 =	sor.u32 $0x1C01, s31;
	s10 =	sshrl.u32 s10, $0x3;
	s6 =	sadd.s32 $0xC8000, s7  }
0xf: {  	s7 =	smax.u32 s11, $0x1;
	s9 =	sadd.s32 $0x63800, s28;
	s11 =	simm.s32 $0x1  }
.LBB2_1:
0x10: {  	[spmem:s10], [sflag:s5] =	dma.local [hbm:s4], $0x2800  }
0x11: {  	_ =	swait.ge [sflag:s11], $0x2800  }
0x12: {  	[sflag:s11] =	ssyncset.done $0x0  }
0x13: {  	[sflag:s11] =	ssyncadd.s32 $0xFFFFD800  }
0x14: {  	s16 =	sadd.s32 $0x0, s9;
	[bflag:$0x0] =	sbarrier.arrive $0xFFFF  }
0x15: {  	[tilespmem:s12], [sflag:$0x1] =	stream.linear.gather [hbm4b:s16+s3], $0xC8, $0x38;
	[tilespmem:$0x1A500] =	vst v63  }
0x16: {  	_ =	swait.ge [sflag:s11], $0xC8  }
0x17: {  	[sflag:s11] =	ssyncset.done $0x0  }
0x18: {  	[sflag:s11] =	ssyncadd.s32 $0xFFFFFF38  }
0x19: {  	[tilespmem:s13], [sflag:$0x1] =	stream.linear.gather [hbm4b:s8+s3], $0x6400, $0x38;
	[tilespmem:$0x1A500] =	vst v63  }
0x1a: {  	_ =	swait.ge [sflag:s11], $0x6400  }
0x1b: {  	[sflag:s11] =	ssyncset.done $0x0  }
0x1c: {  	[sflag:s11] =	ssyncadd.s32 $0xFFFF9C00  }
0x1d: {  	[spmem:s2] =	stream.indirect.scatter.add.f32 [tilespmem:s13], [sflag:$0x1], $0x80, s12, s14, $0xb8;
	[tilespmem:$0x1A500] =	vst v63  }
0x1e: {  	s17 =	simm.s32 $0x19;
	_ =	swait.ge [sflag:s11], $0x6400  }
0x1f: {  	s18 =	simm.s32 $0x32;
	s16 =	sadd.s32 $0xC80, s8;
	[sflag:s11] =	ssyncset.done $0x0  }
.LBB2_2:
0x20: {  	s19 =	sadd.s32 s17, s9  }
0x21: {  	[sflag:s11] =	ssyncadd.s32 $0xFFFF9C00;
	s17 =	smov.u32 s18;
	s20 =	sadd.s32 $0x19, s18  }
0x22: {  	[tilespmem:s12], [sflag:$0x1] =	stream.linear.gather [hbm4b:s19+s3], $0xC8, $0x38;
	[tilespmem:$0x1A500] =	vst v63  }
0x23: {  	p0 =	sne.s32 s18, $0x4C9;
	_ =	swait.ge [sflag:s11], $0xC8  }
0x24: {  	[sflag:s11] =	ssyncset.done $0x0  }
0x25: {  	[sflag:s11] =	ssyncadd.s32 $0xFFFFFF38  }
0x26: {  	[tilespmem:s13], [sflag:$0x1] =	stream.linear.gather [hbm4b:s16+s3], $0x6400, $0x38;
	[tilespmem:$0x1A500] =	vst v63  }
0x27: {  	_ =	swait.ge [sflag:s11], $0x6400  }
.Ltmp0:
0x28: {  	[sflag:s11] =	ssyncset.done $0x0;
	(pc) =	sbr.rel @p0 .LBB2_2-.Ltmp0, $4  }
0x29: {  	[sflag:s11] =	ssyncadd.s32 $0xFFFF9C00  }
0x2a: {  	[spmem:s2] =	stream.indirect.scatter.add.f32 [tilespmem:s13], [sflag:$0x1], $0x80, s12, s14, $0xb8;
	[tilespmem:$0x1A500] =	vst v63  }
0x2b: {  	_ =	swait.ge [sflag:s11], $0x6400  }
0x2c: {  	s18 =	smov.u32 s20;
	s16 =	sadd.s32 $0xC80, s16;
	[sflag:s11] =	ssyncset.done $0x0  }
0x2d: {  	s17 =	sadd.s32 s17, s9;
	[sflag:s11] =	ssyncadd.s32 $0xFFFF9C00  }
0x2e: {  	[tilespmem:s12], [sflag:$0x1] =	stream.linear.gather [hbm4b:s17+s3], $0xC8, $0x38;
	[tilespmem:$0x1A500] =	vst v63  }
0x2f: {  	_ =	swait.ge [sflag:s11], $0xC8  }
0x30: {  	[sflag:s11] =	ssyncset.done $0x0  }
0x31: {  	[sflag:s11] =	ssyncadd.s32 $0xFFFFFF38  }
0x32: {  	[tilespmem:s13], [sflag:$0x1] =	stream.linear.gather [hbm4b:s16+s3], $0x6400, $0x38;
	[tilespmem:$0x1A500] =	vst v63  }
0x33: {  	_ =	swait.ge [sflag:s11], $0x6400  }
0x34: {  	[sflag:s11] =	ssyncset.done $0x0  }
0x35: {  	[sflag:s11] =	ssyncadd.s32 $0xFFFF9C00  }
0x36: {  	[spmem:s2] =	stream.indirect.scatter.add.f32 [tilespmem:s13], [sflag:$0x1], $0x80, s12, s14, $0xb8;
	[tilespmem:$0x1A500] =	vst v63  }
0x37: {  	_ =	swait.ge [sflag:s11], $0x6400  }
0x38: {  	s15 =	sadd.s32 $0x1, s15;
	[sflag:s11] =	ssyncset.done $0x0  }
0x39: {  	p0 =	sne.s32 s15, s7;
	[sflag:s11] =	ssyncadd.s32 $0xFFFF9C00  }
.Ltmp1:
0x3a: {  	[bflag:$0x0] =	sbarrier.arrive $0xFFFF;
	(pc) =	sbr.rel @p0 .LBB2_1-.Ltmp1, $4  }
0x3b: {  	[hbm:s6], [sflag:s5] =	dma.local [spmem:s10], $0x2800  }
0x3c: {  	_ =	swait.ge [sflag:s11], $0x2800  }
0x3d: {  	[sflag:s11] =	ssyncset.done $0x0  }
0x3e: {  	[sflag:s11] =	ssyncadd.s32 $0xFFFFD800  }
0x3f: {  	_ =	sfence.sel $0x180000  }
0x40: {  	[bflag:$0x0] =	sbarrier.arrive $0xFFFF  }
0x41: {  	p0 =	sne.s32 s0, $0x0;
	_ =	strace $0x9000006B  }
0x42: {  	s0 =	sadd.s32 @!p0 $0x100000, s1;
	[bflag:$0x2] =	sbarrier.arrive $0xFFFF  }
0x43: {  	[sflag:s0] =	ssyncadd.tile.s32 @!p0 $0x1;
	_ =	shalt  }
.Lfunc_end2:
_tile_overlayer_lowered:
.L_overlay_start_2:
0x44: {  	(tag) =	ssettag $0x2  }
0x45: {  	s0 =	rddreg [dreg:$0x0];
	s2 =	stileid.u32  }
0x46: {  	s1 =	rddreg [dreg:$0x1];
	p0 =	sne.s32 s2, $0x0  }
0x47: {  	s3 =	rddreg [dreg:$0x2];
	[bflag:$0x3] =	sbarrier.arrive $0xFFFF;
	s2 =	simm.s32 @!p0 $0x1C01  }
0x48: {  	[timem:s3], [sflag:s2] =	dma.local @!p0 [hbm:s0], s1  }
0x49: {  	s0 =	simm.s32 @!p0 $0x1  }
0x4a: {  	_ =	swait.ge @!p0 [sflag:s0], s1  }
0x4b: {  	s1 =	ssub.s32 @!p0 $0x0, s1;
	[sflag:s0] =	ssyncset.done @!p0 $0x0  }
0x4c: {  	[sflag:s0] =	ssyncadd.s32 @!p0 s1  }
0x4d: {  	[bflag:$0x3] =	sbarrier.arrive $0xFFFF  }
0x4e: {  	_ =	shalt  }

// kernel: kernel.74.cloned.1.call-start
scs
__scs_entry_jumppad:
0x0: {  	(pc) =	sbr.rel $0x88, $3  }
0x1: {  	(tag) =	ssettag $0x0;
	lr =	simm.s32 $0x1  }
0x2: {  	[smem:$0x3F8A] =	sst lr;
	_ =	strace $0xD0000000  }
0x3: {  	_ = 	snop  }
0x4: {  	_ = 	snop  }
0x5: {  	_ = 	snop  }
0x6: {  	_ = 	snop  }
0x7: {  	_ = 	snop  }
__scs_overlays_trampoline_lowered:
0x8: {  	[smem:$0x3F99] =	sst s0  }
0x9: {  	[smem:$0x3F9A] =	sst s1  }
0xa: {  	[smem:$0x3F9B] =	sst s2  }
0xb: {  	[smem:$0x3F9C] =	sst s3  }
0xc: {  	[smem:$0x3F9D] =	sst s4  }
0xd: {  	[smem:$0x3F9E] =	sst s5  }
0xe: {  	[smem:$0x3F9F] =	sst s6  }
0xf: {  	[smem:$0x3FA0] =	sst s7  }
0x10: {  	[smem:$0x3FA1] =	sst s8  }
0x11: {  	[smem:$0x3FA2] =	sst s9;
	s0 =	simm.s32 @!p0 $0x0  }
0x12: {  	s1 =	sld [smem:$0x3F88];
	s0 =	simm.s32 @p0 $0x1  }
0x13: {  	[smem:$0x3FA3] =	sst s0;
	s0 =	simm.s32 @!p1 $0x0  }
0x14: {  	s2 =	sld [smem:$0x3F87];
	s0 =	simm.s32 @p1 $0x1  }
0x15: {  	[smem:$0x3FA4] =	sst s0;
	s0 =	simm.s32 @!p2 $0x0  }
0x16: {  	s3 =	sld [smem:$0x3FDB];
	s0 =	simm.s32 @p2 $0x1  }
0x17: {  	s4 =	simm.s32 $0x1BF5;
	[smem:$0x3FA6] =	sst s0  }
0x18: {  	s0 =	sld [smem:$0x3F89];
	_ =	swait.ge [sflag:s4], $0x0  }
0x19: {  	s7 =	sld [smem:$0x3F8A]  }
0x1a: {  	s8 =	sadd.s32 $0xFFFFE003, lr  }
0x1b: {  	s9 =	sadd.s32 $0xFFFFFEF7, lr;
	s5 =	simm.s32 $0xFFFFFFFF;
	p2 =	slt.u32 s8, $0xFFFFF086  }
0x1c: {  	p1 =	slt.u32 s9, $0xF7A;
	s5 =	simm.s32 @!p2 $0x0  }
0x1d: {  	s5 =	simm.s32 @p1 $0x1;
	p0 =	seq.s32 s7, s2  }
0x1e: {  	s7 =	smul.u32 @!p0 $0xF7A, s2;
	p2 =	seq.s32 @!p0 s5, $0x0  }
0x1f: {  	s9 =	smul.u32 $0xF7A, s1;
	s8 =	simm.s32 @!p0 $0x1BF5;
	p2 =	por !p2, p0  }
0x20: {  	[sflag:s8] =	ssyncset.s32 @!p0 $0xFFFFF086;
	s6 =	sadd.s32 @!p0 s3, s7;
	s7 =	simm.s32 @!p0 $0x108  }
0x21: {  	s3 =	sadd.s32 s3, s9;
	s6 =	sadd.s32 @!p0 $0x88, s6;
	s7 =	simm.s32 @p2 $0x1082  }
0x22: {  	[simem:s7], [sflag:s8] =	dma.local @!p0 [hbm:s6], $0xF7A  }
0x23: {  	s9 =	sor.u32 $0xD0000000, s2;
	s6 =	simm.s32 $0x108;
	_ =	swait.ge @!p0 [sflag:s8], $0x0  }
0x24: {  	s3 =	sadd.s32 $0x88, s3;
	s6 =	simm.s32 @!p1 $0x1082;
	[sflag:s4] =	ssyncset.s32 $0xFFFFF086  }
0x25: {  	[simem:s6], [sflag:s4] =	dma.local [hbm:s3], $0xF7A  }
0x26: {  	[smem:$0x3F8A] =	sst s1;
	(tag) =	ssettag s2;
	_ =	strace s9  }
0x27: {  	s1 =	sld [smem:$0x3F9A]  }
0x28: {  	s2 =	sld [smem:$0x3F9B]  }
0x29: {  	s4 =	sld [smem:$0x3F9D]  }
0x2a: {  	p0 =	seq.s32 s5, $0x0;
	s5 =	sld [smem:$0x3F9E]  }
0x2b: {  	s6 =	sld [smem:$0x3F9F]  }
0x2c: {  	s7 =	sld [smem:$0x3FA0]  }
0x2d: {  	s3 =	simm.s32 $0x108;
	s8 =	sld [smem:$0x3FA1]  }
0x2e: {  	s3 =	simm.s32 @!p0 $0x1082;
	s9 =	sld [smem:$0x3FA2]  }
0x2f: {  	lr =	sadd.s32 s0, s3;
	s0 =	sld [smem:$0x3F99]  }
0x30: {  	s3 =	sld [smem:$0x3F9C]  }
0x31: {  	[smem:$0x3FA5] =	sst s10  }
0x32: {  	s10 =	sld [smem:$0x3FA3];
	_ =	sdelay $0x3  }
0x33: {  	p0 =	seq.s32 s10, $0x1;
	s10 =	sld [smem:$0x3FA5];
	_ =	sdelay $0x3  }
0x34: {  	[smem:$0x3FA5] =	sst s10  }
0x35: {  	s10 =	sld [smem:$0x3FA4];
	_ =	sdelay $0x3  }
0x36: {  	p1 =	seq.s32 s10, $0x1;
	s10 =	sld [smem:$0x3FA5];
	_ =	sdelay $0x3  }
0x37: {  	[smem:$0x3FA5] =	sst s10  }
0x38: {  	s10 =	sld [smem:$0x3FA6]  }
0x39: {  	_ = 	snop;
	(pc) =	sbr.ind lr, $3  }
0x3a: {  	_ = 	snop  }
0x3b: {  	_ = 	snop  }
0x3c: {  	p2 =	seq.s32 s10, $0x1;
	s10 =	sld [smem:$0x3FA5]  }
0x3d: {  	_ =	shalt  }
0x3e: {  	_ =	shalt  }
0x3f: {  	_ =	shalt  }
0x40: {  	_ =	shalt  }
0x41: {  	_ =	shalt  }
0x42: {  	_ =	shalt  }
0x43: {  	_ =	shalt  }
0x44: {  	_ =	shalt  }
0x45: {  	_ =	shalt  }
0x46: {  	_ =	shalt  }
0x47: {  	_ =	shalt  }
0x48: {  	_ =	shalt  }
0x49: {  	_ =	shalt  }
0x4a: {  	_ =	shalt  }
0x4b: {  	_ =	shalt  }
0x4c: {  	_ =	shalt  }
0x4d: {  	_ =	shalt  }
0x4e: {  	_ =	shalt  }
0x4f: {  	_ =	shalt  }
0x50: {  	_ =	shalt  }
0x51: {  	_ =	shalt  }
0x52: {  	_ =	shalt  }
0x53: {  	_ =	shalt  }
0x54: {  	_ =	shalt  }
0x55: {  	_ =	shalt  }
0x56: {  	_ =	shalt  }
0x57: {  	_ =	shalt  }
0x58: {  	_ =	shalt  }
0x59: {  	_ =	shalt  }
0x5a: {  	_ =	shalt  }
0x5b: {  	_ =	shalt  }
0x5c: {  	_ =	shalt  }
0x5d: {  	_ =	shalt  }
0x5e: {  	_ =	shalt  }
0x5f: {  	_ =	shalt  }
0x60: {  	_ =	shalt  }
0x61: {  	_ =	shalt  }
0x62: {  	_ =	shalt  }
0x63: {  	_ =	shalt  }
0x64: {  	_ =	shalt  }
0x65: {  	_ =	shalt  }
0x66: {  	_ =	shalt  }
0x67: {  	_ =	shalt  }
0x68: {  	_ =	shalt  }
0x69: {  	_ =	shalt  }
0x6a: {  	_ =	shalt  }
0x6b: {  	_ =	shalt  }
0x6c: {  	_ =	shalt  }
0x6d: {  	_ =	shalt  }
0x6e: {  	_ =	shalt  }
0x6f: {  	_ =	shalt  }
0x70: {  	_ =	shalt  }
0x71: {  	_ =	shalt  }
0x72: {  	_ =	shalt  }
0x73: {  	_ =	shalt  }
0x74: {  	_ =	shalt  }
0x75: {  	_ =	shalt  }
0x76: {  	_ =	shalt  }
0x77: {  	_ =	shalt  }
0x78: {  	_ =	shalt  }
0x79: {  	_ =	shalt  }
0x7a: {  	_ =	shalt  }
0x7b: {  	_ =	shalt  }
0x7c: {  	_ =	shalt  }
0x7d: {  	_ =	shalt  }
0x7e: {  	_ =	shalt  }
0x7f: {  	_ =	shalt  }
0x80: {  	_ =	shalt  }
0x81: {  	_ =	shalt  }
0x82: {  	_ =	shalt  }
0x83: {  	_ =	shalt  }
0x84: {  	_ =	shalt  }
0x85: {  	_ =	shalt  }
0x86: {  	_ =	shalt  }
0x87: {  	_ =	shalt  }
.Lfunc_end0:
.L_simem_size_0:
called_computation.13_lowered:
.L_overlay_start_0:
0x88: {  	s2 =	sld [smem:$0x3FD9]  }
0x89: {  	s3 =	sld [smem:$0x3FFE];
	_ =	sdelay $0x1  }
0x8a: {  	s1 =	srdreg.scid  }
0x8b: {  	s0 =	sand.u32 $0x1, s1  }
0x8c: {  	s17 =	sshll.u32 s0, $0xA;
	s2 =	sadd.s32 s3, s2  }
0x8d: {  	s2 =	sadd.s32 s2, s17  }
0x8e: {  	[smem:$0x3FB1] =	sst s2  }
0x8f: {  	_ = 	snop  }
0x90: {  	(tm) =	ssettm $0x1  }
0x91: {  	s18 =	sld [smem:$0x3FFB];
	_ =	sdelay $0x3  }
0x92: {  	_ =	strace s18  }
0x93: {  	s2 =	sld [smem:$0x3FFC];
	_ =	sdelay $0x3  }
0x94: {  	_ =	strace s2  }
0x95: {  	s2 =	sld [smem:$0x3FFD];
	_ =	sdelay $0x3  }
0x96: {  	_ =	strace s2  }
0x97: {  	_ =	strace $0x8FFFFFFF  }
0x98: {  	s19 =	sld [smem:$0x3FDB];
	_ =	sdelay $0x1  }
0x99: {  	s20 =	simm.s32 $_scs_section_size  }
0x9a: {  	s4 =	simm.s32 $_size__tile_overlayer_lowered;
	s5 =	simm.s32 $_tile_overlayer_lowered  }
0x9b: {  	s6 =	simm.s32 $0x1BFF;
	s21 =	sshll.u32 s5, $0x1;
	s3 =	sadd.s32 s20, s19  }
0x9c: {  	s22 =	simm.s32 $0x0;
	s4 =	sshll.u32 s4, $0x1;
	s5 =	sadd.s32 s21, s3  }
0x9d: {  	[timem:s22], [sflag:s6] =	dma.local [hbm:s5], s4  }
0x9e: {  	_ =	swait.ge [sflag:s6], s4  }
0x9f: {  	s4 =	ssub.s32 $0x0, s4;
	[sflag:s6] =	ssyncset.done $0x0  }
0xa0: {  	[sflag:s6] =	ssyncadd.s32 s4;
	_ =	sdelay $0x1  }
0xa1: {  	s23 =	simm.s32 $0x1B8B  }
0xa2: {  	_ =	swait.ge [sflag:s23], $0x1  }
0xa3: {  	[sflag:s23] =	ssyncset.done $0x0  }
0xa4: {  	[sflag:s23] =	ssyncadd.s32 $0xFFFFFFFF  }
0xa5: {  	s4 =	sld [smem:$0x0]  }
0xa6: {  	s5 =	sand.u32 $0xFFFFFFFE, s1  }
0xa7: {  	p0 =	sne.s32 s1, s5  }
0xa8: {  	s5 =	sshll.u32 @p0 s5, $0xE  }
0xa9: {  	s5 =	sadd.s32 @p0 $0x11B8D, s5;
	s6 =	sshll.u32 @p0 s4, $0x11  }
0xaa: {  	s5 =	sor.u32 @p0 s6, s5  }
0xab: {  	[sflag:s5] =	ssyncadd.remote.s32 @p0 $0x1;
	_ =	sdelay $0x1  }
0xac: {  	s5 =	simm.s32 @p0 $0x1B8D  }
0xad: {  	_ =	swait.eq @p0 [sflag:s5], $0x1  }
0xae: {  	[sflag:s5] =	ssyncadd.s32 @p0 $0xFFFFFFFF  }
0xaf: {  	s6 =	sshll.u32 @!p0 s1, $0xE  }
0xb0: {  	s6 =	sor.u32 @!p0 $0x4000, s6;
	s5 =	simm.s32 @!p0 $0x1B8D  }
0xb1: {  	s4 =	sshll.u32 @!p0 s4, $0x11;
	s6 =	sadd.s32 @!p0 $0x11B8D, s6;
	_ =	swait.eq @!p0 [sflag:s5], $0x1  }
0xb2: {  	s4 =	sor.u32 @!p0 s4, s6;
	[sflag:s5] =	ssyncadd.s32 @!p0 $0xFFFFFFFF  }
0xb3: {  	s25 =	simm.s32 $0x1B8E;
	s24 =	sld [smem:$0x3FFE];
	[sflag:s4] =	ssyncadd.remote.s32 @!p0 $0x1  }
0xb4: {  	s26 =	simm.s32 $execute0_lowered;
	[smem:$0x3FD2] =	sst s25  }
0xb5: {  	s5 =	sshll.u32 s26, $0x1;
	_ =	strace $0x8000006D;
	[dreg:$0x1] =	wrdreg $0xFFFFFFFF  }
0xb6: {  	s28 =	simm.s32 $_size_execute0_lowered;
	s3 =	sadd.s32 s3, s5;
	[dreg:$0x0] =	wrdreg $0x0  }
0xb7: {  	s5 =	sshll.u32 s28, $0x1;
	[dreg:$0x2] =	wrdreg s3  }
0xb8: {  	[dreg:$0x3] =	wrdreg s5  }
0xb9: {  	[dreg:$0x4] =	wrdreg $0xC0  }
0xba: {  	_ =	task [dreg:s22], $0x5FFFF  }
0xbb: {  	[dreg:$0x1] =	wrdreg $0xFFFFFFFF  }
0xbc: {  	[dreg:$0x0] =	wrdreg $0x60  }
0xbd: {  	[dreg:$0x2] =	wrdreg s24  }
0xbe: {  	[dreg:$0x3] =	wrdreg $0x0  }
0xbf: {  	[dreg:$0x4] =	wrdreg $0xA  }
0xc0: {  	_ =	task.clear_ibuf [dreg:s22], $0x5FFFF;
	_ =	strace $0x9000006D  }
0xc1: {  	s29 =	simm.s32 $0xA;
	_ =	strace $0x8000006F  }
0xc2: {  	_ =	swait.ge [sflag:s29], $0x1  }
0xc3: {  	[sflag:s29] =	ssyncadd.s32 $0xFFFFFFFF  }
0xc4: {  	_ =	strace $0x9000006F  }
0xc5: {  	_ =	sfence  }
0xc6: {  	s30 =	sld [smem:$0x0];
	_ =	sdelay $0x2  }
0xc7: {  	s31 =	sshll.u32 s1, $0xD;
	s1 =	sshrl.u32 s1, $0x2  }
0xc8: {  	s4 =	sand.u32 $0x4000, s31;
	s1 =	sadd.s32 s1, s30  }
0xc9: {  	s0 =	sor.u32 s4, s0;
	s1 =	sshll.u32 s1, $0x11  }
0xca: {  	s0 =	sor.u32 s1, s0  }
0xcb: {  	s0 =	sadd.s32 $0x8F2B, s0  }
0xcc: {  	[sflag:s0] =	ssyncadd.remote.s32 $0x1  }
0xcd: {  	_ =	sfence.sel $0xFFFF  }
0xce: {  	[dreg:$0x0] =	wrdreg $0xFFFFFFFF;
	(pc) =	sbr.abs _section_cstart, $3  }
0xcf: {  	[dreg:$0x1] =	wrdreg $0xFFFFFFFF  }
0xd0: {  	_ =	task.clear_ibuf [dreg:s22], $0x2FFFF;
	_ =	strace $0x9FFFFFFF  }
0xd1: {  	(tm) =	ssettm $0x7FFFFFFF  }
tec
execute0_lowered:
.L_overlay_start_1:
0x0: {  	(tag) =	ssettag $0x1  }
0x1: {  	s0 =	stileid.u32;
	s1 =	srdreg.scid  }
0x2: {  	s5 =	rddreg [dreg:$0x0];
	s4 =	smul.u32 $0x4E200, s0  }
0x3: {  	s2 =	rddreg [dreg:$0x1];
	s7 =	smul.u32 $0x4E20, s0  }
0x4: {  	s3 =	simm.s32 $0x0;
	s13 =	simm.s32 $0x14100;
	s10 =	smul.u32 $0x14000, s0  }
0x5: {  	s14 =	simm.s32 $0xC8;
	s6 =	sand.u32 $0x1, s1;
	s29 =	smul.u32 $0x50000, s0  }
0x6: {  	s15 =	simm.s32 $0x0;
	s1 =	rddreg [dreg:$0x2];
	s8 =	smul.u32 $0x2710, s6  }
0x7: {  	[smem:$0x7FF] =	sst s3;
	s31 =	sshll.u32 s0, $0x6;
	s9 =	smul.u32 $0x140000, s6  }
0x8: {  	_ =	strace $0x8000006E;
	s30 =	ssub.s32 $0x2, s6;
	s12 =	smul.u32 $0x27100, s6  }
0x9: {  	s24 =	sadd.s32 s4, s5;
	s4 =	sadd.s32 $0x77400, s5;
	s11 =	sshrl.u32 s30, $0x1  }
0xa: {  	s7 =	sadd.s32 s8, s7;
	s26 =	sadd.s32 s10, s9;
	s10 =	sshrl.u32 s29, $0x2  }
0xb: {  	s11 =	ssub.s32 s30, s11;
	s8 =	sadd.s32 s12, s24;
	s12 =	simm.s32 $0x14000  }
0xc: {  	s25 =	sshrl.u32 s7, $0x3;
	s7 =	sshrl.u32 s26, $0x3;
	s10 =	sadd.s32 s10, s2  }
0xd: {  	s8 =	sadd.s32 $0x192F800, s8;
	s28 =	sadd.s32 s25, s5;
	s7 =	sadd.s32 s7, s5  }
0xe: {  	s5 =	sor.u32 $0x1C01, s31;
	s10 =	sshrl.u32 s10, $0x3;
	s6 =	sadd.s32 $0x118000, s7  }
0xf: {  	s7 =	smax.u32 s11, $0x1;
	s9 =	sadd.s32 $0x63800, s28;
	s11 =	simm.s32 $0x1  }
.LBB2_1:
0x10: {  	[spmem:s10], [sflag:s5] =	dma.local [hbm:s4], $0x2800  }
0x11: {  	_ =	swait.ge [sflag:s11], $0x2800  }
0x12: {  	[sflag:s11] =	ssyncset.done $0x0  }
0x13: {  	[sflag:s11] =	ssyncadd.s32 $0xFFFFD800  }
0x14: {  	s16 =	sadd.s32 $0x0, s9;
	[bflag:$0x0] =	sbarrier.arrive $0xFFFF  }
0x15: {  	[tilespmem:s12], [sflag:$0x1] =	stream.linear.gather [hbm4b:s16+s3], $0xC8, $0x38;
	[tilespmem:$0x1A500] =	vst v63  }
0x16: {  	_ =	swait.ge [sflag:s11], $0xC8  }
0x17: {  	[sflag:s11] =	ssyncset.done $0x0  }
0x18: {  	[sflag:s11] =	ssyncadd.s32 $0xFFFFFF38  }
0x19: {  	[tilespmem:s13], [sflag:$0x1] =	stream.linear.gather [hbm4b:s8+s3], $0x6400, $0x38;
	[tilespmem:$0x1A500] =	vst v63  }
0x1a: {  	_ =	swait.ge [sflag:s11], $0x6400  }
0x1b: {  	[sflag:s11] =	ssyncset.done $0x0  }
0x1c: {  	[sflag:s11] =	ssyncadd.s32 $0xFFFF9C00  }
0x1d: {  	[spmem:s2] =	stream.indirect.scatter.add.f32 [tilespmem:s13], [sflag:$0x1], $0x80, s12, s14, $0xb8;
	[tilespmem:$0x1A500] =	vst v63  }
0x1e: {  	s17 =	simm.s32 $0x19;
	_ =	swait.ge [sflag:s11], $0x6400  }
0x1f: {  	s18 =	simm.s32 $0x32;
	s16 =	sadd.s32 $0xC80, s8;
	[sflag:s11] =	ssyncset.done $0x0  }
.LBB2_2:
0x20: {  	s19 =	sadd.s32 s17, s9  }
0x21: {  	[sflag:s11] =	ssyncadd.s32 $0xFFFF9C00;
	s17 =	smov.u32 s18;
	s20 =	sadd.s32 $0x19, s18  }
0x22: {  	[tilespmem:s12], [sflag:$0x1] =	stream.linear.gather [hbm4b:s19+s3], $0xC8, $0x38;
	[tilespmem:$0x1A500] =	vst v63  }
0x23: {  	p0 =	sne.s32 s18, $0x4C9;
	_ =	swait.ge [sflag:s11], $0xC8  }
0x24: {  	[sflag:s11] =	ssyncset.done $0x0  }
0x25: {  	[sflag:s11] =	ssyncadd.s32 $0xFFFFFF38  }
0x26: {  	[tilespmem:s13], [sflag:$0x1] =	stream.linear.gather [hbm4b:s16+s3], $0x6400, $0x38;
	[tilespmem:$0x1A500] =	vst v63  }
0x27: {  	_ =	swait.ge [sflag:s11], $0x6400  }
.Ltmp0:
0x28: {  	[sflag:s11] =	ssyncset.done $0x0;
	(pc) =	sbr.rel @p0 .LBB2_2-.Ltmp0, $4  }
0x29: {  	[sflag:s11] =	ssyncadd.s32 $0xFFFF9C00  }
0x2a: {  	[spmem:s2] =	stream.indirect.scatter.add.f32 [tilespmem:s13], [sflag:$0x1], $0x80, s12, s14, $0xb8;
	[tilespmem:$0x1A500] =	vst v63  }
0x2b: {  	_ =	swait.ge [sflag:s11], $0x6400  }
0x2c: {  	s18 =	smov.u32 s20;
	s16 =	sadd.s32 $0xC80, s16;
	[sflag:s11] =	ssyncset.done $0x0  }
0x2d: {  	s17 =	sadd.s32 s17, s9;
	[sflag:s11] =	ssyncadd.s32 $0xFFFF9C00  }
0x2e: {  	[tilespmem:s12], [sflag:$0x1] =	stream.linear.gather [hbm4b:s17+s3], $0xC8, $0x38;
	[tilespmem:$0x1A500] =	vst v63  }
0x2f: {  	_ =	swait.ge [sflag:s11], $0xC8  }
0x30: {  	[sflag:s11] =	ssyncset.done $0x0  }
0x31: {  	[sflag:s11] =	ssyncadd.s32 $0xFFFFFF38  }
0x32: {  	[tilespmem:s13], [sflag:$0x1] =	stream.linear.gather [hbm4b:s16+s3], $0x6400, $0x38;
	[tilespmem:$0x1A500] =	vst v63  }
0x33: {  	_ =	swait.ge [sflag:s11], $0x6400  }
0x34: {  	[sflag:s11] =	ssyncset.done $0x0  }
0x35: {  	[sflag:s11] =	ssyncadd.s32 $0xFFFF9C00  }
0x36: {  	[spmem:s2] =	stream.indirect.scatter.add.f32 [tilespmem:s13], [sflag:$0x1], $0x80, s12, s14, $0xb8;
	[tilespmem:$0x1A500] =	vst v63  }
0x37: {  	_ =	swait.ge [sflag:s11], $0x6400  }
0x38: {  	s15 =	sadd.s32 $0x1, s15;
	[sflag:s11] =	ssyncset.done $0x0  }
0x39: {  	p0 =	sne.s32 s15, s7;
	[sflag:s11] =	ssyncadd.s32 $0xFFFF9C00  }
.Ltmp1:
0x3a: {  	[bflag:$0x0] =	sbarrier.arrive $0xFFFF;
	(pc) =	sbr.rel @p0 .LBB2_1-.Ltmp1, $4  }
0x3b: {  	[hbm:s6], [sflag:s5] =	dma.local [spmem:s10], $0x2800  }
0x3c: {  	_ =	swait.ge [sflag:s11], $0x2800  }
0x3d: {  	[sflag:s11] =	ssyncset.done $0x0  }
0x3e: {  	[sflag:s11] =	ssyncadd.s32 $0xFFFFD800  }
0x3f: {  	_ =	sfence.sel $0x180000  }
0x40: {  	[bflag:$0x0] =	sbarrier.arrive $0xFFFF  }
0x41: {  	p0 =	sne.s32 s0, $0x0;
	_ =	strace $0x9000006E  }
0x42: {  	s0 =	sadd.s32 @!p0 $0x100000, s1;
	[bflag:$0x2] =	sbarrier.arrive $0xFFFF  }
0x43: {  	[sflag:s0] =	ssyncadd.tile.s32 @!p0 $0x1;
	_ =	shalt  }
.Lfunc_end2:
_tile_overlayer_lowered:
.L_overlay_start_2:
0x44: {  	(tag) =	ssettag $0x2  }
0x45: {  	s0 =	rddreg [dreg:$0x0];
	s2 =	stileid.u32  }
0x46: {  	s1 =	rddreg [dreg:$0x1];
	p0 =	sne.s32 s2, $0x0  }
0x47: {  	s3 =	rddreg [dreg:$0x2];
	[bflag:$0x3] =	sbarrier.arrive $0xFFFF;
	s2 =	simm.s32 @!p0 $0x1C01  }
0x48: {  	[timem:s3], [sflag:s2] =	dma.local @!p0 [hbm:s0], s1  }
0x49: {  	s0 =	simm.s32 @!p0 $0x1  }
0x4a: {  	_ =	swait.ge @!p0 [sflag:s0], s1  }
0x4b: {  	s1 =	ssub.s32 @!p0 $0x0, s1;
	[sflag:s0] =	ssyncset.done @!p0 $0x0  }
0x4c: {  	[sflag:s0] =	ssyncadd.s32 @!p0 s1  }
0x4d: {  	[bflag:$0x3] =	sbarrier.arrive $0xFFFF  }
0x4e: {  	_ =	shalt  }

// kernel: kernel.77.cloned.1.call-start
scs
__scs_entry_jumppad:
0x0: {  	(pc) =	sbr.rel $0x88, $3  }
0x1: {  	(tag) =	ssettag $0x0;
	lr =	simm.s32 $0x1  }
0x2: {  	[smem:$0x3F8A] =	sst lr;
	_ =	strace $0xD0000000  }
0x3: {  	_ = 	snop  }
0x4: {  	_ = 	snop  }
0x5: {  	_ = 	snop  }
0x6: {  	_ = 	snop  }
0x7: {  	_ = 	snop  }
__scs_overlays_trampoline_lowered:
0x8: {  	[smem:$0x3F99] =	sst s0  }
0x9: {  	[smem:$0x3F9A] =	sst s1  }
0xa: {  	[smem:$0x3F9B] =	sst s2  }
0xb: {  	[smem:$0x3F9C] =	sst s3  }
0xc: {  	[smem:$0x3F9D] =	sst s4  }
0xd: {  	[smem:$0x3F9E] =	sst s5  }
0xe: {  	[smem:$0x3F9F] =	sst s6  }
0xf: {  	[smem:$0x3FA0] =	sst s7  }
0x10: {  	[smem:$0x3FA1] =	sst s8  }
0x11: {  	[smem:$0x3FA2] =	sst s9;
	s0 =	simm.s32 @!p0 $0x0  }
0x12: {  	s1 =	sld [smem:$0x3F88];
	s0 =	simm.s32 @p0 $0x1  }
0x13: {  	[smem:$0x3FA3] =	sst s0;
	s0 =	simm.s32 @!p1 $0x0  }
0x14: {  	s2 =	sld [smem:$0x3F87];
	s0 =	simm.s32 @p1 $0x1  }
0x15: {  	[smem:$0x3FA4] =	sst s0;
	s0 =	simm.s32 @!p2 $0x0  }
0x16: {  	s3 =	sld [smem:$0x3FDB];
	s0 =	simm.s32 @p2 $0x1  }
0x17: {  	s4 =	simm.s32 $0x1BF5;
	[smem:$0x3FA6] =	sst s0  }
0x18: {  	s0 =	sld [smem:$0x3F89];
	_ =	swait.ge [sflag:s4], $0x0  }
0x19: {  	s7 =	sld [smem:$0x3F8A]  }
0x1a: {  	s8 =	sadd.s32 $0xFFFFE003, lr  }
0x1b: {  	s9 =	sadd.s32 $0xFFFFFEF7, lr;
	s5 =	simm.s32 $0xFFFFFFFF;
	p2 =	slt.u32 s8, $0xFFFFF086  }
0x1c: {  	p1 =	slt.u32 s9, $0xF7A;
	s5 =	simm.s32 @!p2 $0x0  }
0x1d: {  	s5 =	simm.s32 @p1 $0x1;
	p0 =	seq.s32 s7, s2  }
0x1e: {  	s7 =	smul.u32 @!p0 $0xF7A, s2;
	p2 =	seq.s32 @!p0 s5, $0x0  }
0x1f: {  	s9 =	smul.u32 $0xF7A, s1;
	s8 =	simm.s32 @!p0 $0x1BF5;
	p2 =	por !p2, p0  }
0x20: {  	[sflag:s8] =	ssyncset.s32 @!p0 $0xFFFFF086;
	s6 =	sadd.s32 @!p0 s3, s7;
	s7 =	simm.s32 @!p0 $0x108  }
0x21: {  	s3 =	sadd.s32 s3, s9;
	s6 =	sadd.s32 @!p0 $0x88, s6;
	s7 =	simm.s32 @p2 $0x1082  }
0x22: {  	[simem:s7], [sflag:s8] =	dma.local @!p0 [hbm:s6], $0xF7A  }
0x23: {  	s9 =	sor.u32 $0xD0000000, s2;
	s6 =	simm.s32 $0x108;
	_ =	swait.ge @!p0 [sflag:s8], $0x0  }
0x24: {  	s3 =	sadd.s32 $0x88, s3;
	s6 =	simm.s32 @!p1 $0x1082;
	[sflag:s4] =	ssyncset.s32 $0xFFFFF086  }
0x25: {  	[simem:s6], [sflag:s4] =	dma.local [hbm:s3], $0xF7A  }
0x26: {  	[smem:$0x3F8A] =	sst s1;
	(tag) =	ssettag s2;
	_ =	strace s9  }
0x27: {  	s1 =	sld [smem:$0x3F9A]  }
0x28: {  	s2 =	sld [smem:$0x3F9B]  }
0x29: {  	s4 =	sld [smem:$0x3F9D]  }
0x2a: {  	p0 =	seq.s32 s5, $0x0;
	s5 =	sld [smem:$0x3F9E]  }
0x2b: {  	s6 =	sld [smem:$0x3F9F]  }
0x2c: {  	s7 =	sld [smem:$0x3FA0]  }
0x2d: {  	s3 =	simm.s32 $0x108;
	s8 =	sld [smem:$0x3FA1]  }
0x2e: {  	s3 =	simm.s32 @!p0 $0x1082;
	s9 =	sld [smem:$0x3FA2]  }
0x2f: {  	lr =	sadd.s32 s0, s3;
	s0 =	sld [smem:$0x3F99]  }
0x30: {  	s3 =	sld [smem:$0x3F9C]  }
0x31: {  	[smem:$0x3FA5] =	sst s10  }
0x32: {  	s10 =	sld [smem:$0x3FA3];
	_ =	sdelay $0x3  }
0x33: {  	p0 =	seq.s32 s10, $0x1;
	s10 =	sld [smem:$0x3FA5];
	_ =	sdelay $0x3  }
0x34: {  	[smem:$0x3FA5] =	sst s10  }
0x35: {  	s10 =	sld [smem:$0x3FA4];
	_ =	sdelay $0x3  }
0x36: {  	p1 =	seq.s32 s10, $0x1;
	s10 =	sld [smem:$0x3FA5];
	_ =	sdelay $0x3  }
0x37: {  	[smem:$0x3FA5] =	sst s10  }
0x38: {  	s10 =	sld [smem:$0x3FA6]  }
0x39: {  	_ = 	snop;
	(pc) =	sbr.ind lr, $3  }
0x3a: {  	_ = 	snop  }
0x3b: {  	_ = 	snop  }
0x3c: {  	p2 =	seq.s32 s10, $0x1;
	s10 =	sld [smem:$0x3FA5]  }
0x3d: {  	_ =	shalt  }
0x3e: {  	_ =	shalt  }
0x3f: {  	_ =	shalt  }
0x40: {  	_ =	shalt  }
0x41: {  	_ =	shalt  }
0x42: {  	_ =	shalt  }
0x43: {  	_ =	shalt  }
0x44: {  	_ =	shalt  }
0x45: {  	_ =	shalt  }
0x46: {  	_ =	shalt  }
0x47: {  	_ =	shalt  }
0x48: {  	_ =	shalt  }
0x49: {  	_ =	shalt  }
0x4a: {  	_ =	shalt  }
0x4b: {  	_ =	shalt  }
0x4c: {  	_ =	shalt  }
0x4d: {  	_ =	shalt  }
0x4e: {  	_ =	shalt  }
0x4f: {  	_ =	shalt  }
0x50: {  	_ =	shalt  }
0x51: {  	_ =	shalt  }
0x52: {  	_ =	shalt  }
0x53: {  	_ =	shalt  }
0x54: {  	_ =	shalt  }
0x55: {  	_ =	shalt  }
0x56: {  	_ =	shalt  }
0x57: {  	_ =	shalt  }
0x58: {  	_ =	shalt  }
0x59: {  	_ =	shalt  }
0x5a: {  	_ =	shalt  }
0x5b: {  	_ =	shalt  }
0x5c: {  	_ =	shalt  }
0x5d: {  	_ =	shalt  }
0x5e: {  	_ =	shalt  }
0x5f: {  	_ =	shalt  }
0x60: {  	_ =	shalt  }
0x61: {  	_ =	shalt  }
0x62: {  	_ =	shalt  }
0x63: {  	_ =	shalt  }
0x64: {  	_ =	shalt  }
0x65: {  	_ =	shalt  }
0x66: {  	_ =	shalt  }
0x67: {  	_ =	shalt  }
0x68: {  	_ =	shalt  }
0x69: {  	_ =	shalt  }
0x6a: {  	_ =	shalt  }
0x6b: {  	_ =	shalt  }
0x6c: {  	_ =	shalt  }
0x6d: {  	_ =	shalt  }
0x6e: {  	_ =	shalt  }
0x6f: {  	_ =	shalt  }
0x70: {  	_ =	shalt  }
0x71: {  	_ =	shalt  }
0x72: {  	_ =	shalt  }
0x73: {  	_ =	shalt  }
0x74: {  	_ =	shalt  }
0x75: {  	_ =	shalt  }
0x76: {  	_ =	shalt  }
0x77: {  	_ =	shalt  }
0x78: {  	_ =	shalt  }
0x79: {  	_ =	shalt  }
0x7a: {  	_ =	shalt  }
0x7b: {  	_ =	shalt  }
0x7c: {  	_ =	shalt  }
0x7d: {  	_ =	shalt  }
0x7e: {  	_ =	shalt  }
0x7f: {  	_ =	shalt  }
0x80: {  	_ =	shalt  }
0x81: {  	_ =	shalt  }
0x82: {  	_ =	shalt  }
0x83: {  	_ =	shalt  }
0x84: {  	_ =	shalt  }
0x85: {  	_ =	shalt  }
0x86: {  	_ =	shalt  }
0x87: {  	_ =	shalt  }
.Lfunc_end0:
.L_simem_size_0:
called_computation.14_lowered:
.L_overlay_start_0:
0x88: {  	s2 =	sld [smem:$0x3FD9]  }
0x89: {  	s3 =	sld [smem:$0x3FFE];
	_ =	sdelay $0x1  }
0x8a: {  	s1 =	srdreg.scid  }
0x8b: {  	s0 =	sand.u32 $0x1, s1  }
0x8c: {  	s17 =	sshll.u32 s0, $0xA;
	s2 =	sadd.s32 s3, s2  }
0x8d: {  	s2 =	sadd.s32 s2, s17  }
0x8e: {  	[smem:$0x3FB1] =	sst s2  }
0x8f: {  	_ = 	snop  }
0x90: {  	(tm) =	ssettm $0x1  }
0x91: {  	s18 =	sld [smem:$0x3FFB];
	_ =	sdelay $0x3  }
0x92: {  	_ =	strace s18  }
0x93: {  	s2 =	sld [smem:$0x3FFC];
	_ =	sdelay $0x3  }
0x94: {  	_ =	strace s2  }
0x95: {  	s2 =	sld [smem:$0x3FFD];
	_ =	sdelay $0x3  }
0x96: {  	_ =	strace s2  }
0x97: {  	_ =	strace $0x8FFFFFFF  }
0x98: {  	s19 =	sld [smem:$0x3FDB];
	_ =	sdelay $0x1  }
0x99: {  	s20 =	simm.s32 $_scs_section_size  }
0x9a: {  	s4 =	simm.s32 $_size__tile_overlayer_lowered;
	s5 =	simm.s32 $_tile_overlayer_lowered  }
0x9b: {  	s6 =	simm.s32 $0x1BFF;
	s21 =	sshll.u32 s5, $0x1;
	s3 =	sadd.s32 s20, s19  }
0x9c: {  	s22 =	simm.s32 $0x0;
	s4 =	sshll.u32 s4, $0x1;
	s5 =	sadd.s32 s21, s3  }
0x9d: {  	[timem:s22], [sflag:s6] =	dma.local [hbm:s5], s4  }
0x9e: {  	_ =	swait.ge [sflag:s6], s4  }
0x9f: {  	s4 =	ssub.s32 $0x0, s4;
	[sflag:s6] =	ssyncset.done $0x0  }
0xa0: {  	[sflag:s6] =	ssyncadd.s32 s4;
	_ =	sdelay $0x1  }
0xa1: {  	s23 =	simm.s32 $0x1B8B  }
0xa2: {  	_ =	swait.ge [sflag:s23], $0x1  }
0xa3: {  	[sflag:s23] =	ssyncset.done $0x0  }
0xa4: {  	[sflag:s23] =	ssyncadd.s32 $0xFFFFFFFF  }
0xa5: {  	s4 =	sld [smem:$0x0]  }
0xa6: {  	s5 =	sand.u32 $0xFFFFFFFE, s1  }
0xa7: {  	p0 =	sne.s32 s1, s5  }
0xa8: {  	s5 =	sshll.u32 @p0 s5, $0xE  }
0xa9: {  	s5 =	sadd.s32 @p0 $0x11B8D, s5;
	s6 =	sshll.u32 @p0 s4, $0x11  }
0xaa: {  	s5 =	sor.u32 @p0 s6, s5  }
0xab: {  	[sflag:s5] =	ssyncadd.remote.s32 @p0 $0x1;
	_ =	sdelay $0x1  }
0xac: {  	s5 =	simm.s32 @p0 $0x1B8D  }
0xad: {  	_ =	swait.eq @p0 [sflag:s5], $0x1  }
0xae: {  	[sflag:s5] =	ssyncadd.s32 @p0 $0xFFFFFFFF  }
0xaf: {  	s6 =	sshll.u32 @!p0 s1, $0xE  }
0xb0: {  	s6 =	sor.u32 @!p0 $0x4000, s6;
	s5 =	simm.s32 @!p0 $0x1B8D  }
0xb1: {  	s4 =	sshll.u32 @!p0 s4, $0x11;
	s6 =	sadd.s32 @!p0 $0x11B8D, s6;
	_ =	swait.eq @!p0 [sflag:s5], $0x1  }
0xb2: {  	s4 =	sor.u32 @!p0 s4, s6;
	[sflag:s5] =	ssyncadd.s32 @!p0 $0xFFFFFFFF  }
0xb3: {  	s25 =	simm.s32 $0x1B8E;
	s24 =	sld [smem:$0x3FFE];
	[sflag:s4] =	ssyncadd.remote.s32 @!p0 $0x1  }
0xb4: {  	s26 =	simm.s32 $execute0_lowered;
	[smem:$0x3FD2] =	sst s25  }
0xb5: {  	s5 =	sshll.u32 s26, $0x1;
	_ =	strace $0x80000073;
	[dreg:$0x1] =	wrdreg $0xFFFFFFFF  }
0xb6: {  	s28 =	simm.s32 $_size_execute0_lowered;
	s3 =	sadd.s32 s3, s5;
	[dreg:$0x0] =	wrdreg $0x0  }
0xb7: {  	s5 =	sshll.u32 s28, $0x1;
	[dreg:$0x2] =	wrdreg s3  }
0xb8: {  	[dreg:$0x3] =	wrdreg s5  }
0xb9: {  	[dreg:$0x4] =	wrdreg $0xC0  }
0xba: {  	_ =	task [dreg:s22], $0x5FFFF  }
0xbb: {  	[dreg:$0x1] =	wrdreg $0xFFFFFFFF  }
0xbc: {  	[dreg:$0x0] =	wrdreg $0x60  }
0xbd: {  	[dreg:$0x2] =	wrdreg s24  }
0xbe: {  	[dreg:$0x3] =	wrdreg $0x0  }
0xbf: {  	[dreg:$0x4] =	wrdreg $0xB  }
0xc0: {  	_ =	task.clear_ibuf [dreg:s22], $0x5FFFF;
	_ =	strace $0x90000073  }
0xc1: {  	s29 =	simm.s32 $0xB;
	_ =	strace $0x80000075  }
0xc2: {  	_ =	swait.ge [sflag:s29], $0x1  }
0xc3: {  	[sflag:s29] =	ssyncadd.s32 $0xFFFFFFFF  }
0xc4: {  	_ =	strace $0x90000075  }
0xc5: {  	_ =	sfence  }
0xc6: {  	s30 =	sld [smem:$0x0];
	_ =	sdelay $0x2  }
0xc7: {  	s31 =	sshll.u32 s1, $0xD;
	s1 =	sshrl.u32 s1, $0x2  }
0xc8: {  	s4 =	sand.u32 $0x4000, s31;
	s1 =	sadd.s32 s1, s30  }
0xc9: {  	s0 =	sor.u32 s4, s0;
	s1 =	sshll.u32 s1, $0x11  }
0xca: {  	s0 =	sor.u32 s1, s0  }
0xcb: {  	s0 =	sadd.s32 $0x8F2B, s0  }
0xcc: {  	[sflag:s0] =	ssyncadd.remote.s32 $0x1  }
0xcd: {  	_ =	sfence.sel $0xFFFF  }
0xce: {  	[dreg:$0x0] =	wrdreg $0xFFFFFFFF;
	(pc) =	sbr.abs _section_cstart, $3  }
0xcf: {  	[dreg:$0x1] =	wrdreg $0xFFFFFFFF  }
0xd0: {  	_ =	task.clear_ibuf [dreg:s22], $0x2FFFF;
	_ =	strace $0x9FFFFFFF  }
0xd1: {  	(tm) =	ssettm $0x7FFFFFFF  }
tec
execute0_lowered:
.L_overlay_start_1:
0x0: {  	(tag) =	ssettag $0x1  }
0x1: {  	s0 =	stileid.u32;
	s1 =	srdreg.scid  }
0x2: {  	s5 =	rddreg [dreg:$0x0];
	s4 =	smul.u32 $0x4E200, s0  }
0x3: {  	s2 =	rddreg [dreg:$0x1];
	s7 =	smul.u32 $0x4E20, s0  }
0x4: {  	s3 =	simm.s32 $0x0;
	s13 =	simm.s32 $0x14100;
	s10 =	smul.u32 $0x14000, s0  }
0x5: {  	s14 =	simm.s32 $0xC8;
	s6 =	sand.u32 $0x1, s1;
	s29 =	smul.u32 $0x50000, s0  }
0x6: {  	s15 =	simm.s32 $0x0;
	s1 =	rddreg [dreg:$0x2];
	s8 =	smul.u32 $0x2710, s6  }
0x7: {  	[smem:$0x7FF] =	sst s3;
	s31 =	sshll.u32 s0, $0x6;
	s9 =	smul.u32 $0x140000, s6  }
0x8: {  	_ =	strace $0x80000074;
	s30 =	ssub.s32 $0x2, s6;
	s12 =	smul.u32 $0x27100, s6  }
0x9: {  	s24 =	sadd.s32 s4, s5;
	s4 =	sadd.s32 $0x77400, s5;
	s11 =	sshrl.u32 s30, $0x1  }
0xa: {  	s7 =	sadd.s32 s8, s7;
	s26 =	sadd.s32 s10, s9;
	s10 =	sshrl.u32 s29, $0x2  }
0xb: {  	s11 =	ssub.s32 s30, s11;
	s8 =	sadd.s32 s12, s24;
	s12 =	simm.s32 $0x14000  }
0xc: {  	s25 =	sshrl.u32 s7, $0x3;
	s7 =	sshrl.u32 s26, $0x3;
	s10 =	sadd.s32 s10, s2  }
0xd: {  	s8 =	sadd.s32 $0x22F3800, s8;
	s28 =	sadd.s32 s25, s5;
	s7 =	sadd.s32 s7, s5  }
0xe: {  	s5 =	sor.u32 $0x1C01, s31;
	s10 =	sshrl.u32 s10, $0x3;
	s6 =	sadd.s32 $0x1BDC00, s7  }
0xf: {  	s7 =	smax.u32 s11, $0x1;
	s9 =	sadd.s32 $0x6D600, s28;
	s11 =	simm.s32 $0x1  }
.LBB2_1:
0x10: {  	[spmem:s10], [sflag:s5] =	dma.local [hbm:s4], $0x2800  }
0x11: {  	_ =	swait.ge [sflag:s11], $0x2800  }
0x12: {  	[sflag:s11] =	ssyncset.done $0x0  }
0x13: {  	[sflag:s11] =	ssyncadd.s32 $0xFFFFD800  }
0x14: {  	s16 =	sadd.s32 $0x0, s9;
	[bflag:$0x0] =	sbarrier.arrive $0xFFFF  }
0x15: {  	[tilespmem:s12], [sflag:$0x1] =	stream.linear.gather [hbm4b:s16+s3], $0xC8, $0x38;
	[tilespmem:$0x1A500] =	vst v63  }
0x16: {  	_ =	swait.ge [sflag:s11], $0xC8  }
0x17: {  	[sflag:s11] =	ssyncset.done $0x0  }
0x18: {  	[sflag:s11] =	ssyncadd.s32 $0xFFFFFF38  }
0x19: {  	[tilespmem:s13], [sflag:$0x1] =	stream.linear.gather [hbm4b:s8+s3], $0x6400, $0x38;
	[tilespmem:$0x1A500] =	vst v63  }
0x1a: {  	_ =	swait.ge [sflag:s11], $0x6400  }
0x1b: {  	[sflag:s11] =	ssyncset.done $0x0  }
0x1c: {  	[sflag:s11] =	ssyncadd.s32 $0xFFFF9C00  }
0x1d: {  	[spmem:s2] =	stream.indirect.scatter.add.f32 [tilespmem:s13], [sflag:$0x1], $0x80, s12, s14, $0xb8;
	[tilespmem:$0x1A500] =	vst v63  }
0x1e: {  	s17 =	simm.s32 $0x19;
	_ =	swait.ge [sflag:s11], $0x6400  }
0x1f: {  	s18 =	simm.s32 $0x32;
	s16 =	sadd.s32 $0xC80, s8;
	[sflag:s11] =	ssyncset.done $0x0  }
.LBB2_2:
0x20: {  	s19 =	sadd.s32 s17, s9  }
0x21: {  	[sflag:s11] =	ssyncadd.s32 $0xFFFF9C00;
	s17 =	smov.u32 s18;
	s20 =	sadd.s32 $0x19, s18  }
0x22: {  	[tilespmem:s12], [sflag:$0x1] =	stream.linear.gather [hbm4b:s19+s3], $0xC8, $0x38;
	[tilespmem:$0x1A500] =	vst v63  }
0x23: {  	p0 =	sne.s32 s18, $0x4C9;
	_ =	swait.ge [sflag:s11], $0xC8  }
0x24: {  	[sflag:s11] =	ssyncset.done $0x0  }
0x25: {  	[sflag:s11] =	ssyncadd.s32 $0xFFFFFF38  }
0x26: {  	[tilespmem:s13], [sflag:$0x1] =	stream.linear.gather [hbm4b:s16+s3], $0x6400, $0x38;
	[tilespmem:$0x1A500] =	vst v63  }
0x27: {  	_ =	swait.ge [sflag:s11], $0x6400  }
.Ltmp0:
0x28: {  	[sflag:s11] =	ssyncset.done $0x0;
	(pc) =	sbr.rel @p0 .LBB2_2-.Ltmp0, $4  }
0x29: {  	[sflag:s11] =	ssyncadd.s32 $0xFFFF9C00  }
0x2a: {  	[spmem:s2] =	stream.indirect.scatter.add.f32 [tilespmem:s13], [sflag:$0x1], $0x80, s12, s14, $0xb8;
	[tilespmem:$0x1A500] =	vst v63  }
0x2b: {  	_ =	swait.ge [sflag:s11], $0x6400  }
0x2c: {  	s18 =	smov.u32 s20;
	s16 =	sadd.s32 $0xC80, s16;
	[sflag:s11] =	ssyncset.done $0x0  }
0x2d: {  	s17 =	sadd.s32 s17, s9;
	[sflag:s11] =	ssyncadd.s32 $0xFFFF9C00  }
0x2e: {  	[tilespmem:s12], [sflag:$0x1] =	stream.linear.gather [hbm4b:s17+s3], $0xC8, $0x38;
	[tilespmem:$0x1A500] =	vst v63  }
0x2f: {  	_ =	swait.ge [sflag:s11], $0xC8  }
0x30: {  	[sflag:s11] =	ssyncset.done $0x0  }
0x31: {  	[sflag:s11] =	ssyncadd.s32 $0xFFFFFF38  }
0x32: {  	[tilespmem:s13], [sflag:$0x1] =	stream.linear.gather [hbm4b:s16+s3], $0x6400, $0x38;
	[tilespmem:$0x1A500] =	vst v63  }
0x33: {  	_ =	swait.ge [sflag:s11], $0x6400  }
0x34: {  	[sflag:s11] =	ssyncset.done $0x0  }
0x35: {  	[sflag:s11] =	ssyncadd.s32 $0xFFFF9C00  }
0x36: {  	[spmem:s2] =	stream.indirect.scatter.add.f32 [tilespmem:s13], [sflag:$0x1], $0x80, s12, s14, $0xb8;
	[tilespmem:$0x1A500] =	vst v63  }
0x37: {  	_ =	swait.ge [sflag:s11], $0x6400  }
0x38: {  	s15 =	sadd.s32 $0x1, s15;
	[sflag:s11] =	ssyncset.done $0x0  }
0x39: {  	p0 =	sne.s32 s15, s7;
	[sflag:s11] =	ssyncadd.s32 $0xFFFF9C00  }
.Ltmp1:
0x3a: {  	[bflag:$0x0] =	sbarrier.arrive $0xFFFF;
	(pc) =	sbr.rel @p0 .LBB2_1-.Ltmp1, $4  }
0x3b: {  	[hbm:s6], [sflag:s5] =	dma.local [spmem:s10], $0x2800  }
0x3c: {  	_ =	swait.ge [sflag:s11], $0x2800  }
0x3d: {  	[sflag:s11] =	ssyncset.done $0x0  }
0x3e: {  	[sflag:s11] =	ssyncadd.s32 $0xFFFFD800  }
0x3f: {  	_ =	sfence.sel $0x180000  }
0x40: {  	[bflag:$0x0] =	sbarrier.arrive $0xFFFF  }
0x41: {  	p0 =	sne.s32 s0, $0x0;
	_ =	strace $0x90000074  }
0x42: {  	s0 =	sadd.s32 @!p0 $0x100000, s1;
	[bflag:$0x2] =	sbarrier.arrive $0xFFFF  }
0x43: {  	[sflag:s0] =	ssyncadd.tile.s32 @!p0 $0x1;
	_ =	shalt  }
.Lfunc_end2:
_tile_overlayer_lowered:
.L_overlay_start_2:
0x44: {  	(tag) =	ssettag $0x2  }
0x45: {  	s0 =	rddreg [dreg:$0x0];
	s2 =	stileid.u32  }
0x46: {  	s1 =	rddreg [dreg:$0x1];
	p0 =	sne.s32 s2, $0x0  }
0x47: {  	s3 =	rddreg [dreg:$0x2];
	[bflag:$0x3] =	sbarrier.arrive $0xFFFF;
	s2 =	simm.s32 @!p0 $0x1C01  }
0x48: {  	[timem:s3], [sflag:s2] =	dma.local @!p0 [hbm:s0], s1  }
0x49: {  	s0 =	simm.s32 @!p0 $0x1  }
0x4a: {  	_ =	swait.ge @!p0 [sflag:s0], s1  }
0x4b: {  	s1 =	ssub.s32 @!p0 $0x0, s1;
	[sflag:s0] =	ssyncset.done @!p0 $0x0  }
0x4c: {  	[sflag:s0] =	ssyncadd.s32 @!p0 s1  }
0x4d: {  	[bflag:$0x3] =	sbarrier.arrive $0xFFFF  }
0x4e: {  	_ =	shalt  }

// kernel: kernel.80.cloned.1.call-start
scs
__scs_entry_jumppad:
0x0: {  	(pc) =	sbr.rel $0x88, $3  }
0x1: {  	(tag) =	ssettag $0x0;
	lr =	simm.s32 $0x1  }
0x2: {  	[smem:$0x3F8A] =	sst lr;
	_ =	strace $0xD0000000  }
0x3: {  	_ = 	snop  }
0x4: {  	_ = 	snop  }
0x5: {  	_ = 	snop  }
0x6: {  	_ = 	snop  }
0x7: {  	_ = 	snop  }
__scs_overlays_trampoline_lowered:
0x8: {  	[smem:$0x3F99] =	sst s0  }
0x9: {  	[smem:$0x3F9A] =	sst s1  }
0xa: {  	[smem:$0x3F9B] =	sst s2  }
0xb: {  	[smem:$0x3F9C] =	sst s3  }
0xc: {  	[smem:$0x3F9D] =	sst s4  }
0xd: {  	[smem:$0x3F9E] =	sst s5  }
0xe: {  	[smem:$0x3F9F] =	sst s6  }
0xf: {  	[smem:$0x3FA0] =	sst s7  }
0x10: {  	[smem:$0x3FA1] =	sst s8  }
0x11: {  	[smem:$0x3FA2] =	sst s9;
	s0 =	simm.s32 @!p0 $0x0  }
0x12: {  	s1 =	sld [smem:$0x3F88];
	s0 =	simm.s32 @p0 $0x1  }
0x13: {  	[smem:$0x3FA3] =	sst s0;
	s0 =	simm.s32 @!p1 $0x0  }
0x14: {  	s2 =	sld [smem:$0x3F87];
	s0 =	simm.s32 @p1 $0x1  }
0x15: {  	[smem:$0x3FA4] =	sst s0;
	s0 =	simm.s32 @!p2 $0x0  }
0x16: {  	s3 =	sld [smem:$0x3FDB];
	s0 =	simm.s32 @p2 $0x1  }
0x17: {  	s4 =	simm.s32 $0x1BF5;
	[smem:$0x3FA6] =	sst s0  }
0x18: {  	s0 =	sld [smem:$0x3F89];
	_ =	swait.ge [sflag:s4], $0x0  }
0x19: {  	s7 =	sld [smem:$0x3F8A]  }
0x1a: {  	s8 =	sadd.s32 $0xFFFFE003, lr  }
0x1b: {  	s9 =	sadd.s32 $0xFFFFFEF7, lr;
	s5 =	simm.s32 $0xFFFFFFFF;
	p2 =	slt.u32 s8, $0xFFFFF086  }
0x1c: {  	p1 =	slt.u32 s9, $0xF7A;
	s5 =	simm.s32 @!p2 $0x0  }
0x1d: {  	s5 =	simm.s32 @p1 $0x1;
	p0 =	seq.s32 s7, s2  }
0x1e: {  	s7 =	smul.u32 @!p0 $0xF7A, s2;
	p2 =	seq.s32 @!p0 s5, $0x0  }
0x1f: {  	s9 =	smul.u32 $0xF7A, s1;
	s8 =	simm.s32 @!p0 $0x1BF5;
	p2 =	por !p2, p0  }
0x20: {  	[sflag:s8] =	ssyncset.s32 @!p0 $0xFFFFF086;
	s6 =	sadd.s32 @!p0 s3, s7;
	s7 =	simm.s32 @!p0 $0x108  }
0x21: {  	s3 =	sadd.s32 s3, s9;
	s6 =	sadd.s32 @!p0 $0x88, s6;
	s7 =	simm.s32 @p2 $0x1082  }
0x22: {  	[simem:s7], [sflag:s8] =	dma.local @!p0 [hbm:s6], $0xF7A  }
0x23: {  	s9 =	sor.u32 $0xD0000000, s2;
	s6 =	simm.s32 $0x108;
	_ =	swait.ge @!p0 [sflag:s8], $0x0  }
0x24: {  	s3 =	sadd.s32 $0x88, s3;
	s6 =	simm.s32 @!p1 $0x1082;
	[sflag:s4] =	ssyncset.s32 $0xFFFFF086  }
0x25: {  	[simem:s6], [sflag:s4] =	dma.local [hbm:s3], $0xF7A  }
0x26: {  	[smem:$0x3F8A] =	sst s1;
	(tag) =	ssettag s2;
	_ =	strace s9  }
0x27: {  	s1 =	sld [smem:$0x3F9A]  }
0x28: {  	s2 =	sld [smem:$0x3F9B]  }
0x29: {  	s4 =	sld [smem:$0x3F9D]  }
0x2a: {  	p0 =	seq.s32 s5, $0x0;
	s5 =	sld [smem:$0x3F9E]  }
0x2b: {  	s6 =	sld [smem:$0x3F9F]  }
0x2c: {  	s7 =	sld [smem:$0x3FA0]  }
0x2d: {  	s3 =	simm.s32 $0x108;
	s8 =	sld [smem:$0x3FA1]  }
0x2e: {  	s3 =	simm.s32 @!p0 $0x1082;
	s9 =	sld [smem:$0x3FA2]  }
0x2f: {  	lr =	sadd.s32 s0, s3;
	s0 =	sld [smem:$0x3F99]  }
0x30: {  	s3 =	sld [smem:$0x3F9C]  }
0x31: {  	[smem:$0x3FA5] =	sst s10  }
0x32: {  	s10 =	sld [smem:$0x3FA3];
	_ =	sdelay $0x3  }
0x33: {  	p0 =	seq.s32 s10, $0x1;
	s10 =	sld [smem:$0x3FA5];
	_ =	sdelay $0x3  }
0x34: {  	[smem:$0x3FA5] =	sst s10  }
0x35: {  	s10 =	sld [smem:$0x3FA4];
	_ =	sdelay $0x3  }
0x36: {  	p1 =	seq.s32 s10, $0x1;
	s10 =	sld [smem:$0x3FA5];
	_ =	sdelay $0x3  }
0x37: {  	[smem:$0x3FA5] =	sst s10  }
0x38: {  	s10 =	sld [smem:$0x3FA6]  }
0x39: {  	_ = 	snop;
	(pc) =	sbr.ind lr, $3  }
0x3a: {  	_ = 	snop  }
0x3b: {  	_ = 	snop  }
0x3c: {  	p2 =	seq.s32 s10, $0x1;
	s10 =	sld [smem:$0x3FA5]  }
0x3d: {  	_ =	shalt  }
0x3e: {  	_ =	shalt  }
0x3f: {  	_ =	shalt  }
0x40: {  	_ =	shalt  }
0x41: {  	_ =	shalt  }
0x42: {  	_ =	shalt  }
0x43: {  	_ =	shalt  }
0x44: {  	_ =	shalt  }
0x45: {  	_ =	shalt  }
0x46: {  	_ =	shalt  }
0x47: {  	_ =	shalt  }
0x48: {  	_ =	shalt  }
0x49: {  	_ =	shalt  }
0x4a: {  	_ =	shalt  }
0x4b: {  	_ =	shalt  }
0x4c: {  	_ =	shalt  }
0x4d: {  	_ =	shalt  }
0x4e: {  	_ =	shalt  }
0x4f: {  	_ =	shalt  }
0x50: {  	_ =	shalt  }
0x51: {  	_ =	shalt  }
0x52: {  	_ =	shalt  }
0x53: {  	_ =	shalt  }
0x54: {  	_ =	shalt  }
0x55: {  	_ =	shalt  }
0x56: {  	_ =	shalt  }
0x57: {  	_ =	shalt  }
0x58: {  	_ =	shalt  }
0x59: {  	_ =	shalt  }
0x5a: {  	_ =	shalt  }
0x5b: {  	_ =	shalt  }
0x5c: {  	_ =	shalt  }
0x5d: {  	_ =	shalt  }
0x5e: {  	_ =	shalt  }
0x5f: {  	_ =	shalt  }
0x60: {  	_ =	shalt  }
0x61: {  	_ =	shalt  }
0x62: {  	_ =	shalt  }
0x63: {  	_ =	shalt  }
0x64: {  	_ =	shalt  }
0x65: {  	_ =	shalt  }
0x66: {  	_ =	shalt  }
0x67: {  	_ =	shalt  }
0x68: {  	_ =	shalt  }
0x69: {  	_ =	shalt  }
0x6a: {  	_ =	shalt  }
0x6b: {  	_ =	shalt  }
0x6c: {  	_ =	shalt  }
0x6d: {  	_ =	shalt  }
0x6e: {  	_ =	shalt  }
0x6f: {  	_ =	shalt  }
0x70: {  	_ =	shalt  }
0x71: {  	_ =	shalt  }
0x72: {  	_ =	shalt  }
0x73: {  	_ =	shalt  }
0x74: {  	_ =	shalt  }
0x75: {  	_ =	shalt  }
0x76: {  	_ =	shalt  }
0x77: {  	_ =	shalt  }
0x78: {  	_ =	shalt  }
0x79: {  	_ =	shalt  }
0x7a: {  	_ =	shalt  }
0x7b: {  	_ =	shalt  }
0x7c: {  	_ =	shalt  }
0x7d: {  	_ =	shalt  }
0x7e: {  	_ =	shalt  }
0x7f: {  	_ =	shalt  }
0x80: {  	_ =	shalt  }
0x81: {  	_ =	shalt  }
0x82: {  	_ =	shalt  }
0x83: {  	_ =	shalt  }
0x84: {  	_ =	shalt  }
0x85: {  	_ =	shalt  }
0x86: {  	_ =	shalt  }
0x87: {  	_ =	shalt  }
.Lfunc_end0:
.L_simem_size_0:
called_computation.15_lowered:
.L_overlay_start_0:
0x88: {  	s2 =	sld [smem:$0x3FD9]  }
0x89: {  	s3 =	sld [smem:$0x3FFE];
	_ =	sdelay $0x1  }
0x8a: {  	s1 =	srdreg.scid  }
0x8b: {  	s0 =	sand.u32 $0x1, s1  }
0x8c: {  	s17 =	sshll.u32 s0, $0xA;
	s2 =	sadd.s32 s3, s2  }
0x8d: {  	s2 =	sadd.s32 s2, s17  }
0x8e: {  	[smem:$0x3FB1] =	sst s2  }
0x8f: {  	_ = 	snop  }
0x90: {  	(tm) =	ssettm $0x1  }
0x91: {  	s18 =	sld [smem:$0x3FFB];
	_ =	sdelay $0x3  }
0x92: {  	_ =	strace s18  }
0x93: {  	s2 =	sld [smem:$0x3FFC];
	_ =	sdelay $0x3  }
0x94: {  	_ =	strace s2  }
0x95: {  	s2 =	sld [smem:$0x3FFD];
	_ =	sdelay $0x3  }
0x96: {  	_ =	strace s2  }
0x97: {  	_ =	strace $0x8FFFFFFF  }
0x98: {  	s19 =	sld [smem:$0x3FDB];
	_ =	sdelay $0x1  }
0x99: {  	s20 =	simm.s32 $_scs_section_size  }
0x9a: {  	s4 =	simm.s32 $_size__tile_overlayer_lowered;
	s5 =	simm.s32 $_tile_overlayer_lowered  }
0x9b: {  	s6 =	simm.s32 $0x1BFF;
	s21 =	sshll.u32 s5, $0x1;
	s3 =	sadd.s32 s20, s19  }
0x9c: {  	s22 =	simm.s32 $0x0;
	s4 =	sshll.u32 s4, $0x1;
	s5 =	sadd.s32 s21, s3  }
0x9d: {  	[timem:s22], [sflag:s6] =	dma.local [hbm:s5], s4  }
0x9e: {  	_ =	swait.ge [sflag:s6], s4  }
0x9f: {  	s4 =	ssub.s32 $0x0, s4;
	[sflag:s6] =	ssyncset.done $0x0  }
0xa0: {  	[sflag:s6] =	ssyncadd.s32 s4;
	_ =	sdelay $0x1  }
0xa1: {  	s23 =	simm.s32 $0x1B8B  }
0xa2: {  	_ =	swait.ge [sflag:s23], $0x1  }
0xa3: {  	[sflag:s23] =	ssyncset.done $0x0  }
0xa4: {  	[sflag:s23] =	ssyncadd.s32 $0xFFFFFFFF  }
0xa5: {  	s4 =	sld [smem:$0x0]  }
0xa6: {  	s5 =	sand.u32 $0xFFFFFFFE, s1  }
0xa7: {  	p0 =	sne.s32 s1, s5  }
0xa8: {  	s5 =	sshll.u32 @p0 s5, $0xE  }
0xa9: {  	s5 =	sadd.s32 @p0 $0x11B8D, s5;
	s6 =	sshll.u32 @p0 s4, $0x11  }
0xaa: {  	s5 =	sor.u32 @p0 s6, s5  }
0xab: {  	[sflag:s5] =	ssyncadd.remote.s32 @p0 $0x1;
	_ =	sdelay $0x1  }
0xac: {  	s5 =	simm.s32 @p0 $0x1B8D  }
0xad: {  	_ =	swait.eq @p0 [sflag:s5], $0x1  }
0xae: {  	[sflag:s5] =	ssyncadd.s32 @p0 $0xFFFFFFFF  }
0xaf: {  	s6 =	sshll.u32 @!p0 s1, $0xE  }
0xb0: {  	s6 =	sor.u32 @!p0 $0x4000, s6;
	s5 =	simm.s32 @!p0 $0x1B8D  }
0xb1: {  	s4 =	sshll.u32 @!p0 s4, $0x11;
	s6 =	sadd.s32 @!p0 $0x11B8D, s6;
	_ =	swait.eq @!p0 [sflag:s5], $0x1  }
0xb2: {  	s4 =	sor.u32 @!p0 s4, s6;
	[sflag:s5] =	ssyncadd.s32 @!p0 $0xFFFFFFFF  }
0xb3: {  	s25 =	simm.s32 $0x1B8E;
	s24 =	sld [smem:$0x3FFE];
	[sflag:s4] =	ssyncadd.remote.s32 @!p0 $0x1  }
0xb4: {  	s26 =	simm.s32 $execute0_lowered;
	[smem:$0x3FD2] =	sst s25  }
0xb5: {  	s5 =	sshll.u32 s26, $0x1;
	_ =	strace $0x80000070;
	[dreg:$0x1] =	wrdreg $0xFFFFFFFF  }
0xb6: {  	s28 =	simm.s32 $_size_execute0_lowered;
	s3 =	sadd.s32 s3, s5;
	[dreg:$0x0] =	wrdreg $0x0  }
0xb7: {  	s5 =	sshll.u32 s28, $0x1;
	[dreg:$0x2] =	wrdreg s3  }
0xb8: {  	[dreg:$0x3] =	wrdreg s5  }
0xb9: {  	[dreg:$0x4] =	wrdreg $0xC0  }
0xba: {  	_ =	task [dreg:s22], $0x5FFFF  }
0xbb: {  	[dreg:$0x1] =	wrdreg $0xFFFFFFFF  }
0xbc: {  	[dreg:$0x0] =	wrdreg $0x60  }
0xbd: {  	[dreg:$0x2] =	wrdreg s24  }
0xbe: {  	[dreg:$0x3] =	wrdreg $0x0  }
0xbf: {  	[dreg:$0x4] =	wrdreg $0xC  }
0xc0: {  	_ =	task.clear_ibuf [dreg:s22], $0x5FFFF;
	_ =	strace $0x90000070  }
0xc1: {  	s29 =	simm.s32 $0xC;
	_ =	strace $0x80000072  }
0xc2: {  	_ =	swait.ge [sflag:s29], $0x1  }
0xc3: {  	[sflag:s29] =	ssyncadd.s32 $0xFFFFFFFF  }
0xc4: {  	_ =	strace $0x90000072  }
0xc5: {  	_ =	sfence  }
0xc6: {  	s30 =	sld [smem:$0x0];
	_ =	sdelay $0x2  }
0xc7: {  	s31 =	sshll.u32 s1, $0xD;
	s1 =	sshrl.u32 s1, $0x2  }
0xc8: {  	s4 =	sand.u32 $0x4000, s31;
	s1 =	sadd.s32 s1, s30  }
0xc9: {  	s0 =	sor.u32 s4, s0;
	s1 =	sshll.u32 s1, $0x11  }
0xca: {  	s0 =	sor.u32 s1, s0  }
0xcb: {  	s0 =	sadd.s32 $0x8F2B, s0  }
0xcc: {  	[sflag:s0] =	ssyncadd.remote.s32 $0x1  }
0xcd: {  	_ =	sfence.sel $0xFFFF  }
0xce: {  	[dreg:$0x0] =	wrdreg $0xFFFFFFFF;
	(pc) =	sbr.abs _section_cstart, $3  }
0xcf: {  	[dreg:$0x1] =	wrdreg $0xFFFFFFFF  }
0xd0: {  	_ =	task.clear_ibuf [dreg:s22], $0x2FFFF;
	_ =	strace $0x9FFFFFFF  }
0xd1: {  	(tm) =	ssettm $0x7FFFFFFF  }
tec
execute0_lowered:
.L_overlay_start_1:
0x0: {  	(tag) =	ssettag $0x1  }
0x1: {  	s0 =	stileid.u32;
	s1 =	srdreg.scid  }
0x2: {  	s5 =	rddreg [dreg:$0x0];
	s4 =	smul.u32 $0x4E200, s0  }
0x3: {  	s2 =	rddreg [dreg:$0x1];
	s7 =	smul.u32 $0x4E20, s0  }
0x4: {  	s3 =	simm.s32 $0x0;
	s13 =	simm.s32 $0x14100;
	s10 =	smul.u32 $0x14000, s0  }
0x5: {  	s14 =	simm.s32 $0xC8;
	s6 =	sand.u32 $0x1, s1;
	s29 =	smul.u32 $0x50000, s0  }
0x6: {  	s15 =	simm.s32 $0x0;
	s1 =	rddreg [dreg:$0x2];
	s8 =	smul.u32 $0x2710, s6  }
0x7: {  	[smem:$0x7FF] =	sst s3;
	s31 =	sshll.u32 s0, $0x6;
	s9 =	smul.u32 $0x140000, s6  }
0x8: {  	_ =	strace $0x80000071;
	s30 =	ssub.s32 $0x2, s6;
	s12 =	smul.u32 $0x27100, s6  }
0x9: {  	s24 =	sadd.s32 s4, s5;
	s4 =	sadd.s32 $0x77400, s5;
	s11 =	sshrl.u32 s30, $0x1  }
0xa: {  	s7 =	sadd.s32 s8, s7;
	s26 =	sadd.s32 s10, s9;
	s10 =	sshrl.u32 s29, $0x2  }
0xb: {  	s11 =	ssub.s32 s30, s11;
	s8 =	sadd.s32 s12, s24;
	s12 =	simm.s32 $0x14000  }
0xc: {  	s25 =	sshrl.u32 s7, $0x3;
	s7 =	sshrl.u32 s26, $0x3;
	s10 =	sadd.s32 s10, s2  }
0xd: {  	s8 =	sadd.s32 $0x1E11800, s8;
	s28 =	sadd.s32 s25, s5;
	s7 =	sadd.s32 s7, s5  }
0xe: {  	s5 =	sor.u32 $0x1C01, s31;
	s10 =	sshrl.u32 s10, $0x3;
	s6 =	sadd.s32 $0x168000, s7  }
0xf: {  	s7 =	smax.u32 s11, $0x1;
	s9 =	sadd.s32 $0x6D600, s28;
	s11 =	simm.s32 $0x1  }
.LBB2_1:
0x10: {  	[spmem:s10], [sflag:s5] =	dma.local [hbm:s4], $0x2800  }
0x11: {  	_ =	swait.ge [sflag:s11], $0x2800  }
0x12: {  	[sflag:s11] =	ssyncset.done $0x0  }
0x13: {  	[sflag:s11] =	ssyncadd.s32 $0xFFFFD800  }
0x14: {  	s16 =	sadd.s32 $0x0, s9;
	[bflag:$0x0] =	sbarrier.arrive $0xFFFF  }
0x15: {  	[tilespmem:s12], [sflag:$0x1] =	stream.linear.gather [hbm4b:s16+s3], $0xC8, $0x38;
	[tilespmem:$0x1A500] =	vst v63  }
0x16: {  	_ =	swait.ge [sflag:s11], $0xC8  }
0x17: {  	[sflag:s11] =	ssyncset.done $0x0  }
0x18: {  	[sflag:s11] =	ssyncadd.s32 $0xFFFFFF38  }
0x19: {  	[tilespmem:s13], [sflag:$0x1] =	stream.linear.gather [hbm4b:s8+s3], $0x6400, $0x38;
	[tilespmem:$0x1A500] =	vst v63  }
0x1a: {  	_ =	swait.ge [sflag:s11], $0x6400  }
0x1b: {  	[sflag:s11] =	ssyncset.done $0x0  }
0x1c: {  	[sflag:s11] =	ssyncadd.s32 $0xFFFF9C00  }
0x1d: {  	[spmem:s2] =	stream.indirect.scatter.add.f32 [tilespmem:s13], [sflag:$0x1], $0x80, s12, s14, $0xb8;
	[tilespmem:$0x1A500] =	vst v63  }
0x1e: {  	s17 =	simm.s32 $0x19;
	_ =	swait.ge [sflag:s11], $0x6400  }
0x1f: {  	s18 =	simm.s32 $0x32;
	s16 =	sadd.s32 $0xC80, s8;
	[sflag:s11] =	ssyncset.done $0x0  }
.LBB2_2:
0x20: {  	s19 =	sadd.s32 s17, s9  }
0x21: {  	[sflag:s11] =	ssyncadd.s32 $0xFFFF9C00;
	s17 =	smov.u32 s18;
	s20 =	sadd.s32 $0x19, s18  }
0x22: {  	[tilespmem:s12], [sflag:$0x1] =	stream.linear.gather [hbm4b:s19+s3], $0xC8, $0x38;
	[tilespmem:$0x1A500] =	vst v63  }
0x23: {  	p0 =	sne.s32 s18, $0x4C9;
	_ =	swait.ge [sflag:s11], $0xC8  }
0x24: {  	[sflag:s11] =	ssyncset.done $0x0  }
0x25: {  	[sflag:s11] =	ssyncadd.s32 $0xFFFFFF38  }
0x26: {  	[tilespmem:s13], [sflag:$0x1] =	stream.linear.gather [hbm4b:s16+s3], $0x6400, $0x38;
	[tilespmem:$0x1A500] =	vst v63  }
0x27: {  	_ =	swait.ge [sflag:s11], $0x6400  }
.Ltmp0:
0x28: {  	[sflag:s11] =	ssyncset.done $0x0;
	(pc) =	sbr.rel @p0 .LBB2_2-.Ltmp0, $4  }
0x29: {  	[sflag:s11] =	ssyncadd.s32 $0xFFFF9C00  }
0x2a: {  	[spmem:s2] =	stream.indirect.scatter.add.f32 [tilespmem:s13], [sflag:$0x1], $0x80, s12, s14, $0xb8;
	[tilespmem:$0x1A500] =	vst v63  }
0x2b: {  	_ =	swait.ge [sflag:s11], $0x6400  }
0x2c: {  	s18 =	smov.u32 s20;
	s16 =	sadd.s32 $0xC80, s16;
	[sflag:s11] =	ssyncset.done $0x0  }
0x2d: {  	s17 =	sadd.s32 s17, s9;
	[sflag:s11] =	ssyncadd.s32 $0xFFFF9C00  }
0x2e: {  	[tilespmem:s12], [sflag:$0x1] =	stream.linear.gather [hbm4b:s17+s3], $0xC8, $0x38;
	[tilespmem:$0x1A500] =	vst v63  }
0x2f: {  	_ =	swait.ge [sflag:s11], $0xC8  }
0x30: {  	[sflag:s11] =	ssyncset.done $0x0  }
0x31: {  	[sflag:s11] =	ssyncadd.s32 $0xFFFFFF38  }
0x32: {  	[tilespmem:s13], [sflag:$0x1] =	stream.linear.gather [hbm4b:s16+s3], $0x6400, $0x38;
	[tilespmem:$0x1A500] =	vst v63  }
0x33: {  	_ =	swait.ge [sflag:s11], $0x6400  }
0x34: {  	[sflag:s11] =	ssyncset.done $0x0  }
0x35: {  	[sflag:s11] =	ssyncadd.s32 $0xFFFF9C00  }
0x36: {  	[spmem:s2] =	stream.indirect.scatter.add.f32 [tilespmem:s13], [sflag:$0x1], $0x80, s12, s14, $0xb8;
	[tilespmem:$0x1A500] =	vst v63  }
0x37: {  	_ =	swait.ge [sflag:s11], $0x6400  }
0x38: {  	s15 =	sadd.s32 $0x1, s15;
	[sflag:s11] =	ssyncset.done $0x0  }
0x39: {  	p0 =	sne.s32 s15, s7;
	[sflag:s11] =	ssyncadd.s32 $0xFFFF9C00  }
.Ltmp1:
0x3a: {  	[bflag:$0x0] =	sbarrier.arrive $0xFFFF;
	(pc) =	sbr.rel @p0 .LBB2_1-.Ltmp1, $4  }
0x3b: {  	[hbm:s6], [sflag:s5] =	dma.local [spmem:s10], $0x2800  }
0x3c: {  	_ =	swait.ge [sflag:s11], $0x2800  }
0x3d: {  	[sflag:s11] =	ssyncset.done $0x0  }
0x3e: {  	[sflag:s11] =	ssyncadd.s32 $0xFFFFD800  }
0x3f: {  	_ =	sfence.sel $0x180000  }
0x40: {  	[bflag:$0x0] =	sbarrier.arrive $0xFFFF  }
0x41: {  	p0 =	sne.s32 s0, $0x0;
	_ =	strace $0x90000071  }
0x42: {  	s0 =	sadd.s32 @!p0 $0x100000, s1;
	[bflag:$0x2] =	sbarrier.arrive $0xFFFF  }
0x43: {  	[sflag:s0] =	ssyncadd.tile.s32 @!p0 $0x1;
	_ =	shalt  }
.Lfunc_end2:
_tile_overlayer_lowered:
.L_overlay_start_2:
0x44: {  	(tag) =	ssettag $0x2  }
0x45: {  	s0 =	rddreg [dreg:$0x0];
	s2 =	stileid.u32  }
0x46: {  	s1 =	rddreg [dreg:$0x1];
	p0 =	sne.s32 s2, $0x0  }
0x47: {  	s3 =	rddreg [dreg:$0x2];
	[bflag:$0x3] =	sbarrier.arrive $0xFFFF;
	s2 =	simm.s32 @!p0 $0x1C01  }
0x48: {  	[timem:s3], [sflag:s2] =	dma.local @!p0 [hbm:s0], s1  }
0x49: {  	s0 =	simm.s32 @!p0 $0x1  }
0x4a: {  	_ =	swait.ge @!p0 [sflag:s0], s1  }
0x4b: {  	s1 =	ssub.s32 @!p0 $0x0, s1;
	[sflag:s0] =	ssyncset.done @!p0 $0x0  }
0x4c: {  	[sflag:s0] =	ssyncadd.s32 @!p0 s1  }
0x4d: {  	[bflag:$0x3] =	sbarrier.arrive $0xFFFF  }
0x4e: {  	_ =	shalt  }

// kernel: kernel.83.cloned.1.call-start
scs
__scs_entry_jumppad:
0x0: {  	(pc) =	sbr.rel $0x88, $3  }
0x1: {  	(tag) =	ssettag $0x0;
	lr =	simm.s32 $0x1  }
0x2: {  	[smem:$0x3F8A] =	sst lr;
	_ =	strace $0xD0000000  }
0x3: {  	_ = 	snop  }
0x4: {  	_ = 	snop  }
0x5: {  	_ = 	snop  }
0x6: {  	_ = 	snop  }
0x7: {  	_ = 	snop  }
__scs_overlays_trampoline_lowered:
0x8: {  	[smem:$0x3F99] =	sst s0  }
0x9: {  	[smem:$0x3F9A] =	sst s1  }
0xa: {  	[smem:$0x3F9B] =	sst s2  }
0xb: {  	[smem:$0x3F9C] =	sst s3  }
0xc: {  	[smem:$0x3F9D] =	sst s4  }
0xd: {  	[smem:$0x3F9E] =	sst s5  }
0xe: {  	[smem:$0x3F9F] =	sst s6  }
0xf: {  	[smem:$0x3FA0] =	sst s7  }
0x10: {  	[smem:$0x3FA1] =	sst s8  }
0x11: {  	[smem:$0x3FA2] =	sst s9;
	s0 =	simm.s32 @!p0 $0x0  }
0x12: {  	s1 =	sld [smem:$0x3F88];
	s0 =	simm.s32 @p0 $0x1  }
0x13: {  	[smem:$0x3FA3] =	sst s0;
	s0 =	simm.s32 @!p1 $0x0  }
0x14: {  	s2 =	sld [smem:$0x3F87];
	s0 =	simm.s32 @p1 $0x1  }
0x15: {  	[smem:$0x3FA4] =	sst s0;
	s0 =	simm.s32 @!p2 $0x0  }
0x16: {  	s3 =	sld [smem:$0x3FDB];
	s0 =	simm.s32 @p2 $0x1  }
0x17: {  	s4 =	simm.s32 $0x1BF5;
	[smem:$0x3FA6] =	sst s0  }
0x18: {  	s0 =	sld [smem:$0x3F89];
	_ =	swait.ge [sflag:s4], $0x0  }
0x19: {  	s7 =	sld [smem:$0x3F8A]  }
0x1a: {  	s8 =	sadd.s32 $0xFFFFE003, lr  }
0x1b: {  	s9 =	sadd.s32 $0xFFFFFEF7, lr;
	s5 =	simm.s32 $0xFFFFFFFF;
	p2 =	slt.u32 s8, $0xFFFFF086  }
0x1c: {  	p1 =	slt.u32 s9, $0xF7A;
	s5 =	simm.s32 @!p2 $0x0  }
0x1d: {  	s5 =	simm.s32 @p1 $0x1;
	p0 =	seq.s32 s7, s2  }
0x1e: {  	s7 =	smul.u32 @!p0 $0xF7A, s2;
	p2 =	seq.s32 @!p0 s5, $0x0  }
0x1f: {  	s9 =	smul.u32 $0xF7A, s1;
	s8 =	simm.s32 @!p0 $0x1BF5;
	p2 =	por !p2, p0  }
0x20: {  	[sflag:s8] =	ssyncset.s32 @!p0 $0xFFFFF086;
	s6 =	sadd.s32 @!p0 s3, s7;
	s7 =	simm.s32 @!p0 $0x108  }
0x21: {  	s3 =	sadd.s32 s3, s9;
	s6 =	sadd.s32 @!p0 $0x88, s6;
	s7 =	simm.s32 @p2 $0x1082  }
0x22: {  	[simem:s7], [sflag:s8] =	dma.local @!p0 [hbm:s6], $0xF7A  }
0x23: {  	s9 =	sor.u32 $0xD0000000, s2;
	s6 =	simm.s32 $0x108;
	_ =	swait.ge @!p0 [sflag:s8], $0x0  }
0x24: {  	s3 =	sadd.s32 $0x88, s3;
	s6 =	simm.s32 @!p1 $0x1082;
	[sflag:s4] =	ssyncset.s32 $0xFFFFF086  }
0x25: {  	[simem:s6], [sflag:s4] =	dma.local [hbm:s3], $0xF7A  }
0x26: {  	[smem:$0x3F8A] =	sst s1;
	(tag) =	ssettag s2;
	_ =	strace s9  }
0x27: {  	s1 =	sld [smem:$0x3F9A]  }
0x28: {  	s2 =	sld [smem:$0x3F9B]  }
0x29: {  	s4 =	sld [smem:$0x3F9D]  }
0x2a: {  	p0 =	seq.s32 s5, $0x0;
	s5 =	sld [smem:$0x3F9E]  }
0x2b: {  	s6 =	sld [smem:$0x3F9F]  }
0x2c: {  	s7 =	sld [smem:$0x3FA0]  }
0x2d: {  	s3 =	simm.s32 $0x108;
	s8 =	sld [smem:$0x3FA1]  }
0x2e: {  	s3 =	simm.s32 @!p0 $0x1082;
	s9 =	sld [smem:$0x3FA2]  }
0x2f: {  	lr =	sadd.s32 s0, s3;
	s0 =	sld [smem:$0x3F99]  }
0x30: {  	s3 =	sld [smem:$0x3F9C]  }
0x31: {  	[smem:$0x3FA5] =	sst s10  }
0x32: {  	s10 =	sld [smem:$0x3FA3];
	_ =	sdelay $0x3  }
0x33: {  	p0 =	seq.s32 s10, $0x1;
	s10 =	sld [smem:$0x3FA5];
	_ =	sdelay $0x3  }
0x34: {  	[smem:$0x3FA5] =	sst s10  }
0x35: {  	s10 =	sld [smem:$0x3FA4];
	_ =	sdelay $0x3  }
0x36: {  	p1 =	seq.s32 s10, $0x1;
	s10 =	sld [smem:$0x3FA5];
	_ =	sdelay $0x3  }
0x37: {  	[smem:$0x3FA5] =	sst s10  }
0x38: {  	s10 =	sld [smem:$0x3FA6]  }
0x39: {  	_ = 	snop;
	(pc) =	sbr.ind lr, $3  }
0x3a: {  	_ = 	snop  }
0x3b: {  	_ = 	snop  }
0x3c: {  	p2 =	seq.s32 s10, $0x1;
	s10 =	sld [smem:$0x3FA5]  }
0x3d: {  	_ =	shalt  }
0x3e: {  	_ =	shalt  }
0x3f: {  	_ =	shalt  }
0x40: {  	_ =	shalt  }
0x41: {  	_ =	shalt  }
0x42: {  	_ =	shalt  }
0x43: {  	_ =	shalt  }
0x44: {  	_ =	shalt  }
0x45: {  	_ =	shalt  }
0x46: {  	_ =	shalt  }
0x47: {  	_ =	shalt  }
0x48: {  	_ =	shalt  }
0x49: {  	_ =	shalt  }
0x4a: {  	_ =	shalt  }
0x4b: {  	_ =	shalt  }
0x4c: {  	_ =	shalt  }
0x4d: {  	_ =	shalt  }
0x4e: {  	_ =	shalt  }
0x4f: {  	_ =	shalt  }
0x50: {  	_ =	shalt  }
0x51: {  	_ =	shalt  }
0x52: {  	_ =	shalt  }
0x53: {  	_ =	shalt  }
0x54: {  	_ =	shalt  }
0x55: {  	_ =	shalt  }
0x56: {  	_ =	shalt  }
0x57: {  	_ =	shalt  }
0x58: {  	_ =	shalt  }
0x59: {  	_ =	shalt  }
0x5a: {  	_ =	shalt  }
0x5b: {  	_ =	shalt  }
0x5c: {  	_ =	shalt  }
0x5d: {  	_ =	shalt  }
0x5e: {  	_ =	shalt  }
0x5f: {  	_ =	shalt  }
0x60: {  	_ =	shalt  }
0x61: {  	_ =	shalt  }
0x62: {  	_ =	shalt  }
0x63: {  	_ =	shalt  }
0x64: {  	_ =	shalt  }
0x65: {  	_ =	shalt  }
0x66: {  	_ =	shalt  }
0x67: {  	_ =	shalt  }
0x68: {  	_ =	shalt  }
0x69: {  	_ =	shalt  }
0x6a: {  	_ =	shalt  }
0x6b: {  	_ =	shalt  }
0x6c: {  	_ =	shalt  }
0x6d: {  	_ =	shalt  }
0x6e: {  	_ =	shalt  }
0x6f: {  	_ =	shalt  }
0x70: {  	_ =	shalt  }
0x71: {  	_ =	shalt  }
0x72: {  	_ =	shalt  }
0x73: {  	_ =	shalt  }
0x74: {  	_ =	shalt  }
0x75: {  	_ =	shalt  }
0x76: {  	_ =	shalt  }
0x77: {  	_ =	shalt  }
0x78: {  	_ =	shalt  }
0x79: {  	_ =	shalt  }
0x7a: {  	_ =	shalt  }
0x7b: {  	_ =	shalt  }
0x7c: {  	_ =	shalt  }
0x7d: {  	_ =	shalt  }
0x7e: {  	_ =	shalt  }
0x7f: {  	_ =	shalt  }
0x80: {  	_ =	shalt  }
0x81: {  	_ =	shalt  }
0x82: {  	_ =	shalt  }
0x83: {  	_ =	shalt  }
0x84: {  	_ =	shalt  }
0x85: {  	_ =	shalt  }
0x86: {  	_ =	shalt  }
0x87: {  	_ =	shalt  }
.Lfunc_end0:
.L_simem_size_0:
called_computation.16_lowered:
.L_overlay_start_0:
0x88: {  	s2 =	sld [smem:$0x3FD9]  }
0x89: {  	s3 =	sld [smem:$0x3FFE];
	_ =	sdelay $0x1  }
0x8a: {  	s1 =	srdreg.scid  }
0x8b: {  	s0 =	sand.u32 $0x1, s1  }
0x8c: {  	s17 =	sshll.u32 s0, $0xA;
	s2 =	sadd.s32 s3, s2  }
0x8d: {  	s2 =	sadd.s32 s2, s17  }
0x8e: {  	[smem:$0x3FB1] =	sst s2  }
0x8f: {  	_ = 	snop  }
0x90: {  	s2 =	sld [smem:$0x3FD0];
	(tm) =	ssettm $0x1  }
0x91: {  	s18 =	sld [smem:$0x3FFB];
	_ =	sdelay $0x3  }
0x92: {  	_ =	strace s18  }
0x93: {  	s3 =	sld [smem:$0x3FFC];
	_ =	sdelay $0x3  }
0x94: {  	_ =	strace s3  }
0x95: {  	s3 =	sld [smem:$0x3FFD];
	_ =	sdelay $0x3  }
0x96: {  	_ =	strace s3  }
0x97: {  	_ =	strace $0x8FFFFFFF  }
0x98: {  	s19 =	sld [smem:$0x3FDB];
	_ =	sdelay $0x1  }
0x99: {  	s4 =	simm.s32 $_scs_section_size  }
0x9a: {  	s5 =	simm.s32 $_size__tile_overlayer_lowered;
	s6 =	simm.s32 $_tile_overlayer_lowered  }
0x9b: {  	s22 =	simm.s32 $0x1BFF;
	s21 =	sshll.u32 s6, $0x1;
	s3 =	sadd.s32 s4, s19  }
0x9c: {  	s7 =	simm.s32 $0x0;
	s20 =	sshll.u32 s5, $0x1;
	s5 =	sadd.s32 s21, s3  }
0x9d: {  	[timem:s7], [sflag:s22] =	dma.local [hbm:s5], s20  }
0x9e: {  	_ =	swait.ge [sflag:s22], s20  }
0x9f: {  	s4 =	ssub.s32 $0x0, s20;
	[sflag:s22] =	ssyncset.done $0x0  }
0xa0: {  	[sflag:s22] =	ssyncadd.s32 s4;
	_ =	sdelay $0x1  }
0xa1: {  	s23 =	simm.s32 $0x1B8B  }
0xa2: {  	_ =	swait.ge [sflag:s23], $0x1  }
0xa3: {  	[sflag:s23] =	ssyncset.done $0x0  }
0xa4: {  	s25 =	simm.s32 $0x1B8E;
	s24 =	sld [smem:$0x3FFE];
	[sflag:s23] =	ssyncadd.s32 $0xFFFFFFFF  }
0xa5: {  	s26 =	simm.s32 $execute0_lowered;
	[smem:$0x3FD2] =	sst s25  }
0xa6: {  	s5 =	sshll.u32 s26, $0x1;
	_ =	strace $0x80000076;
	[dreg:$0x1] =	wrdreg $0xFFFFFFFF  }
0xa7: {  	s28 =	simm.s32 $_size_execute0_lowered;
	s3 =	sadd.s32 s3, s5;
	[dreg:$0x0] =	wrdreg $0x0  }
0xa8: {  	s5 =	sshll.u32 s28, $0x1;
	[dreg:$0x2] =	wrdreg s3  }
0xa9: {  	[dreg:$0x3] =	wrdreg s5  }
0xaa: {  	[dreg:$0x4] =	wrdreg $0xC0  }
0xab: {  	_ =	task [dreg:s7], $0x5FFFF  }
0xac: {  	[dreg:$0x1] =	wrdreg $0xFFFFFFFF  }
0xad: {  	[dreg:$0x0] =	wrdreg $0x60  }
0xae: {  	[dreg:$0x2] =	wrdreg s24  }
0xaf: {  	[dreg:$0x3] =	wrdreg s2  }
0xb0: {  	[dreg:$0x4] =	wrdreg $0x9  }
0xb1: {  	_ =	task.clear_ibuf [dreg:s7], $0x5FFFF;
	_ =	strace $0x90000076  }
0xb2: {  	s29 =	simm.s32 $0x9;
	_ =	strace $0x80000078  }
0xb3: {  	_ =	swait.ge [sflag:s29], $0x1  }
0xb4: {  	[sflag:s29] =	ssyncadd.s32 $0xFFFFFFFF  }
0xb5: {  	_ =	strace $0x90000078  }
0xb6: {  	_ =	sfence  }
0xb7: {  	s30 =	sld [smem:$0x0];
	_ =	sdelay $0x2  }
0xb8: {  	s31 =	sshll.u32 s1, $0xD;
	s1 =	sshrl.u32 s1, $0x2  }
0xb9: {  	s3 =	sand.u32 $0x4000, s31;
	s1 =	sadd.s32 s1, s30  }
0xba: {  	s0 =	sor.u32 s3, s0;
	s1 =	sshll.u32 s1, $0x11  }
0xbb: {  	s0 =	sor.u32 s1, s0  }
0xbc: {  	s0 =	sadd.s32 $0x8F2B, s0  }
0xbd: {  	[sflag:s0] =	ssyncadd.remote.s32 $0x1  }
0xbe: {  	_ =	sfence.sel $0xFFFF  }
0xbf: {  	[dreg:$0x0] =	wrdreg $0xFFFFFFFF;
	(pc) =	sbr.abs _section_cstart, $3  }
0xc0: {  	[dreg:$0x1] =	wrdreg $0xFFFFFFFF  }
0xc1: {  	_ =	task.clear_ibuf [dreg:s7], $0x2FFFF;
	_ =	strace $0x9FFFFFFF  }
0xc2: {  	(tm) =	ssettm $0x7FFFFFFF  }
0xc3: {  	_ =	shalt  }
tec
execute0_lowered:
.L_overlay_start_1:
0x0: {  	(tag) =	ssettag $0x1  }
0x1: {  	s1 =	srdreg.scid  }
0x2: {  	s15 =	rddreg [dreg:$0x0];
	s0 =	stileid.u32;
	s16 =	sand.u32 $0x1, s1  }
0x3: {  	s3 =	rddreg [dreg:$0x1];
	s4 =	sshll.u32 s0, $0x4;
	s5 =	sshll.u32 s16, $0x3  }
0x4: {  	s2 =	simm.s32 $0x0;
	s1 =	rddreg [dreg:$0x2];
	s9 =	sor.u32 s5, s4  }
0x5: {  	[smem:$0x7FF] =	sst s2;
	s14 =	sshrl.u32 s9, $0x3  }
0x6: {  	_ =	strace $0x80000077;
	s4 =	sadd.s32 s3, s14;
	s3 =	simm.s32 $0x2  }
0x7: {  	[tilespmem:s2], [sflag:$0x2] =	stream.linear.gather [hbm4b:s4+s2], $0x8, $0x38;
	[tilespmem:$0x480] =	vst v63  }
0x8: {  	_ =	swait.ge [sflag:s3], $0x8  }
0x9: {  	s6 =	simm.s32 $0x8;
	s7 =	simm.s32 $0x80;
	[sflag:s3] =	ssyncset.done $0x0  }
0xa: {  	s8 =	simm.s32 $0x1;
	s5 =	sadd.s32 $0x10C00, s15;
	[sflag:s3] =	ssyncadd.s32 $0xFFFFFFF8  }
0xb: {  	[tilespmem:s7], [sflag:$0x1] =	stream.indirect.gather [hbm4b:s5+s6], $0x80, s2, s6, $0xb8;
	[tilespmem:$0x480] =	vst v63  }
0xc: {  	s9 =	sshll.u32 s9, $0x4;
	_ =	swait.ge [sflag:s8], $0x400  }
0xd: {  	s17 =	sadd.s32 s9, s15;
	[sflag:s8] =	ssyncset.done $0x0  }
0xe: {  	s9 =	sadd.s32 $0x5F000, s17;
	[sflag:s8] =	ssyncadd.s32 $0xFFFFFC00  }
0xf: {  	[hbm4b:s9+s2] =	stream.linear.scatter [tilespmem:s7], [sflag:$0x2], $0x400, $0x38;
	[tilespmem:$0x480] =	vst v63  }
0x10: {  	_ =	swait.ge [sflag:s3], $0x400  }
0x11: {  	[sflag:s3] =	ssyncset.done $0x0  }
0x12: {  	[sflag:s3] =	ssyncadd.s32 $0xFFFFFC00  }
0x13: {  	[tilespmem:s2], [sflag:$0x2] =	stream.linear.gather [hbm4b:s4+s2], $0x8, $0x38;
	[tilespmem:$0x480] =	vst v63  }
0x14: {  	_ =	swait.ge [sflag:s3], $0x8  }
0x15: {  	[sflag:s3] =	ssyncset.done $0x0  }
0x16: {  	s10 =	sadd.s32 $0xA0E00, s15;
	[sflag:s3] =	ssyncadd.s32 $0xFFFFFFF8  }
0x17: {  	[tilespmem:s7], [sflag:$0x1] =	stream.indirect.gather [hbm4b:s10+s6], $0x80, s2, s6, $0xb8;
	[tilespmem:$0x480] =	vst v63  }
0x18: {  	_ =	swait.ge [sflag:s8], $0x400  }
0x19: {  	[sflag:s8] =	ssyncset.done $0x0  }
0x1a: {  	s11 =	sadd.s32 $0x60000, s17;
	[sflag:s8] =	ssyncadd.s32 $0xFFFFFC00  }
0x1b: {  	[hbm4b:s11+s2] =	stream.linear.scatter [tilespmem:s7], [sflag:$0x2], $0x400, $0x38;
	[tilespmem:$0x480] =	vst v63  }
0x1c: {  	_ =	swait.ge [sflag:s3], $0x400  }
0x1d: {  	[sflag:s3] =	ssyncset.done $0x0  }
0x1e: {  	[sflag:s3] =	ssyncadd.s32 $0xFFFFFC00  }
0x1f: {  	[tilespmem:s2], [sflag:$0x2] =	stream.linear.gather [hbm4b:s4+s2], $0x8, $0x38;
	[tilespmem:$0x480] =	vst v63  }
0x20: {  	_ =	swait.ge [sflag:s3], $0x8  }
0x21: {  	[sflag:s3] =	ssyncset.done $0x0  }
0x22: {  	s12 =	sadd.s32 $0x37E00, s15;
	[sflag:s3] =	ssyncadd.s32 $0xFFFFFFF8  }
0x23: {  	[tilespmem:s7], [sflag:$0x1] =	stream.indirect.gather [hbm4b:s12+s6], $0x80, s2, s6, $0xb8;
	[tilespmem:$0x480] =	vst v63  }
0x24: {  	_ =	swait.ge [sflag:s8], $0x400  }
0x25: {  	[sflag:s8] =	ssyncset.done $0x0  }
0x26: {  	s13 =	sadd.s32 $0x61000, s17;
	[sflag:s8] =	ssyncadd.s32 $0xFFFFFC00  }
0x27: {  	[hbm4b:s13+s2] =	stream.linear.scatter [tilespmem:s7], [sflag:$0x2], $0x400, $0x38;
	[tilespmem:$0x480] =	vst v63  }
0x28: {  	_ =	swait.ge [sflag:s3], $0x400  }
0x29: {  	s14 =	sadd.s32 s14, s15;
	[sflag:s3] =	ssyncset.done $0x0  }
0x2a: {  	s16 =	ssub.s32 $0x2, s16;
	s14 =	sadd.s32 $0x1BBC00, s14;
	[sflag:s3] =	ssyncadd.s32 $0xFFFFFC00  }
0x2b: {  	[tilespmem:s2], [sflag:$0x2] =	stream.linear.gather [hbm4b:s14+s2], $0x8, $0x38;
	[tilespmem:$0x480] =	vst v63  }
0x2c: {  	s18 =	sshrl.u32 s16, $0x1;
	_ =	swait.ge [sflag:s3], $0x8  }
0x2d: {  	s18 =	ssub.s32 s16, s18;
	[sflag:s3] =	ssyncset.done $0x0  }
0x2e: {  	s15 =	sadd.s32 $0x79C00, s15;
	s31 =	smax.u32 s18, $0x1;
	[sflag:s3] =	ssyncadd.s32 $0xFFFFFFF8  }
0x2f: {  	[tilespmem:s7], [sflag:$0x1] =	stream.indirect.gather [hbm4b:s15+s6], $0x80, s2, s6, $0xb8;
	[tilespmem:$0x480] =	vst v63  }
0x30: {  	p0 =	sne.s32 s31, $0x1;
	_ =	swait.ge [sflag:s8], $0x400  }
.Ltmp0:
0x31: {  	[sflag:s8] =	ssyncset.done $0x0;
	(pc) =	sbr.rel @!p0 .LBB2_2-.Ltmp0, $4  }
0x32: {  	s16 =	sadd.s32 $0x62000, s17;
	[sflag:s8] =	ssyncadd.s32 $0xFFFFFC00  }
0x33: {  	[hbm4b:s16+s2] =	stream.linear.scatter [tilespmem:s7], [sflag:$0x2], $0x400, $0x38;
	[tilespmem:$0x480] =	vst v63  }
0x34: {  	_ =	swait.ge [sflag:s3], $0x400  }
0x35: {  	s17 =	sadd.s32 $0xFFFFFFFF, s31;
	[sflag:s3] =	ssyncset.done $0x0  }
.LBB2_1:
0x36: {  	p0 =	sne.s32 s17, $0x1;
	s17 =	sadd.s32 $0xFFFFFFFF, s17;
	[sflag:s3] =	ssyncadd.s32 $0xFFFFFC00  }
0x37: {  	[tilespmem:s2], [sflag:$0x2] =	stream.linear.gather [hbm4b:s4+s2], $0x8, $0x38;
	[tilespmem:$0x480] =	vst v63  }
0x38: {  	_ =	swait.ge [sflag:s3], $0x8  }
0x39: {  	[sflag:s3] =	ssyncset.done $0x0  }
0x3a: {  	[sflag:s3] =	ssyncadd.s32 $0xFFFFFFF8  }
0x3b: {  	[tilespmem:s7], [sflag:$0x1] =	stream.indirect.gather [hbm4b:s5+s6], $0x80, s2, s6, $0xb8;
	[tilespmem:$0x480] =	vst v63  }
0x3c: {  	_ =	swait.ge [sflag:s8], $0x400  }
0x3d: {  	[sflag:s8] =	ssyncset.done $0x0  }
0x3e: {  	[sflag:s8] =	ssyncadd.s32 $0xFFFFFC00  }
0x3f: {  	[hbm4b:s9+s2] =	stream.linear.scatter [tilespmem:s7], [sflag:$0x2], $0x400, $0x38;
	[tilespmem:$0x480] =	vst v63  }
0x40: {  	_ =	swait.ge [sflag:s3], $0x400  }
0x41: {  	[sflag:s3] =	ssyncset.done $0x0  }
0x42: {  	[sflag:s3] =	ssyncadd.s32 $0xFFFFFC00  }
0x43: {  	[tilespmem:s2], [sflag:$0x2] =	stream.linear.gather [hbm4b:s4+s2], $0x8, $0x38;
	[tilespmem:$0x480] =	vst v63  }
0x44: {  	_ =	swait.ge [sflag:s3], $0x8  }
0x45: {  	[sflag:s3] =	ssyncset.done $0x0  }
0x46: {  	[sflag:s3] =	ssyncadd.s32 $0xFFFFFFF8  }
0x47: {  	[tilespmem:s7], [sflag:$0x1] =	stream.indirect.gather [hbm4b:s10+s6], $0x80, s2, s6, $0xb8;
	[tilespmem:$0x480] =	vst v63  }
0x48: {  	_ =	swait.ge [sflag:s8], $0x400  }
0x49: {  	[sflag:s8] =	ssyncset.done $0x0  }
0x4a: {  	[sflag:s8] =	ssyncadd.s32 $0xFFFFFC00  }
0x4b: {  	[hbm4b:s11+s2] =	stream.linear.scatter [tilespmem:s7], [sflag:$0x2], $0x400, $0x38;
	[tilespmem:$0x480] =	vst v63  }
0x4c: {  	_ =	swait.ge [sflag:s3], $0x400  }
0x4d: {  	[sflag:s3] =	ssyncset.done $0x0  }
0x4e: {  	[sflag:s3] =	ssyncadd.s32 $0xFFFFFC00  }
0x4f: {  	[tilespmem:s2], [sflag:$0x2] =	stream.linear.gather [hbm4b:s4+s2], $0x8, $0x38;
	[tilespmem:$0x480] =	vst v63  }
0x50: {  	_ =	swait.ge [sflag:s3], $0x8  }
0x51: {  	[sflag:s3] =	ssyncset.done $0x0  }
0x52: {  	[sflag:s3] =	ssyncadd.s32 $0xFFFFFFF8  }
0x53: {  	[tilespmem:s7], [sflag:$0x1] =	stream.indirect.gather [hbm4b:s12+s6], $0x80, s2, s6, $0xb8;
	[tilespmem:$0x480] =	vst v63  }
0x54: {  	_ =	swait.ge [sflag:s8], $0x400  }
0x55: {  	[sflag:s8] =	ssyncset.done $0x0  }
0x56: {  	[sflag:s8] =	ssyncadd.s32 $0xFFFFFC00  }
0x57: {  	[hbm4b:s13+s2] =	stream.linear.scatter [tilespmem:s7], [sflag:$0x2], $0x400, $0x38;
	[tilespmem:$0x480] =	vst v63  }
0x58: {  	_ =	swait.ge [sflag:s3], $0x400  }
0x59: {  	[sflag:s3] =	ssyncset.done $0x0  }
0x5a: {  	[sflag:s3] =	ssyncadd.s32 $0xFFFFFC00  }
0x5b: {  	[tilespmem:s2], [sflag:$0x2] =	stream.linear.gather [hbm4b:s14+s2], $0x8, $0x38;
	[tilespmem:$0x480] =	vst v63  }
0x5c: {  	_ =	swait.ge [sflag:s3], $0x8  }
0x5d: {  	[sflag:s3] =	ssyncset.done $0x0  }
0x5e: {  	[sflag:s3] =	ssyncadd.s32 $0xFFFFFFF8  }
0x5f: {  	[tilespmem:s7], [sflag:$0x1] =	stream.indirect.gather [hbm4b:s15+s6], $0x80, s2, s6, $0xb8;
	[tilespmem:$0x480] =	vst v63  }
0x60: {  	_ =	swait.ge [sflag:s8], $0x400  }
.Ltmp1:
0x61: {  	[sflag:s8] =	ssyncset.done $0x0;
	(pc) =	sbr.rel @p0 .LBB2_1-.Ltmp1, $4  }
0x62: {  	[sflag:s8] =	ssyncadd.s32 $0xFFFFFC00  }
0x63: {  	[hbm4b:s16+s2] =	stream.linear.scatter [tilespmem:s7], [sflag:$0x2], $0x400, $0x38;
	[tilespmem:$0x480] =	vst v63  }
0x64: {  	_ =	swait.ge [sflag:s3], $0x400  }
0x65: {  	[sflag:s3] =	ssyncset.done $0x0  }
.LBB2_2:
0x66: {  	[sflag:s3] =	ssyncadd.s32 $0xFFFFFC00  }
0x67: {  	_ =	sfence.sel $0x180000  }
0x68: {  	[bflag:$0x0] =	sbarrier.arrive $0xFFFF  }
0x69: {  	p0 =	sne.s32 s0, $0x0;
	_ =	strace $0x90000077  }
0x6a: {  	s0 =	sadd.s32 @!p0 $0x100000, s1;
	[bflag:$0x2] =	sbarrier.arrive $0xFFFF  }
0x6b: {  	[sflag:s0] =	ssyncadd.tile.s32 @!p0 $0x1;
	_ =	shalt  }
.Lfunc_end2:
_tile_overlayer_lowered:
.L_overlay_start_2:
0x6c: {  	(tag) =	ssettag $0x2  }
0x6d: {  	s0 =	rddreg [dreg:$0x0];
	s2 =	stileid.u32  }
0x6e: {  	s1 =	rddreg [dreg:$0x1];
	p0 =	sne.s32 s2, $0x0  }
0x6f: {  	s3 =	rddreg [dreg:$0x2];
	[bflag:$0x3] =	sbarrier.arrive $0xFFFF;
	s2 =	simm.s32 @!p0 $0x1C02  }
0x70: {  	[timem:s3], [sflag:s2] =	dma.local @!p0 [hbm:s0], s1  }
0x71: {  	s0 =	simm.s32 @!p0 $0x2  }
0x72: {  	_ =	swait.ge @!p0 [sflag:s0], s1  }
0x73: {  	s1 =	ssub.s32 @!p0 $0x0, s1;
	[sflag:s0] =	ssyncset.done @!p0 $0x0  }
0x74: {  	[sflag:s0] =	ssyncadd.s32 @!p0 s1  }
0x75: {  	[bflag:$0x3] =	sbarrier.arrive $0xFFFF  }
0x76: {  	_ =	shalt  }

</sc_bundles>
